<compile_context>
chip_gen: v7x
topology: tpu7x:2x2x1
jax: 0.10.2.dev20260603
libtpu: 0.0.44.dev20260713+nightly
codegen_flags: <defaults>
</compile_context>

<pallas_src>
import functools

import jax
import jax.numpy as jnp
from jax import lax
from jax.experimental import pallas as pl
from jax.experimental.pallas import tpu as pltpu
from jax.experimental.pallas import tpu_sc as plsc

_VOCAB = 1000000
_EMBED = 32
_BATCH = 16384
_HIST = 50
_NC = 2
_NS = 16
_NW = _NC * _NS
_BB = _BATCH // _NW
_NT = _BB // 16

_mesh = plsc.VectorSubcoreMesh(core_axis_name="c", subcore_axis_name="s")


_EB = _EMBED // 8
_CB = _BB // 128


@functools.partial(
    pl.kernel,
    out_type=jax.ShapeDtypeStruct((_HIST, _EB, _BATCH // 128, 8, 128),
                                  jnp.float32),
    mesh=_mesh,
    scratch_types=[
        pltpu.VMEM((_BB, _HIST), jnp.int32),
        pltpu.VMEM((_HIST, _BB), jnp.int32),
        pltpu.VMEM((2, _BB, _EMBED), jnp.float32),
        pltpu.VMEM((2, _EB, _CB, 8, 128), jnp.float32),
        [pltpu.SemaphoreType.DMA] * 2,
        [pltpu.SemaphoreType.DMA] * 2,
    ],
    compiler_params=pltpu.CompilerParams(
        use_tc_tiling_on_sc=False, needs_layout_passes=False),
)
def _emb_lookup(ids_hbm, table_hbm, out_hbm, idsv, ids_t, rows, outv, sg, so):
    wid = lax.axis_index("s") * _NC + lax.axis_index("c")
    b0 = wid * _BB
    iota16 = lax.iota(jnp.int32, 16)

    pltpu.sync_copy(ids_hbm.at[pl.ds(b0, _BB), :], idsv)

    @pl.loop(0, _HIST)
    def _pre(h):
        hsplat = h + jnp.zeros((16,), jnp.int32)
        for t in range(_NT):
            r16 = t * 16 + iota16
            v = plsc.load_gather(idsv, [r16, hsplat])
            ids_t.at[h][pl.ds(t * 16, 16)] = v

    def gstart(h, buf):
        return pltpu.async_copy(table_hbm.at[ids_t.at[h]], rows.at[buf], sg[buf])

    def gwait(buf):
        pltpu.make_async_copy(table_hbm.at[ids_t.at[0]], rows.at[buf],
                              sg[buf]).wait()

    cb0 = wid * _CB

    def ostart(h, buf):
        return pltpu.async_copy(
            outv.at[buf], out_hbm.at[h, :, pl.ds(cb0, _CB), :, :], so[buf])

    def owait(buf):
        pltpu.make_async_copy(
            outv.at[buf], out_hbm.at[0, :, pl.ds(cb0, _CB), :, :],
            so[buf]).wait()

    def transpose(buf):
        @pl.loop(0, _NT)
        def _tr(t):
            r16 = t * 16 + iota16
            cbv = r16 >> 7
            cv = r16 & 127
            for e in range(_EMBED):
                cols = (iota16 + e) & (_EMBED - 1)
                vals = plsc.load_gather(rows.at[buf], [r16, cols])
                plsc.store_scatter(outv.at[buf],
                                   [cols >> 3, cbv, cols & 7, cv], vals)

    gstart(0, 0)

    @pl.loop(0, _HIST // 2)
    def _main(k):
        h0 = 2 * k
        h1 = h0 + 1

        @pl.when(k > 0)
        def _():
            owait(1)

        gstart(h1, 1)
        gwait(0)

        @pl.when(k > 0)
        def _():
            owait(0)

        transpose(0)
        ostart(h0, 0)

        @pl.when(k < _HIST // 2 - 1)
        def _():
            gstart(h0 + 2, 0)

        gwait(1)
        transpose(1)
        ostart(h1, 1)

    owait(0)
    owait(1)


def kernel(input_ids, weight):
    out5 = _emb_lookup(input_ids.astype(jnp.int32), weight)
    out_t = jnp.transpose(out5, (0, 1, 3, 2, 4)).reshape(
        _HIST, _EMBED, _BATCH)
    return jnp.transpose(out_t, (2, 0, 1))

# --- scband reference (transcript-rebuilt; emitter-appended) ---
"""Pipeline reference for scband-embedding-19756849561769 (READ-ONLY COPY).

The authoritative reference and input builder live on the scoring server;
editing this copy changes nothing except your own understanding.
"""

import jax, jax.numpy as jnp
import numpy as np

VOCAB = 1000000
EMBED = 32
BATCH = 16384
HIST = 50

def setup_inputs(seed: int = 0) -> dict:
    key = jax.random.key(seed)
    k_idx, k_w = jax.random.split(key)
    input_ids = jax.random.randint(k_idx, (BATCH, HIST), 0, VOCAB, dtype=jnp.int64 if jax.config.jax_enable_x64 else jnp.int32)
    # truncated normal init scaled by init_scale / output_size, matching Embedding.init
    init_scale = 1.0
    weight = jax.random.truncated_normal(k_w, -3.0, 3.0, (VOCAB, EMBED), dtype=jnp.float32) * (init_scale / EMBED)
    return {"input_ids": input_ids, "weight": weight}

def reference(input_ids, weight):
    # embed: weight.take(Vocab, input_ids) -> gather rows of the table
    input_embeds = jnp.take(weight, input_ids, axis=0)
    return input_embeds

if __name__ == "__main__":
    import jax
    _d = setup_inputs()
    print(jax.jit(kernel)(*tuple(_d.values())))

</pallas_src>

<mosaic_0001>
#map = affine_map<(d0, d1) -> (0, 0)>
#map1 = affine_map<(d0, d1) -> (0, 0, 0, 0, 0)>
module attributes {stable_mosaic.version = 14 : i64} {
  func.func @_emb_lookup(%arg0: i32, %arg1: i32, %arg2: memref<16384x50xi32, #tpu.memory_space<hbm>>, %arg3: memref<1000000x32xf32, #tpu.memory_space<hbm>>, %arg4: memref<50x4x128x8x128xf32, #tpu.memory_space<hbm>>, %arg5: memref<512x50xi32, #tpu.memory_space<vmem>>, %arg6: memref<50x512xi32, #tpu.memory_space<vmem>>, %arg7: memref<2x512x32xf32, #tpu.memory_space<vmem>>, %arg8: memref<2x4x4x8x128xf32, #tpu.memory_space<vmem>>, %arg9: memref<!tpu.dma_semaphore, #tpu.memory_space<semaphore_mem>>, %arg10: memref<!tpu.dma_semaphore, #tpu.memory_space<semaphore_mem>>, %arg11: memref<!tpu.dma_semaphore, #tpu.memory_space<semaphore_mem>>, %arg12: memref<!tpu.dma_semaphore, #tpu.memory_space<semaphore_mem>>) attributes {dimension_semantics = [#tpu.dimension_semantics<core_parallel>, #tpu.dimension_semantics<subcore_parallel>], iteration_bounds = array<i64: 2, 16>, scalar_prefetch = 0 : i64, scratch_operands = 8 : i64, tpu.core_type = #tpu.core_type<sc_vector_subcore>, window_params = [{transform_indices = #map}, {transform_indices = #map}, {transform_indices = #map1}]} {
    %mul3A = arith.constant 2 : i32
    %mul3A_0 = arith.muli %arg1, %mul3A : i32
    %add3A = arith.addi %mul3A_0, %arg0 : i32
    %mul3A_1 = arith.constant 512 : i32
    %mul3A_2 = arith.muli %add3A, %mul3A_1 : i32
    %iota3A = tpu.iota {dimensions = array<i32: 0>} : vector<16xi32>
    "tpu.region"() ({
      %run_scoped3A = tpu.sem_alloc : memref<!tpu.dma_semaphore, #tpu.memory_space<semaphore_mem>>
      %dma_start3A_72 = arith.constant 0 : i32
      %dma_start3A_73 = tpu.memref_slice %arg2[%mul3A_2, %dma_start3A_72] : memref<16384x50xi32, #tpu.memory_space<hbm>> -> memref<512x50xi32, #tpu.memory_space<hbm>>
      %dma_start3A_74 = arith.constant 0 : i32
      %dma_start3A_75 = tpu.memref_slice %arg2[%mul3A_2, %dma_start3A_74] : memref<16384x50xi32, #tpu.memory_space<hbm>> -> memref<512x50xi32, #tpu.memory_space<hbm>>
      tpu.enqueue_dma source(%dma_start3A_75 : memref<512x50xi32, #tpu.memory_space<hbm>>) target(%arg5 : memref<512x50xi32, #tpu.memory_space<vmem>>) target_semaphore(%run_scoped3A : memref<!tpu.dma_semaphore, #tpu.memory_space<semaphore_mem>>)
      %dma_wait3A_76 = arith.constant 0 : i32
      %dma_wait3A_77 = tpu.memref_slice %arg2[%mul3A_2, %dma_wait3A_76] : memref<16384x50xi32, #tpu.memory_space<hbm>> -> memref<512x50xi32, #tpu.memory_space<hbm>>
      %dma_wait3A_78 = arith.constant 0 : i32
      %dma_wait3A_79 = tpu.memref_slice %arg2[%mul3A_2, %dma_wait3A_78] : memref<16384x50xi32, #tpu.memory_space<hbm>> -> memref<512x50xi32, #tpu.memory_space<hbm>>
      tpu.wait_dma2 semaphore(%run_scoped3A : memref<!tpu.dma_semaphore, #tpu.memory_space<semaphore_mem>>) src(%dma_wait3A_79 : memref<512x50xi32, #tpu.memory_space<hbm>>) dst(%arg5 : memref<512x50xi32, #tpu.memory_space<vmem>>)
      tpu.yield
    }) : () -> ()
    %scan3A = arith.constant 0 : i32
    %scan3A_3 = arith.constant 50 : i32
    %scan3A_4 = arith.addi %scan3A, %scan3A_3 : i32
    %scan3A_5 = arith.constant 1 : i32
    scf.for %scan3A_72 = %scan3A to %scan3A_4 step %scan3A_5  : i32 {
      %mul3A_73 = arith.constant 1 : i32
      %mul3A_74 = arith.muli %scan3A_72, %mul3A_73 : i32
      %add3A_75 = arith.constant 0 : i32
      %add3A_76 = arith.addi %add3A_75, %mul3A_74 : i32
      %broadcast_in_dim3A = arith.constant 0 : i32
      %broadcast_in_dim3A_77 = vector.broadcast %broadcast_in_dim3A : i32 to vector<16xi32>
      %add3A_78 = vector.broadcast %add3A_76 : i32 to vector<16xi32>
      %add3A_79 = arith.addi %add3A_78, %broadcast_in_dim3A_77 : vector<16xi32>
      %add3A_80 = arith.constant 0 : i32
      %add3A_81 = vector.broadcast %add3A_80 : i32 to vector<16xi32>
      %add3A_82 = arith.addi %add3A_81, %iota3A : vector<16xi32>
      %gather3A = tpu.vector_load_idx %arg5[%add3A_82, %add3A_79] : memref<512x50xi32, #tpu.memory_space<vmem>>[vector<16xi32>, vector<16xi32>], vector<16xi32>,
      %swap3A = arith.constant 0 : i32
      %swap3A_83 = tpu.memref_slice %arg6[%add3A_76, %swap3A] : memref<50x512xi32, #tpu.memory_space<vmem>> -> memref<1x512xi32, #tpu.memory_space<vmem>>
      %swap3A_84 = tpu.memref_squeeze %swap3A_83 : memref<1x512xi32, #tpu.memory_space<vmem>> -> memref<512xi32, #tpu.memory_space<vmem>>
      %swap3A_85 = arith.constant 0 : index
      %swap3A_86 = tpu.vector_load %swap3A_84[%swap3A_85] {strides = array<i32>} : memref<512xi32, #tpu.memory_space<vmem>>, vector<16xi32>,
      tpu.vector_store %swap3A_84[%swap3A_85], %gather3A {strides = array<i32>} : memref<512xi32, #tpu.memory_space<vmem>>, vector<16xi32>,
      %add3A_87 = arith.constant 16 : i32
      %add3A_88 = vector.broadcast %add3A_87 : i32 to vector<16xi32>
      %add3A_89 = arith.addi %add3A_88, %iota3A : vector<16xi32>
      %gather3A_90 = tpu.vector_load_idx %arg5[%add3A_89, %add3A_79] : memref<512x50xi32, #tpu.memory_space<vmem>>[vector<16xi32>, vector<16xi32>], vector<16xi32>,
      %swap3A_91 = arith.constant 0 : i32
      %swap3A_92 = tpu.memref_slice %arg6[%add3A_76, %swap3A_91] : memref<50x512xi32, #tpu.memory_space<vmem>> -> memref<1x512xi32, #tpu.memory_space<vmem>>
      %swap3A_93 = tpu.memref_squeeze %swap3A_92 : memref<1x512xi32, #tpu.memory_space<vmem>> -> memref<512xi32, #tpu.memory_space<vmem>>
      %swap3A_94 = arith.constant 16 : index
      %swap3A_95 = tpu.vector_load %swap3A_93[%swap3A_94] {strides = array<i32>} : memref<512xi32, #tpu.memory_space<vmem>>, vector<16xi32>,
      tpu.vector_store %swap3A_93[%swap3A_94], %gather3A_90 {strides = array<i32>} : memref<512xi32, #tpu.memory_space<vmem>>, vector<16xi32>,
      %add3A_96 = arith.constant 32 : i32
      %add3A_97 = vector.broadcast %add3A_96 : i32 to vector<16xi32>
      %add3A_98 = arith.addi %add3A_97, %iota3A : vector<16xi32>
      %gather3A_99 = tpu.vector_load_idx %arg5[%add3A_98, %add3A_79] : memref<512x50xi32, #tpu.memory_space<vmem>>[vector<16xi32>, vector<16xi32>], vector<16xi32>,
      %swap3A_100 = arith.constant 0 : i32
      %swap3A_101 = tpu.memref_slice %arg6[%add3A_76, %swap3A_100] : memref<50x512xi32, #tpu.memory_space<vmem>> -> memref<1x512xi32, #tpu.memory_space<vmem>>
      %swap3A_102 = tpu.memref_squeeze %swap3A_101 : memref<1x512xi32, #tpu.memory_space<vmem>> -> memref<512xi32, #tpu.memory_space<vmem>>
      %swap3A_103 = arith.constant 32 : index
      %swap3A_104 = tpu.vector_load %swap3A_102[%swap3A_103] {strides = array<i32>} : memref<512xi32, #tpu.memory_space<vmem>>, vector<16xi32>,
      tpu.vector_store %swap3A_102[%swap3A_103], %gather3A_99 {strides = array<i32>} : memref<512xi32, #tpu.memory_space<vmem>>, vector<16xi32>,
      %add3A_105 = arith.constant 48 : i32
      %add3A_106 = vector.broadcast %add3A_105 : i32 to vector<16xi32>
      %add3A_107 = arith.addi %add3A_106, %iota3A : vector<16xi32>
      %gather3A_108 = tpu.vector_load_idx %arg5[%add3A_107, %add3A_79] : memref<512x50xi32, #tpu.memory_space<vmem>>[vector<16xi32>, vector<16xi32>], vector<16xi32>,
      %swap3A_109 = arith.constant 0 : i32
      %swap3A_110 = tpu.memref_slice %arg6[%add3A_76, %swap3A_109] : memref<50x512xi32, #tpu.memory_space<vmem>> -> memref<1x512xi32, #tpu.memory_space<vmem>>
      %swap3A_111 = tpu.memref_squeeze %swap3A_110 : memref<1x512xi32, #tpu.memory_space<vmem>> -> memref<512xi32, #tpu.memory_space<vmem>>
      %swap3A_112 = arith.constant 48 : index
      %swap3A_113 = tpu.vector_load %swap3A_111[%swap3A_112] {strides = array<i32>} : memref<512xi32, #tpu.memory_space<vmem>>, vector<16xi32>,
      tpu.vector_store %swap3A_111[%swap3A_112], %gather3A_108 {strides = array<i32>} : memref<512xi32, #tpu.memory_space<vmem>>, vector<16xi32>,
      %add3A_114 = arith.constant 64 : i32
      %add3A_115 = vector.broadcast %add3A_114 : i32 to vector<16xi32>
      %add3A_116 = arith.addi %add3A_115, %iota3A : vector<16xi32>
      %gather3A_117 = tpu.vector_load_idx %arg5[%add3A_116, %add3A_79] : memref<512x50xi32, #tpu.memory_space<vmem>>[vector<16xi32>, vector<16xi32>], vector<16xi32>,
      %swap3A_118 = arith.constant 0 : i32
      %swap3A_119 = tpu.memref_slice %arg6[%add3A_76, %swap3A_118] : memref<50x512xi32, #tpu.memory_space<vmem>> -> memref<1x512xi32, #tpu.memory_space<vmem>>
      %swap3A_120 = tpu.memref_squeeze %swap3A_119 : memref<1x512xi32, #tpu.memory_space<vmem>> -> memref<512xi32, #tpu.memory_space<vmem>>
      %swap3A_121 = arith.constant 64 : index
      %swap3A_122 = tpu.vector_load %swap3A_120[%swap3A_121] {strides = array<i32>} : memref<512xi32, #tpu.memory_space<vmem>>, vector<16xi32>,
      tpu.vector_store %swap3A_120[%swap3A_121], %gather3A_117 {strides = array<i32>} : memref<512xi32, #tpu.memory_space<vmem>>, vector<16xi32>,
      %add3A_123 = arith.constant 80 : i32
      %add3A_124 = vector.broadcast %add3A_123 : i32 to vector<16xi32>
      %add3A_125 = arith.addi %add3A_124, %iota3A : vector<16xi32>
      %gather3A_126 = tpu.vector_load_idx %arg5[%add3A_125, %add3A_79] : memref<512x50xi32, #tpu.memory_space<vmem>>[vector<16xi32>, vector<16xi32>], vector<16xi32>,
      %swap3A_127 = arith.constant 0 : i32
      %swap3A_128 = tpu.memref_slice %arg6[%add3A_76, %swap3A_127] : memref<50x512xi32, #tpu.memory_space<vmem>> -> memref<1x512xi32, #tpu.memory_space<vmem>>
      %swap3A_129 = tpu.memref_squeeze %swap3A_128 : memref<1x512xi32, #tpu.memory_space<vmem>> -> memref<512xi32, #tpu.memory_space<vmem>>
      %swap3A_130 = arith.constant 80 : index
      %swap3A_131 = tpu.vector_load %swap3A_129[%swap3A_130] {strides = array<i32>} : memref<512xi32, #tpu.memory_space<vmem>>, vector<16xi32>,
      tpu.vector_store %swap3A_129[%swap3A_130], %gather3A_126 {strides = array<i32>} : memref<512xi32, #tpu.memory_space<vmem>>, vector<16xi32>,
      %add3A_132 = arith.constant 96 : i32
      %add3A_133 = vector.broadcast %add3A_132 : i32 to vector<16xi32>
      %add3A_134 = arith.addi %add3A_133, %iota3A : vector<16xi32>
      %gather3A_135 = tpu.vector_load_idx %arg5[%add3A_134, %add3A_79] : memref<512x50xi32, #tpu.memory_space<vmem>>[vector<16xi32>, vector<16xi32>], vector<16xi32>,
      %swap3A_136 = arith.constant 0 : i32
      %swap3A_137 = tpu.memref_slice %arg6[%add3A_76, %swap3A_136] : memref<50x512xi32, #tpu.memory_space<vmem>> -> memref<1x512xi32, #tpu.memory_space<vmem>>
      %swap3A_138 = tpu.memref_squeeze %swap3A_137 : memref<1x512xi32, #tpu.memory_space<vmem>> -> memref<512xi32, #tpu.memory_space<vmem>>
      %swap3A_139 = arith.constant 96 : index
      %swap3A_140 = tpu.vector_load %swap3A_138[%swap3A_139] {strides = array<i32>} : memref<512xi32, #tpu.memory_space<vmem>>, vector<16xi32>,
      tpu.vector_store %swap3A_138[%swap3A_139], %gather3A_135 {strides = array<i32>} : memref<512xi32, #tpu.memory_space<vmem>>, vector<16xi32>,
      %add3A_141 = arith.constant 112 : i32
      %add3A_142 = vector.broadcast %add3A_141 : i32 to vector<16xi32>
      %add3A_143 = arith.addi %add3A_142, %iota3A : vector<16xi32>
      %gather3A_144 = tpu.vector_load_idx %arg5[%add3A_143, %add3A_79] : memref<512x50xi32, #tpu.memory_space<vmem>>[vector<16xi32>, vector<16xi32>], vector<16xi32>,
      %swap3A_145 = arith.constant 0 : i32
      %swap3A_146 = tpu.memref_slice %arg6[%add3A_76, %swap3A_145] : memref<50x512xi32, #tpu.memory_space<vmem>> -> memref<1x512xi32, #tpu.memory_space<vmem>>
      %swap3A_147 = tpu.memref_squeeze %swap3A_146 : memref<1x512xi32, #tpu.memory_space<vmem>> -> memref<512xi32, #tpu.memory_space<vmem>>
      %swap3A_148 = arith.constant 112 : index
      %swap3A_149 = tpu.vector_load %swap3A_147[%swap3A_148] {strides = array<i32>} : memref<512xi32, #tpu.memory_space<vmem>>, vector<16xi32>,
      tpu.vector_store %swap3A_147[%swap3A_148], %gather3A_144 {strides = array<i32>} : memref<512xi32, #tpu.memory_space<vmem>>, vector<16xi32>,
      %add3A_150 = arith.constant 128 : i32
      %add3A_151 = vector.broadcast %add3A_150 : i32 to vector<16xi32>
      %add3A_152 = arith.addi %add3A_151, %iota3A : vector<16xi32>
      %gather3A_153 = tpu.vector_load_idx %arg5[%add3A_152, %add3A_79] : memref<512x50xi32, #tpu.memory_space<vmem>>[vector<16xi32>, vector<16xi32>], vector<16xi32>,
      %swap3A_154 = arith.constant 0 : i32
      %swap3A_155 = tpu.memref_slice %arg6[%add3A_76, %swap3A_154] : memref<50x512xi32, #tpu.memory_space<vmem>> -> memref<1x512xi32, #tpu.memory_space<vmem>>
      %swap3A_156 = tpu.memref_squeeze %swap3A_155 : memref<1x512xi32, #tpu.memory_space<vmem>> -> memref<512xi32, #tpu.memory_space<vmem>>
      %swap3A_157 = arith.constant 128 : index
      %swap3A_158 = tpu.vector_load %swap3A_156[%swap3A_157] {strides = array<i32>} : memref<512xi32, #tpu.memory_space<vmem>>, vector<16xi32>,
      tpu.vector_store %swap3A_156[%swap3A_157], %gather3A_153 {strides = array<i32>} : memref<512xi32, #tpu.memory_space<vmem>>, vector<16xi32>,
      %add3A_159 = arith.constant 144 : i32
      %add3A_160 = vector.broadcast %add3A_159 : i32 to vector<16xi32>
      %add3A_161 = arith.addi %add3A_160, %iota3A : vector<16xi32>
      %gather3A_162 = tpu.vector_load_idx %arg5[%add3A_161, %add3A_79] : memref<512x50xi32, #tpu.memory_space<vmem>>[vector<16xi32>, vector<16xi32>], vector<16xi32>,
      %swap3A_163 = arith.constant 0 : i32
      %swap3A_164 = tpu.memref_slice %arg6[%add3A_76, %swap3A_163] : memref<50x512xi32, #tpu.memory_space<vmem>> -> memref<1x512xi32, #tpu.memory_space<vmem>>
      %swap3A_165 = tpu.memref_squeeze %swap3A_164 : memref<1x512xi32, #tpu.memory_space<vmem>> -> memref<512xi32, #tpu.memory_space<vmem>>
      %swap3A_166 = arith.constant 144 : index
      %swap3A_167 = tpu.vector_load %swap3A_165[%swap3A_166] {strides = array<i32>} : memref<512xi32, #tpu.memory_space<vmem>>, vector<16xi32>,
      tpu.vector_store %swap3A_165[%swap3A_166], %gather3A_162 {strides = array<i32>} : memref<512xi32, #tpu.memory_space<vmem>>, vector<16xi32>,
      %add3A_168 = arith.constant 160 : i32
      %add3A_169 = vector.broadcast %add3A_168 : i32 to vector<16xi32>
      %add3A_170 = arith.addi %add3A_169, %iota3A : vector<16xi32>
      %gather3A_171 = tpu.vector_load_idx %arg5[%add3A_170, %add3A_79] : memref<512x50xi32, #tpu.memory_space<vmem>>[vector<16xi32>, vector<16xi32>], vector<16xi32>,
      %swap3A_172 = arith.constant 0 : i32
      %swap3A_173 = tpu.memref_slice %arg6[%add3A_76, %swap3A_172] : memref<50x512xi32, #tpu.memory_space<vmem>> -> memref<1x512xi32, #tpu.memory_space<vmem>>
      %swap3A_174 = tpu.memref_squeeze %swap3A_173 : memref<1x512xi32, #tpu.memory_space<vmem>> -> memref<512xi32, #tpu.memory_space<vmem>>
      %swap3A_175 = arith.constant 160 : index
      %swap3A_176 = tpu.vector_load %swap3A_174[%swap3A_175] {strides = array<i32>} : memref<512xi32, #tpu.memory_space<vmem>>, vector<16xi32>,
      tpu.vector_store %swap3A_174[%swap3A_175], %gather3A_171 {strides = array<i32>} : memref<512xi32, #tpu.memory_space<vmem>>, vector<16xi32>,
      %add3A_177 = arith.constant 176 : i32
      %add3A_178 = vector.broadcast %add3A_177 : i32 to vector<16xi32>
      %add3A_179 = arith.addi %add3A_178, %iota3A : vector<16xi32>
      %gather3A_180 = tpu.vector_load_idx %arg5[%add3A_179, %add3A_79] : memref<512x50xi32, #tpu.memory_space<vmem>>[vector<16xi32>, vector<16xi32>], vector<16xi32>,
      %swap3A_181 = arith.constant 0 : i32
      %swap3A_182 = tpu.memref_slice %arg6[%add3A_76, %swap3A_181] : memref<50x512xi32, #tpu.memory_space<vmem>> -> memref<1x512xi32, #tpu.memory_space<vmem>>
      %swap3A_183 = tpu.memref_squeeze %swap3A_182 : memref<1x512xi32, #tpu.memory_space<vmem>> -> memref<512xi32, #tpu.memory_space<vmem>>
      %swap3A_184 = arith.constant 176 : index
      %swap3A_185 = tpu.vector_load %swap3A_183[%swap3A_184] {strides = array<i32>} : memref<512xi32, #tpu.memory_space<vmem>>, vector<16xi32>,
      tpu.vector_store %swap3A_183[%swap3A_184], %gather3A_180 {strides = array<i32>} : memref<512xi32, #tpu.memory_space<vmem>>, vector<16xi32>,
      %add3A_186 = arith.constant 192 : i32
      %add3A_187 = vector.broadcast %add3A_186 : i32 to vector<16xi32>
      %add3A_188 = arith.addi %add3A_187, %iota3A : vector<16xi32>
      %gather3A_189 = tpu.vector_load_idx %arg5[%add3A_188, %add3A_79] : memref<512x50xi32, #tpu.memory_space<vmem>>[vector<16xi32>, vector<16xi32>], vector<16xi32>,
      %swap3A_190 = arith.constant 0 : i32
      %swap3A_191 = tpu.memref_slice %arg6[%add3A_76, %swap3A_190] : memref<50x512xi32, #tpu.memory_space<vmem>> -> memref<1x512xi32, #tpu.memory_space<vmem>>
      %swap3A_192 = tpu.memref_squeeze %swap3A_191 : memref<1x512xi32, #tpu.memory_space<vmem>> -> memref<512xi32, #tpu.memory_space<vmem>>
      %swap3A_193 = arith.constant 192 : index
      %swap3A_194 = tpu.vector_load %swap3A_192[%swap3A_193] {strides = array<i32>} : memref<512xi32, #tpu.memory_space<vmem>>, vector<16xi32>,
      tpu.vector_store %swap3A_192[%swap3A_193], %gather3A_189 {strides = array<i32>} : memref<512xi32, #tpu.memory_space<vmem>>, vector<16xi32>,
      %add3A_195 = arith.constant 208 : i32
      %add3A_196 = vector.broadcast %add3A_195 : i32 to vector<16xi32>
      %add3A_197 = arith.addi %add3A_196, %iota3A : vector<16xi32>
      %gather3A_198 = tpu.vector_load_idx %arg5[%add3A_197, %add3A_79] : memref<512x50xi32, #tpu.memory_space<vmem>>[vector<16xi32>, vector<16xi32>], vector<16xi32>,
      %swap3A_199 = arith.constant 0 : i32
      %swap3A_200 = tpu.memref_slice %arg6[%add3A_76, %swap3A_199] : memref<50x512xi32, #tpu.memory_space<vmem>> -> memref<1x512xi32, #tpu.memory_space<vmem>>
      %swap3A_201 = tpu.memref_squeeze %swap3A_200 : memref<1x512xi32, #tpu.memory_space<vmem>> -> memref<512xi32, #tpu.memory_space<vmem>>
      %swap3A_202 = arith.constant 208 : index
      %swap3A_203 = tpu.vector_load %swap3A_201[%swap3A_202] {strides = array<i32>} : memref<512xi32, #tpu.memory_space<vmem>>, vector<16xi32>,
      tpu.vector_store %swap3A_201[%swap3A_202], %gather3A_198 {strides = array<i32>} : memref<512xi32, #tpu.memory_space<vmem>>, vector<16xi32>,
      %add3A_204 = arith.constant 224 : i32
      %add3A_205 = vector.broadcast %add3A_204 : i32 to vector<16xi32>
      %add3A_206 = arith.addi %add3A_205, %iota3A : vector<16xi32>
      %gather3A_207 = tpu.vector_load_idx %arg5[%add3A_206, %add3A_79] : memref<512x50xi32, #tpu.memory_space<vmem>>[vector<16xi32>, vector<16xi32>], vector<16xi32>,
      %swap3A_208 = arith.constant 0 : i32
      %swap3A_209 = tpu.memref_slice %arg6[%add3A_76, %swap3A_208] : memref<50x512xi32, #tpu.memory_space<vmem>> -> memref<1x512xi32, #tpu.memory_space<vmem>>
      %swap3A_210 = tpu.memref_squeeze %swap3A_209 : memref<1x512xi32, #tpu.memory_space<vmem>> -> memref<512xi32, #tpu.memory_space<vmem>>
      %swap3A_211 = arith.constant 224 : index
      %swap3A_212 = tpu.vector_load %swap3A_210[%swap3A_211] {strides = array<i32>} : memref<512xi32, #tpu.memory_space<vmem>>, vector<16xi32>,
      tpu.vector_store %swap3A_210[%swap3A_211], %gather3A_207 {strides = array<i32>} : memref<512xi32, #tpu.memory_space<vmem>>, vector<16xi32>,
      %add3A_213 = arith.constant 240 : i32
      %add3A_214 = vector.broadcast %add3A_213 : i32 to vector<16xi32>
      %add3A_215 = arith.addi %add3A_214, %iota3A : vector<16xi32>
      %gather3A_216 = tpu.vector_load_idx %arg5[%add3A_215, %add3A_79] : memref<512x50xi32, #tpu.memory_space<vmem>>[vector<16xi32>, vector<16xi32>], vector<16xi32>,
      %swap3A_217 = arith.constant 0 : i32
      %swap3A_218 = tpu.memref_slice %arg6[%add3A_76, %swap3A_217] : memref<50x512xi32, #tpu.memory_space<vmem>> -> memref<1x512xi32, #tpu.memory_space<vmem>>
      %swap3A_219 = tpu.memref_squeeze %swap3A_218 : memref<1x512xi32, #tpu.memory_space<vmem>> -> memref<512xi32, #tpu.memory_space<vmem>>
      %swap3A_220 = arith.constant 240 : index
      %swap3A_221 = tpu.vector_load %swap3A_219[%swap3A_220] {strides = array<i32>} : memref<512xi32, #tpu.memory_space<vmem>>, vector<16xi32>,
      tpu.vector_store %swap3A_219[%swap3A_220], %gather3A_216 {strides = array<i32>} : memref<512xi32, #tpu.memory_space<vmem>>, vector<16xi32>,
      %add3A_222 = arith.constant 256 : i32
      %add3A_223 = vector.broadcast %add3A_222 : i32 to vector<16xi32>
      %add3A_224 = arith.addi %add3A_223, %iota3A : vector<16xi32>
      %gather3A_225 = tpu.vector_load_idx %arg5[%add3A_224, %add3A_79] : memref<512x50xi32, #tpu.memory_space<vmem>>[vector<16xi32>, vector<16xi32>], vector<16xi32>,
      %swap3A_226 = arith.constant 0 : i32
      %swap3A_227 = tpu.memref_slice %arg6[%add3A_76, %swap3A_226] : memref<50x512xi32, #tpu.memory_space<vmem>> -> memref<1x512xi32, #tpu.memory_space<vmem>>
      %swap3A_228 = tpu.memref_squeeze %swap3A_227 : memref<1x512xi32, #tpu.memory_space<vmem>> -> memref<512xi32, #tpu.memory_space<vmem>>
      %swap3A_229 = arith.constant 256 : index
      %swap3A_230 = tpu.vector_load %swap3A_228[%swap3A_229] {strides = array<i32>} : memref<512xi32, #tpu.memory_space<vmem>>, vector<16xi32>,
      tpu.vector_store %swap3A_228[%swap3A_229], %gather3A_225 {strides = array<i32>} : memref<512xi32, #tpu.memory_space<vmem>>, vector<16xi32>,
      %add3A_231 = arith.constant 272 : i32
      %add3A_232 = vector.broadcast %add3A_231 : i32 to vector<16xi32>
      %add3A_233 = arith.addi %add3A_232, %iota3A : vector<16xi32>
      %gather3A_234 = tpu.vector_load_idx %arg5[%add3A_233, %add3A_79] : memref<512x50xi32, #tpu.memory_space<vmem>>[vector<16xi32>, vector<16xi32>], vector<16xi32>,
      %swap3A_235 = arith.constant 0 : i32
      %swap3A_236 = tpu.memref_slice %arg6[%add3A_76, %swap3A_235] : memref<50x512xi32, #tpu.memory_space<vmem>> -> memref<1x512xi32, #tpu.memory_space<vmem>>
      %swap3A_237 = tpu.memref_squeeze %swap3A_236 : memref<1x512xi32, #tpu.memory_space<vmem>> -> memref<512xi32, #tpu.memory_space<vmem>>
      %swap3A_238 = arith.constant 272 : index
      %swap3A_239 = tpu.vector_load %swap3A_237[%swap3A_238] {strides = array<i32>} : memref<512xi32, #tpu.memory_space<vmem>>, vector<16xi32>,
      tpu.vector_store %swap3A_237[%swap3A_238], %gather3A_234 {strides = array<i32>} : memref<512xi32, #tpu.memory_space<vmem>>, vector<16xi32>,
      %add3A_240 = arith.constant 288 : i32
      %add3A_241 = vector.broadcast %add3A_240 : i32 to vector<16xi32>
      %add3A_242 = arith.addi %add3A_241, %iota3A : vector<16xi32>
      %gather3A_243 = tpu.vector_load_idx %arg5[%add3A_242, %add3A_79] : memref<512x50xi32, #tpu.memory_space<vmem>>[vector<16xi32>, vector<16xi32>], vector<16xi32>,
      %swap3A_244 = arith.constant 0 : i32
      %swap3A_245 = tpu.memref_slice %arg6[%add3A_76, %swap3A_244] : memref<50x512xi32, #tpu.memory_space<vmem>> -> memref<1x512xi32, #tpu.memory_space<vmem>>
      %swap3A_246 = tpu.memref_squeeze %swap3A_245 : memref<1x512xi32, #tpu.memory_space<vmem>> -> memref<512xi32, #tpu.memory_space<vmem>>
      %swap3A_247 = arith.constant 288 : index
      %swap3A_248 = tpu.vector_load %swap3A_246[%swap3A_247] {strides = array<i32>} : memref<512xi32, #tpu.memory_space<vmem>>, vector<16xi32>,
      tpu.vector_store %swap3A_246[%swap3A_247], %gather3A_243 {strides = array<i32>} : memref<512xi32, #tpu.memory_space<vmem>>, vector<16xi32>,
      %add3A_249 = arith.constant 304 : i32
      %add3A_250 = vector.broadcast %add3A_249 : i32 to vector<16xi32>
      %add3A_251 = arith.addi %add3A_250, %iota3A : vector<16xi32>
      %gather3A_252 = tpu.vector_load_idx %arg5[%add3A_251, %add3A_79] : memref<512x50xi32, #tpu.memory_space<vmem>>[vector<16xi32>, vector<16xi32>], vector<16xi32>,
      %swap3A_253 = arith.constant 0 : i32
      %swap3A_254 = tpu.memref_slice %arg6[%add3A_76, %swap3A_253] : memref<50x512xi32, #tpu.memory_space<vmem>> -> memref<1x512xi32, #tpu.memory_space<vmem>>
      %swap3A_255 = tpu.memref_squeeze %swap3A_254 : memref<1x512xi32, #tpu.memory_space<vmem>> -> memref<512xi32, #tpu.memory_space<vmem>>
      %swap3A_256 = arith.constant 304 : index
      %swap3A_257 = tpu.vector_load %swap3A_255[%swap3A_256] {strides = array<i32>} : memref<512xi32, #tpu.memory_space<vmem>>, vector<16xi32>,
      tpu.vector_store %swap3A_255[%swap3A_256], %gather3A_252 {strides = array<i32>} : memref<512xi32, #tpu.memory_space<vmem>>, vector<16xi32>,
      %add3A_258 = arith.constant 320 : i32
      %add3A_259 = vector.broadcast %add3A_258 : i32 to vector<16xi32>
      %add3A_260 = arith.addi %add3A_259, %iota3A : vector<16xi32>
      %gather3A_261 = tpu.vector_load_idx %arg5[%add3A_260, %add3A_79] : memref<512x50xi32, #tpu.memory_space<vmem>>[vector<16xi32>, vector<16xi32>], vector<16xi32>,
      %swap3A_262 = arith.constant 0 : i32
      %swap3A_263 = tpu.memref_slice %arg6[%add3A_76, %swap3A_262] : memref<50x512xi32, #tpu.memory_space<vmem>> -> memref<1x512xi32, #tpu.memory_space<vmem>>
      %swap3A_264 = tpu.memref_squeeze %swap3A_263 : memref<1x512xi32, #tpu.memory_space<vmem>> -> memref<512xi32, #tpu.memory_space<vmem>>
      %swap3A_265 = arith.constant 320 : index
      %swap3A_266 = tpu.vector_load %swap3A_264[%swap3A_265] {strides = array<i32>} : memref<512xi32, #tpu.memory_space<vmem>>, vector<16xi32>,
      tpu.vector_store %swap3A_264[%swap3A_265], %gather3A_261 {strides = array<i32>} : memref<512xi32, #tpu.memory_space<vmem>>, vector<16xi32>,
      %add3A_267 = arith.constant 336 : i32
      %add3A_268 = vector.broadcast %add3A_267 : i32 to vector<16xi32>
      %add3A_269 = arith.addi %add3A_268, %iota3A : vector<16xi32>
      %gather3A_270 = tpu.vector_load_idx %arg5[%add3A_269, %add3A_79] : memref<512x50xi32, #tpu.memory_space<vmem>>[vector<16xi32>, vector<16xi32>], vector<16xi32>,
      %swap3A_271 = arith.constant 0 : i32
      %swap3A_272 = tpu.memref_slice %arg6[%add3A_76, %swap3A_271] : memref<50x512xi32, #tpu.memory_space<vmem>> -> memref<1x512xi32, #tpu.memory_space<vmem>>
      %swap3A_273 = tpu.memref_squeeze %swap3A_272 : memref<1x512xi32, #tpu.memory_space<vmem>> -> memref<512xi32, #tpu.memory_space<vmem>>
      %swap3A_274 = arith.constant 336 : index
      %swap3A_275 = tpu.vector_load %swap3A_273[%swap3A_274] {strides = array<i32>} : memref<512xi32, #tpu.memory_space<vmem>>, vector<16xi32>,
      tpu.vector_store %swap3A_273[%swap3A_274], %gather3A_270 {strides = array<i32>} : memref<512xi32, #tpu.memory_space<vmem>>, vector<16xi32>,
      %add3A_276 = arith.constant 352 : i32
      %add3A_277 = vector.broadcast %add3A_276 : i32 to vector<16xi32>
      %add3A_278 = arith.addi %add3A_277, %iota3A : vector<16xi32>
      %gather3A_279 = tpu.vector_load_idx %arg5[%add3A_278, %add3A_79] : memref<512x50xi32, #tpu.memory_space<vmem>>[vector<16xi32>, vector<16xi32>], vector<16xi32>,
      %swap3A_280 = arith.constant 0 : i32
      %swap3A_281 = tpu.memref_slice %arg6[%add3A_76, %swap3A_280] : memref<50x512xi32, #tpu.memory_space<vmem>> -> memref<1x512xi32, #tpu.memory_space<vmem>>
      %swap3A_282 = tpu.memref_squeeze %swap3A_281 : memref<1x512xi32, #tpu.memory_space<vmem>> -> memref<512xi32, #tpu.memory_space<vmem>>
      %swap3A_283 = arith.constant 352 : index
      %swap3A_284 = tpu.vector_load %swap3A_282[%swap3A_283] {strides = array<i32>} : memref<512xi32, #tpu.memory_space<vmem>>, vector<16xi32>,
      tpu.vector_store %swap3A_282[%swap3A_283], %gather3A_279 {strides = array<i32>} : memref<512xi32, #tpu.memory_space<vmem>>, vector<16xi32>,
      %add3A_285 = arith.constant 368 : i32
      %add3A_286 = vector.broadcast %add3A_285 : i32 to vector<16xi32>
      %add3A_287 = arith.addi %add3A_286, %iota3A : vector<16xi32>
      %gather3A_288 = tpu.vector_load_idx %arg5[%add3A_287, %add3A_79] : memref<512x50xi32, #tpu.memory_space<vmem>>[vector<16xi32>, vector<16xi32>], vector<16xi32>,
      %swap3A_289 = arith.constant 0 : i32
      %swap3A_290 = tpu.memref_slice %arg6[%add3A_76, %swap3A_289] : memref<50x512xi32, #tpu.memory_space<vmem>> -> memref<1x512xi32, #tpu.memory_space<vmem>>
      %swap3A_291 = tpu.memref_squeeze %swap3A_290 : memref<1x512xi32, #tpu.memory_space<vmem>> -> memref<512xi32, #tpu.memory_space<vmem>>
      %swap3A_292 = arith.constant 368 : index
      %swap3A_293 = tpu.vector_load %swap3A_291[%swap3A_292] {strides = array<i32>} : memref<512xi32, #tpu.memory_space<vmem>>, vector<16xi32>,
      tpu.vector_store %swap3A_291[%swap3A_292], %gather3A_288 {strides = array<i32>} : memref<512xi32, #tpu.memory_space<vmem>>, vector<16xi32>,
      %add3A_294 = arith.constant 384 : i32
      %add3A_295 = vector.broadcast %add3A_294 : i32 to vector<16xi32>
      %add3A_296 = arith.addi %add3A_295, %iota3A : vector<16xi32>
      %gather3A_297 = tpu.vector_load_idx %arg5[%add3A_296, %add3A_79] : memref<512x50xi32, #tpu.memory_space<vmem>>[vector<16xi32>, vector<16xi32>], vector<16xi32>,
      %swap3A_298 = arith.constant 0 : i32
      %swap3A_299 = tpu.memref_slice %arg6[%add3A_76, %swap3A_298] : memref<50x512xi32, #tpu.memory_space<vmem>> -> memref<1x512xi32, #tpu.memory_space<vmem>>
      %swap3A_300 = tpu.memref_squeeze %swap3A_299 : memref<1x512xi32, #tpu.memory_space<vmem>> -> memref<512xi32, #tpu.memory_space<vmem>>
      %swap3A_301 = arith.constant 384 : index
      %swap3A_302 = tpu.vector_load %swap3A_300[%swap3A_301] {strides = array<i32>} : memref<512xi32, #tpu.memory_space<vmem>>, vector<16xi32>,
      tpu.vector_store %swap3A_300[%swap3A_301], %gather3A_297 {strides = array<i32>} : memref<512xi32, #tpu.memory_space<vmem>>, vector<16xi32>,
      %add3A_303 = arith.constant 400 : i32
      %add3A_304 = vector.broadcast %add3A_303 : i32 to vector<16xi32>
      %add3A_305 = arith.addi %add3A_304, %iota3A : vector<16xi32>
      %gather3A_306 = tpu.vector_load_idx %arg5[%add3A_305, %add3A_79] : memref<512x50xi32, #tpu.memory_space<vmem>>[vector<16xi32>, vector<16xi32>], vector<16xi32>,
      %swap3A_307 = arith.constant 0 : i32
      %swap3A_308 = tpu.memref_slice %arg6[%add3A_76, %swap3A_307] : memref<50x512xi32, #tpu.memory_space<vmem>> -> memref<1x512xi32, #tpu.memory_space<vmem>>
      %swap3A_309 = tpu.memref_squeeze %swap3A_308 : memref<1x512xi32, #tpu.memory_space<vmem>> -> memref<512xi32, #tpu.memory_space<vmem>>
      %swap3A_310 = arith.constant 400 : index
      %swap3A_311 = tpu.vector_load %swap3A_309[%swap3A_310] {strides = array<i32>} : memref<512xi32, #tpu.memory_space<vmem>>, vector<16xi32>,
      tpu.vector_store %swap3A_309[%swap3A_310], %gather3A_306 {strides = array<i32>} : memref<512xi32, #tpu.memory_space<vmem>>, vector<16xi32>,
      %add3A_312 = arith.constant 416 : i32
      %add3A_313 = vector.broadcast %add3A_312 : i32 to vector<16xi32>
      %add3A_314 = arith.addi %add3A_313, %iota3A : vector<16xi32>
      %gather3A_315 = tpu.vector_load_idx %arg5[%add3A_314, %add3A_79] : memref<512x50xi32, #tpu.memory_space<vmem>>[vector<16xi32>, vector<16xi32>], vector<16xi32>,
      %swap3A_316 = arith.constant 0 : i32
      %swap3A_317 = tpu.memref_slice %arg6[%add3A_76, %swap3A_316] : memref<50x512xi32, #tpu.memory_space<vmem>> -> memref<1x512xi32, #tpu.memory_space<vmem>>
      %swap3A_318 = tpu.memref_squeeze %swap3A_317 : memref<1x512xi32, #tpu.memory_space<vmem>> -> memref<512xi32, #tpu.memory_space<vmem>>
      %swap3A_319 = arith.constant 416 : index
      %swap3A_320 = tpu.vector_load %swap3A_318[%swap3A_319] {strides = array<i32>} : memref<512xi32, #tpu.memory_space<vmem>>, vector<16xi32>,
      tpu.vector_store %swap3A_318[%swap3A_319], %gather3A_315 {strides = array<i32>} : memref<512xi32, #tpu.memory_space<vmem>>, vector<16xi32>,
      %add3A_321 = arith.constant 432 : i32
      %add3A_322 = vector.broadcast %add3A_321 : i32 to vector<16xi32>
      %add3A_323 = arith.addi %add3A_322, %iota3A : vector<16xi32>
      %gather3A_324 = tpu.vector_load_idx %arg5[%add3A_323, %add3A_79] : memref<512x50xi32, #tpu.memory_space<vmem>>[vector<16xi32>, vector<16xi32>], vector<16xi32>,
      %swap3A_325 = arith.constant 0 : i32
      %swap3A_326 = tpu.memref_slice %arg6[%add3A_76, %swap3A_325] : memref<50x512xi32, #tpu.memory_space<vmem>> -> memref<1x512xi32, #tpu.memory_space<vmem>>
      %swap3A_327 = tpu.memref_squeeze %swap3A_326 : memref<1x512xi32, #tpu.memory_space<vmem>> -> memref<512xi32, #tpu.memory_space<vmem>>
      %swap3A_328 = arith.constant 432 : index
      %swap3A_329 = tpu.vector_load %swap3A_327[%swap3A_328] {strides = array<i32>} : memref<512xi32, #tpu.memory_space<vmem>>, vector<16xi32>,
      tpu.vector_store %swap3A_327[%swap3A_328], %gather3A_324 {strides = array<i32>} : memref<512xi32, #tpu.memory_space<vmem>>, vector<16xi32>,
      %add3A_330 = arith.constant 448 : i32
      %add3A_331 = vector.broadcast %add3A_330 : i32 to vector<16xi32>
      %add3A_332 = arith.addi %add3A_331, %iota3A : vector<16xi32>
      %gather3A_333 = tpu.vector_load_idx %arg5[%add3A_332, %add3A_79] : memref<512x50xi32, #tpu.memory_space<vmem>>[vector<16xi32>, vector<16xi32>], vector<16xi32>,
      %swap3A_334 = arith.constant 0 : i32
      %swap3A_335 = tpu.memref_slice %arg6[%add3A_76, %swap3A_334] : memref<50x512xi32, #tpu.memory_space<vmem>> -> memref<1x512xi32, #tpu.memory_space<vmem>>
      %swap3A_336 = tpu.memref_squeeze %swap3A_335 : memref<1x512xi32, #tpu.memory_space<vmem>> -> memref<512xi32, #tpu.memory_space<vmem>>
      %swap3A_337 = arith.constant 448 : index
      %swap3A_338 = tpu.vector_load %swap3A_336[%swap3A_337] {strides = array<i32>} : memref<512xi32, #tpu.memory_space<vmem>>, vector<16xi32>,
      tpu.vector_store %swap3A_336[%swap3A_337], %gather3A_333 {strides = array<i32>} : memref<512xi32, #tpu.memory_space<vmem>>, vector<16xi32>,
      %add3A_339 = arith.constant 464 : i32
      %add3A_340 = vector.broadcast %add3A_339 : i32 to vector<16xi32>
      %add3A_341 = arith.addi %add3A_340, %iota3A : vector<16xi32>
      %gather3A_342 = tpu.vector_load_idx %arg5[%add3A_341, %add3A_79] : memref<512x50xi32, #tpu.memory_space<vmem>>[vector<16xi32>, vector<16xi32>], vector<16xi32>,
      %swap3A_343 = arith.constant 0 : i32
      %swap3A_344 = tpu.memref_slice %arg6[%add3A_76, %swap3A_343] : memref<50x512xi32, #tpu.memory_space<vmem>> -> memref<1x512xi32, #tpu.memory_space<vmem>>
      %swap3A_345 = tpu.memref_squeeze %swap3A_344 : memref<1x512xi32, #tpu.memory_space<vmem>> -> memref<512xi32, #tpu.memory_space<vmem>>
      %swap3A_346 = arith.constant 464 : index
      %swap3A_347 = tpu.vector_load %swap3A_345[%swap3A_346] {strides = array<i32>} : memref<512xi32, #tpu.memory_space<vmem>>, vector<16xi32>,
      tpu.vector_store %swap3A_345[%swap3A_346], %gather3A_342 {strides = array<i32>} : memref<512xi32, #tpu.memory_space<vmem>>, vector<16xi32>,
      %add3A_348 = arith.constant 480 : i32
      %add3A_349 = vector.broadcast %add3A_348 : i32 to vector<16xi32>
      %add3A_350 = arith.addi %add3A_349, %iota3A : vector<16xi32>
      %gather3A_351 = tpu.vector_load_idx %arg5[%add3A_350, %add3A_79] : memref<512x50xi32, #tpu.memory_space<vmem>>[vector<16xi32>, vector<16xi32>], vector<16xi32>,
      %swap3A_352 = arith.constant 0 : i32
      %swap3A_353 = tpu.memref_slice %arg6[%add3A_76, %swap3A_352] : memref<50x512xi32, #tpu.memory_space<vmem>> -> memref<1x512xi32, #tpu.memory_space<vmem>>
      %swap3A_354 = tpu.memref_squeeze %swap3A_353 : memref<1x512xi32, #tpu.memory_space<vmem>> -> memref<512xi32, #tpu.memory_space<vmem>>
      %swap3A_355 = arith.constant 480 : index
      %swap3A_356 = tpu.vector_load %swap3A_354[%swap3A_355] {strides = array<i32>} : memref<512xi32, #tpu.memory_space<vmem>>, vector<16xi32>,
      tpu.vector_store %swap3A_354[%swap3A_355], %gather3A_351 {strides = array<i32>} : memref<512xi32, #tpu.memory_space<vmem>>, vector<16xi32>,
      %add3A_357 = arith.constant 496 : i32
      %add3A_358 = vector.broadcast %add3A_357 : i32 to vector<16xi32>
      %add3A_359 = arith.addi %add3A_358, %iota3A : vector<16xi32>
      %gather3A_360 = tpu.vector_load_idx %arg5[%add3A_359, %add3A_79] : memref<512x50xi32, #tpu.memory_space<vmem>>[vector<16xi32>, vector<16xi32>], vector<16xi32>,
      %swap3A_361 = arith.constant 0 : i32
      %swap3A_362 = tpu.memref_slice %arg6[%add3A_76, %swap3A_361] : memref<50x512xi32, #tpu.memory_space<vmem>> -> memref<1x512xi32, #tpu.memory_space<vmem>>
      %swap3A_363 = tpu.memref_squeeze %swap3A_362 : memref<1x512xi32, #tpu.memory_space<vmem>> -> memref<512xi32, #tpu.memory_space<vmem>>
      %swap3A_364 = arith.constant 496 : index
      %swap3A_365 = tpu.vector_load %swap3A_363[%swap3A_364] {strides = array<i32>} : memref<512xi32, #tpu.memory_space<vmem>>, vector<16xi32>,
      tpu.vector_store %swap3A_363[%swap3A_364], %gather3A_360 {strides = array<i32>} : memref<512xi32, #tpu.memory_space<vmem>>, vector<16xi32>,
    }
    %scan3A_6 = arith.constant 50 : i32
    %mul3A_7 = arith.constant 4 : i32
    %mul3A_8 = arith.muli %add3A, %mul3A_7 : i32
    %dma_start3A = arith.constant 0 : i32
    %dma_start3A_9 = arith.constant 0 : i32
    %dma_start3A_10 = arith.constant 0 : i32
    %dma_start3A_11 = arith.constant 0 : i32
    %dma_start3A_12 = tpu.memref_slice %arg7[%dma_start3A_9, %dma_start3A_10, %dma_start3A_11] : memref<2x512x32xf32, #tpu.memory_space<vmem>> -> memref<1x512x32xf32, #tpu.memory_space<vmem>>
    %dma_start3A_13 = tpu.memref_squeeze %dma_start3A_12 : memref<1x512x32xf32, #tpu.memory_space<vmem>> -> memref<512x32xf32, #tpu.memory_space<vmem>>
    %dma_start3A_14 = arith.constant 0 : i32
    %dma_start3A_15 = tpu.memref_slice %arg6[%dma_start3A, %dma_start3A_14] : memref<50x512xi32, #tpu.memory_space<vmem>> -> memref<1x512xi32, #tpu.memory_space<vmem>>
    %dma_start3A_16 = tpu.memref_squeeze %dma_start3A_15 : memref<1x512xi32, #tpu.memory_space<vmem>> -> memref<512xi32, #tpu.memory_space<vmem>>
    %dma_start3A_17 = arith.constant 0 : i32
    %dma_start3A_18 = arith.constant 0 : i32
    %dma_start3A_19 = tpu.memref_slice %arg3[%dma_start3A_17, %dma_start3A_18] : memref<1000000x32xf32, #tpu.memory_space<hbm>> -> memref<1000000x32xf32, #tpu.memory_space<hbm>>
    tpu.enqueue_indirect_dma source(%dma_start3A_19 : memref<1000000x32xf32, #tpu.memory_space<hbm>>) target(%dma_start3A_13 : memref<512x32xf32, #tpu.memory_space<vmem>>) offsets(%dma_start3A_16 : memref<512xi32, #tpu.memory_space<vmem>>) semaphore(%arg9 : memref<!tpu.dma_semaphore, #tpu.memory_space<semaphore_mem>>)
    %scan3A_20 = arith.constant 0 : i32
    %scan3A_21 = arith.constant 25 : i32
    %scan3A_22 = arith.addi %scan3A_20, %scan3A_21 : i32
    %scan3A_23 = arith.constant 1 : i32
    scf.for %scan3A_72 = %scan3A_20 to %scan3A_22 step %scan3A_23  : i32 {
      %mul3A_73 = arith.constant 1 : i32
      %mul3A_74 = arith.muli %scan3A_72, %mul3A_73 : i32
      %add3A_75 = arith.constant 0 : i32
      %add3A_76 = arith.addi %add3A_75, %mul3A_74 : i32
      %mul3A_77 = arith.constant 2 : i32
      %mul3A_78 = arith.muli %mul3A_77, %add3A_76 : i32
      %add3A_79 = arith.constant 1 : i32
      %add3A_80 = arith.addi %mul3A_78, %add3A_79 : i32
      %gt3A = arith.constant 0 : i32
      %gt3A_81 = arith.cmpi sgt, %add3A_76, %gt3A : i32
      %convert_element_type3A = arith.extui %gt3A_81 : i1 to i32
      %cond3A = arith.constant 0 : i32
      %cond3A_82 = arith.cmpi ne, %convert_element_type3A, %cond3A : i32
      scf.if %cond3A_82 {
        %dma_wait3A_183 = arith.constant 1 : i32
        %dma_wait3A_184 = arith.constant 0 : i32
        %dma_wait3A_185 = arith.constant 0 : i32
        %dma_wait3A_186 = arith.constant 0 : i32
        %dma_wait3A_187 = arith.constant 0 : i32
        %dma_wait3A_188 = arith.constant 0 : i32
        %dma_wait3A_189 = tpu.memref_slice %arg8[%dma_wait3A_183, %dma_wait3A_185, %dma_wait3A_186, %dma_wait3A_187, %dma_wait3A_188] : memref<2x4x4x8x128xf32, #tpu.memory_space<vmem>> -> memref<1x4x4x8x128xf32, #tpu.memory_space<vmem>>
        %dma_wait3A_190 = tpu.memref_squeeze %dma_wait3A_189 : memref<1x4x4x8x128xf32, #tpu.memory_space<vmem>> -> memref<4x4x8x128xf32, #tpu.memory_space<vmem>>
        %dma_wait3A_191 = arith.constant 0 : i32
        %dma_wait3A_192 = arith.constant 0 : i32
        %dma_wait3A_193 = arith.constant 0 : i32
        %dma_wait3A_194 = tpu.memref_slice %arg4[%dma_wait3A_184, %dma_wait3A_191, %mul3A_8, %dma_wait3A_192, %dma_wait3A_193] : memref<50x4x128x8x128xf32, #tpu.memory_space<hbm>> -> memref<1x4x4x8x128xf32, #tpu.memory_space<hbm>>
        %dma_wait3A_195 = tpu.memref_squeeze %dma_wait3A_194 : memref<1x4x4x8x128xf32, #tpu.memory_space<hbm>> -> memref<4x4x8x128xf32, #tpu.memory_space<hbm>>
        %dma_wait3A_196 = arith.constant 0 : i32
        %dma_wait3A_197 = arith.constant 0 : i32
        %dma_wait3A_198 = arith.constant 0 : i32
        %dma_wait3A_199 = tpu.memref_slice %arg4[%dma_wait3A_184, %dma_wait3A_196, %mul3A_8, %dma_wait3A_197, %dma_wait3A_198] : memref<50x4x128x8x128xf32, #tpu.memory_space<hbm>> -> memref<1x4x4x8x128xf32, #tpu.memory_space<hbm>>
        %dma_wait3A_200 = tpu.memref_squeeze %dma_wait3A_199 : memref<1x4x4x8x128xf32, #tpu.memory_space<hbm>> -> memref<4x4x8x128xf32, #tpu.memory_space<hbm>>
        %dma_wait3A_201 = arith.constant 0 : i32
        %dma_wait3A_202 = arith.constant 0 : i32
        %dma_wait3A_203 = arith.constant 0 : i32
        %dma_wait3A_204 = arith.constant 0 : i32
        %dma_wait3A_205 = tpu.memref_slice %arg8[%dma_wait3A_183, %dma_wait3A_201, %dma_wait3A_202, %dma_wait3A_203, %dma_wait3A_204] : memref<2x4x4x8x128xf32, #tpu.memory_space<vmem>> -> memref<1x4x4x8x128xf32, #tpu.memory_space<vmem>>
        %dma_wait3A_206 = tpu.memref_squeeze %dma_wait3A_205 : memref<1x4x4x8x128xf32, #tpu.memory_space<vmem>> -> memref<4x4x8x128xf32, #tpu.memory_space<vmem>>
        tpu.wait_dma2 semaphore(%arg12 : memref<!tpu.dma_semaphore, #tpu.memory_space<semaphore_mem>>) src(%dma_wait3A_206 : memref<4x4x8x128xf32, #tpu.memory_space<vmem>>) dst(%dma_wait3A_200 : memref<4x4x8x128xf32, #tpu.memory_space<hbm>>)
      } else {
      }
      %dma_start3A_83 = arith.constant 1 : i32
      %dma_start3A_84 = arith.constant 0 : i32
      %dma_start3A_85 = arith.constant 0 : i32
      %dma_start3A_86 = tpu.memref_slice %arg7[%dma_start3A_83, %dma_start3A_84, %dma_start3A_85] : memref<2x512x32xf32, #tpu.memory_space<vmem>> -> memref<1x512x32xf32, #tpu.memory_space<vmem>>
      %dma_start3A_87 = tpu.memref_squeeze %dma_start3A_86 : memref<1x512x32xf32, #tpu.memory_space<vmem>> -> memref<512x32xf32, #tpu.memory_space<vmem>>
      %dma_start3A_88 = arith.constant 0 : i32
      %dma_start3A_89 = tpu.memref_slice %arg6[%add3A_80, %dma_start3A_88] : memref<50x512xi32, #tpu.memory_space<vmem>> -> memref<1x512xi32, #tpu.memory_space<vmem>>
      %dma_start3A_90 = tpu.memref_squeeze %dma_start3A_89 : memref<1x512xi32, #tpu.memory_space<vmem>> -> memref<512xi32, #tpu.memory_space<vmem>>
      %dma_start3A_91 = arith.constant 0 : i32
      %dma_start3A_92 = arith.constant 0 : i32
      %dma_start3A_93 = tpu.memref_slice %arg3[%dma_start3A_91, %dma_start3A_92] : memref<1000000x32xf32, #tpu.memory_space<hbm>> -> memref<1000000x32xf32, #tpu.memory_space<hbm>>
      tpu.enqueue_indirect_dma source(%dma_start3A_93 : memref<1000000x32xf32, #tpu.memory_space<hbm>>) target(%dma_start3A_87 : memref<512x32xf32, #tpu.memory_space<vmem>>) offsets(%dma_start3A_90 : memref<512xi32, #tpu.memory_space<vmem>>) semaphore(%arg10 : memref<!tpu.dma_semaphore, #tpu.memory_space<semaphore_mem>>)
      %dma_wait3A_94 = arith.constant 0 : i32
      %dma_wait3A_95 = arith.constant 0 : i32
      %dma_wait3A_96 = arith.constant 0 : i32
      %dma_wait3A_97 = arith.constant 0 : i32
      %dma_wait3A_98 = tpu.memref_slice %arg7[%dma_wait3A_95, %dma_wait3A_96, %dma_wait3A_97] : memref<2x512x32xf32, #tpu.memory_space<vmem>> -> memref<1x512x32xf32, #tpu.memory_space<vmem>>
      %dma_wait3A_99 = tpu.memref_squeeze %dma_wait3A_98 : memref<1x512x32xf32, #tpu.memory_space<vmem>> -> memref<512x32xf32, #tpu.memory_space<vmem>>
      %dma_wait3A_100 = arith.constant 0 : i32
      %dma_wait3A_101 = tpu.memref_slice %arg6[%dma_wait3A_94, %dma_wait3A_100] : memref<50x512xi32, #tpu.memory_space<vmem>> -> memref<1x512xi32, #tpu.memory_space<vmem>>
      %dma_wait3A_102 = tpu.memref_squeeze %dma_wait3A_101 : memref<1x512xi32, #tpu.memory_space<vmem>> -> memref<512xi32, #tpu.memory_space<vmem>>
      %dma_wait3A_103 = arith.constant 0 : i32
      %dma_wait3A_104 = arith.constant 0 : i32
      %dma_wait3A_105 = tpu.memref_slice %arg3[%dma_wait3A_103, %dma_wait3A_104] : memref<1000000x32xf32, #tpu.memory_space<hbm>> -> memref<1000000x32xf32, #tpu.memory_space<hbm>>
      tpu.wait_indirect_dma semaphore(%arg9 : memref<!tpu.dma_semaphore, #tpu.memory_space<semaphore_mem>>) src(%dma_wait3A_105 : memref<1000000x32xf32, #tpu.memory_space<hbm>>) dst(%dma_wait3A_99 : memref<512x32xf32, #tpu.memory_space<vmem>>)
      %gt3A_106 = arith.constant 0 : i32
      %gt3A_107 = arith.cmpi sgt, %add3A_76, %gt3A_106 : i32
      %convert_element_type3A_108 = arith.extui %gt3A_107 : i1 to i32
      %cond3A_109 = arith.constant 0 : i32
      %cond3A_110 = arith.cmpi ne, %convert_element_type3A_108, %cond3A_109 : i32
      scf.if %cond3A_110 {
        %dma_wait3A_183 = arith.constant 0 : i32
        %dma_wait3A_184 = arith.constant 0 : i32
        %dma_wait3A_185 = arith.constant 0 : i32
        %dma_wait3A_186 = arith.constant 0 : i32
        %dma_wait3A_187 = arith.constant 0 : i32
        %dma_wait3A_188 = arith.constant 0 : i32
        %dma_wait3A_189 = tpu.memref_slice %arg8[%dma_wait3A_183, %dma_wait3A_185, %dma_wait3A_186, %dma_wait3A_187, %dma_wait3A_188] : memref<2x4x4x8x128xf32, #tpu.memory_space<vmem>> -> memref<1x4x4x8x128xf32, #tpu.memory_space<vmem>>
        %dma_wait3A_190 = tpu.memref_squeeze %dma_wait3A_189 : memref<1x4x4x8x128xf32, #tpu.memory_space<vmem>> -> memref<4x4x8x128xf32, #tpu.memory_space<vmem>>
        %dma_wait3A_191 = arith.constant 0 : i32
        %dma_wait3A_192 = arith.constant 0 : i32
        %dma_wait3A_193 = arith.constant 0 : i32
        %dma_wait3A_194 = tpu.memref_slice %arg4[%dma_wait3A_184, %dma_wait3A_191, %mul3A_8, %dma_wait3A_192, %dma_wait3A_193] : memref<50x4x128x8x128xf32, #tpu.memory_space<hbm>> -> memref<1x4x4x8x128xf32, #tpu.memory_space<hbm>>
        %dma_wait3A_195 = tpu.memref_squeeze %dma_wait3A_194 : memref<1x4x4x8x128xf32, #tpu.memory_space<hbm>> -> memref<4x4x8x128xf32, #tpu.memory_space<hbm>>
        %dma_wait3A_196 = arith.constant 0 : i32
        %dma_wait3A_197 = arith.constant 0 : i32
        %dma_wait3A_198 = arith.constant 0 : i32
        %dma_wait3A_199 = tpu.memref_slice %arg4[%dma_wait3A_184, %dma_wait3A_196, %mul3A_8, %dma_wait3A_197, %dma_wait3A_198] : memref<50x4x128x8x128xf32, #tpu.memory_space<hbm>> -> memref<1x4x4x8x128xf32, #tpu.memory_space<hbm>>
        %dma_wait3A_200 = tpu.memref_squeeze %dma_wait3A_199 : memref<1x4x4x8x128xf32, #tpu.memory_space<hbm>> -> memref<4x4x8x128xf32, #tpu.memory_space<hbm>>
        %dma_wait3A_201 = arith.constant 0 : i32
        %dma_wait3A_202 = arith.constant 0 : i32
        %dma_wait3A_203 = arith.constant 0 : i32
        %dma_wait3A_204 = arith.constant 0 : i32
        %dma_wait3A_205 = tpu.memref_slice %arg8[%dma_wait3A_183, %dma_wait3A_201, %dma_wait3A_202, %dma_wait3A_203, %dma_wait3A_204] : memref<2x4x4x8x128xf32, #tpu.memory_space<vmem>> -> memref<1x4x4x8x128xf32, #tpu.memory_space<vmem>>
        %dma_wait3A_206 = tpu.memref_squeeze %dma_wait3A_205 : memref<1x4x4x8x128xf32, #tpu.memory_space<vmem>> -> memref<4x4x8x128xf32, #tpu.memory_space<vmem>>
        tpu.wait_dma2 semaphore(%arg11 : memref<!tpu.dma_semaphore, #tpu.memory_space<semaphore_mem>>) src(%dma_wait3A_206 : memref<4x4x8x128xf32, #tpu.memory_space<vmem>>) dst(%dma_wait3A_200 : memref<4x4x8x128xf32, #tpu.memory_space<hbm>>)
      } else {
      }
      %scan3A_111 = arith.constant 0 : i32
      %scan3A_112 = arith.constant 32 : i32
      %scan3A_113 = arith.addi %scan3A_111, %scan3A_112 : i32
      %scan3A_114 = arith.constant 1 : i32
      scf.for %scan3A_183 = %scan3A_111 to %scan3A_113 step %scan3A_114  : i32 {
        %mul3A_184 = arith.constant 1 : i32
        %mul3A_185 = arith.muli %scan3A_183, %mul3A_184 : i32
        %add3A_186 = arith.constant 0 : i32
        %add3A_187 = arith.addi %add3A_186, %mul3A_185 : i32
        %mul3A_188 = arith.constant 16 : i32
        %mul3A_189 = arith.muli %add3A_187, %mul3A_188 : i32
        %add3A_190 = vector.broadcast %mul3A_189 : i32 to vector<16xi32>
        %add3A_191 = arith.addi %add3A_190, %iota3A : vector<16xi32>
        %shift_right_arithmetic3A = arith.constant 7 : i32
        %shift_right_arithmetic3A_192 = vector.broadcast %shift_right_arithmetic3A : i32 to vector<16xi32>
        %shift_right_arithmetic3A_193 = arith.shrsi %add3A_191, %shift_right_arithmetic3A_192 : vector<16xi32>
        %and3A = arith.constant 127 : i32
        %and3A_194 = vector.broadcast %and3A : i32 to vector<16xi32>
        %and3A_195 = arith.andi %add3A_191, %and3A_194 : vector<16xi32>
        %add3A_196 = arith.constant 0 : i32
        %add3A_197 = vector.broadcast %add3A_196 : i32 to vector<16xi32>
        %add3A_198 = arith.addi %iota3A, %add3A_197 : vector<16xi32>
        %and3A_199 = arith.constant 31 : i32
        %and3A_200 = vector.broadcast %and3A_199 : i32 to vector<16xi32>
        %and3A_201 = arith.andi %add3A_198, %and3A_200 : vector<16xi32>
        %gather3A = arith.constant 0 : i32
        %gather3A_202 = arith.constant 0 : i32
        %gather3A_203 = arith.constant 0 : i32
        %gather3A_204 = tpu.memref_slice %arg7[%gather3A, %gather3A_202, %gather3A_203] : memref<2x512x32xf32, #tpu.memory_space<vmem>> -> memref<1x512x32xf32, #tpu.memory_space<vmem>>
        %gather3A_205 = tpu.memref_squeeze %gather3A_204 : memref<1x512x32xf32, #tpu.memory_space<vmem>> -> memref<512x32xf32, #tpu.memory_space<vmem>>
        %gather3A_206 = tpu.vector_load_idx %gather3A_205[%add3A_191, %and3A_201] : memref<512x32xf32, #tpu.memory_space<vmem>>[vector<16xi32>, vector<16xi32>], vector<16xf32>,
        %shift_right_arithmetic3A_207 = arith.constant 3 : i32
        %shift_right_arithmetic3A_208 = vector.broadcast %shift_right_arithmetic3A_207 : i32 to vector<16xi32>
        %shift_right_arithmetic3A_209 = arith.shrsi %and3A_201, %shift_right_arithmetic3A_208 : vector<16xi32>
        %and3A_210 = arith.constant 7 : i32
        %and3A_211 = vector.broadcast %and3A_210 : i32 to vector<16xi32>
        %and3A_212 = arith.andi %and3A_201, %and3A_211 : vector<16xi32>
        %scatter3A = arith.constant 0 : i32
        %scatter3A_213 = arith.constant 0 : i32
        %scatter3A_214 = arith.constant 0 : i32
        %scatter3A_215 = arith.constant 0 : i32
        %scatter3A_216 = arith.constant 0 : i32
        %scatter3A_217 = tpu.memref_slice %arg8[%scatter3A, %scatter3A_213, %scatter3A_214, %scatter3A_215, %scatter3A_216] : memref<2x4x4x8x128xf32, #tpu.memory_space<vmem>> -> memref<1x4x4x8x128xf32, #tpu.memory_space<vmem>>
        %scatter3A_218 = tpu.memref_squeeze %scatter3A_217 : memref<1x4x4x8x128xf32, #tpu.memory_space<vmem>> -> memref<4x4x8x128xf32, #tpu.memory_space<vmem>>
        tpu.vector_store_idx %scatter3A_218[%shift_right_arithmetic3A_209, %shift_right_arithmetic3A_193, %and3A_212, %and3A_195], %gather3A_206 : memref<4x4x8x128xf32, #tpu.memory_space<vmem>>[vector<16xi32>, vector<16xi32>, vector<16xi32>, vector<16xi32>], vector<16xf32>,
        %add3A_219 = arith.constant 1 : i32
        %add3A_220 = vector.broadcast %add3A_219 : i32 to vector<16xi32>
        %add3A_221 = arith.addi %iota3A, %add3A_220 : vector<16xi32>
        %and3A_222 = arith.constant 31 : i32
        %and3A_223 = vector.broadcast %and3A_222 : i32 to vector<16xi32>
        %and3A_224 = arith.andi %add3A_221, %and3A_223 : vector<16xi32>
        %gather3A_225 = arith.constant 0 : i32
        %gather3A_226 = arith.constant 0 : i32
        %gather3A_227 = arith.constant 0 : i32
        %gather3A_228 = tpu.memref_slice %arg7[%gather3A_225, %gather3A_226, %gather3A_227] : memref<2x512x32xf32, #tpu.memory_space<vmem>> -> memref<1x512x32xf32, #tpu.memory_space<vmem>>
        %gather3A_229 = tpu.memref_squeeze %gather3A_228 : memref<1x512x32xf32, #tpu.memory_space<vmem>> -> memref<512x32xf32, #tpu.memory_space<vmem>>
        %gather3A_230 = tpu.vector_load_idx %gather3A_229[%add3A_191, %and3A_224] : memref<512x32xf32, #tpu.memory_space<vmem>>[vector<16xi32>, vector<16xi32>], vector<16xf32>,
        %shift_right_arithmetic3A_231 = arith.constant 3 : i32
        %shift_right_arithmetic3A_232 = vector.broadcast %shift_right_arithmetic3A_231 : i32 to vector<16xi32>
        %shift_right_arithmetic3A_233 = arith.shrsi %and3A_224, %shift_right_arithmetic3A_232 : vector<16xi32>
        %and3A_234 = arith.constant 7 : i32
        %and3A_235 = vector.broadcast %and3A_234 : i32 to vector<16xi32>
        %and3A_236 = arith.andi %and3A_224, %and3A_235 : vector<16xi32>
        %scatter3A_237 = arith.constant 0 : i32
        %scatter3A_238 = arith.constant 0 : i32
        %scatter3A_239 = arith.constant 0 : i32
        %scatter3A_240 = arith.constant 0 : i32
        %scatter3A_241 = arith.constant 0 : i32
        %scatter3A_242 = tpu.memref_slice %arg8[%scatter3A_237, %scatter3A_238, %scatter3A_239, %scatter3A_240, %scatter3A_241] : memref<2x4x4x8x128xf32, #tpu.memory_space<vmem>> -> memref<1x4x4x8x128xf32, #tpu.memory_space<vmem>>
        %scatter3A_243 = tpu.memref_squeeze %scatter3A_242 : memref<1x4x4x8x128xf32, #tpu.memory_space<vmem>> -> memref<4x4x8x128xf32, #tpu.memory_space<vmem>>
        tpu.vector_store_idx %scatter3A_243[%shift_right_arithmetic3A_233, %shift_right_arithmetic3A_193, %and3A_236, %and3A_195], %gather3A_230 : memref<4x4x8x128xf32, #tpu.memory_space<vmem>>[vector<16xi32>, vector<16xi32>, vector<16xi32>, vector<16xi32>], vector<16xf32>,
        %add3A_244 = arith.constant 2 : i32
        %add3A_245 = vector.broadcast %add3A_244 : i32 to vector<16xi32>
        %add3A_246 = arith.addi %iota3A, %add3A_245 : vector<16xi32>
        %and3A_247 = arith.constant 31 : i32
        %and3A_248 = vector.broadcast %and3A_247 : i32 to vector<16xi32>
        %and3A_249 = arith.andi %add3A_246, %and3A_248 : vector<16xi32>
        %gather3A_250 = arith.constant 0 : i32
        %gather3A_251 = arith.constant 0 : i32
        %gather3A_252 = arith.constant 0 : i32
        %gather3A_253 = tpu.memref_slice %arg7[%gather3A_250, %gather3A_251, %gather3A_252] : memref<2x512x32xf32, #tpu.memory_space<vmem>> -> memref<1x512x32xf32, #tpu.memory_space<vmem>>
        %gather3A_254 = tpu.memref_squeeze %gather3A_253 : memref<1x512x32xf32, #tpu.memory_space<vmem>> -> memref<512x32xf32, #tpu.memory_space<vmem>>
        %gather3A_255 = tpu.vector_load_idx %gather3A_254[%add3A_191, %and3A_249] : memref<512x32xf32, #tpu.memory_space<vmem>>[vector<16xi32>, vector<16xi32>], vector<16xf32>,
        %shift_right_arithmetic3A_256 = arith.constant 3 : i32
        %shift_right_arithmetic3A_257 = vector.broadcast %shift_right_arithmetic3A_256 : i32 to vector<16xi32>
        %shift_right_arithmetic3A_258 = arith.shrsi %and3A_249, %shift_right_arithmetic3A_257 : vector<16xi32>
        %and3A_259 = arith.constant 7 : i32
        %and3A_260 = vector.broadcast %and3A_259 : i32 to vector<16xi32>
        %and3A_261 = arith.andi %and3A_249, %and3A_260 : vector<16xi32>
        %scatter3A_262 = arith.constant 0 : i32
        %scatter3A_263 = arith.constant 0 : i32
        %scatter3A_264 = arith.constant 0 : i32
        %scatter3A_265 = arith.constant 0 : i32
        %scatter3A_266 = arith.constant 0 : i32
        %scatter3A_267 = tpu.memref_slice %arg8[%scatter3A_262, %scatter3A_263, %scatter3A_264, %scatter3A_265, %scatter3A_266] : memref<2x4x4x8x128xf32, #tpu.memory_space<vmem>> -> memref<1x4x4x8x128xf32, #tpu.memory_space<vmem>>
        %scatter3A_268 = tpu.memref_squeeze %scatter3A_267 : memref<1x4x4x8x128xf32, #tpu.memory_space<vmem>> -> memref<4x4x8x128xf32, #tpu.memory_space<vmem>>
        tpu.vector_store_idx %scatter3A_268[%shift_right_arithmetic3A_258, %shift_right_arithmetic3A_193, %and3A_261, %and3A_195], %gather3A_255 : memref<4x4x8x128xf32, #tpu.memory_space<vmem>>[vector<16xi32>, vector<16xi32>, vector<16xi32>, vector<16xi32>], vector<16xf32>,
        %add3A_269 = arith.constant 3 : i32
        %add3A_270 = vector.broadcast %add3A_269 : i32 to vector<16xi32>
        %add3A_271 = arith.addi %iota3A, %add3A_270 : vector<16xi32>
        %and3A_272 = arith.constant 31 : i32
        %and3A_273 = vector.broadcast %and3A_272 : i32 to vector<16xi32>
        %and3A_274 = arith.andi %add3A_271, %and3A_273 : vector<16xi32>
        %gather3A_275 = arith.constant 0 : i32
        %gather3A_276 = arith.constant 0 : i32
        %gather3A_277 = arith.constant 0 : i32
        %gather3A_278 = tpu.memref_slice %arg7[%gather3A_275, %gather3A_276, %gather3A_277] : memref<2x512x32xf32, #tpu.memory_space<vmem>> -> memref<1x512x32xf32, #tpu.memory_space<vmem>>
        %gather3A_279 = tpu.memref_squeeze %gather3A_278 : memref<1x512x32xf32, #tpu.memory_space<vmem>> -> memref<512x32xf32, #tpu.memory_space<vmem>>
        %gather3A_280 = tpu.vector_load_idx %gather3A_279[%add3A_191, %and3A_274] : memref<512x32xf32, #tpu.memory_space<vmem>>[vector<16xi32>, vector<16xi32>], vector<16xf32>,
        %shift_right_arithmetic3A_281 = arith.constant 3 : i32
        %shift_right_arithmetic3A_282 = vector.broadcast %shift_right_arithmetic3A_281 : i32 to vector<16xi32>
        %shift_right_arithmetic3A_283 = arith.shrsi %and3A_274, %shift_right_arithmetic3A_282 : vector<16xi32>
        %and3A_284 = arith.constant 7 : i32
        %and3A_285 = vector.broadcast %and3A_284 : i32 to vector<16xi32>
        %and3A_286 = arith.andi %and3A_274, %and3A_285 : vector<16xi32>
        %scatter3A_287 = arith.constant 0 : i32
        %scatter3A_288 = arith.constant 0 : i32
        %scatter3A_289 = arith.constant 0 : i32
        %scatter3A_290 = arith.constant 0 : i32
        %scatter3A_291 = arith.constant 0 : i32
        %scatter3A_292 = tpu.memref_slice %arg8[%scatter3A_287, %scatter3A_288, %scatter3A_289, %scatter3A_290, %scatter3A_291] : memref<2x4x4x8x128xf32, #tpu.memory_space<vmem>> -> memref<1x4x4x8x128xf32, #tpu.memory_space<vmem>>
        %scatter3A_293 = tpu.memref_squeeze %scatter3A_292 : memref<1x4x4x8x128xf32, #tpu.memory_space<vmem>> -> memref<4x4x8x128xf32, #tpu.memory_space<vmem>>
        tpu.vector_store_idx %scatter3A_293[%shift_right_arithmetic3A_283, %shift_right_arithmetic3A_193, %and3A_286, %and3A_195], %gather3A_280 : memref<4x4x8x128xf32, #tpu.memory_space<vmem>>[vector<16xi32>, vector<16xi32>, vector<16xi32>, vector<16xi32>], vector<16xf32>,
        %add3A_294 = arith.constant 4 : i32
        %add3A_295 = vector.broadcast %add3A_294 : i32 to vector<16xi32>
        %add3A_296 = arith.addi %iota3A, %add3A_295 : vector<16xi32>
        %and3A_297 = arith.constant 31 : i32
        %and3A_298 = vector.broadcast %and3A_297 : i32 to vector<16xi32>
        %and3A_299 = arith.andi %add3A_296, %and3A_298 : vector<16xi32>
        %gather3A_300 = arith.constant 0 : i32
        %gather3A_301 = arith.constant 0 : i32
        %gather3A_302 = arith.constant 0 : i32
        %gather3A_303 = tpu.memref_slice %arg7[%gather3A_300, %gather3A_301, %gather3A_302] : memref<2x512x32xf32, #tpu.memory_space<vmem>> -> memref<1x512x32xf32, #tpu.memory_space<vmem>>
        %gather3A_304 = tpu.memref_squeeze %gather3A_303 : memref<1x512x32xf32, #tpu.memory_space<vmem>> -> memref<512x32xf32, #tpu.memory_space<vmem>>
        %gather3A_305 = tpu.vector_load_idx %gather3A_304[%add3A_191, %and3A_299] : memref<512x32xf32, #tpu.memory_space<vmem>>[vector<16xi32>, vector<16xi32>], vector<16xf32>,
        %shift_right_arithmetic3A_306 = arith.constant 3 : i32
        %shift_right_arithmetic3A_307 = vector.broadcast %shift_right_arithmetic3A_306 : i32 to vector<16xi32>
        %shift_right_arithmetic3A_308 = arith.shrsi %and3A_299, %shift_right_arithmetic3A_307 : vector<16xi32>
        %and3A_309 = arith.constant 7 : i32
        %and3A_310 = vector.broadcast %and3A_309 : i32 to vector<16xi32>
        %and3A_311 = arith.andi %and3A_299, %and3A_310 : vector<16xi32>
        %scatter3A_312 = arith.constant 0 : i32
        %scatter3A_313 = arith.constant 0 : i32
        %scatter3A_314 = arith.constant 0 : i32
        %scatter3A_315 = arith.constant 0 : i32
        %scatter3A_316 = arith.constant 0 : i32
        %scatter3A_317 = tpu.memref_slice %arg8[%scatter3A_312, %scatter3A_313, %scatter3A_314, %scatter3A_315, %scatter3A_316] : memref<2x4x4x8x128xf32, #tpu.memory_space<vmem>> -> memref<1x4x4x8x128xf32, #tpu.memory_space<vmem>>
        %scatter3A_318 = tpu.memref_squeeze %scatter3A_317 : memref<1x4x4x8x128xf32, #tpu.memory_space<vmem>> -> memref<4x4x8x128xf32, #tpu.memory_space<vmem>>
        tpu.vector_store_idx %scatter3A_318[%shift_right_arithmetic3A_308, %shift_right_arithmetic3A_193, %and3A_311, %and3A_195], %gather3A_305 : memref<4x4x8x128xf32, #tpu.memory_space<vmem>>[vector<16xi32>, vector<16xi32>, vector<16xi32>, vector<16xi32>], vector<16xf32>,
        %add3A_319 = arith.constant 5 : i32
        %add3A_320 = vector.broadcast %add3A_319 : i32 to vector<16xi32>
        %add3A_321 = arith.addi %iota3A, %add3A_320 : vector<16xi32>
        %and3A_322 = arith.constant 31 : i32
        %and3A_323 = vector.broadcast %and3A_322 : i32 to vector<16xi32>
        %and3A_324 = arith.andi %add3A_321, %and3A_323 : vector<16xi32>
        %gather3A_325 = arith.constant 0 : i32
        %gather3A_326 = arith.constant 0 : i32
        %gather3A_327 = arith.constant 0 : i32
        %gather3A_328 = tpu.memref_slice %arg7[%gather3A_325, %gather3A_326, %gather3A_327] : memref<2x512x32xf32, #tpu.memory_space<vmem>> -> memref<1x512x32xf32, #tpu.memory_space<vmem>>
        %gather3A_329 = tpu.memref_squeeze %gather3A_328 : memref<1x512x32xf32, #tpu.memory_space<vmem>> -> memref<512x32xf32, #tpu.memory_space<vmem>>
        %gather3A_330 = tpu.vector_load_idx %gather3A_329[%add3A_191, %and3A_324] : memref<512x32xf32, #tpu.memory_space<vmem>>[vector<16xi32>, vector<16xi32>], vector<16xf32>,
        %shift_right_arithmetic3A_331 = arith.constant 3 : i32
        %shift_right_arithmetic3A_332 = vector.broadcast %shift_right_arithmetic3A_331 : i32 to vector<16xi32>
        %shift_right_arithmetic3A_333 = arith.shrsi %and3A_324, %shift_right_arithmetic3A_332 : vector<16xi32>
        %and3A_334 = arith.constant 7 : i32
        %and3A_335 = vector.broadcast %and3A_334 : i32 to vector<16xi32>
        %and3A_336 = arith.andi %and3A_324, %and3A_335 : vector<16xi32>
        %scatter3A_337 = arith.constant 0 : i32
        %scatter3A_338 = arith.constant 0 : i32
        %scatter3A_339 = arith.constant 0 : i32
        %scatter3A_340 = arith.constant 0 : i32
        %scatter3A_341 = arith.constant 0 : i32
        %scatter3A_342 = tpu.memref_slice %arg8[%scatter3A_337, %scatter3A_338, %scatter3A_339, %scatter3A_340, %scatter3A_341] : memref<2x4x4x8x128xf32, #tpu.memory_space<vmem>> -> memref<1x4x4x8x128xf32, #tpu.memory_space<vmem>>
        %scatter3A_343 = tpu.memref_squeeze %scatter3A_342 : memref<1x4x4x8x128xf32, #tpu.memory_space<vmem>> -> memref<4x4x8x128xf32, #tpu.memory_space<vmem>>
        tpu.vector_store_idx %scatter3A_343[%shift_right_arithmetic3A_333, %shift_right_arithmetic3A_193, %and3A_336, %and3A_195], %gather3A_330 : memref<4x4x8x128xf32, #tpu.memory_space<vmem>>[vector<16xi32>, vector<16xi32>, vector<16xi32>, vector<16xi32>], vector<16xf32>,
        %add3A_344 = arith.constant 6 : i32
        %add3A_345 = vector.broadcast %add3A_344 : i32 to vector<16xi32>
        %add3A_346 = arith.addi %iota3A, %add3A_345 : vector<16xi32>
        %and3A_347 = arith.constant 31 : i32
        %and3A_348 = vector.broadcast %and3A_347 : i32 to vector<16xi32>
        %and3A_349 = arith.andi %add3A_346, %and3A_348 : vector<16xi32>
        %gather3A_350 = arith.constant 0 : i32
        %gather3A_351 = arith.constant 0 : i32
        %gather3A_352 = arith.constant 0 : i32
        %gather3A_353 = tpu.memref_slice %arg7[%gather3A_350, %gather3A_351, %gather3A_352] : memref<2x512x32xf32, #tpu.memory_space<vmem>> -> memref<1x512x32xf32, #tpu.memory_space<vmem>>
        %gather3A_354 = tpu.memref_squeeze %gather3A_353 : memref<1x512x32xf32, #tpu.memory_space<vmem>> -> memref<512x32xf32, #tpu.memory_space<vmem>>
        %gather3A_355 = tpu.vector_load_idx %gather3A_354[%add3A_191, %and3A_349] : memref<512x32xf32, #tpu.memory_space<vmem>>[vector<16xi32>, vector<16xi32>], vector<16xf32>,
        %shift_right_arithmetic3A_356 = arith.constant 3 : i32
        %shift_right_arithmetic3A_357 = vector.broadcast %shift_right_arithmetic3A_356 : i32 to vector<16xi32>
        %shift_right_arithmetic3A_358 = arith.shrsi %and3A_349, %shift_right_arithmetic3A_357 : vector<16xi32>
        %and3A_359 = arith.constant 7 : i32
        %and3A_360 = vector.broadcast %and3A_359 : i32 to vector<16xi32>
        %and3A_361 = arith.andi %and3A_349, %and3A_360 : vector<16xi32>
        %scatter3A_362 = arith.constant 0 : i32
        %scatter3A_363 = arith.constant 0 : i32
        %scatter3A_364 = arith.constant 0 : i32
        %scatter3A_365 = arith.constant 0 : i32
        %scatter3A_366 = arith.constant 0 : i32
        %scatter3A_367 = tpu.memref_slice %arg8[%scatter3A_362, %scatter3A_363, %scatter3A_364, %scatter3A_365, %scatter3A_366] : memref<2x4x4x8x128xf32, #tpu.memory_space<vmem>> -> memref<1x4x4x8x128xf32, #tpu.memory_space<vmem>>
        %scatter3A_368 = tpu.memref_squeeze %scatter3A_367 : memref<1x4x4x8x128xf32, #tpu.memory_space<vmem>> -> memref<4x4x8x128xf32, #tpu.memory_space<vmem>>
        tpu.vector_store_idx %scatter3A_368[%shift_right_arithmetic3A_358, %shift_right_arithmetic3A_193, %and3A_361, %and3A_195], %gather3A_355 : memref<4x4x8x128xf32, #tpu.memory_space<vmem>>[vector<16xi32>, vector<16xi32>, vector<16xi32>, vector<16xi32>], vector<16xf32>,
        %add3A_369 = arith.constant 7 : i32
        %add3A_370 = vector.broadcast %add3A_369 : i32 to vector<16xi32>
        %add3A_371 = arith.addi %iota3A, %add3A_370 : vector<16xi32>
        %and3A_372 = arith.constant 31 : i32
        %and3A_373 = vector.broadcast %and3A_372 : i32 to vector<16xi32>
        %and3A_374 = arith.andi %add3A_371, %and3A_373 : vector<16xi32>
        %gather3A_375 = arith.constant 0 : i32
        %gather3A_376 = arith.constant 0 : i32
        %gather3A_377 = arith.constant 0 : i32
        %gather3A_378 = tpu.memref_slice %arg7[%gather3A_375, %gather3A_376, %gather3A_377] : memref<2x512x32xf32, #tpu.memory_space<vmem>> -> memref<1x512x32xf32, #tpu.memory_space<vmem>>
        %gather3A_379 = tpu.memref_squeeze %gather3A_378 : memref<1x512x32xf32, #tpu.memory_space<vmem>> -> memref<512x32xf32, #tpu.memory_space<vmem>>
        %gather3A_380 = tpu.vector_load_idx %gather3A_379[%add3A_191, %and3A_374] : memref<512x32xf32, #tpu.memory_space<vmem>>[vector<16xi32>, vector<16xi32>], vector<16xf32>,
        %shift_right_arithmetic3A_381 = arith.constant 3 : i32
        %shift_right_arithmetic3A_382 = vector.broadcast %shift_right_arithmetic3A_381 : i32 to vector<16xi32>
        %shift_right_arithmetic3A_383 = arith.shrsi %and3A_374, %shift_right_arithmetic3A_382 : vector<16xi32>
        %and3A_384 = arith.constant 7 : i32
        %and3A_385 = vector.broadcast %and3A_384 : i32 to vector<16xi32>
        %and3A_386 = arith.andi %and3A_374, %and3A_385 : vector<16xi32>
        %scatter3A_387 = arith.constant 0 : i32
        %scatter3A_388 = arith.constant 0 : i32
        %scatter3A_389 = arith.constant 0 : i32
        %scatter3A_390 = arith.constant 0 : i32
        %scatter3A_391 = arith.constant 0 : i32
        %scatter3A_392 = tpu.memref_slice %arg8[%scatter3A_387, %scatter3A_388, %scatter3A_389, %scatter3A_390, %scatter3A_391] : memref<2x4x4x8x128xf32, #tpu.memory_space<vmem>> -> memref<1x4x4x8x128xf32, #tpu.memory_space<vmem>>
        %scatter3A_393 = tpu.memref_squeeze %scatter3A_392 : memref<1x4x4x8x128xf32, #tpu.memory_space<vmem>> -> memref<4x4x8x128xf32, #tpu.memory_space<vmem>>
        tpu.vector_store_idx %scatter3A_393[%shift_right_arithmetic3A_383, %shift_right_arithmetic3A_193, %and3A_386, %and3A_195], %gather3A_380 : memref<4x4x8x128xf32, #tpu.memory_space<vmem>>[vector<16xi32>, vector<16xi32>, vector<16xi32>, vector<16xi32>], vector<16xf32>,
        %add3A_394 = arith.constant 8 : i32
        %add3A_395 = vector.broadcast %add3A_394 : i32 to vector<16xi32>
        %add3A_396 = arith.addi %iota3A, %add3A_395 : vector<16xi32>
        %and3A_397 = arith.constant 31 : i32
        %and3A_398 = vector.broadcast %and3A_397 : i32 to vector<16xi32>
        %and3A_399 = arith.andi %add3A_396, %and3A_398 : vector<16xi32>
        %gather3A_400 = arith.constant 0 : i32
        %gather3A_401 = arith.constant 0 : i32
        %gather3A_402 = arith.constant 0 : i32
        %gather3A_403 = tpu.memref_slice %arg7[%gather3A_400, %gather3A_401, %gather3A_402] : memref<2x512x32xf32, #tpu.memory_space<vmem>> -> memref<1x512x32xf32, #tpu.memory_space<vmem>>
        %gather3A_404 = tpu.memref_squeeze %gather3A_403 : memref<1x512x32xf32, #tpu.memory_space<vmem>> -> memref<512x32xf32, #tpu.memory_space<vmem>>
        %gather3A_405 = tpu.vector_load_idx %gather3A_404[%add3A_191, %and3A_399] : memref<512x32xf32, #tpu.memory_space<vmem>>[vector<16xi32>, vector<16xi32>], vector<16xf32>,
        %shift_right_arithmetic3A_406 = arith.constant 3 : i32
        %shift_right_arithmetic3A_407 = vector.broadcast %shift_right_arithmetic3A_406 : i32 to vector<16xi32>
        %shift_right_arithmetic3A_408 = arith.shrsi %and3A_399, %shift_right_arithmetic3A_407 : vector<16xi32>
        %and3A_409 = arith.constant 7 : i32
        %and3A_410 = vector.broadcast %and3A_409 : i32 to vector<16xi32>
        %and3A_411 = arith.andi %and3A_399, %and3A_410 : vector<16xi32>
        %scatter3A_412 = arith.constant 0 : i32
        %scatter3A_413 = arith.constant 0 : i32
        %scatter3A_414 = arith.constant 0 : i32
        %scatter3A_415 = arith.constant 0 : i32
        %scatter3A_416 = arith.constant 0 : i32
        %scatter3A_417 = tpu.memref_slice %arg8[%scatter3A_412, %scatter3A_413, %scatter3A_414, %scatter3A_415, %scatter3A_416] : memref<2x4x4x8x128xf32, #tpu.memory_space<vmem>> -> memref<1x4x4x8x128xf32, #tpu.memory_space<vmem>>
        %scatter3A_418 = tpu.memref_squeeze %scatter3A_417 : memref<1x4x4x8x128xf32, #tpu.memory_space<vmem>> -> memref<4x4x8x128xf32, #tpu.memory_space<vmem>>
        tpu.vector_store_idx %scatter3A_418[%shift_right_arithmetic3A_408, %shift_right_arithmetic3A_193, %and3A_411, %and3A_195], %gather3A_405 : memref<4x4x8x128xf32, #tpu.memory_space<vmem>>[vector<16xi32>, vector<16xi32>, vector<16xi32>, vector<16xi32>], vector<16xf32>,
        %add3A_419 = arith.constant 9 : i32
        %add3A_420 = vector.broadcast %add3A_419 : i32 to vector<16xi32>
        %add3A_421 = arith.addi %iota3A, %add3A_420 : vector<16xi32>
        %and3A_422 = arith.constant 31 : i32
        %and3A_423 = vector.broadcast %and3A_422 : i32 to vector<16xi32>
        %and3A_424 = arith.andi %add3A_421, %and3A_423 : vector<16xi32>
        %gather3A_425 = arith.constant 0 : i32
        %gather3A_426 = arith.constant 0 : i32
        %gather3A_427 = arith.constant 0 : i32
        %gather3A_428 = tpu.memref_slice %arg7[%gather3A_425, %gather3A_426, %gather3A_427] : memref<2x512x32xf32, #tpu.memory_space<vmem>> -> memref<1x512x32xf32, #tpu.memory_space<vmem>>
        %gather3A_429 = tpu.memref_squeeze %gather3A_428 : memref<1x512x32xf32, #tpu.memory_space<vmem>> -> memref<512x32xf32, #tpu.memory_space<vmem>>
        %gather3A_430 = tpu.vector_load_idx %gather3A_429[%add3A_191, %and3A_424] : memref<512x32xf32, #tpu.memory_space<vmem>>[vector<16xi32>, vector<16xi32>], vector<16xf32>,
        %shift_right_arithmetic3A_431 = arith.constant 3 : i32
        %shift_right_arithmetic3A_432 = vector.broadcast %shift_right_arithmetic3A_431 : i32 to vector<16xi32>
        %shift_right_arithmetic3A_433 = arith.shrsi %and3A_424, %shift_right_arithmetic3A_432 : vector<16xi32>
        %and3A_434 = arith.constant 7 : i32
        %and3A_435 = vector.broadcast %and3A_434 : i32 to vector<16xi32>
        %and3A_436 = arith.andi %and3A_424, %and3A_435 : vector<16xi32>
        %scatter3A_437 = arith.constant 0 : i32
        %scatter3A_438 = arith.constant 0 : i32
        %scatter3A_439 = arith.constant 0 : i32
        %scatter3A_440 = arith.constant 0 : i32
        %scatter3A_441 = arith.constant 0 : i32
        %scatter3A_442 = tpu.memref_slice %arg8[%scatter3A_437, %scatter3A_438, %scatter3A_439, %scatter3A_440, %scatter3A_441] : memref<2x4x4x8x128xf32, #tpu.memory_space<vmem>> -> memref<1x4x4x8x128xf32, #tpu.memory_space<vmem>>
        %scatter3A_443 = tpu.memref_squeeze %scatter3A_442 : memref<1x4x4x8x128xf32, #tpu.memory_space<vmem>> -> memref<4x4x8x128xf32, #tpu.memory_space<vmem>>
        tpu.vector_store_idx %scatter3A_443[%shift_right_arithmetic3A_433, %shift_right_arithmetic3A_193, %and3A_436, %and3A_195], %gather3A_430 : memref<4x4x8x128xf32, #tpu.memory_space<vmem>>[vector<16xi32>, vector<16xi32>, vector<16xi32>, vector<16xi32>], vector<16xf32>,
        %add3A_444 = arith.constant 10 : i32
        %add3A_445 = vector.broadcast %add3A_444 : i32 to vector<16xi32>
        %add3A_446 = arith.addi %iota3A, %add3A_445 : vector<16xi32>
        %and3A_447 = arith.constant 31 : i32
        %and3A_448 = vector.broadcast %and3A_447 : i32 to vector<16xi32>
        %and3A_449 = arith.andi %add3A_446, %and3A_448 : vector<16xi32>
        %gather3A_450 = arith.constant 0 : i32
        %gather3A_451 = arith.constant 0 : i32
        %gather3A_452 = arith.constant 0 : i32
        %gather3A_453 = tpu.memref_slice %arg7[%gather3A_450, %gather3A_451, %gather3A_452] : memref<2x512x32xf32, #tpu.memory_space<vmem>> -> memref<1x512x32xf32, #tpu.memory_space<vmem>>
        %gather3A_454 = tpu.memref_squeeze %gather3A_453 : memref<1x512x32xf32, #tpu.memory_space<vmem>> -> memref<512x32xf32, #tpu.memory_space<vmem>>
        %gather3A_455 = tpu.vector_load_idx %gather3A_454[%add3A_191, %and3A_449] : memref<512x32xf32, #tpu.memory_space<vmem>>[vector<16xi32>, vector<16xi32>], vector<16xf32>,
        %shift_right_arithmetic3A_456 = arith.constant 3 : i32
        %shift_right_arithmetic3A_457 = vector.broadcast %shift_right_arithmetic3A_456 : i32 to vector<16xi32>
        %shift_right_arithmetic3A_458 = arith.shrsi %and3A_449, %shift_right_arithmetic3A_457 : vector<16xi32>
        %and3A_459 = arith.constant 7 : i32
        %and3A_460 = vector.broadcast %and3A_459 : i32 to vector<16xi32>
        %and3A_461 = arith.andi %and3A_449, %and3A_460 : vector<16xi32>
        %scatter3A_462 = arith.constant 0 : i32
        %scatter3A_463 = arith.constant 0 : i32
        %scatter3A_464 = arith.constant 0 : i32
        %scatter3A_465 = arith.constant 0 : i32
        %scatter3A_466 = arith.constant 0 : i32
        %scatter3A_467 = tpu.memref_slice %arg8[%scatter3A_462, %scatter3A_463, %scatter3A_464, %scatter3A_465, %scatter3A_466] : memref<2x4x4x8x128xf32, #tpu.memory_space<vmem>> -> memref<1x4x4x8x128xf32, #tpu.memory_space<vmem>>
        %scatter3A_468 = tpu.memref_squeeze %scatter3A_467 : memref<1x4x4x8x128xf32, #tpu.memory_space<vmem>> -> memref<4x4x8x128xf32, #tpu.memory_space<vmem>>
        tpu.vector_store_idx %scatter3A_468[%shift_right_arithmetic3A_458, %shift_right_arithmetic3A_193, %and3A_461, %and3A_195], %gather3A_455 : memref<4x4x8x128xf32, #tpu.memory_space<vmem>>[vector<16xi32>, vector<16xi32>, vector<16xi32>, vector<16xi32>], vector<16xf32>,
        %add3A_469 = arith.constant 11 : i32
        %add3A_470 = vector.broadcast %add3A_469 : i32 to vector<16xi32>
        %add3A_471 = arith.addi %iota3A, %add3A_470 : vector<16xi32>
        %and3A_472 = arith.constant 31 : i32
        %and3A_473 = vector.broadcast %and3A_472 : i32 to vector<16xi32>
        %and3A_474 = arith.andi %add3A_471, %and3A_473 : vector<16xi32>
        %gather3A_475 = arith.constant 0 : i32
        %gather3A_476 = arith.constant 0 : i32
        %gather3A_477 = arith.constant 0 : i32
        %gather3A_478 = tpu.memref_slice %arg7[%gather3A_475, %gather3A_476, %gather3A_477] : memref<2x512x32xf32, #tpu.memory_space<vmem>> -> memref<1x512x32xf32, #tpu.memory_space<vmem>>
        %gather3A_479 = tpu.memref_squeeze %gather3A_478 : memref<1x512x32xf32, #tpu.memory_space<vmem>> -> memref<512x32xf32, #tpu.memory_space<vmem>>
        %gather3A_480 = tpu.vector_load_idx %gather3A_479[%add3A_191, %and3A_474] : memref<512x32xf32, #tpu.memory_space<vmem>>[vector<16xi32>, vector<16xi32>], vector<16xf32>,
        %shift_right_arithmetic3A_481 = arith.constant 3 : i32
        %shift_right_arithmetic3A_482 = vector.broadcast %shift_right_arithmetic3A_481 : i32 to vector<16xi32>
        %shift_right_arithmetic3A_483 = arith.shrsi %and3A_474, %shift_right_arithmetic3A_482 : vector<16xi32>
        %and3A_484 = arith.constant 7 : i32
        %and3A_485 = vector.broadcast %and3A_484 : i32 to vector<16xi32>
        %and3A_486 = arith.andi %and3A_474, %and3A_485 : vector<16xi32>
        %scatter3A_487 = arith.constant 0 : i32
        %scatter3A_488 = arith.constant 0 : i32
        %scatter3A_489 = arith.constant 0 : i32
        %scatter3A_490 = arith.constant 0 : i32
        %scatter3A_491 = arith.constant 0 : i32
        %scatter3A_492 = tpu.memref_slice %arg8[%scatter3A_487, %scatter3A_488, %scatter3A_489, %scatter3A_490, %scatter3A_491] : memref<2x4x4x8x128xf32, #tpu.memory_space<vmem>> -> memref<1x4x4x8x128xf32, #tpu.memory_space<vmem>>
        %scatter3A_493 = tpu.memref_squeeze %scatter3A_492 : memref<1x4x4x8x128xf32, #tpu.memory_space<vmem>> -> memref<4x4x8x128xf32, #tpu.memory_space<vmem>>
        tpu.vector_store_idx %scatter3A_493[%shift_right_arithmetic3A_483, %shift_right_arithmetic3A_193, %and3A_486, %and3A_195], %gather3A_480 : memref<4x4x8x128xf32, #tpu.memory_space<vmem>>[vector<16xi32>, vector<16xi32>, vector<16xi32>, vector<16xi32>], vector<16xf32>,
        %add3A_494 = arith.constant 12 : i32
        %add3A_495 = vector.broadcast %add3A_494 : i32 to vector<16xi32>
        %add3A_496 = arith.addi %iota3A, %add3A_495 : vector<16xi32>
        %and3A_497 = arith.constant 31 : i32
        %and3A_498 = vector.broadcast %and3A_497 : i32 to vector<16xi32>
        %and3A_499 = arith.andi %add3A_496, %and3A_498 : vector<16xi32>
        %gather3A_500 = arith.constant 0 : i32
        %gather3A_501 = arith.constant 0 : i32
        %gather3A_502 = arith.constant 0 : i32
        %gather3A_503 = tpu.memref_slice %arg7[%gather3A_500, %gather3A_501, %gather3A_502] : memref<2x512x32xf32, #tpu.memory_space<vmem>> -> memref<1x512x32xf32, #tpu.memory_space<vmem>>
        %gather3A_504 = tpu.memref_squeeze %gather3A_503 : memref<1x512x32xf32, #tpu.memory_space<vmem>> -> memref<512x32xf32, #tpu.memory_space<vmem>>
        %gather3A_505 = tpu.vector_load_idx %gather3A_504[%add3A_191, %and3A_499] : memref<512x32xf32, #tpu.memory_space<vmem>>[vector<16xi32>, vector<16xi32>], vector<16xf32>,
        %shift_right_arithmetic3A_506 = arith.constant 3 : i32
        %shift_right_arithmetic3A_507 = vector.broadcast %shift_right_arithmetic3A_506 : i32 to vector<16xi32>
        %shift_right_arithmetic3A_508 = arith.shrsi %and3A_499, %shift_right_arithmetic3A_507 : vector<16xi32>
        %and3A_509 = arith.constant 7 : i32
        %and3A_510 = vector.broadcast %and3A_509 : i32 to vector<16xi32>
        %and3A_511 = arith.andi %and3A_499, %and3A_510 : vector<16xi32>
        %scatter3A_512 = arith.constant 0 : i32
        %scatter3A_513 = arith.constant 0 : i32
        %scatter3A_514 = arith.constant 0 : i32
        %scatter3A_515 = arith.constant 0 : i32
        %scatter3A_516 = arith.constant 0 : i32
        %scatter3A_517 = tpu.memref_slice %arg8[%scatter3A_512, %scatter3A_513, %scatter3A_514, %scatter3A_515, %scatter3A_516] : memref<2x4x4x8x128xf32, #tpu.memory_space<vmem>> -> memref<1x4x4x8x128xf32, #tpu.memory_space<vmem>>
        %scatter3A_518 = tpu.memref_squeeze %scatter3A_517 : memref<1x4x4x8x128xf32, #tpu.memory_space<vmem>> -> memref<4x4x8x128xf32, #tpu.memory_space<vmem>>
        tpu.vector_store_idx %scatter3A_518[%shift_right_arithmetic3A_508, %shift_right_arithmetic3A_193, %and3A_511, %and3A_195], %gather3A_505 : memref<4x4x8x128xf32, #tpu.memory_space<vmem>>[vector<16xi32>, vector<16xi32>, vector<16xi32>, vector<16xi32>], vector<16xf32>,
        %add3A_519 = arith.constant 13 : i32
        %add3A_520 = vector.broadcast %add3A_519 : i32 to vector<16xi32>
        %add3A_521 = arith.addi %iota3A, %add3A_520 : vector<16xi32>
        %and3A_522 = arith.constant 31 : i32
        %and3A_523 = vector.broadcast %and3A_522 : i32 to vector<16xi32>
        %and3A_524 = arith.andi %add3A_521, %and3A_523 : vector<16xi32>
        %gather3A_525 = arith.constant 0 : i32
        %gather3A_526 = arith.constant 0 : i32
        %gather3A_527 = arith.constant 0 : i32
        %gather3A_528 = tpu.memref_slice %arg7[%gather3A_525, %gather3A_526, %gather3A_527] : memref<2x512x32xf32, #tpu.memory_space<vmem>> -> memref<1x512x32xf32, #tpu.memory_space<vmem>>
        %gather3A_529 = tpu.memref_squeeze %gather3A_528 : memref<1x512x32xf32, #tpu.memory_space<vmem>> -> memref<512x32xf32, #tpu.memory_space<vmem>>
        %gather3A_530 = tpu.vector_load_idx %gather3A_529[%add3A_191, %and3A_524] : memref<512x32xf32, #tpu.memory_space<vmem>>[vector<16xi32>, vector<16xi32>], vector<16xf32>,
        %shift_right_arithmetic3A_531 = arith.constant 3 : i32
        %shift_right_arithmetic3A_532 = vector.broadcast %shift_right_arithmetic3A_531 : i32 to vector<16xi32>
        %shift_right_arithmetic3A_533 = arith.shrsi %and3A_524, %shift_right_arithmetic3A_532 : vector<16xi32>
        %and3A_534 = arith.constant 7 : i32
        %and3A_535 = vector.broadcast %and3A_534 : i32 to vector<16xi32>
        %and3A_536 = arith.andi %and3A_524, %and3A_535 : vector<16xi32>
        %scatter3A_537 = arith.constant 0 : i32
        %scatter3A_538 = arith.constant 0 : i32
        %scatter3A_539 = arith.constant 0 : i32
        %scatter3A_540 = arith.constant 0 : i32
        %scatter3A_541 = arith.constant 0 : i32
        %scatter3A_542 = tpu.memref_slice %arg8[%scatter3A_537, %scatter3A_538, %scatter3A_539, %scatter3A_540, %scatter3A_541] : memref<2x4x4x8x128xf32, #tpu.memory_space<vmem>> -> memref<1x4x4x8x128xf32, #tpu.memory_space<vmem>>
        %scatter3A_543 = tpu.memref_squeeze %scatter3A_542 : memref<1x4x4x8x128xf32, #tpu.memory_space<vmem>> -> memref<4x4x8x128xf32, #tpu.memory_space<vmem>>
        tpu.vector_store_idx %scatter3A_543[%shift_right_arithmetic3A_533, %shift_right_arithmetic3A_193, %and3A_536, %and3A_195], %gather3A_530 : memref<4x4x8x128xf32, #tpu.memory_space<vmem>>[vector<16xi32>, vector<16xi32>, vector<16xi32>, vector<16xi32>], vector<16xf32>,
        %add3A_544 = arith.constant 14 : i32
        %add3A_545 = vector.broadcast %add3A_544 : i32 to vector<16xi32>
        %add3A_546 = arith.addi %iota3A, %add3A_545 : vector<16xi32>
        %and3A_547 = arith.constant 31 : i32
        %and3A_548 = vector.broadcast %and3A_547 : i32 to vector<16xi32>
        %and3A_549 = arith.andi %add3A_546, %and3A_548 : vector<16xi32>
        %gather3A_550 = arith.constant 0 : i32
        %gather3A_551 = arith.constant 0 : i32
        %gather3A_552 = arith.constant 0 : i32
        %gather3A_553 = tpu.memref_slice %arg7[%gather3A_550, %gather3A_551, %gather3A_552] : memref<2x512x32xf32, #tpu.memory_space<vmem>> -> memref<1x512x32xf32, #tpu.memory_space<vmem>>
        %gather3A_554 = tpu.memref_squeeze %gather3A_553 : memref<1x512x32xf32, #tpu.memory_space<vmem>> -> memref<512x32xf32, #tpu.memory_space<vmem>>
        %gather3A_555 = tpu.vector_load_idx %gather3A_554[%add3A_191, %and3A_549] : memref<512x32xf32, #tpu.memory_space<vmem>>[vector<16xi32>, vector<16xi32>], vector<16xf32>,
        %shift_right_arithmetic3A_556 = arith.constant 3 : i32
        %shift_right_arithmetic3A_557 = vector.broadcast %shift_right_arithmetic3A_556 : i32 to vector<16xi32>
        %shift_right_arithmetic3A_558 = arith.shrsi %and3A_549, %shift_right_arithmetic3A_557 : vector<16xi32>
        %and3A_559 = arith.constant 7 : i32
        %and3A_560 = vector.broadcast %and3A_559 : i32 to vector<16xi32>
        %and3A_561 = arith.andi %and3A_549, %and3A_560 : vector<16xi32>
        %scatter3A_562 = arith.constant 0 : i32
        %scatter3A_563 = arith.constant 0 : i32
        %scatter3A_564 = arith.constant 0 : i32
        %scatter3A_565 = arith.constant 0 : i32
        %scatter3A_566 = arith.constant 0 : i32
        %scatter3A_567 = tpu.memref_slice %arg8[%scatter3A_562, %scatter3A_563, %scatter3A_564, %scatter3A_565, %scatter3A_566] : memref<2x4x4x8x128xf32, #tpu.memory_space<vmem>> -> memref<1x4x4x8x128xf32, #tpu.memory_space<vmem>>
        %scatter3A_568 = tpu.memref_squeeze %scatter3A_567 : memref<1x4x4x8x128xf32, #tpu.memory_space<vmem>> -> memref<4x4x8x128xf32, #tpu.memory_space<vmem>>
        tpu.vector_store_idx %scatter3A_568[%shift_right_arithmetic3A_558, %shift_right_arithmetic3A_193, %and3A_561, %and3A_195], %gather3A_555 : memref<4x4x8x128xf32, #tpu.memory_space<vmem>>[vector<16xi32>, vector<16xi32>, vector<16xi32>, vector<16xi32>], vector<16xf32>,
        %add3A_569 = arith.constant 15 : i32
        %add3A_570 = vector.broadcast %add3A_569 : i32 to vector<16xi32>
        %add3A_571 = arith.addi %iota3A, %add3A_570 : vector<16xi32>
        %and3A_572 = arith.constant 31 : i32
        %and3A_573 = vector.broadcast %and3A_572 : i32 to vector<16xi32>
        %and3A_574 = arith.andi %add3A_571, %and3A_573 : vector<16xi32>
        %gather3A_575 = arith.constant 0 : i32
        %gather3A_576 = arith.constant 0 : i32
        %gather3A_577 = arith.constant 0 : i32
        %gather3A_578 = tpu.memref_slice %arg7[%gather3A_575, %gather3A_576, %gather3A_577] : memref<2x512x32xf32, #tpu.memory_space<vmem>> -> memref<1x512x32xf32, #tpu.memory_space<vmem>>
        %gather3A_579 = tpu.memref_squeeze %gather3A_578 : memref<1x512x32xf32, #tpu.memory_space<vmem>> -> memref<512x32xf32, #tpu.memory_space<vmem>>
        %gather3A_580 = tpu.vector_load_idx %gather3A_579[%add3A_191, %and3A_574] : memref<512x32xf32, #tpu.memory_space<vmem>>[vector<16xi32>, vector<16xi32>], vector<16xf32>,
        %shift_right_arithmetic3A_581 = arith.constant 3 : i32
        %shift_right_arithmetic3A_582 = vector.broadcast %shift_right_arithmetic3A_581 : i32 to vector<16xi32>
        %shift_right_arithmetic3A_583 = arith.shrsi %and3A_574, %shift_right_arithmetic3A_582 : vector<16xi32>
        %and3A_584 = arith.constant 7 : i32
        %and3A_585 = vector.broadcast %and3A_584 : i32 to vector<16xi32>
        %and3A_586 = arith.andi %and3A_574, %and3A_585 : vector<16xi32>
        %scatter3A_587 = arith.constant 0 : i32
        %scatter3A_588 = arith.constant 0 : i32
        %scatter3A_589 = arith.constant 0 : i32
        %scatter3A_590 = arith.constant 0 : i32
        %scatter3A_591 = arith.constant 0 : i32
        %scatter3A_592 = tpu.memref_slice %arg8[%scatter3A_587, %scatter3A_588, %scatter3A_589, %scatter3A_590, %scatter3A_591] : memref<2x4x4x8x128xf32, #tpu.memory_space<vmem>> -> memref<1x4x4x8x128xf32, #tpu.memory_space<vmem>>
        %scatter3A_593 = tpu.memref_squeeze %scatter3A_592 : memref<1x4x4x8x128xf32, #tpu.memory_space<vmem>> -> memref<4x4x8x128xf32, #tpu.memory_space<vmem>>
        tpu.vector_store_idx %scatter3A_593[%shift_right_arithmetic3A_583, %shift_right_arithmetic3A_193, %and3A_586, %and3A_195], %gather3A_580 : memref<4x4x8x128xf32, #tpu.memory_space<vmem>>[vector<16xi32>, vector<16xi32>, vector<16xi32>, vector<16xi32>], vector<16xf32>,
        %add3A_594 = arith.constant 16 : i32
        %add3A_595 = vector.broadcast %add3A_594 : i32 to vector<16xi32>
        %add3A_596 = arith.addi %iota3A, %add3A_595 : vector<16xi32>
        %and3A_597 = arith.constant 31 : i32
        %and3A_598 = vector.broadcast %and3A_597 : i32 to vector<16xi32>
        %and3A_599 = arith.andi %add3A_596, %and3A_598 : vector<16xi32>
        %gather3A_600 = arith.constant 0 : i32
        %gather3A_601 = arith.constant 0 : i32
        %gather3A_602 = arith.constant 0 : i32
        %gather3A_603 = tpu.memref_slice %arg7[%gather3A_600, %gather3A_601, %gather3A_602] : memref<2x512x32xf32, #tpu.memory_space<vmem>> -> memref<1x512x32xf32, #tpu.memory_space<vmem>>
        %gather3A_604 = tpu.memref_squeeze %gather3A_603 : memref<1x512x32xf32, #tpu.memory_space<vmem>> -> memref<512x32xf32, #tpu.memory_space<vmem>>
        %gather3A_605 = tpu.vector_load_idx %gather3A_604[%add3A_191, %and3A_599] : memref<512x32xf32, #tpu.memory_space<vmem>>[vector<16xi32>, vector<16xi32>], vector<16xf32>,
        %shift_right_arithmetic3A_606 = arith.constant 3 : i32
        %shift_right_arithmetic3A_607 = vector.broadcast %shift_right_arithmetic3A_606 : i32 to vector<16xi32>
        %shift_right_arithmetic3A_608 = arith.shrsi %and3A_599, %shift_right_arithmetic3A_607 : vector<16xi32>
        %and3A_609 = arith.constant 7 : i32
        %and3A_610 = vector.broadcast %and3A_609 : i32 to vector<16xi32>
        %and3A_611 = arith.andi %and3A_599, %and3A_610 : vector<16xi32>
        %scatter3A_612 = arith.constant 0 : i32
        %scatter3A_613 = arith.constant 0 : i32
        %scatter3A_614 = arith.constant 0 : i32
        %scatter3A_615 = arith.constant 0 : i32
        %scatter3A_616 = arith.constant 0 : i32
        %scatter3A_617 = tpu.memref_slice %arg8[%scatter3A_612, %scatter3A_613, %scatter3A_614, %scatter3A_615, %scatter3A_616] : memref<2x4x4x8x128xf32, #tpu.memory_space<vmem>> -> memref<1x4x4x8x128xf32, #tpu.memory_space<vmem>>
        %scatter3A_618 = tpu.memref_squeeze %scatter3A_617 : memref<1x4x4x8x128xf32, #tpu.memory_space<vmem>> -> memref<4x4x8x128xf32, #tpu.memory_space<vmem>>
        tpu.vector_store_idx %scatter3A_618[%shift_right_arithmetic3A_608, %shift_right_arithmetic3A_193, %and3A_611, %and3A_195], %gather3A_605 : memref<4x4x8x128xf32, #tpu.memory_space<vmem>>[vector<16xi32>, vector<16xi32>, vector<16xi32>, vector<16xi32>], vector<16xf32>,
        %add3A_619 = arith.constant 17 : i32
        %add3A_620 = vector.broadcast %add3A_619 : i32 to vector<16xi32>
        %add3A_621 = arith.addi %iota3A, %add3A_620 : vector<16xi32>
        %and3A_622 = arith.constant 31 : i32
        %and3A_623 = vector.broadcast %and3A_622 : i32 to vector<16xi32>
        %and3A_624 = arith.andi %add3A_621, %and3A_623 : vector<16xi32>
        %gather3A_625 = arith.constant 0 : i32
        %gather3A_626 = arith.constant 0 : i32
        %gather3A_627 = arith.constant 0 : i32
        %gather3A_628 = tpu.memref_slice %arg7[%gather3A_625, %gather3A_626, %gather3A_627] : memref<2x512x32xf32, #tpu.memory_space<vmem>> -> memref<1x512x32xf32, #tpu.memory_space<vmem>>
        %gather3A_629 = tpu.memref_squeeze %gather3A_628 : memref<1x512x32xf32, #tpu.memory_space<vmem>> -> memref<512x32xf32, #tpu.memory_space<vmem>>
        %gather3A_630 = tpu.vector_load_idx %gather3A_629[%add3A_191, %and3A_624] : memref<512x32xf32, #tpu.memory_space<vmem>>[vector<16xi32>, vector<16xi32>], vector<16xf32>,
        %shift_right_arithmetic3A_631 = arith.constant 3 : i32
        %shift_right_arithmetic3A_632 = vector.broadcast %shift_right_arithmetic3A_631 : i32 to vector<16xi32>
        %shift_right_arithmetic3A_633 = arith.shrsi %and3A_624, %shift_right_arithmetic3A_632 : vector<16xi32>
        %and3A_634 = arith.constant 7 : i32
        %and3A_635 = vector.broadcast %and3A_634 : i32 to vector<16xi32>
        %and3A_636 = arith.andi %and3A_624, %and3A_635 : vector<16xi32>
        %scatter3A_637 = arith.constant 0 : i32
        %scatter3A_638 = arith.constant 0 : i32
        %scatter3A_639 = arith.constant 0 : i32
        %scatter3A_640 = arith.constant 0 : i32
        %scatter3A_641 = arith.constant 0 : i32
        %scatter3A_642 = tpu.memref_slice %arg8[%scatter3A_637, %scatter3A_638, %scatter3A_639, %scatter3A_640, %scatter3A_641] : memref<2x4x4x8x128xf32, #tpu.memory_space<vmem>> -> memref<1x4x4x8x128xf32, #tpu.memory_space<vmem>>
        %scatter3A_643 = tpu.memref_squeeze %scatter3A_642 : memref<1x4x4x8x128xf32, #tpu.memory_space<vmem>> -> memref<4x4x8x128xf32, #tpu.memory_space<vmem>>
        tpu.vector_store_idx %scatter3A_643[%shift_right_arithmetic3A_633, %shift_right_arithmetic3A_193, %and3A_636, %and3A_195], %gather3A_630 : memref<4x4x8x128xf32, #tpu.memory_space<vmem>>[vector<16xi32>, vector<16xi32>, vector<16xi32>, vector<16xi32>], vector<16xf32>,
        %add3A_644 = arith.constant 18 : i32
        %add3A_645 = vector.broadcast %add3A_644 : i32 to vector<16xi32>
        %add3A_646 = arith.addi %iota3A, %add3A_645 : vector<16xi32>
        %and3A_647 = arith.constant 31 : i32
        %and3A_648 = vector.broadcast %and3A_647 : i32 to vector<16xi32>
        %and3A_649 = arith.andi %add3A_646, %and3A_648 : vector<16xi32>
        %gather3A_650 = arith.constant 0 : i32
        %gather3A_651 = arith.constant 0 : i32
        %gather3A_652 = arith.constant 0 : i32
        %gather3A_653 = tpu.memref_slice %arg7[%gather3A_650, %gather3A_651, %gather3A_652] : memref<2x512x32xf32, #tpu.memory_space<vmem>> -> memref<1x512x32xf32, #tpu.memory_space<vmem>>
        %gather3A_654 = tpu.memref_squeeze %gather3A_653 : memref<1x512x32xf32, #tpu.memory_space<vmem>> -> memref<512x32xf32, #tpu.memory_space<vmem>>
        %gather3A_655 = tpu.vector_load_idx %gather3A_654[%add3A_191, %and3A_649] : memref<512x32xf32, #tpu.memory_space<vmem>>[vector<16xi32>, vector<16xi32>], vector<16xf32>,
        %shift_right_arithmetic3A_656 = arith.constant 3 : i32
        %shift_right_arithmetic3A_657 = vector.broadcast %shift_right_arithmetic3A_656 : i32 to vector<16xi32>
        %shift_right_arithmetic3A_658 = arith.shrsi %and3A_649, %shift_right_arithmetic3A_657 : vector<16xi32>
        %and3A_659 = arith.constant 7 : i32
        %and3A_660 = vector.broadcast %and3A_659 : i32 to vector<16xi32>
        %and3A_661 = arith.andi %and3A_649, %and3A_660 : vector<16xi32>
        %scatter3A_662 = arith.constant 0 : i32
        %scatter3A_663 = arith.constant 0 : i32
        %scatter3A_664 = arith.constant 0 : i32
        %scatter3A_665 = arith.constant 0 : i32
        %scatter3A_666 = arith.constant 0 : i32
        %scatter3A_667 = tpu.memref_slice %arg8[%scatter3A_662, %scatter3A_663, %scatter3A_664, %scatter3A_665, %scatter3A_666] : memref<2x4x4x8x128xf32, #tpu.memory_space<vmem>> -> memref<1x4x4x8x128xf32, #tpu.memory_space<vmem>>
        %scatter3A_668 = tpu.memref_squeeze %scatter3A_667 : memref<1x4x4x8x128xf32, #tpu.memory_space<vmem>> -> memref<4x4x8x128xf32, #tpu.memory_space<vmem>>
        tpu.vector_store_idx %scatter3A_668[%shift_right_arithmetic3A_658, %shift_right_arithmetic3A_193, %and3A_661, %and3A_195], %gather3A_655 : memref<4x4x8x128xf32, #tpu.memory_space<vmem>>[vector<16xi32>, vector<16xi32>, vector<16xi32>, vector<16xi32>], vector<16xf32>,
        %add3A_669 = arith.constant 19 : i32
        %add3A_670 = vector.broadcast %add3A_669 : i32 to vector<16xi32>
        %add3A_671 = arith.addi %iota3A, %add3A_670 : vector<16xi32>
        %and3A_672 = arith.constant 31 : i32
        %and3A_673 = vector.broadcast %and3A_672 : i32 to vector<16xi32>
        %and3A_674 = arith.andi %add3A_671, %and3A_673 : vector<16xi32>
        %gather3A_675 = arith.constant 0 : i32
        %gather3A_676 = arith.constant 0 : i32
        %gather3A_677 = arith.constant 0 : i32
        %gather3A_678 = tpu.memref_slice %arg7[%gather3A_675, %gather3A_676, %gather3A_677] : memref<2x512x32xf32, #tpu.memory_space<vmem>> -> memref<1x512x32xf32, #tpu.memory_space<vmem>>
        %gather3A_679 = tpu.memref_squeeze %gather3A_678 : memref<1x512x32xf32, #tpu.memory_space<vmem>> -> memref<512x32xf32, #tpu.memory_space<vmem>>
        %gather3A_680 = tpu.vector_load_idx %gather3A_679[%add3A_191, %and3A_674] : memref<512x32xf32, #tpu.memory_space<vmem>>[vector<16xi32>, vector<16xi32>], vector<16xf32>,
        %shift_right_arithmetic3A_681 = arith.constant 3 : i32
        %shift_right_arithmetic3A_682 = vector.broadcast %shift_right_arithmetic3A_681 : i32 to vector<16xi32>
        %shift_right_arithmetic3A_683 = arith.shrsi %and3A_674, %shift_right_arithmetic3A_682 : vector<16xi32>
        %and3A_684 = arith.constant 7 : i32
        %and3A_685 = vector.broadcast %and3A_684 : i32 to vector<16xi32>
        %and3A_686 = arith.andi %and3A_674, %and3A_685 : vector<16xi32>
        %scatter3A_687 = arith.constant 0 : i32
        %scatter3A_688 = arith.constant 0 : i32
        %scatter3A_689 = arith.constant 0 : i32
        %scatter3A_690 = arith.constant 0 : i32
        %scatter3A_691 = arith.constant 0 : i32
        %scatter3A_692 = tpu.memref_slice %arg8[%scatter3A_687, %scatter3A_688, %scatter3A_689, %scatter3A_690, %scatter3A_691] : memref<2x4x4x8x128xf32, #tpu.memory_space<vmem>> -> memref<1x4x4x8x128xf32, #tpu.memory_space<vmem>>
        %scatter3A_693 = tpu.memref_squeeze %scatter3A_692 : memref<1x4x4x8x128xf32, #tpu.memory_space<vmem>> -> memref<4x4x8x128xf32, #tpu.memory_space<vmem>>
        tpu.vector_store_idx %scatter3A_693[%shift_right_arithmetic3A_683, %shift_right_arithmetic3A_193, %and3A_686, %and3A_195], %gather3A_680 : memref<4x4x8x128xf32, #tpu.memory_space<vmem>>[vector<16xi32>, vector<16xi32>, vector<16xi32>, vector<16xi32>], vector<16xf32>,
        %add3A_694 = arith.constant 20 : i32
        %add3A_695 = vector.broadcast %add3A_694 : i32 to vector<16xi32>
        %add3A_696 = arith.addi %iota3A, %add3A_695 : vector<16xi32>
        %and3A_697 = arith.constant 31 : i32
        %and3A_698 = vector.broadcast %and3A_697 : i32 to vector<16xi32>
        %and3A_699 = arith.andi %add3A_696, %and3A_698 : vector<16xi32>
        %gather3A_700 = arith.constant 0 : i32
        %gather3A_701 = arith.constant 0 : i32
        %gather3A_702 = arith.constant 0 : i32
        %gather3A_703 = tpu.memref_slice %arg7[%gather3A_700, %gather3A_701, %gather3A_702] : memref<2x512x32xf32, #tpu.memory_space<vmem>> -> memref<1x512x32xf32, #tpu.memory_space<vmem>>
        %gather3A_704 = tpu.memref_squeeze %gather3A_703 : memref<1x512x32xf32, #tpu.memory_space<vmem>> -> memref<512x32xf32, #tpu.memory_space<vmem>>
        %gather3A_705 = tpu.vector_load_idx %gather3A_704[%add3A_191, %and3A_699] : memref<512x32xf32, #tpu.memory_space<vmem>>[vector<16xi32>, vector<16xi32>], vector<16xf32>,
        %shift_right_arithmetic3A_706 = arith.constant 3 : i32
        %shift_right_arithmetic3A_707 = vector.broadcast %shift_right_arithmetic3A_706 : i32 to vector<16xi32>
        %shift_right_arithmetic3A_708 = arith.shrsi %and3A_699, %shift_right_arithmetic3A_707 : vector<16xi32>
        %and3A_709 = arith.constant 7 : i32
        %and3A_710 = vector.broadcast %and3A_709 : i32 to vector<16xi32>
        %and3A_711 = arith.andi %and3A_699, %and3A_710 : vector<16xi32>
        %scatter3A_712 = arith.constant 0 : i32
        %scatter3A_713 = arith.constant 0 : i32
        %scatter3A_714 = arith.constant 0 : i32
        %scatter3A_715 = arith.constant 0 : i32
        %scatter3A_716 = arith.constant 0 : i32
        %scatter3A_717 = tpu.memref_slice %arg8[%scatter3A_712, %scatter3A_713, %scatter3A_714, %scatter3A_715, %scatter3A_716] : memref<2x4x4x8x128xf32, #tpu.memory_space<vmem>> -> memref<1x4x4x8x128xf32, #tpu.memory_space<vmem>>
        %scatter3A_718 = tpu.memref_squeeze %scatter3A_717 : memref<1x4x4x8x128xf32, #tpu.memory_space<vmem>> -> memref<4x4x8x128xf32, #tpu.memory_space<vmem>>
        tpu.vector_store_idx %scatter3A_718[%shift_right_arithmetic3A_708, %shift_right_arithmetic3A_193, %and3A_711, %and3A_195], %gather3A_705 : memref<4x4x8x128xf32, #tpu.memory_space<vmem>>[vector<16xi32>, vector<16xi32>, vector<16xi32>, vector<16xi32>], vector<16xf32>,
        %add3A_719 = arith.constant 21 : i32
        %add3A_720 = vector.broadcast %add3A_719 : i32 to vector<16xi32>
        %add3A_721 = arith.addi %iota3A, %add3A_720 : vector<16xi32>
        %and3A_722 = arith.constant 31 : i32
        %and3A_723 = vector.broadcast %and3A_722 : i32 to vector<16xi32>
        %and3A_724 = arith.andi %add3A_721, %and3A_723 : vector<16xi32>
        %gather3A_725 = arith.constant 0 : i32
        %gather3A_726 = arith.constant 0 : i32
        %gather3A_727 = arith.constant 0 : i32
        %gather3A_728 = tpu.memref_slice %arg7[%gather3A_725, %gather3A_726, %gather3A_727] : memref<2x512x32xf32, #tpu.memory_space<vmem>> -> memref<1x512x32xf32, #tpu.memory_space<vmem>>
        %gather3A_729 = tpu.memref_squeeze %gather3A_728 : memref<1x512x32xf32, #tpu.memory_space<vmem>> -> memref<512x32xf32, #tpu.memory_space<vmem>>
        %gather3A_730 = tpu.vector_load_idx %gather3A_729[%add3A_191, %and3A_724] : memref<512x32xf32, #tpu.memory_space<vmem>>[vector<16xi32>, vector<16xi32>], vector<16xf32>,
        %shift_right_arithmetic3A_731 = arith.constant 3 : i32
        %shift_right_arithmetic3A_732 = vector.broadcast %shift_right_arithmetic3A_731 : i32 to vector<16xi32>
        %shift_right_arithmetic3A_733 = arith.shrsi %and3A_724, %shift_right_arithmetic3A_732 : vector<16xi32>
        %and3A_734 = arith.constant 7 : i32
        %and3A_735 = vector.broadcast %and3A_734 : i32 to vector<16xi32>
        %and3A_736 = arith.andi %and3A_724, %and3A_735 : vector<16xi32>
        %scatter3A_737 = arith.constant 0 : i32
        %scatter3A_738 = arith.constant 0 : i32
        %scatter3A_739 = arith.constant 0 : i32
        %scatter3A_740 = arith.constant 0 : i32
        %scatter3A_741 = arith.constant 0 : i32
        %scatter3A_742 = tpu.memref_slice %arg8[%scatter3A_737, %scatter3A_738, %scatter3A_739, %scatter3A_740, %scatter3A_741] : memref<2x4x4x8x128xf32, #tpu.memory_space<vmem>> -> memref<1x4x4x8x128xf32, #tpu.memory_space<vmem>>
        %scatter3A_743 = tpu.memref_squeeze %scatter3A_742 : memref<1x4x4x8x128xf32, #tpu.memory_space<vmem>> -> memref<4x4x8x128xf32, #tpu.memory_space<vmem>>
        tpu.vector_store_idx %scatter3A_743[%shift_right_arithmetic3A_733, %shift_right_arithmetic3A_193, %and3A_736, %and3A_195], %gather3A_730 : memref<4x4x8x128xf32, #tpu.memory_space<vmem>>[vector<16xi32>, vector<16xi32>, vector<16xi32>, vector<16xi32>], vector<16xf32>,
        %add3A_744 = arith.constant 22 : i32
        %add3A_745 = vector.broadcast %add3A_744 : i32 to vector<16xi32>
        %add3A_746 = arith.addi %iota3A, %add3A_745 : vector<16xi32>
        %and3A_747 = arith.constant 31 : i32
        %and3A_748 = vector.broadcast %and3A_747 : i32 to vector<16xi32>
        %and3A_749 = arith.andi %add3A_746, %and3A_748 : vector<16xi32>
        %gather3A_750 = arith.constant 0 : i32
        %gather3A_751 = arith.constant 0 : i32
        %gather3A_752 = arith.constant 0 : i32
        %gather3A_753 = tpu.memref_slice %arg7[%gather3A_750, %gather3A_751, %gather3A_752] : memref<2x512x32xf32, #tpu.memory_space<vmem>> -> memref<1x512x32xf32, #tpu.memory_space<vmem>>
        %gather3A_754 = tpu.memref_squeeze %gather3A_753 : memref<1x512x32xf32, #tpu.memory_space<vmem>> -> memref<512x32xf32, #tpu.memory_space<vmem>>
        %gather3A_755 = tpu.vector_load_idx %gather3A_754[%add3A_191, %and3A_749] : memref<512x32xf32, #tpu.memory_space<vmem>>[vector<16xi32>, vector<16xi32>], vector<16xf32>,
        %shift_right_arithmetic3A_756 = arith.constant 3 : i32
        %shift_right_arithmetic3A_757 = vector.broadcast %shift_right_arithmetic3A_756 : i32 to vector<16xi32>
        %shift_right_arithmetic3A_758 = arith.shrsi %and3A_749, %shift_right_arithmetic3A_757 : vector<16xi32>
        %and3A_759 = arith.constant 7 : i32
        %and3A_760 = vector.broadcast %and3A_759 : i32 to vector<16xi32>
        %and3A_761 = arith.andi %and3A_749, %and3A_760 : vector<16xi32>
        %scatter3A_762 = arith.constant 0 : i32
        %scatter3A_763 = arith.constant 0 : i32
        %scatter3A_764 = arith.constant 0 : i32
        %scatter3A_765 = arith.constant 0 : i32
        %scatter3A_766 = arith.constant 0 : i32
        %scatter3A_767 = tpu.memref_slice %arg8[%scatter3A_762, %scatter3A_763, %scatter3A_764, %scatter3A_765, %scatter3A_766] : memref<2x4x4x8x128xf32, #tpu.memory_space<vmem>> -> memref<1x4x4x8x128xf32, #tpu.memory_space<vmem>>
        %scatter3A_768 = tpu.memref_squeeze %scatter3A_767 : memref<1x4x4x8x128xf32, #tpu.memory_space<vmem>> -> memref<4x4x8x128xf32, #tpu.memory_space<vmem>>
        tpu.vector_store_idx %scatter3A_768[%shift_right_arithmetic3A_758, %shift_right_arithmetic3A_193, %and3A_761, %and3A_195], %gather3A_755 : memref<4x4x8x128xf32, #tpu.memory_space<vmem>>[vector<16xi32>, vector<16xi32>, vector<16xi32>, vector<16xi32>], vector<16xf32>,
        %add3A_769 = arith.constant 23 : i32
        %add3A_770 = vector.broadcast %add3A_769 : i32 to vector<16xi32>
        %add3A_771 = arith.addi %iota3A, %add3A_770 : vector<16xi32>
        %and3A_772 = arith.constant 31 : i32
        %and3A_773 = vector.broadcast %and3A_772 : i32 to vector<16xi32>
        %and3A_774 = arith.andi %add3A_771, %and3A_773 : vector<16xi32>
        %gather3A_775 = arith.constant 0 : i32
        %gather3A_776 = arith.constant 0 : i32
        %gather3A_777 = arith.constant 0 : i32
        %gather3A_778 = tpu.memref_slice %arg7[%gather3A_775, %gather3A_776, %gather3A_777] : memref<2x512x32xf32, #tpu.memory_space<vmem>> -> memref<1x512x32xf32, #tpu.memory_space<vmem>>
        %gather3A_779 = tpu.memref_squeeze %gather3A_778 : memref<1x512x32xf32, #tpu.memory_space<vmem>> -> memref<512x32xf32, #tpu.memory_space<vmem>>
        %gather3A_780 = tpu.vector_load_idx %gather3A_779[%add3A_191, %and3A_774] : memref<512x32xf32, #tpu.memory_space<vmem>>[vector<16xi32>, vector<16xi32>], vector<16xf32>,
        %shift_right_arithmetic3A_781 = arith.constant 3 : i32
        %shift_right_arithmetic3A_782 = vector.broadcast %shift_right_arithmetic3A_781 : i32 to vector<16xi32>
        %shift_right_arithmetic3A_783 = arith.shrsi %and3A_774, %shift_right_arithmetic3A_782 : vector<16xi32>
        %and3A_784 = arith.constant 7 : i32
        %and3A_785 = vector.broadcast %and3A_784 : i32 to vector<16xi32>
        %and3A_786 = arith.andi %and3A_774, %and3A_785 : vector<16xi32>
        %scatter3A_787 = arith.constant 0 : i32
        %scatter3A_788 = arith.constant 0 : i32
        %scatter3A_789 = arith.constant 0 : i32
        %scatter3A_790 = arith.constant 0 : i32
        %scatter3A_791 = arith.constant 0 : i32
        %scatter3A_792 = tpu.memref_slice %arg8[%scatter3A_787, %scatter3A_788, %scatter3A_789, %scatter3A_790, %scatter3A_791] : memref<2x4x4x8x128xf32, #tpu.memory_space<vmem>> -> memref<1x4x4x8x128xf32, #tpu.memory_space<vmem>>
        %scatter3A_793 = tpu.memref_squeeze %scatter3A_792 : memref<1x4x4x8x128xf32, #tpu.memory_space<vmem>> -> memref<4x4x8x128xf32, #tpu.memory_space<vmem>>
        tpu.vector_store_idx %scatter3A_793[%shift_right_arithmetic3A_783, %shift_right_arithmetic3A_193, %and3A_786, %and3A_195], %gather3A_780 : memref<4x4x8x128xf32, #tpu.memory_space<vmem>>[vector<16xi32>, vector<16xi32>, vector<16xi32>, vector<16xi32>], vector<16xf32>,
        %add3A_794 = arith.constant 24 : i32
        %add3A_795 = vector.broadcast %add3A_794 : i32 to vector<16xi32>
        %add3A_796 = arith.addi %iota3A, %add3A_795 : vector<16xi32>
        %and3A_797 = arith.constant 31 : i32
        %and3A_798 = vector.broadcast %and3A_797 : i32 to vector<16xi32>
        %and3A_799 = arith.andi %add3A_796, %and3A_798 : vector<16xi32>
        %gather3A_800 = arith.constant 0 : i32
        %gather3A_801 = arith.constant 0 : i32
        %gather3A_802 = arith.constant 0 : i32
        %gather3A_803 = tpu.memref_slice %arg7[%gather3A_800, %gather3A_801, %gather3A_802] : memref<2x512x32xf32, #tpu.memory_space<vmem>> -> memref<1x512x32xf32, #tpu.memory_space<vmem>>
        %gather3A_804 = tpu.memref_squeeze %gather3A_803 : memref<1x512x32xf32, #tpu.memory_space<vmem>> -> memref<512x32xf32, #tpu.memory_space<vmem>>
        %gather3A_805 = tpu.vector_load_idx %gather3A_804[%add3A_191, %and3A_799] : memref<512x32xf32, #tpu.memory_space<vmem>>[vector<16xi32>, vector<16xi32>], vector<16xf32>,
        %shift_right_arithmetic3A_806 = arith.constant 3 : i32
        %shift_right_arithmetic3A_807 = vector.broadcast %shift_right_arithmetic3A_806 : i32 to vector<16xi32>
        %shift_right_arithmetic3A_808 = arith.shrsi %and3A_799, %shift_right_arithmetic3A_807 : vector<16xi32>
        %and3A_809 = arith.constant 7 : i32
        %and3A_810 = vector.broadcast %and3A_809 : i32 to vector<16xi32>
        %and3A_811 = arith.andi %and3A_799, %and3A_810 : vector<16xi32>
        %scatter3A_812 = arith.constant 0 : i32
        %scatter3A_813 = arith.constant 0 : i32
        %scatter3A_814 = arith.constant 0 : i32
        %scatter3A_815 = arith.constant 0 : i32
        %scatter3A_816 = arith.constant 0 : i32
        %scatter3A_817 = tpu.memref_slice %arg8[%scatter3A_812, %scatter3A_813, %scatter3A_814, %scatter3A_815, %scatter3A_816] : memref<2x4x4x8x128xf32, #tpu.memory_space<vmem>> -> memref<1x4x4x8x128xf32, #tpu.memory_space<vmem>>
        %scatter3A_818 = tpu.memref_squeeze %scatter3A_817 : memref<1x4x4x8x128xf32, #tpu.memory_space<vmem>> -> memref<4x4x8x128xf32, #tpu.memory_space<vmem>>
        tpu.vector_store_idx %scatter3A_818[%shift_right_arithmetic3A_808, %shift_right_arithmetic3A_193, %and3A_811, %and3A_195], %gather3A_805 : memref<4x4x8x128xf32, #tpu.memory_space<vmem>>[vector<16xi32>, vector<16xi32>, vector<16xi32>, vector<16xi32>], vector<16xf32>,
        %add3A_819 = arith.constant 25 : i32
        %add3A_820 = vector.broadcast %add3A_819 : i32 to vector<16xi32>
        %add3A_821 = arith.addi %iota3A, %add3A_820 : vector<16xi32>
        %and3A_822 = arith.constant 31 : i32
        %and3A_823 = vector.broadcast %and3A_822 : i32 to vector<16xi32>
        %and3A_824 = arith.andi %add3A_821, %and3A_823 : vector<16xi32>
        %gather3A_825 = arith.constant 0 : i32
        %gather3A_826 = arith.constant 0 : i32
        %gather3A_827 = arith.constant 0 : i32
        %gather3A_828 = tpu.memref_slice %arg7[%gather3A_825, %gather3A_826, %gather3A_827] : memref<2x512x32xf32, #tpu.memory_space<vmem>> -> memref<1x512x32xf32, #tpu.memory_space<vmem>>
        %gather3A_829 = tpu.memref_squeeze %gather3A_828 : memref<1x512x32xf32, #tpu.memory_space<vmem>> -> memref<512x32xf32, #tpu.memory_space<vmem>>
        %gather3A_830 = tpu.vector_load_idx %gather3A_829[%add3A_191, %and3A_824] : memref<512x32xf32, #tpu.memory_space<vmem>>[vector<16xi32>, vector<16xi32>], vector<16xf32>,
        %shift_right_arithmetic3A_831 = arith.constant 3 : i32
        %shift_right_arithmetic3A_832 = vector.broadcast %shift_right_arithmetic3A_831 : i32 to vector<16xi32>
        %shift_right_arithmetic3A_833 = arith.shrsi %and3A_824, %shift_right_arithmetic3A_832 : vector<16xi32>
        %and3A_834 = arith.constant 7 : i32
        %and3A_835 = vector.broadcast %and3A_834 : i32 to vector<16xi32>
        %and3A_836 = arith.andi %and3A_824, %and3A_835 : vector<16xi32>
        %scatter3A_837 = arith.constant 0 : i32
        %scatter3A_838 = arith.constant 0 : i32
        %scatter3A_839 = arith.constant 0 : i32
        %scatter3A_840 = arith.constant 0 : i32
        %scatter3A_841 = arith.constant 0 : i32
        %scatter3A_842 = tpu.memref_slice %arg8[%scatter3A_837, %scatter3A_838, %scatter3A_839, %scatter3A_840, %scatter3A_841] : memref<2x4x4x8x128xf32, #tpu.memory_space<vmem>> -> memref<1x4x4x8x128xf32, #tpu.memory_space<vmem>>
        %scatter3A_843 = tpu.memref_squeeze %scatter3A_842 : memref<1x4x4x8x128xf32, #tpu.memory_space<vmem>> -> memref<4x4x8x128xf32, #tpu.memory_space<vmem>>
        tpu.vector_store_idx %scatter3A_843[%shift_right_arithmetic3A_833, %shift_right_arithmetic3A_193, %and3A_836, %and3A_195], %gather3A_830 : memref<4x4x8x128xf32, #tpu.memory_space<vmem>>[vector<16xi32>, vector<16xi32>, vector<16xi32>, vector<16xi32>], vector<16xf32>,
        %add3A_844 = arith.constant 26 : i32
        %add3A_845 = vector.broadcast %add3A_844 : i32 to vector<16xi32>
        %add3A_846 = arith.addi %iota3A, %add3A_845 : vector<16xi32>
        %and3A_847 = arith.constant 31 : i32
        %and3A_848 = vector.broadcast %and3A_847 : i32 to vector<16xi32>
        %and3A_849 = arith.andi %add3A_846, %and3A_848 : vector<16xi32>
        %gather3A_850 = arith.constant 0 : i32
        %gather3A_851 = arith.constant 0 : i32
        %gather3A_852 = arith.constant 0 : i32
        %gather3A_853 = tpu.memref_slice %arg7[%gather3A_850, %gather3A_851, %gather3A_852] : memref<2x512x32xf32, #tpu.memory_space<vmem>> -> memref<1x512x32xf32, #tpu.memory_space<vmem>>
        %gather3A_854 = tpu.memref_squeeze %gather3A_853 : memref<1x512x32xf32, #tpu.memory_space<vmem>> -> memref<512x32xf32, #tpu.memory_space<vmem>>
        %gather3A_855 = tpu.vector_load_idx %gather3A_854[%add3A_191, %and3A_849] : memref<512x32xf32, #tpu.memory_space<vmem>>[vector<16xi32>, vector<16xi32>], vector<16xf32>,
        %shift_right_arithmetic3A_856 = arith.constant 3 : i32
        %shift_right_arithmetic3A_857 = vector.broadcast %shift_right_arithmetic3A_856 : i32 to vector<16xi32>
        %shift_right_arithmetic3A_858 = arith.shrsi %and3A_849, %shift_right_arithmetic3A_857 : vector<16xi32>
        %and3A_859 = arith.constant 7 : i32
        %and3A_860 = vector.broadcast %and3A_859 : i32 to vector<16xi32>
        %and3A_861 = arith.andi %and3A_849, %and3A_860 : vector<16xi32>
        %scatter3A_862 = arith.constant 0 : i32
        %scatter3A_863 = arith.constant 0 : i32
        %scatter3A_864 = arith.constant 0 : i32
        %scatter3A_865 = arith.constant 0 : i32
        %scatter3A_866 = arith.constant 0 : i32
        %scatter3A_867 = tpu.memref_slice %arg8[%scatter3A_862, %scatter3A_863, %scatter3A_864, %scatter3A_865, %scatter3A_866] : memref<2x4x4x8x128xf32, #tpu.memory_space<vmem>> -> memref<1x4x4x8x128xf32, #tpu.memory_space<vmem>>
        %scatter3A_868 = tpu.memref_squeeze %scatter3A_867 : memref<1x4x4x8x128xf32, #tpu.memory_space<vmem>> -> memref<4x4x8x128xf32, #tpu.memory_space<vmem>>
        tpu.vector_store_idx %scatter3A_868[%shift_right_arithmetic3A_858, %shift_right_arithmetic3A_193, %and3A_861, %and3A_195], %gather3A_855 : memref<4x4x8x128xf32, #tpu.memory_space<vmem>>[vector<16xi32>, vector<16xi32>, vector<16xi32>, vector<16xi32>], vector<16xf32>,
        %add3A_869 = arith.constant 27 : i32
        %add3A_870 = vector.broadcast %add3A_869 : i32 to vector<16xi32>
        %add3A_871 = arith.addi %iota3A, %add3A_870 : vector<16xi32>
        %and3A_872 = arith.constant 31 : i32
        %and3A_873 = vector.broadcast %and3A_872 : i32 to vector<16xi32>
        %and3A_874 = arith.andi %add3A_871, %and3A_873 : vector<16xi32>
        %gather3A_875 = arith.constant 0 : i32
        %gather3A_876 = arith.constant 0 : i32
        %gather3A_877 = arith.constant 0 : i32
        %gather3A_878 = tpu.memref_slice %arg7[%gather3A_875, %gather3A_876, %gather3A_877] : memref<2x512x32xf32, #tpu.memory_space<vmem>> -> memref<1x512x32xf32, #tpu.memory_space<vmem>>
        %gather3A_879 = tpu.memref_squeeze %gather3A_878 : memref<1x512x32xf32, #tpu.memory_space<vmem>> -> memref<512x32xf32, #tpu.memory_space<vmem>>
        %gather3A_880 = tpu.vector_load_idx %gather3A_879[%add3A_191, %and3A_874] : memref<512x32xf32, #tpu.memory_space<vmem>>[vector<16xi32>, vector<16xi32>], vector<16xf32>,
        %shift_right_arithmetic3A_881 = arith.constant 3 : i32
        %shift_right_arithmetic3A_882 = vector.broadcast %shift_right_arithmetic3A_881 : i32 to vector<16xi32>
        %shift_right_arithmetic3A_883 = arith.shrsi %and3A_874, %shift_right_arithmetic3A_882 : vector<16xi32>
        %and3A_884 = arith.constant 7 : i32
        %and3A_885 = vector.broadcast %and3A_884 : i32 to vector<16xi32>
        %and3A_886 = arith.andi %and3A_874, %and3A_885 : vector<16xi32>
        %scatter3A_887 = arith.constant 0 : i32
        %scatter3A_888 = arith.constant 0 : i32
        %scatter3A_889 = arith.constant 0 : i32
        %scatter3A_890 = arith.constant 0 : i32
        %scatter3A_891 = arith.constant 0 : i32
        %scatter3A_892 = tpu.memref_slice %arg8[%scatter3A_887, %scatter3A_888, %scatter3A_889, %scatter3A_890, %scatter3A_891] : memref<2x4x4x8x128xf32, #tpu.memory_space<vmem>> -> memref<1x4x4x8x128xf32, #tpu.memory_space<vmem>>
        %scatter3A_893 = tpu.memref_squeeze %scatter3A_892 : memref<1x4x4x8x128xf32, #tpu.memory_space<vmem>> -> memref<4x4x8x128xf32, #tpu.memory_space<vmem>>
        tpu.vector_store_idx %scatter3A_893[%shift_right_arithmetic3A_883, %shift_right_arithmetic3A_193, %and3A_886, %and3A_195], %gather3A_880 : memref<4x4x8x128xf32, #tpu.memory_space<vmem>>[vector<16xi32>, vector<16xi32>, vector<16xi32>, vector<16xi32>], vector<16xf32>,
        %add3A_894 = arith.constant 28 : i32
        %add3A_895 = vector.broadcast %add3A_894 : i32 to vector<16xi32>
        %add3A_896 = arith.addi %iota3A, %add3A_895 : vector<16xi32>
        %and3A_897 = arith.constant 31 : i32
        %and3A_898 = vector.broadcast %and3A_897 : i32 to vector<16xi32>
        %and3A_899 = arith.andi %add3A_896, %and3A_898 : vector<16xi32>
        %gather3A_900 = arith.constant 0 : i32
        %gather3A_901 = arith.constant 0 : i32
        %gather3A_902 = arith.constant 0 : i32
        %gather3A_903 = tpu.memref_slice %arg7[%gather3A_900, %gather3A_901, %gather3A_902] : memref<2x512x32xf32, #tpu.memory_space<vmem>> -> memref<1x512x32xf32, #tpu.memory_space<vmem>>
        %gather3A_904 = tpu.memref_squeeze %gather3A_903 : memref<1x512x32xf32, #tpu.memory_space<vmem>> -> memref<512x32xf32, #tpu.memory_space<vmem>>
        %gather3A_905 = tpu.vector_load_idx %gather3A_904[%add3A_191, %and3A_899] : memref<512x32xf32, #tpu.memory_space<vmem>>[vector<16xi32>, vector<16xi32>], vector<16xf32>,
        %shift_right_arithmetic3A_906 = arith.constant 3 : i32
        %shift_right_arithmetic3A_907 = vector.broadcast %shift_right_arithmetic3A_906 : i32 to vector<16xi32>
        %shift_right_arithmetic3A_908 = arith.shrsi %and3A_899, %shift_right_arithmetic3A_907 : vector<16xi32>
        %and3A_909 = arith.constant 7 : i32
        %and3A_910 = vector.broadcast %and3A_909 : i32 to vector<16xi32>
        %and3A_911 = arith.andi %and3A_899, %and3A_910 : vector<16xi32>
        %scatter3A_912 = arith.constant 0 : i32
        %scatter3A_913 = arith.constant 0 : i32
        %scatter3A_914 = arith.constant 0 : i32
        %scatter3A_915 = arith.constant 0 : i32
        %scatter3A_916 = arith.constant 0 : i32
        %scatter3A_917 = tpu.memref_slice %arg8[%scatter3A_912, %scatter3A_913, %scatter3A_914, %scatter3A_915, %scatter3A_916] : memref<2x4x4x8x128xf32, #tpu.memory_space<vmem>> -> memref<1x4x4x8x128xf32, #tpu.memory_space<vmem>>
        %scatter3A_918 = tpu.memref_squeeze %scatter3A_917 : memref<1x4x4x8x128xf32, #tpu.memory_space<vmem>> -> memref<4x4x8x128xf32, #tpu.memory_space<vmem>>
        tpu.vector_store_idx %scatter3A_918[%shift_right_arithmetic3A_908, %shift_right_arithmetic3A_193, %and3A_911, %and3A_195], %gather3A_905 : memref<4x4x8x128xf32, #tpu.memory_space<vmem>>[vector<16xi32>, vector<16xi32>, vector<16xi32>, vector<16xi32>], vector<16xf32>,
        %add3A_919 = arith.constant 29 : i32
        %add3A_920 = vector.broadcast %add3A_919 : i32 to vector<16xi32>
        %add3A_921 = arith.addi %iota3A, %add3A_920 : vector<16xi32>
        %and3A_922 = arith.constant 31 : i32
        %and3A_923 = vector.broadcast %and3A_922 : i32 to vector<16xi32>
        %and3A_924 = arith.andi %add3A_921, %and3A_923 : vector<16xi32>
        %gather3A_925 = arith.constant 0 : i32
        %gather3A_926 = arith.constant 0 : i32
        %gather3A_927 = arith.constant 0 : i32
        %gather3A_928 = tpu.memref_slice %arg7[%gather3A_925, %gather3A_926, %gather3A_927] : memref<2x512x32xf32, #tpu.memory_space<vmem>> -> memref<1x512x32xf32, #tpu.memory_space<vmem>>
        %gather3A_929 = tpu.memref_squeeze %gather3A_928 : memref<1x512x32xf32, #tpu.memory_space<vmem>> -> memref<512x32xf32, #tpu.memory_space<vmem>>
        %gather3A_930 = tpu.vector_load_idx %gather3A_929[%add3A_191, %and3A_924] : memref<512x32xf32, #tpu.memory_space<vmem>>[vector<16xi32>, vector<16xi32>], vector<16xf32>,
        %shift_right_arithmetic3A_931 = arith.constant 3 : i32
        %shift_right_arithmetic3A_932 = vector.broadcast %shift_right_arithmetic3A_931 : i32 to vector<16xi32>
        %shift_right_arithmetic3A_933 = arith.shrsi %and3A_924, %shift_right_arithmetic3A_932 : vector<16xi32>
        %and3A_934 = arith.constant 7 : i32
        %and3A_935 = vector.broadcast %and3A_934 : i32 to vector<16xi32>
        %and3A_936 = arith.andi %and3A_924, %and3A_935 : vector<16xi32>
        %scatter3A_937 = arith.constant 0 : i32
        %scatter3A_938 = arith.constant 0 : i32
        %scatter3A_939 = arith.constant 0 : i32
        %scatter3A_940 = arith.constant 0 : i32
        %scatter3A_941 = arith.constant 0 : i32
        %scatter3A_942 = tpu.memref_slice %arg8[%scatter3A_937, %scatter3A_938, %scatter3A_939, %scatter3A_940, %scatter3A_941] : memref<2x4x4x8x128xf32, #tpu.memory_space<vmem>> -> memref<1x4x4x8x128xf32, #tpu.memory_space<vmem>>
        %scatter3A_943 = tpu.memref_squeeze %scatter3A_942 : memref<1x4x4x8x128xf32, #tpu.memory_space<vmem>> -> memref<4x4x8x128xf32, #tpu.memory_space<vmem>>
        tpu.vector_store_idx %scatter3A_943[%shift_right_arithmetic3A_933, %shift_right_arithmetic3A_193, %and3A_936, %and3A_195], %gather3A_930 : memref<4x4x8x128xf32, #tpu.memory_space<vmem>>[vector<16xi32>, vector<16xi32>, vector<16xi32>, vector<16xi32>], vector<16xf32>,
        %add3A_944 = arith.constant 30 : i32
        %add3A_945 = vector.broadcast %add3A_944 : i32 to vector<16xi32>
        %add3A_946 = arith.addi %iota3A, %add3A_945 : vector<16xi32>
        %and3A_947 = arith.constant 31 : i32
        %and3A_948 = vector.broadcast %and3A_947 : i32 to vector<16xi32>
        %and3A_949 = arith.andi %add3A_946, %and3A_948 : vector<16xi32>
        %gather3A_950 = arith.constant 0 : i32
        %gather3A_951 = arith.constant 0 : i32
        %gather3A_952 = arith.constant 0 : i32
        %gather3A_953 = tpu.memref_slice %arg7[%gather3A_950, %gather3A_951, %gather3A_952] : memref<2x512x32xf32, #tpu.memory_space<vmem>> -> memref<1x512x32xf32, #tpu.memory_space<vmem>>
        %gather3A_954 = tpu.memref_squeeze %gather3A_953 : memref<1x512x32xf32, #tpu.memory_space<vmem>> -> memref<512x32xf32, #tpu.memory_space<vmem>>
        %gather3A_955 = tpu.vector_load_idx %gather3A_954[%add3A_191, %and3A_949] : memref<512x32xf32, #tpu.memory_space<vmem>>[vector<16xi32>, vector<16xi32>], vector<16xf32>,
        %shift_right_arithmetic3A_956 = arith.constant 3 : i32
        %shift_right_arithmetic3A_957 = vector.broadcast %shift_right_arithmetic3A_956 : i32 to vector<16xi32>
        %shift_right_arithmetic3A_958 = arith.shrsi %and3A_949, %shift_right_arithmetic3A_957 : vector<16xi32>
        %and3A_959 = arith.constant 7 : i32
        %and3A_960 = vector.broadcast %and3A_959 : i32 to vector<16xi32>
        %and3A_961 = arith.andi %and3A_949, %and3A_960 : vector<16xi32>
        %scatter3A_962 = arith.constant 0 : i32
        %scatter3A_963 = arith.constant 0 : i32
        %scatter3A_964 = arith.constant 0 : i32
        %scatter3A_965 = arith.constant 0 : i32
        %scatter3A_966 = arith.constant 0 : i32
        %scatter3A_967 = tpu.memref_slice %arg8[%scatter3A_962, %scatter3A_963, %scatter3A_964, %scatter3A_965, %scatter3A_966] : memref<2x4x4x8x128xf32, #tpu.memory_space<vmem>> -> memref<1x4x4x8x128xf32, #tpu.memory_space<vmem>>
        %scatter3A_968 = tpu.memref_squeeze %scatter3A_967 : memref<1x4x4x8x128xf32, #tpu.memory_space<vmem>> -> memref<4x4x8x128xf32, #tpu.memory_space<vmem>>
        tpu.vector_store_idx %scatter3A_968[%shift_right_arithmetic3A_958, %shift_right_arithmetic3A_193, %and3A_961, %and3A_195], %gather3A_955 : memref<4x4x8x128xf32, #tpu.memory_space<vmem>>[vector<16xi32>, vector<16xi32>, vector<16xi32>, vector<16xi32>], vector<16xf32>,
        %add3A_969 = arith.constant 31 : i32
        %add3A_970 = vector.broadcast %add3A_969 : i32 to vector<16xi32>
        %add3A_971 = arith.addi %iota3A, %add3A_970 : vector<16xi32>
        %and3A_972 = arith.constant 31 : i32
        %and3A_973 = vector.broadcast %and3A_972 : i32 to vector<16xi32>
        %and3A_974 = arith.andi %add3A_971, %and3A_973 : vector<16xi32>
        %gather3A_975 = arith.constant 0 : i32
        %gather3A_976 = arith.constant 0 : i32
        %gather3A_977 = arith.constant 0 : i32
        %gather3A_978 = tpu.memref_slice %arg7[%gather3A_975, %gather3A_976, %gather3A_977] : memref<2x512x32xf32, #tpu.memory_space<vmem>> -> memref<1x512x32xf32, #tpu.memory_space<vmem>>
        %gather3A_979 = tpu.memref_squeeze %gather3A_978 : memref<1x512x32xf32, #tpu.memory_space<vmem>> -> memref<512x32xf32, #tpu.memory_space<vmem>>
        %gather3A_980 = tpu.vector_load_idx %gather3A_979[%add3A_191, %and3A_974] : memref<512x32xf32, #tpu.memory_space<vmem>>[vector<16xi32>, vector<16xi32>], vector<16xf32>,
        %shift_right_arithmetic3A_981 = arith.constant 3 : i32
        %shift_right_arithmetic3A_982 = vector.broadcast %shift_right_arithmetic3A_981 : i32 to vector<16xi32>
        %shift_right_arithmetic3A_983 = arith.shrsi %and3A_974, %shift_right_arithmetic3A_982 : vector<16xi32>
        %and3A_984 = arith.constant 7 : i32
        %and3A_985 = vector.broadcast %and3A_984 : i32 to vector<16xi32>
        %and3A_986 = arith.andi %and3A_974, %and3A_985 : vector<16xi32>
        %scatter3A_987 = arith.constant 0 : i32
        %scatter3A_988 = arith.constant 0 : i32
        %scatter3A_989 = arith.constant 0 : i32
        %scatter3A_990 = arith.constant 0 : i32
        %scatter3A_991 = arith.constant 0 : i32
        %scatter3A_992 = tpu.memref_slice %arg8[%scatter3A_987, %scatter3A_988, %scatter3A_989, %scatter3A_990, %scatter3A_991] : memref<2x4x4x8x128xf32, #tpu.memory_space<vmem>> -> memref<1x4x4x8x128xf32, #tpu.memory_space<vmem>>
        %scatter3A_993 = tpu.memref_squeeze %scatter3A_992 : memref<1x4x4x8x128xf32, #tpu.memory_space<vmem>> -> memref<4x4x8x128xf32, #tpu.memory_space<vmem>>
        tpu.vector_store_idx %scatter3A_993[%shift_right_arithmetic3A_983, %shift_right_arithmetic3A_193, %and3A_986, %and3A_195], %gather3A_980 : memref<4x4x8x128xf32, #tpu.memory_space<vmem>>[vector<16xi32>, vector<16xi32>, vector<16xi32>, vector<16xi32>], vector<16xf32>,
      }
      %scan3A_115 = arith.constant 32 : i32
      %dma_start3A_116 = arith.constant 0 : i32
      %dma_start3A_117 = arith.constant 0 : i32
      %dma_start3A_118 = arith.constant 0 : i32
      %dma_start3A_119 = arith.constant 0 : i32
      %dma_start3A_120 = arith.constant 0 : i32
      %dma_start3A_121 = tpu.memref_slice %arg8[%dma_start3A_116, %dma_start3A_117, %dma_start3A_118, %dma_start3A_119, %dma_start3A_120] : memref<2x4x4x8x128xf32, #tpu.memory_space<vmem>> -> memref<1x4x4x8x128xf32, #tpu.memory_space<vmem>>
      %dma_start3A_122 = tpu.memref_squeeze %dma_start3A_121 : memref<1x4x4x8x128xf32, #tpu.memory_space<vmem>> -> memref<4x4x8x128xf32, #tpu.memory_space<vmem>>
      %dma_start3A_123 = arith.constant 0 : i32
      %dma_start3A_124 = arith.constant 0 : i32
      %dma_start3A_125 = arith.constant 0 : i32
      %dma_start3A_126 = tpu.memref_slice %arg4[%mul3A_78, %dma_start3A_123, %mul3A_8, %dma_start3A_124, %dma_start3A_125] : memref<50x4x128x8x128xf32, #tpu.memory_space<hbm>> -> memref<1x4x4x8x128xf32, #tpu.memory_space<hbm>>
      %dma_start3A_127 = tpu.memref_squeeze %dma_start3A_126 : memref<1x4x4x8x128xf32, #tpu.memory_space<hbm>> -> memref<4x4x8x128xf32, #tpu.memory_space<hbm>>
      %dma_start3A_128 = arith.constant 0 : i32
      %dma_start3A_129 = arith.constant 0 : i32
      %dma_start3A_130 = arith.constant 0 : i32
      %dma_start3A_131 = tpu.memref_slice %arg4[%mul3A_78, %dma_start3A_128, %mul3A_8, %dma_start3A_129, %dma_start3A_130] : memref<50x4x128x8x128xf32, #tpu.memory_space<hbm>> -> memref<1x4x4x8x128xf32, #tpu.memory_space<hbm>>
      %dma_start3A_132 = tpu.memref_squeeze %dma_start3A_131 : memref<1x4x4x8x128xf32, #tpu.memory_space<hbm>> -> memref<4x4x8x128xf32, #tpu.memory_space<hbm>>
      %dma_start3A_133 = arith.constant 0 : i32
      %dma_start3A_134 = arith.constant 0 : i32
      %dma_start3A_135 = arith.constant 0 : i32
      %dma_start3A_136 = arith.constant 0 : i32
      %dma_start3A_137 = tpu.memref_slice %arg8[%dma_start3A_116, %dma_start3A_133, %dma_start3A_134, %dma_start3A_135, %dma_start3A_136] : memref<2x4x4x8x128xf32, #tpu.memory_space<vmem>> -> memref<1x4x4x8x128xf32, #tpu.memory_space<vmem>>
      %dma_start3A_138 = tpu.memref_squeeze %dma_start3A_137 : memref<1x4x4x8x128xf32, #tpu.memory_space<vmem>> -> memref<4x4x8x128xf32, #tpu.memory_space<vmem>>
      tpu.enqueue_dma source(%dma_start3A_138 : memref<4x4x8x128xf32, #tpu.memory_space<vmem>>) target(%dma_start3A_132 : memref<4x4x8x128xf32, #tpu.memory_space<hbm>>) target_semaphore(%arg11 : memref<!tpu.dma_semaphore, #tpu.memory_space<semaphore_mem>>)
      %lt3A = arith.constant 24 : i32
      %lt3A_139 = arith.cmpi slt, %add3A_76, %lt3A : i32
      %convert_element_type3A_140 = arith.extui %lt3A_139 : i1 to i32
      %cond3A_141 = arith.constant 0 : i32
      %cond3A_142 = arith.cmpi ne, %convert_element_type3A_140, %cond3A_141 : i32
      scf.if %cond3A_142 {
        %add3A_183 = arith.constant 2 : i32
        %add3A_184 = arith.addi %mul3A_78, %add3A_183 : i32
        %dma_start3A_185 = arith.constant 0 : i32
        %dma_start3A_186 = arith.constant 0 : i32
        %dma_start3A_187 = arith.constant 0 : i32
        %dma_start3A_188 = tpu.memref_slice %arg7[%dma_start3A_185, %dma_start3A_186, %dma_start3A_187] : memref<2x512x32xf32, #tpu.memory_space<vmem>> -> memref<1x512x32xf32, #tpu.memory_space<vmem>>
        %dma_start3A_189 = tpu.memref_squeeze %dma_start3A_188 : memref<1x512x32xf32, #tpu.memory_space<vmem>> -> memref<512x32xf32, #tpu.memory_space<vmem>>
        %dma_start3A_190 = arith.constant 0 : i32
        %dma_start3A_191 = tpu.memref_slice %arg6[%add3A_184, %dma_start3A_190] : memref<50x512xi32, #tpu.memory_space<vmem>> -> memref<1x512xi32, #tpu.memory_space<vmem>>
        %dma_start3A_192 = tpu.memref_squeeze %dma_start3A_191 : memref<1x512xi32, #tpu.memory_space<vmem>> -> memref<512xi32, #tpu.memory_space<vmem>>
        %dma_start3A_193 = arith.constant 0 : i32
        %dma_start3A_194 = arith.constant 0 : i32
        %dma_start3A_195 = tpu.memref_slice %arg3[%dma_start3A_193, %dma_start3A_194] : memref<1000000x32xf32, #tpu.memory_space<hbm>> -> memref<1000000x32xf32, #tpu.memory_space<hbm>>
        tpu.enqueue_indirect_dma source(%dma_start3A_195 : memref<1000000x32xf32, #tpu.memory_space<hbm>>) target(%dma_start3A_189 : memref<512x32xf32, #tpu.memory_space<vmem>>) offsets(%dma_start3A_192 : memref<512xi32, #tpu.memory_space<vmem>>) semaphore(%arg9 : memref<!tpu.dma_semaphore, #tpu.memory_space<semaphore_mem>>)
      } else {
      }
      %dma_wait3A_143 = arith.constant 0 : i32
      %dma_wait3A_144 = arith.constant 1 : i32
      %dma_wait3A_145 = arith.constant 0 : i32
      %dma_wait3A_146 = arith.constant 0 : i32
      %dma_wait3A_147 = tpu.memref_slice %arg7[%dma_wait3A_144, %dma_wait3A_145, %dma_wait3A_146] : memref<2x512x32xf32, #tpu.memory_space<vmem>> -> memref<1x512x32xf32, #tpu.memory_space<vmem>>
      %dma_wait3A_148 = tpu.memref_squeeze %dma_wait3A_147 : memref<1x512x32xf32, #tpu.memory_space<vmem>> -> memref<512x32xf32, #tpu.memory_space<vmem>>
      %dma_wait3A_149 = arith.constant 0 : i32
      %dma_wait3A_150 = tpu.memref_slice %arg6[%dma_wait3A_143, %dma_wait3A_149] : memref<50x512xi32, #tpu.memory_space<vmem>> -> memref<1x512xi32, #tpu.memory_space<vmem>>
      %dma_wait3A_151 = tpu.memref_squeeze %dma_wait3A_150 : memref<1x512xi32, #tpu.memory_space<vmem>> -> memref<512xi32, #tpu.memory_space<vmem>>
      %dma_wait3A_152 = arith.constant 0 : i32
      %dma_wait3A_153 = arith.constant 0 : i32
      %dma_wait3A_154 = tpu.memref_slice %arg3[%dma_wait3A_152, %dma_wait3A_153] : memref<1000000x32xf32, #tpu.memory_space<hbm>> -> memref<1000000x32xf32, #tpu.memory_space<hbm>>
      tpu.wait_indirect_dma semaphore(%arg10 : memref<!tpu.dma_semaphore, #tpu.memory_space<semaphore_mem>>) src(%dma_wait3A_154 : memref<1000000x32xf32, #tpu.memory_space<hbm>>) dst(%dma_wait3A_148 : memref<512x32xf32, #tpu.memory_space<vmem>>)
      %scan3A_155 = arith.constant 0 : i32
      %scan3A_156 = arith.constant 32 : i32
      %scan3A_157 = arith.addi %scan3A_155, %scan3A_156 : i32
      %scan3A_158 = arith.constant 1 : i32
      scf.for %scan3A_183 = %scan3A_155 to %scan3A_157 step %scan3A_158  : i32 {
        %mul3A_184 = arith.constant 1 : i32
        %mul3A_185 = arith.muli %scan3A_183, %mul3A_184 : i32
        %add3A_186 = arith.constant 0 : i32
        %add3A_187 = arith.addi %add3A_186, %mul3A_185 : i32
        %mul3A_188 = arith.constant 16 : i32
        %mul3A_189 = arith.muli %add3A_187, %mul3A_188 : i32
        %add3A_190 = vector.broadcast %mul3A_189 : i32 to vector<16xi32>
        %add3A_191 = arith.addi %add3A_190, %iota3A : vector<16xi32>
        %shift_right_arithmetic3A = arith.constant 7 : i32
        %shift_right_arithmetic3A_192 = vector.broadcast %shift_right_arithmetic3A : i32 to vector<16xi32>
        %shift_right_arithmetic3A_193 = arith.shrsi %add3A_191, %shift_right_arithmetic3A_192 : vector<16xi32>
        %and3A = arith.constant 127 : i32
        %and3A_194 = vector.broadcast %and3A : i32 to vector<16xi32>
        %and3A_195 = arith.andi %add3A_191, %and3A_194 : vector<16xi32>
        %add3A_196 = arith.constant 0 : i32
        %add3A_197 = vector.broadcast %add3A_196 : i32 to vector<16xi32>
        %add3A_198 = arith.addi %iota3A, %add3A_197 : vector<16xi32>
        %and3A_199 = arith.constant 31 : i32
        %and3A_200 = vector.broadcast %and3A_199 : i32 to vector<16xi32>
        %and3A_201 = arith.andi %add3A_198, %and3A_200 : vector<16xi32>
        %gather3A = arith.constant 1 : i32
        %gather3A_202 = arith.constant 0 : i32
        %gather3A_203 = arith.constant 0 : i32
        %gather3A_204 = tpu.memref_slice %arg7[%gather3A, %gather3A_202, %gather3A_203] : memref<2x512x32xf32, #tpu.memory_space<vmem>> -> memref<1x512x32xf32, #tpu.memory_space<vmem>>
        %gather3A_205 = tpu.memref_squeeze %gather3A_204 : memref<1x512x32xf32, #tpu.memory_space<vmem>> -> memref<512x32xf32, #tpu.memory_space<vmem>>
        %gather3A_206 = tpu.vector_load_idx %gather3A_205[%add3A_191, %and3A_201] : memref<512x32xf32, #tpu.memory_space<vmem>>[vector<16xi32>, vector<16xi32>], vector<16xf32>,
        %shift_right_arithmetic3A_207 = arith.constant 3 : i32
        %shift_right_arithmetic3A_208 = vector.broadcast %shift_right_arithmetic3A_207 : i32 to vector<16xi32>
        %shift_right_arithmetic3A_209 = arith.shrsi %and3A_201, %shift_right_arithmetic3A_208 : vector<16xi32>
        %and3A_210 = arith.constant 7 : i32
        %and3A_211 = vector.broadcast %and3A_210 : i32 to vector<16xi32>
        %and3A_212 = arith.andi %and3A_201, %and3A_211 : vector<16xi32>
        %scatter3A = arith.constant 1 : i32
        %scatter3A_213 = arith.constant 0 : i32
        %scatter3A_214 = arith.constant 0 : i32
        %scatter3A_215 = arith.constant 0 : i32
        %scatter3A_216 = arith.constant 0 : i32
        %scatter3A_217 = tpu.memref_slice %arg8[%scatter3A, %scatter3A_213, %scatter3A_214, %scatter3A_215, %scatter3A_216] : memref<2x4x4x8x128xf32, #tpu.memory_space<vmem>> -> memref<1x4x4x8x128xf32, #tpu.memory_space<vmem>>
        %scatter3A_218 = tpu.memref_squeeze %scatter3A_217 : memref<1x4x4x8x128xf32, #tpu.memory_space<vmem>> -> memref<4x4x8x128xf32, #tpu.memory_space<vmem>>
        tpu.vector_store_idx %scatter3A_218[%shift_right_arithmetic3A_209, %shift_right_arithmetic3A_193, %and3A_212, %and3A_195], %gather3A_206 : memref<4x4x8x128xf32, #tpu.memory_space<vmem>>[vector<16xi32>, vector<16xi32>, vector<16xi32>, vector<16xi32>], vector<16xf32>,
        %add3A_219 = arith.constant 1 : i32
        %add3A_220 = vector.broadcast %add3A_219 : i32 to vector<16xi32>
        %add3A_221 = arith.addi %iota3A, %add3A_220 : vector<16xi32>
        %and3A_222 = arith.constant 31 : i32
        %and3A_223 = vector.broadcast %and3A_222 : i32 to vector<16xi32>
        %and3A_224 = arith.andi %add3A_221, %and3A_223 : vector<16xi32>
        %gather3A_225 = arith.constant 1 : i32
        %gather3A_226 = arith.constant 0 : i32
        %gather3A_227 = arith.constant 0 : i32
        %gather3A_228 = tpu.memref_slice %arg7[%gather3A_225, %gather3A_226, %gather3A_227] : memref<2x512x32xf32, #tpu.memory_space<vmem>> -> memref<1x512x32xf32, #tpu.memory_space<vmem>>
        %gather3A_229 = tpu.memref_squeeze %gather3A_228 : memref<1x512x32xf32, #tpu.memory_space<vmem>> -> memref<512x32xf32, #tpu.memory_space<vmem>>
        %gather3A_230 = tpu.vector_load_idx %gather3A_229[%add3A_191, %and3A_224] : memref<512x32xf32, #tpu.memory_space<vmem>>[vector<16xi32>, vector<16xi32>], vector<16xf32>,
        %shift_right_arithmetic3A_231 = arith.constant 3 : i32
        %shift_right_arithmetic3A_232 = vector.broadcast %shift_right_arithmetic3A_231 : i32 to vector<16xi32>
        %shift_right_arithmetic3A_233 = arith.shrsi %and3A_224, %shift_right_arithmetic3A_232 : vector<16xi32>
        %and3A_234 = arith.constant 7 : i32
        %and3A_235 = vector.broadcast %and3A_234 : i32 to vector<16xi32>
        %and3A_236 = arith.andi %and3A_224, %and3A_235 : vector<16xi32>
        %scatter3A_237 = arith.constant 1 : i32
        %scatter3A_238 = arith.constant 0 : i32
        %scatter3A_239 = arith.constant 0 : i32
        %scatter3A_240 = arith.constant 0 : i32
        %scatter3A_241 = arith.constant 0 : i32
        %scatter3A_242 = tpu.memref_slice %arg8[%scatter3A_237, %scatter3A_238, %scatter3A_239, %scatter3A_240, %scatter3A_241] : memref<2x4x4x8x128xf32, #tpu.memory_space<vmem>> -> memref<1x4x4x8x128xf32, #tpu.memory_space<vmem>>
        %scatter3A_243 = tpu.memref_squeeze %scatter3A_242 : memref<1x4x4x8x128xf32, #tpu.memory_space<vmem>> -> memref<4x4x8x128xf32, #tpu.memory_space<vmem>>
        tpu.vector_store_idx %scatter3A_243[%shift_right_arithmetic3A_233, %shift_right_arithmetic3A_193, %and3A_236, %and3A_195], %gather3A_230 : memref<4x4x8x128xf32, #tpu.memory_space<vmem>>[vector<16xi32>, vector<16xi32>, vector<16xi32>, vector<16xi32>], vector<16xf32>,
        %add3A_244 = arith.constant 2 : i32
        %add3A_245 = vector.broadcast %add3A_244 : i32 to vector<16xi32>
        %add3A_246 = arith.addi %iota3A, %add3A_245 : vector<16xi32>
        %and3A_247 = arith.constant 31 : i32
        %and3A_248 = vector.broadcast %and3A_247 : i32 to vector<16xi32>
        %and3A_249 = arith.andi %add3A_246, %and3A_248 : vector<16xi32>
        %gather3A_250 = arith.constant 1 : i32
        %gather3A_251 = arith.constant 0 : i32
        %gather3A_252 = arith.constant 0 : i32
        %gather3A_253 = tpu.memref_slice %arg7[%gather3A_250, %gather3A_251, %gather3A_252] : memref<2x512x32xf32, #tpu.memory_space<vmem>> -> memref<1x512x32xf32, #tpu.memory_space<vmem>>
        %gather3A_254 = tpu.memref_squeeze %gather3A_253 : memref<1x512x32xf32, #tpu.memory_space<vmem>> -> memref<512x32xf32, #tpu.memory_space<vmem>>
        %gather3A_255 = tpu.vector_load_idx %gather3A_254[%add3A_191, %and3A_249] : memref<512x32xf32, #tpu.memory_space<vmem>>[vector<16xi32>, vector<16xi32>], vector<16xf32>,
        %shift_right_arithmetic3A_256 = arith.constant 3 : i32
        %shift_right_arithmetic3A_257 = vector.broadcast %shift_right_arithmetic3A_256 : i32 to vector<16xi32>
        %shift_right_arithmetic3A_258 = arith.shrsi %and3A_249, %shift_right_arithmetic3A_257 : vector<16xi32>
        %and3A_259 = arith.constant 7 : i32
        %and3A_260 = vector.broadcast %and3A_259 : i32 to vector<16xi32>
        %and3A_261 = arith.andi %and3A_249, %and3A_260 : vector<16xi32>
        %scatter3A_262 = arith.constant 1 : i32
        %scatter3A_263 = arith.constant 0 : i32
        %scatter3A_264 = arith.constant 0 : i32
        %scatter3A_265 = arith.constant 0 : i32
        %scatter3A_266 = arith.constant 0 : i32
        %scatter3A_267 = tpu.memref_slice %arg8[%scatter3A_262, %scatter3A_263, %scatter3A_264, %scatter3A_265, %scatter3A_266] : memref<2x4x4x8x128xf32, #tpu.memory_space<vmem>> -> memref<1x4x4x8x128xf32, #tpu.memory_space<vmem>>
        %scatter3A_268 = tpu.memref_squeeze %scatter3A_267 : memref<1x4x4x8x128xf32, #tpu.memory_space<vmem>> -> memref<4x4x8x128xf32, #tpu.memory_space<vmem>>
        tpu.vector_store_idx %scatter3A_268[%shift_right_arithmetic3A_258, %shift_right_arithmetic3A_193, %and3A_261, %and3A_195], %gather3A_255 : memref<4x4x8x128xf32, #tpu.memory_space<vmem>>[vector<16xi32>, vector<16xi32>, vector<16xi32>, vector<16xi32>], vector<16xf32>,
        %add3A_269 = arith.constant 3 : i32
        %add3A_270 = vector.broadcast %add3A_269 : i32 to vector<16xi32>
        %add3A_271 = arith.addi %iota3A, %add3A_270 : vector<16xi32>
        %and3A_272 = arith.constant 31 : i32
        %and3A_273 = vector.broadcast %and3A_272 : i32 to vector<16xi32>
        %and3A_274 = arith.andi %add3A_271, %and3A_273 : vector<16xi32>
        %gather3A_275 = arith.constant 1 : i32
        %gather3A_276 = arith.constant 0 : i32
        %gather3A_277 = arith.constant 0 : i32
        %gather3A_278 = tpu.memref_slice %arg7[%gather3A_275, %gather3A_276, %gather3A_277] : memref<2x512x32xf32, #tpu.memory_space<vmem>> -> memref<1x512x32xf32, #tpu.memory_space<vmem>>
        %gather3A_279 = tpu.memref_squeeze %gather3A_278 : memref<1x512x32xf32, #tpu.memory_space<vmem>> -> memref<512x32xf32, #tpu.memory_space<vmem>>
        %gather3A_280 = tpu.vector_load_idx %gather3A_279[%add3A_191, %and3A_274] : memref<512x32xf32, #tpu.memory_space<vmem>>[vector<16xi32>, vector<16xi32>], vector<16xf32>,
        %shift_right_arithmetic3A_281 = arith.constant 3 : i32
        %shift_right_arithmetic3A_282 = vector.broadcast %shift_right_arithmetic3A_281 : i32 to vector<16xi32>
        %shift_right_arithmetic3A_283 = arith.shrsi %and3A_274, %shift_right_arithmetic3A_282 : vector<16xi32>
        %and3A_284 = arith.constant 7 : i32
        %and3A_285 = vector.broadcast %and3A_284 : i32 to vector<16xi32>
        %and3A_286 = arith.andi %and3A_274, %and3A_285 : vector<16xi32>
        %scatter3A_287 = arith.constant 1 : i32
        %scatter3A_288 = arith.constant 0 : i32
        %scatter3A_289 = arith.constant 0 : i32
        %scatter3A_290 = arith.constant 0 : i32
        %scatter3A_291 = arith.constant 0 : i32
        %scatter3A_292 = tpu.memref_slice %arg8[%scatter3A_287, %scatter3A_288, %scatter3A_289, %scatter3A_290, %scatter3A_291] : memref<2x4x4x8x128xf32, #tpu.memory_space<vmem>> -> memref<1x4x4x8x128xf32, #tpu.memory_space<vmem>>
        %scatter3A_293 = tpu.memref_squeeze %scatter3A_292 : memref<1x4x4x8x128xf32, #tpu.memory_space<vmem>> -> memref<4x4x8x128xf32, #tpu.memory_space<vmem>>
        tpu.vector_store_idx %scatter3A_293[%shift_right_arithmetic3A_283, %shift_right_arithmetic3A_193, %and3A_286, %and3A_195], %gather3A_280 : memref<4x4x8x128xf32, #tpu.memory_space<vmem>>[vector<16xi32>, vector<16xi32>, vector<16xi32>, vector<16xi32>], vector<16xf32>,
        %add3A_294 = arith.constant 4 : i32
        %add3A_295 = vector.broadcast %add3A_294 : i32 to vector<16xi32>
        %add3A_296 = arith.addi %iota3A, %add3A_295 : vector<16xi32>
        %and3A_297 = arith.constant 31 : i32
        %and3A_298 = vector.broadcast %and3A_297 : i32 to vector<16xi32>
        %and3A_299 = arith.andi %add3A_296, %and3A_298 : vector<16xi32>
        %gather3A_300 = arith.constant 1 : i32
        %gather3A_301 = arith.constant 0 : i32
        %gather3A_302 = arith.constant 0 : i32
        %gather3A_303 = tpu.memref_slice %arg7[%gather3A_300, %gather3A_301, %gather3A_302] : memref<2x512x32xf32, #tpu.memory_space<vmem>> -> memref<1x512x32xf32, #tpu.memory_space<vmem>>
        %gather3A_304 = tpu.memref_squeeze %gather3A_303 : memref<1x512x32xf32, #tpu.memory_space<vmem>> -> memref<512x32xf32, #tpu.memory_space<vmem>>
        %gather3A_305 = tpu.vector_load_idx %gather3A_304[%add3A_191, %and3A_299] : memref<512x32xf32, #tpu.memory_space<vmem>>[vector<16xi32>, vector<16xi32>], vector<16xf32>,
        %shift_right_arithmetic3A_306 = arith.constant 3 : i32
        %shift_right_arithmetic3A_307 = vector.broadcast %shift_right_arithmetic3A_306 : i32 to vector<16xi32>
        %shift_right_arithmetic3A_308 = arith.shrsi %and3A_299, %shift_right_arithmetic3A_307 : vector<16xi32>
        %and3A_309 = arith.constant 7 : i32
        %and3A_310 = vector.broadcast %and3A_309 : i32 to vector<16xi32>
        %and3A_311 = arith.andi %and3A_299, %and3A_310 : vector<16xi32>
        %scatter3A_312 = arith.constant 1 : i32
        %scatter3A_313 = arith.constant 0 : i32
        %scatter3A_314 = arith.constant 0 : i32
        %scatter3A_315 = arith.constant 0 : i32
        %scatter3A_316 = arith.constant 0 : i32
        %scatter3A_317 = tpu.memref_slice %arg8[%scatter3A_312, %scatter3A_313, %scatter3A_314, %scatter3A_315, %scatter3A_316] : memref<2x4x4x8x128xf32, #tpu.memory_space<vmem>> -> memref<1x4x4x8x128xf32, #tpu.memory_space<vmem>>
        %scatter3A_318 = tpu.memref_squeeze %scatter3A_317 : memref<1x4x4x8x128xf32, #tpu.memory_space<vmem>> -> memref<4x4x8x128xf32, #tpu.memory_space<vmem>>
        tpu.vector_store_idx %scatter3A_318[%shift_right_arithmetic3A_308, %shift_right_arithmetic3A_193, %and3A_311, %and3A_195], %gather3A_305 : memref<4x4x8x128xf32, #tpu.memory_space<vmem>>[vector<16xi32>, vector<16xi32>, vector<16xi32>, vector<16xi32>], vector<16xf32>,
        %add3A_319 = arith.constant 5 : i32
        %add3A_320 = vector.broadcast %add3A_319 : i32 to vector<16xi32>
        %add3A_321 = arith.addi %iota3A, %add3A_320 : vector<16xi32>
        %and3A_322 = arith.constant 31 : i32
        %and3A_323 = vector.broadcast %and3A_322 : i32 to vector<16xi32>
        %and3A_324 = arith.andi %add3A_321, %and3A_323 : vector<16xi32>
        %gather3A_325 = arith.constant 1 : i32
        %gather3A_326 = arith.constant 0 : i32
        %gather3A_327 = arith.constant 0 : i32
        %gather3A_328 = tpu.memref_slice %arg7[%gather3A_325, %gather3A_326, %gather3A_327] : memref<2x512x32xf32, #tpu.memory_space<vmem>> -> memref<1x512x32xf32, #tpu.memory_space<vmem>>
        %gather3A_329 = tpu.memref_squeeze %gather3A_328 : memref<1x512x32xf32, #tpu.memory_space<vmem>> -> memref<512x32xf32, #tpu.memory_space<vmem>>
        %gather3A_330 = tpu.vector_load_idx %gather3A_329[%add3A_191, %and3A_324] : memref<512x32xf32, #tpu.memory_space<vmem>>[vector<16xi32>, vector<16xi32>], vector<16xf32>,
        %shift_right_arithmetic3A_331 = arith.constant 3 : i32
        %shift_right_arithmetic3A_332 = vector.broadcast %shift_right_arithmetic3A_331 : i32 to vector<16xi32>
        %shift_right_arithmetic3A_333 = arith.shrsi %and3A_324, %shift_right_arithmetic3A_332 : vector<16xi32>
        %and3A_334 = arith.constant 7 : i32
        %and3A_335 = vector.broadcast %and3A_334 : i32 to vector<16xi32>
        %and3A_336 = arith.andi %and3A_324, %and3A_335 : vector<16xi32>
        %scatter3A_337 = arith.constant 1 : i32
        %scatter3A_338 = arith.constant 0 : i32
        %scatter3A_339 = arith.constant 0 : i32
        %scatter3A_340 = arith.constant 0 : i32
        %scatter3A_341 = arith.constant 0 : i32
        %scatter3A_342 = tpu.memref_slice %arg8[%scatter3A_337, %scatter3A_338, %scatter3A_339, %scatter3A_340, %scatter3A_341] : memref<2x4x4x8x128xf32, #tpu.memory_space<vmem>> -> memref<1x4x4x8x128xf32, #tpu.memory_space<vmem>>
        %scatter3A_343 = tpu.memref_squeeze %scatter3A_342 : memref<1x4x4x8x128xf32, #tpu.memory_space<vmem>> -> memref<4x4x8x128xf32, #tpu.memory_space<vmem>>
        tpu.vector_store_idx %scatter3A_343[%shift_right_arithmetic3A_333, %shift_right_arithmetic3A_193, %and3A_336, %and3A_195], %gather3A_330 : memref<4x4x8x128xf32, #tpu.memory_space<vmem>>[vector<16xi32>, vector<16xi32>, vector<16xi32>, vector<16xi32>], vector<16xf32>,
        %add3A_344 = arith.constant 6 : i32
        %add3A_345 = vector.broadcast %add3A_344 : i32 to vector<16xi32>
        %add3A_346 = arith.addi %iota3A, %add3A_345 : vector<16xi32>
        %and3A_347 = arith.constant 31 : i32
        %and3A_348 = vector.broadcast %and3A_347 : i32 to vector<16xi32>
        %and3A_349 = arith.andi %add3A_346, %and3A_348 : vector<16xi32>
        %gather3A_350 = arith.constant 1 : i32
        %gather3A_351 = arith.constant 0 : i32
        %gather3A_352 = arith.constant 0 : i32
        %gather3A_353 = tpu.memref_slice %arg7[%gather3A_350, %gather3A_351, %gather3A_352] : memref<2x512x32xf32, #tpu.memory_space<vmem>> -> memref<1x512x32xf32, #tpu.memory_space<vmem>>
        %gather3A_354 = tpu.memref_squeeze %gather3A_353 : memref<1x512x32xf32, #tpu.memory_space<vmem>> -> memref<512x32xf32, #tpu.memory_space<vmem>>
        %gather3A_355 = tpu.vector_load_idx %gather3A_354[%add3A_191, %and3A_349] : memref<512x32xf32, #tpu.memory_space<vmem>>[vector<16xi32>, vector<16xi32>], vector<16xf32>,
        %shift_right_arithmetic3A_356 = arith.constant 3 : i32
        %shift_right_arithmetic3A_357 = vector.broadcast %shift_right_arithmetic3A_356 : i32 to vector<16xi32>
        %shift_right_arithmetic3A_358 = arith.shrsi %and3A_349, %shift_right_arithmetic3A_357 : vector<16xi32>
        %and3A_359 = arith.constant 7 : i32
        %and3A_360 = vector.broadcast %and3A_359 : i32 to vector<16xi32>
        %and3A_361 = arith.andi %and3A_349, %and3A_360 : vector<16xi32>
        %scatter3A_362 = arith.constant 1 : i32
        %scatter3A_363 = arith.constant 0 : i32
        %scatter3A_364 = arith.constant 0 : i32
        %scatter3A_365 = arith.constant 0 : i32
        %scatter3A_366 = arith.constant 0 : i32
        %scatter3A_367 = tpu.memref_slice %arg8[%scatter3A_362, %scatter3A_363, %scatter3A_364, %scatter3A_365, %scatter3A_366] : memref<2x4x4x8x128xf32, #tpu.memory_space<vmem>> -> memref<1x4x4x8x128xf32, #tpu.memory_space<vmem>>
        %scatter3A_368 = tpu.memref_squeeze %scatter3A_367 : memref<1x4x4x8x128xf32, #tpu.memory_space<vmem>> -> memref<4x4x8x128xf32, #tpu.memory_space<vmem>>
        tpu.vector_store_idx %scatter3A_368[%shift_right_arithmetic3A_358, %shift_right_arithmetic3A_193, %and3A_361, %and3A_195], %gather3A_355 : memref<4x4x8x128xf32, #tpu.memory_space<vmem>>[vector<16xi32>, vector<16xi32>, vector<16xi32>, vector<16xi32>], vector<16xf32>,
        %add3A_369 = arith.constant 7 : i32
        %add3A_370 = vector.broadcast %add3A_369 : i32 to vector<16xi32>
        %add3A_371 = arith.addi %iota3A, %add3A_370 : vector<16xi32>
        %and3A_372 = arith.constant 31 : i32
        %and3A_373 = vector.broadcast %and3A_372 : i32 to vector<16xi32>
        %and3A_374 = arith.andi %add3A_371, %and3A_373 : vector<16xi32>
        %gather3A_375 = arith.constant 1 : i32
        %gather3A_376 = arith.constant 0 : i32
        %gather3A_377 = arith.constant 0 : i32
        %gather3A_378 = tpu.memref_slice %arg7[%gather3A_375, %gather3A_376, %gather3A_377] : memref<2x512x32xf32, #tpu.memory_space<vmem>> -> memref<1x512x32xf32, #tpu.memory_space<vmem>>
        %gather3A_379 = tpu.memref_squeeze %gather3A_378 : memref<1x512x32xf32, #tpu.memory_space<vmem>> -> memref<512x32xf32, #tpu.memory_space<vmem>>
        %gather3A_380 = tpu.vector_load_idx %gather3A_379[%add3A_191, %and3A_374] : memref<512x32xf32, #tpu.memory_space<vmem>>[vector<16xi32>, vector<16xi32>], vector<16xf32>,
        %shift_right_arithmetic3A_381 = arith.constant 3 : i32
        %shift_right_arithmetic3A_382 = vector.broadcast %shift_right_arithmetic3A_381 : i32 to vector<16xi32>
        %shift_right_arithmetic3A_383 = arith.shrsi %and3A_374, %shift_right_arithmetic3A_382 : vector<16xi32>
        %and3A_384 = arith.constant 7 : i32
        %and3A_385 = vector.broadcast %and3A_384 : i32 to vector<16xi32>
        %and3A_386 = arith.andi %and3A_374, %and3A_385 : vector<16xi32>
        %scatter3A_387 = arith.constant 1 : i32
        %scatter3A_388 = arith.constant 0 : i32
        %scatter3A_389 = arith.constant 0 : i32
        %scatter3A_390 = arith.constant 0 : i32
        %scatter3A_391 = arith.constant 0 : i32
        %scatter3A_392 = tpu.memref_slice %arg8[%scatter3A_387, %scatter3A_388, %scatter3A_389, %scatter3A_390, %scatter3A_391] : memref<2x4x4x8x128xf32, #tpu.memory_space<vmem>> -> memref<1x4x4x8x128xf32, #tpu.memory_space<vmem>>
        %scatter3A_393 = tpu.memref_squeeze %scatter3A_392 : memref<1x4x4x8x128xf32, #tpu.memory_space<vmem>> -> memref<4x4x8x128xf32, #tpu.memory_space<vmem>>
        tpu.vector_store_idx %scatter3A_393[%shift_right_arithmetic3A_383, %shift_right_arithmetic3A_193, %and3A_386, %and3A_195], %gather3A_380 : memref<4x4x8x128xf32, #tpu.memory_space<vmem>>[vector<16xi32>, vector<16xi32>, vector<16xi32>, vector<16xi32>], vector<16xf32>,
        %add3A_394 = arith.constant 8 : i32
        %add3A_395 = vector.broadcast %add3A_394 : i32 to vector<16xi32>
        %add3A_396 = arith.addi %iota3A, %add3A_395 : vector<16xi32>
        %and3A_397 = arith.constant 31 : i32
        %and3A_398 = vector.broadcast %and3A_397 : i32 to vector<16xi32>
        %and3A_399 = arith.andi %add3A_396, %and3A_398 : vector<16xi32>
        %gather3A_400 = arith.constant 1 : i32
        %gather3A_401 = arith.constant 0 : i32
        %gather3A_402 = arith.constant 0 : i32
        %gather3A_403 = tpu.memref_slice %arg7[%gather3A_400, %gather3A_401, %gather3A_402] : memref<2x512x32xf32, #tpu.memory_space<vmem>> -> memref<1x512x32xf32, #tpu.memory_space<vmem>>
        %gather3A_404 = tpu.memref_squeeze %gather3A_403 : memref<1x512x32xf32, #tpu.memory_space<vmem>> -> memref<512x32xf32, #tpu.memory_space<vmem>>
        %gather3A_405 = tpu.vector_load_idx %gather3A_404[%add3A_191, %and3A_399] : memref<512x32xf32, #tpu.memory_space<vmem>>[vector<16xi32>, vector<16xi32>], vector<16xf32>,
        %shift_right_arithmetic3A_406 = arith.constant 3 : i32
        %shift_right_arithmetic3A_407 = vector.broadcast %shift_right_arithmetic3A_406 : i32 to vector<16xi32>
        %shift_right_arithmetic3A_408 = arith.shrsi %and3A_399, %shift_right_arithmetic3A_407 : vector<16xi32>
        %and3A_409 = arith.constant 7 : i32
        %and3A_410 = vector.broadcast %and3A_409 : i32 to vector<16xi32>
        %and3A_411 = arith.andi %and3A_399, %and3A_410 : vector<16xi32>
        %scatter3A_412 = arith.constant 1 : i32
        %scatter3A_413 = arith.constant 0 : i32
        %scatter3A_414 = arith.constant 0 : i32
        %scatter3A_415 = arith.constant 0 : i32
        %scatter3A_416 = arith.constant 0 : i32
        %scatter3A_417 = tpu.memref_slice %arg8[%scatter3A_412, %scatter3A_413, %scatter3A_414, %scatter3A_415, %scatter3A_416] : memref<2x4x4x8x128xf32, #tpu.memory_space<vmem>> -> memref<1x4x4x8x128xf32, #tpu.memory_space<vmem>>
        %scatter3A_418 = tpu.memref_squeeze %scatter3A_417 : memref<1x4x4x8x128xf32, #tpu.memory_space<vmem>> -> memref<4x4x8x128xf32, #tpu.memory_space<vmem>>
        tpu.vector_store_idx %scatter3A_418[%shift_right_arithmetic3A_408, %shift_right_arithmetic3A_193, %and3A_411, %and3A_195], %gather3A_405 : memref<4x4x8x128xf32, #tpu.memory_space<vmem>>[vector<16xi32>, vector<16xi32>, vector<16xi32>, vector<16xi32>], vector<16xf32>,
        %add3A_419 = arith.constant 9 : i32
        %add3A_420 = vector.broadcast %add3A_419 : i32 to vector<16xi32>
        %add3A_421 = arith.addi %iota3A, %add3A_420 : vector<16xi32>
        %and3A_422 = arith.constant 31 : i32
        %and3A_423 = vector.broadcast %and3A_422 : i32 to vector<16xi32>
        %and3A_424 = arith.andi %add3A_421, %and3A_423 : vector<16xi32>
        %gather3A_425 = arith.constant 1 : i32
        %gather3A_426 = arith.constant 0 : i32
        %gather3A_427 = arith.constant 0 : i32
        %gather3A_428 = tpu.memref_slice %arg7[%gather3A_425, %gather3A_426, %gather3A_427] : memref<2x512x32xf32, #tpu.memory_space<vmem>> -> memref<1x512x32xf32, #tpu.memory_space<vmem>>
        %gather3A_429 = tpu.memref_squeeze %gather3A_428 : memref<1x512x32xf32, #tpu.memory_space<vmem>> -> memref<512x32xf32, #tpu.memory_space<vmem>>
        %gather3A_430 = tpu.vector_load_idx %gather3A_429[%add3A_191, %and3A_424] : memref<512x32xf32, #tpu.memory_space<vmem>>[vector<16xi32>, vector<16xi32>], vector<16xf32>,
        %shift_right_arithmetic3A_431 = arith.constant 3 : i32
        %shift_right_arithmetic3A_432 = vector.broadcast %shift_right_arithmetic3A_431 : i32 to vector<16xi32>
        %shift_right_arithmetic3A_433 = arith.shrsi %and3A_424, %shift_right_arithmetic3A_432 : vector<16xi32>
        %and3A_434 = arith.constant 7 : i32
        %and3A_435 = vector.broadcast %and3A_434 : i32 to vector<16xi32>
        %and3A_436 = arith.andi %and3A_424, %and3A_435 : vector<16xi32>
        %scatter3A_437 = arith.constant 1 : i32
        %scatter3A_438 = arith.constant 0 : i32
        %scatter3A_439 = arith.constant 0 : i32
        %scatter3A_440 = arith.constant 0 : i32
        %scatter3A_441 = arith.constant 0 : i32
        %scatter3A_442 = tpu.memref_slice %arg8[%scatter3A_437, %scatter3A_438, %scatter3A_439, %scatter3A_440, %scatter3A_441] : memref<2x4x4x8x128xf32, #tpu.memory_space<vmem>> -> memref<1x4x4x8x128xf32, #tpu.memory_space<vmem>>
        %scatter3A_443 = tpu.memref_squeeze %scatter3A_442 : memref<1x4x4x8x128xf32, #tpu.memory_space<vmem>> -> memref<4x4x8x128xf32, #tpu.memory_space<vmem>>
        tpu.vector_store_idx %scatter3A_443[%shift_right_arithmetic3A_433, %shift_right_arithmetic3A_193, %and3A_436, %and3A_195], %gather3A_430 : memref<4x4x8x128xf32, #tpu.memory_space<vmem>>[vector<16xi32>, vector<16xi32>, vector<16xi32>, vector<16xi32>], vector<16xf32>,
        %add3A_444 = arith.constant 10 : i32
        %add3A_445 = vector.broadcast %add3A_444 : i32 to vector<16xi32>
        %add3A_446 = arith.addi %iota3A, %add3A_445 : vector<16xi32>
        %and3A_447 = arith.constant 31 : i32
        %and3A_448 = vector.broadcast %and3A_447 : i32 to vector<16xi32>
        %and3A_449 = arith.andi %add3A_446, %and3A_448 : vector<16xi32>
        %gather3A_450 = arith.constant 1 : i32
        %gather3A_451 = arith.constant 0 : i32
        %gather3A_452 = arith.constant 0 : i32
        %gather3A_453 = tpu.memref_slice %arg7[%gather3A_450, %gather3A_451, %gather3A_452] : memref<2x512x32xf32, #tpu.memory_space<vmem>> -> memref<1x512x32xf32, #tpu.memory_space<vmem>>
        %gather3A_454 = tpu.memref_squeeze %gather3A_453 : memref<1x512x32xf32, #tpu.memory_space<vmem>> -> memref<512x32xf32, #tpu.memory_space<vmem>>
        %gather3A_455 = tpu.vector_load_idx %gather3A_454[%add3A_191, %and3A_449] : memref<512x32xf32, #tpu.memory_space<vmem>>[vector<16xi32>, vector<16xi32>], vector<16xf32>,
        %shift_right_arithmetic3A_456 = arith.constant 3 : i32
        %shift_right_arithmetic3A_457 = vector.broadcast %shift_right_arithmetic3A_456 : i32 to vector<16xi32>
        %shift_right_arithmetic3A_458 = arith.shrsi %and3A_449, %shift_right_arithmetic3A_457 : vector<16xi32>
        %and3A_459 = arith.constant 7 : i32
        %and3A_460 = vector.broadcast %and3A_459 : i32 to vector<16xi32>
        %and3A_461 = arith.andi %and3A_449, %and3A_460 : vector<16xi32>
        %scatter3A_462 = arith.constant 1 : i32
        %scatter3A_463 = arith.constant 0 : i32
        %scatter3A_464 = arith.constant 0 : i32
        %scatter3A_465 = arith.constant 0 : i32
        %scatter3A_466 = arith.constant 0 : i32
        %scatter3A_467 = tpu.memref_slice %arg8[%scatter3A_462, %scatter3A_463, %scatter3A_464, %scatter3A_465, %scatter3A_466] : memref<2x4x4x8x128xf32, #tpu.memory_space<vmem>> -> memref<1x4x4x8x128xf32, #tpu.memory_space<vmem>>
        %scatter3A_468 = tpu.memref_squeeze %scatter3A_467 : memref<1x4x4x8x128xf32, #tpu.memory_space<vmem>> -> memref<4x4x8x128xf32, #tpu.memory_space<vmem>>
        tpu.vector_store_idx %scatter3A_468[%shift_right_arithmetic3A_458, %shift_right_arithmetic3A_193, %and3A_461, %and3A_195], %gather3A_455 : memref<4x4x8x128xf32, #tpu.memory_space<vmem>>[vector<16xi32>, vector<16xi32>, vector<16xi32>, vector<16xi32>], vector<16xf32>,
        %add3A_469 = arith.constant 11 : i32
        %add3A_470 = vector.broadcast %add3A_469 : i32 to vector<16xi32>
        %add3A_471 = arith.addi %iota3A, %add3A_470 : vector<16xi32>
        %and3A_472 = arith.constant 31 : i32
        %and3A_473 = vector.broadcast %and3A_472 : i32 to vector<16xi32>
        %and3A_474 = arith.andi %add3A_471, %and3A_473 : vector<16xi32>
        %gather3A_475 = arith.constant 1 : i32
        %gather3A_476 = arith.constant 0 : i32
        %gather3A_477 = arith.constant 0 : i32
        %gather3A_478 = tpu.memref_slice %arg7[%gather3A_475, %gather3A_476, %gather3A_477] : memref<2x512x32xf32, #tpu.memory_space<vmem>> -> memref<1x512x32xf32, #tpu.memory_space<vmem>>
        %gather3A_479 = tpu.memref_squeeze %gather3A_478 : memref<1x512x32xf32, #tpu.memory_space<vmem>> -> memref<512x32xf32, #tpu.memory_space<vmem>>
        %gather3A_480 = tpu.vector_load_idx %gather3A_479[%add3A_191, %and3A_474] : memref<512x32xf32, #tpu.memory_space<vmem>>[vector<16xi32>, vector<16xi32>], vector<16xf32>,
        %shift_right_arithmetic3A_481 = arith.constant 3 : i32
        %shift_right_arithmetic3A_482 = vector.broadcast %shift_right_arithmetic3A_481 : i32 to vector<16xi32>
        %shift_right_arithmetic3A_483 = arith.shrsi %and3A_474, %shift_right_arithmetic3A_482 : vector<16xi32>
        %and3A_484 = arith.constant 7 : i32
        %and3A_485 = vector.broadcast %and3A_484 : i32 to vector<16xi32>
        %and3A_486 = arith.andi %and3A_474, %and3A_485 : vector<16xi32>
        %scatter3A_487 = arith.constant 1 : i32
        %scatter3A_488 = arith.constant 0 : i32
        %scatter3A_489 = arith.constant 0 : i32
        %scatter3A_490 = arith.constant 0 : i32
        %scatter3A_491 = arith.constant 0 : i32
        %scatter3A_492 = tpu.memref_slice %arg8[%scatter3A_487, %scatter3A_488, %scatter3A_489, %scatter3A_490, %scatter3A_491] : memref<2x4x4x8x128xf32, #tpu.memory_space<vmem>> -> memref<1x4x4x8x128xf32, #tpu.memory_space<vmem>>
        %scatter3A_493 = tpu.memref_squeeze %scatter3A_492 : memref<1x4x4x8x128xf32, #tpu.memory_space<vmem>> -> memref<4x4x8x128xf32, #tpu.memory_space<vmem>>
        tpu.vector_store_idx %scatter3A_493[%shift_right_arithmetic3A_483, %shift_right_arithmetic3A_193, %and3A_486, %and3A_195], %gather3A_480 : memref<4x4x8x128xf32, #tpu.memory_space<vmem>>[vector<16xi32>, vector<16xi32>, vector<16xi32>, vector<16xi32>], vector<16xf32>,
        %add3A_494 = arith.constant 12 : i32
        %add3A_495 = vector.broadcast %add3A_494 : i32 to vector<16xi32>
        %add3A_496 = arith.addi %iota3A, %add3A_495 : vector<16xi32>
        %and3A_497 = arith.constant 31 : i32
        %and3A_498 = vector.broadcast %and3A_497 : i32 to vector<16xi32>
        %and3A_499 = arith.andi %add3A_496, %and3A_498 : vector<16xi32>
        %gather3A_500 = arith.constant 1 : i32
        %gather3A_501 = arith.constant 0 : i32
        %gather3A_502 = arith.constant 0 : i32
        %gather3A_503 = tpu.memref_slice %arg7[%gather3A_500, %gather3A_501, %gather3A_502] : memref<2x512x32xf32, #tpu.memory_space<vmem>> -> memref<1x512x32xf32, #tpu.memory_space<vmem>>
        %gather3A_504 = tpu.memref_squeeze %gather3A_503 : memref<1x512x32xf32, #tpu.memory_space<vmem>> -> memref<512x32xf32, #tpu.memory_space<vmem>>
        %gather3A_505 = tpu.vector_load_idx %gather3A_504[%add3A_191, %and3A_499] : memref<512x32xf32, #tpu.memory_space<vmem>>[vector<16xi32>, vector<16xi32>], vector<16xf32>,
        %shift_right_arithmetic3A_506 = arith.constant 3 : i32
        %shift_right_arithmetic3A_507 = vector.broadcast %shift_right_arithmetic3A_506 : i32 to vector<16xi32>
        %shift_right_arithmetic3A_508 = arith.shrsi %and3A_499, %shift_right_arithmetic3A_507 : vector<16xi32>
        %and3A_509 = arith.constant 7 : i32
        %and3A_510 = vector.broadcast %and3A_509 : i32 to vector<16xi32>
        %and3A_511 = arith.andi %and3A_499, %and3A_510 : vector<16xi32>
        %scatter3A_512 = arith.constant 1 : i32
        %scatter3A_513 = arith.constant 0 : i32
        %scatter3A_514 = arith.constant 0 : i32
        %scatter3A_515 = arith.constant 0 : i32
        %scatter3A_516 = arith.constant 0 : i32
        %scatter3A_517 = tpu.memref_slice %arg8[%scatter3A_512, %scatter3A_513, %scatter3A_514, %scatter3A_515, %scatter3A_516] : memref<2x4x4x8x128xf32, #tpu.memory_space<vmem>> -> memref<1x4x4x8x128xf32, #tpu.memory_space<vmem>>
        %scatter3A_518 = tpu.memref_squeeze %scatter3A_517 : memref<1x4x4x8x128xf32, #tpu.memory_space<vmem>> -> memref<4x4x8x128xf32, #tpu.memory_space<vmem>>
        tpu.vector_store_idx %scatter3A_518[%shift_right_arithmetic3A_508, %shift_right_arithmetic3A_193, %and3A_511, %and3A_195], %gather3A_505 : memref<4x4x8x128xf32, #tpu.memory_space<vmem>>[vector<16xi32>, vector<16xi32>, vector<16xi32>, vector<16xi32>], vector<16xf32>,
        %add3A_519 = arith.constant 13 : i32
        %add3A_520 = vector.broadcast %add3A_519 : i32 to vector<16xi32>
        %add3A_521 = arith.addi %iota3A, %add3A_520 : vector<16xi32>
        %and3A_522 = arith.constant 31 : i32
        %and3A_523 = vector.broadcast %and3A_522 : i32 to vector<16xi32>
        %and3A_524 = arith.andi %add3A_521, %and3A_523 : vector<16xi32>
        %gather3A_525 = arith.constant 1 : i32
        %gather3A_526 = arith.constant 0 : i32
        %gather3A_527 = arith.constant 0 : i32
        %gather3A_528 = tpu.memref_slice %arg7[%gather3A_525, %gather3A_526, %gather3A_527] : memref<2x512x32xf32, #tpu.memory_space<vmem>> -> memref<1x512x32xf32, #tpu.memory_space<vmem>>
        %gather3A_529 = tpu.memref_squeeze %gather3A_528 : memref<1x512x32xf32, #tpu.memory_space<vmem>> -> memref<512x32xf32, #tpu.memory_space<vmem>>
        %gather3A_530 = tpu.vector_load_idx %gather3A_529[%add3A_191, %and3A_524] : memref<512x32xf32, #tpu.memory_space<vmem>>[vector<16xi32>, vector<16xi32>], vector<16xf32>,
        %shift_right_arithmetic3A_531 = arith.constant 3 : i32
        %shift_right_arithmetic3A_532 = vector.broadcast %shift_right_arithmetic3A_531 : i32 to vector<16xi32>
        %shift_right_arithmetic3A_533 = arith.shrsi %and3A_524, %shift_right_arithmetic3A_532 : vector<16xi32>
        %and3A_534 = arith.constant 7 : i32
        %and3A_535 = vector.broadcast %and3A_534 : i32 to vector<16xi32>
        %and3A_536 = arith.andi %and3A_524, %and3A_535 : vector<16xi32>
        %scatter3A_537 = arith.constant 1 : i32
        %scatter3A_538 = arith.constant 0 : i32
        %scatter3A_539 = arith.constant 0 : i32
        %scatter3A_540 = arith.constant 0 : i32
        %scatter3A_541 = arith.constant 0 : i32
        %scatter3A_542 = tpu.memref_slice %arg8[%scatter3A_537, %scatter3A_538, %scatter3A_539, %scatter3A_540, %scatter3A_541] : memref<2x4x4x8x128xf32, #tpu.memory_space<vmem>> -> memref<1x4x4x8x128xf32, #tpu.memory_space<vmem>>
        %scatter3A_543 = tpu.memref_squeeze %scatter3A_542 : memref<1x4x4x8x128xf32, #tpu.memory_space<vmem>> -> memref<4x4x8x128xf32, #tpu.memory_space<vmem>>
        tpu.vector_store_idx %scatter3A_543[%shift_right_arithmetic3A_533, %shift_right_arithmetic3A_193, %and3A_536, %and3A_195], %gather3A_530 : memref<4x4x8x128xf32, #tpu.memory_space<vmem>>[vector<16xi32>, vector<16xi32>, vector<16xi32>, vector<16xi32>], vector<16xf32>,
        %add3A_544 = arith.constant 14 : i32
        %add3A_545 = vector.broadcast %add3A_544 : i32 to vector<16xi32>
        %add3A_546 = arith.addi %iota3A, %add3A_545 : vector<16xi32>
        %and3A_547 = arith.constant 31 : i32
        %and3A_548 = vector.broadcast %and3A_547 : i32 to vector<16xi32>
        %and3A_549 = arith.andi %add3A_546, %and3A_548 : vector<16xi32>
        %gather3A_550 = arith.constant 1 : i32
        %gather3A_551 = arith.constant 0 : i32
        %gather3A_552 = arith.constant 0 : i32
        %gather3A_553 = tpu.memref_slice %arg7[%gather3A_550, %gather3A_551, %gather3A_552] : memref<2x512x32xf32, #tpu.memory_space<vmem>> -> memref<1x512x32xf32, #tpu.memory_space<vmem>>
        %gather3A_554 = tpu.memref_squeeze %gather3A_553 : memref<1x512x32xf32, #tpu.memory_space<vmem>> -> memref<512x32xf32, #tpu.memory_space<vmem>>
        %gather3A_555 = tpu.vector_load_idx %gather3A_554[%add3A_191, %and3A_549] : memref<512x32xf32, #tpu.memory_space<vmem>>[vector<16xi32>, vector<16xi32>], vector<16xf32>,
        %shift_right_arithmetic3A_556 = arith.constant 3 : i32
        %shift_right_arithmetic3A_557 = vector.broadcast %shift_right_arithmetic3A_556 : i32 to vector<16xi32>
        %shift_right_arithmetic3A_558 = arith.shrsi %and3A_549, %shift_right_arithmetic3A_557 : vector<16xi32>
        %and3A_559 = arith.constant 7 : i32
        %and3A_560 = vector.broadcast %and3A_559 : i32 to vector<16xi32>
        %and3A_561 = arith.andi %and3A_549, %and3A_560 : vector<16xi32>
        %scatter3A_562 = arith.constant 1 : i32
        %scatter3A_563 = arith.constant 0 : i32
        %scatter3A_564 = arith.constant 0 : i32
        %scatter3A_565 = arith.constant 0 : i32
        %scatter3A_566 = arith.constant 0 : i32
        %scatter3A_567 = tpu.memref_slice %arg8[%scatter3A_562, %scatter3A_563, %scatter3A_564, %scatter3A_565, %scatter3A_566] : memref<2x4x4x8x128xf32, #tpu.memory_space<vmem>> -> memref<1x4x4x8x128xf32, #tpu.memory_space<vmem>>
        %scatter3A_568 = tpu.memref_squeeze %scatter3A_567 : memref<1x4x4x8x128xf32, #tpu.memory_space<vmem>> -> memref<4x4x8x128xf32, #tpu.memory_space<vmem>>
        tpu.vector_store_idx %scatter3A_568[%shift_right_arithmetic3A_558, %shift_right_arithmetic3A_193, %and3A_561, %and3A_195], %gather3A_555 : memref<4x4x8x128xf32, #tpu.memory_space<vmem>>[vector<16xi32>, vector<16xi32>, vector<16xi32>, vector<16xi32>], vector<16xf32>,
        %add3A_569 = arith.constant 15 : i32
        %add3A_570 = vector.broadcast %add3A_569 : i32 to vector<16xi32>
        %add3A_571 = arith.addi %iota3A, %add3A_570 : vector<16xi32>
        %and3A_572 = arith.constant 31 : i32
        %and3A_573 = vector.broadcast %and3A_572 : i32 to vector<16xi32>
        %and3A_574 = arith.andi %add3A_571, %and3A_573 : vector<16xi32>
        %gather3A_575 = arith.constant 1 : i32
        %gather3A_576 = arith.constant 0 : i32
        %gather3A_577 = arith.constant 0 : i32
        %gather3A_578 = tpu.memref_slice %arg7[%gather3A_575, %gather3A_576, %gather3A_577] : memref<2x512x32xf32, #tpu.memory_space<vmem>> -> memref<1x512x32xf32, #tpu.memory_space<vmem>>
        %gather3A_579 = tpu.memref_squeeze %gather3A_578 : memref<1x512x32xf32, #tpu.memory_space<vmem>> -> memref<512x32xf32, #tpu.memory_space<vmem>>
        %gather3A_580 = tpu.vector_load_idx %gather3A_579[%add3A_191, %and3A_574] : memref<512x32xf32, #tpu.memory_space<vmem>>[vector<16xi32>, vector<16xi32>], vector<16xf32>,
        %shift_right_arithmetic3A_581 = arith.constant 3 : i32
        %shift_right_arithmetic3A_582 = vector.broadcast %shift_right_arithmetic3A_581 : i32 to vector<16xi32>
        %shift_right_arithmetic3A_583 = arith.shrsi %and3A_574, %shift_right_arithmetic3A_582 : vector<16xi32>
        %and3A_584 = arith.constant 7 : i32
        %and3A_585 = vector.broadcast %and3A_584 : i32 to vector<16xi32>
        %and3A_586 = arith.andi %and3A_574, %and3A_585 : vector<16xi32>
        %scatter3A_587 = arith.constant 1 : i32
        %scatter3A_588 = arith.constant 0 : i32
        %scatter3A_589 = arith.constant 0 : i32
        %scatter3A_590 = arith.constant 0 : i32
        %scatter3A_591 = arith.constant 0 : i32
        %scatter3A_592 = tpu.memref_slice %arg8[%scatter3A_587, %scatter3A_588, %scatter3A_589, %scatter3A_590, %scatter3A_591] : memref<2x4x4x8x128xf32, #tpu.memory_space<vmem>> -> memref<1x4x4x8x128xf32, #tpu.memory_space<vmem>>
        %scatter3A_593 = tpu.memref_squeeze %scatter3A_592 : memref<1x4x4x8x128xf32, #tpu.memory_space<vmem>> -> memref<4x4x8x128xf32, #tpu.memory_space<vmem>>
        tpu.vector_store_idx %scatter3A_593[%shift_right_arithmetic3A_583, %shift_right_arithmetic3A_193, %and3A_586, %and3A_195], %gather3A_580 : memref<4x4x8x128xf32, #tpu.memory_space<vmem>>[vector<16xi32>, vector<16xi32>, vector<16xi32>, vector<16xi32>], vector<16xf32>,
        %add3A_594 = arith.constant 16 : i32
        %add3A_595 = vector.broadcast %add3A_594 : i32 to vector<16xi32>
        %add3A_596 = arith.addi %iota3A, %add3A_595 : vector<16xi32>
        %and3A_597 = arith.constant 31 : i32
        %and3A_598 = vector.broadcast %and3A_597 : i32 to vector<16xi32>
        %and3A_599 = arith.andi %add3A_596, %and3A_598 : vector<16xi32>
        %gather3A_600 = arith.constant 1 : i32
        %gather3A_601 = arith.constant 0 : i32
        %gather3A_602 = arith.constant 0 : i32
        %gather3A_603 = tpu.memref_slice %arg7[%gather3A_600, %gather3A_601, %gather3A_602] : memref<2x512x32xf32, #tpu.memory_space<vmem>> -> memref<1x512x32xf32, #tpu.memory_space<vmem>>
        %gather3A_604 = tpu.memref_squeeze %gather3A_603 : memref<1x512x32xf32, #tpu.memory_space<vmem>> -> memref<512x32xf32, #tpu.memory_space<vmem>>
        %gather3A_605 = tpu.vector_load_idx %gather3A_604[%add3A_191, %and3A_599] : memref<512x32xf32, #tpu.memory_space<vmem>>[vector<16xi32>, vector<16xi32>], vector<16xf32>,
        %shift_right_arithmetic3A_606 = arith.constant 3 : i32
        %shift_right_arithmetic3A_607 = vector.broadcast %shift_right_arithmetic3A_606 : i32 to vector<16xi32>
        %shift_right_arithmetic3A_608 = arith.shrsi %and3A_599, %shift_right_arithmetic3A_607 : vector<16xi32>
        %and3A_609 = arith.constant 7 : i32
        %and3A_610 = vector.broadcast %and3A_609 : i32 to vector<16xi32>
        %and3A_611 = arith.andi %and3A_599, %and3A_610 : vector<16xi32>
        %scatter3A_612 = arith.constant 1 : i32
        %scatter3A_613 = arith.constant 0 : i32
        %scatter3A_614 = arith.constant 0 : i32
        %scatter3A_615 = arith.constant 0 : i32
        %scatter3A_616 = arith.constant 0 : i32
        %scatter3A_617 = tpu.memref_slice %arg8[%scatter3A_612, %scatter3A_613, %scatter3A_614, %scatter3A_615, %scatter3A_616] : memref<2x4x4x8x128xf32, #tpu.memory_space<vmem>> -> memref<1x4x4x8x128xf32, #tpu.memory_space<vmem>>
        %scatter3A_618 = tpu.memref_squeeze %scatter3A_617 : memref<1x4x4x8x128xf32, #tpu.memory_space<vmem>> -> memref<4x4x8x128xf32, #tpu.memory_space<vmem>>
        tpu.vector_store_idx %scatter3A_618[%shift_right_arithmetic3A_608, %shift_right_arithmetic3A_193, %and3A_611, %and3A_195], %gather3A_605 : memref<4x4x8x128xf32, #tpu.memory_space<vmem>>[vector<16xi32>, vector<16xi32>, vector<16xi32>, vector<16xi32>], vector<16xf32>,
        %add3A_619 = arith.constant 17 : i32
        %add3A_620 = vector.broadcast %add3A_619 : i32 to vector<16xi32>
        %add3A_621 = arith.addi %iota3A, %add3A_620 : vector<16xi32>
        %and3A_622 = arith.constant 31 : i32
        %and3A_623 = vector.broadcast %and3A_622 : i32 to vector<16xi32>
        %and3A_624 = arith.andi %add3A_621, %and3A_623 : vector<16xi32>
        %gather3A_625 = arith.constant 1 : i32
        %gather3A_626 = arith.constant 0 : i32
        %gather3A_627 = arith.constant 0 : i32
        %gather3A_628 = tpu.memref_slice %arg7[%gather3A_625, %gather3A_626, %gather3A_627] : memref<2x512x32xf32, #tpu.memory_space<vmem>> -> memref<1x512x32xf32, #tpu.memory_space<vmem>>
        %gather3A_629 = tpu.memref_squeeze %gather3A_628 : memref<1x512x32xf32, #tpu.memory_space<vmem>> -> memref<512x32xf32, #tpu.memory_space<vmem>>
        %gather3A_630 = tpu.vector_load_idx %gather3A_629[%add3A_191, %and3A_624] : memref<512x32xf32, #tpu.memory_space<vmem>>[vector<16xi32>, vector<16xi32>], vector<16xf32>,
        %shift_right_arithmetic3A_631 = arith.constant 3 : i32
        %shift_right_arithmetic3A_632 = vector.broadcast %shift_right_arithmetic3A_631 : i32 to vector<16xi32>
        %shift_right_arithmetic3A_633 = arith.shrsi %and3A_624, %shift_right_arithmetic3A_632 : vector<16xi32>
        %and3A_634 = arith.constant 7 : i32
        %and3A_635 = vector.broadcast %and3A_634 : i32 to vector<16xi32>
        %and3A_636 = arith.andi %and3A_624, %and3A_635 : vector<16xi32>
        %scatter3A_637 = arith.constant 1 : i32
        %scatter3A_638 = arith.constant 0 : i32
        %scatter3A_639 = arith.constant 0 : i32
        %scatter3A_640 = arith.constant 0 : i32
        %scatter3A_641 = arith.constant 0 : i32
        %scatter3A_642 = tpu.memref_slice %arg8[%scatter3A_637, %scatter3A_638, %scatter3A_639, %scatter3A_640, %scatter3A_641] : memref<2x4x4x8x128xf32, #tpu.memory_space<vmem>> -> memref<1x4x4x8x128xf32, #tpu.memory_space<vmem>>
        %scatter3A_643 = tpu.memref_squeeze %scatter3A_642 : memref<1x4x4x8x128xf32, #tpu.memory_space<vmem>> -> memref<4x4x8x128xf32, #tpu.memory_space<vmem>>
        tpu.vector_store_idx %scatter3A_643[%shift_right_arithmetic3A_633, %shift_right_arithmetic3A_193, %and3A_636, %and3A_195], %gather3A_630 : memref<4x4x8x128xf32, #tpu.memory_space<vmem>>[vector<16xi32>, vector<16xi32>, vector<16xi32>, vector<16xi32>], vector<16xf32>,
        %add3A_644 = arith.constant 18 : i32
        %add3A_645 = vector.broadcast %add3A_644 : i32 to vector<16xi32>
        %add3A_646 = arith.addi %iota3A, %add3A_645 : vector<16xi32>
        %and3A_647 = arith.constant 31 : i32
        %and3A_648 = vector.broadcast %and3A_647 : i32 to vector<16xi32>
        %and3A_649 = arith.andi %add3A_646, %and3A_648 : vector<16xi32>
        %gather3A_650 = arith.constant 1 : i32
        %gather3A_651 = arith.constant 0 : i32
        %gather3A_652 = arith.constant 0 : i32
        %gather3A_653 = tpu.memref_slice %arg7[%gather3A_650, %gather3A_651, %gather3A_652] : memref<2x512x32xf32, #tpu.memory_space<vmem>> -> memref<1x512x32xf32, #tpu.memory_space<vmem>>
        %gather3A_654 = tpu.memref_squeeze %gather3A_653 : memref<1x512x32xf32, #tpu.memory_space<vmem>> -> memref<512x32xf32, #tpu.memory_space<vmem>>
        %gather3A_655 = tpu.vector_load_idx %gather3A_654[%add3A_191, %and3A_649] : memref<512x32xf32, #tpu.memory_space<vmem>>[vector<16xi32>, vector<16xi32>], vector<16xf32>,
        %shift_right_arithmetic3A_656 = arith.constant 3 : i32
        %shift_right_arithmetic3A_657 = vector.broadcast %shift_right_arithmetic3A_656 : i32 to vector<16xi32>
        %shift_right_arithmetic3A_658 = arith.shrsi %and3A_649, %shift_right_arithmetic3A_657 : vector<16xi32>
        %and3A_659 = arith.constant 7 : i32
        %and3A_660 = vector.broadcast %and3A_659 : i32 to vector<16xi32>
        %and3A_661 = arith.andi %and3A_649, %and3A_660 : vector<16xi32>
        %scatter3A_662 = arith.constant 1 : i32
        %scatter3A_663 = arith.constant 0 : i32
        %scatter3A_664 = arith.constant 0 : i32
        %scatter3A_665 = arith.constant 0 : i32
        %scatter3A_666 = arith.constant 0 : i32
        %scatter3A_667 = tpu.memref_slice %arg8[%scatter3A_662, %scatter3A_663, %scatter3A_664, %scatter3A_665, %scatter3A_666] : memref<2x4x4x8x128xf32, #tpu.memory_space<vmem>> -> memref<1x4x4x8x128xf32, #tpu.memory_space<vmem>>
        %scatter3A_668 = tpu.memref_squeeze %scatter3A_667 : memref<1x4x4x8x128xf32, #tpu.memory_space<vmem>> -> memref<4x4x8x128xf32, #tpu.memory_space<vmem>>
        tpu.vector_store_idx %scatter3A_668[%shift_right_arithmetic3A_658, %shift_right_arithmetic3A_193, %and3A_661, %and3A_195], %gather3A_655 : memref<4x4x8x128xf32, #tpu.memory_space<vmem>>[vector<16xi32>, vector<16xi32>, vector<16xi32>, vector<16xi32>], vector<16xf32>,
        %add3A_669 = arith.constant 19 : i32
        %add3A_670 = vector.broadcast %add3A_669 : i32 to vector<16xi32>
        %add3A_671 = arith.addi %iota3A, %add3A_670 : vector<16xi32>
        %and3A_672 = arith.constant 31 : i32
        %and3A_673 = vector.broadcast %and3A_672 : i32 to vector<16xi32>
        %and3A_674 = arith.andi %add3A_671, %and3A_673 : vector<16xi32>
        %gather3A_675 = arith.constant 1 : i32
        %gather3A_676 = arith.constant 0 : i32
        %gather3A_677 = arith.constant 0 : i32
        %gather3A_678 = tpu.memref_slice %arg7[%gather3A_675, %gather3A_676, %gather3A_677] : memref<2x512x32xf32, #tpu.memory_space<vmem>> -> memref<1x512x32xf32, #tpu.memory_space<vmem>>
        %gather3A_679 = tpu.memref_squeeze %gather3A_678 : memref<1x512x32xf32, #tpu.memory_space<vmem>> -> memref<512x32xf32, #tpu.memory_space<vmem>>
        %gather3A_680 = tpu.vector_load_idx %gather3A_679[%add3A_191, %and3A_674] : memref<512x32xf32, #tpu.memory_space<vmem>>[vector<16xi32>, vector<16xi32>], vector<16xf32>,
        %shift_right_arithmetic3A_681 = arith.constant 3 : i32
        %shift_right_arithmetic3A_682 = vector.broadcast %shift_right_arithmetic3A_681 : i32 to vector<16xi32>
        %shift_right_arithmetic3A_683 = arith.shrsi %and3A_674, %shift_right_arithmetic3A_682 : vector<16xi32>
        %and3A_684 = arith.constant 7 : i32
        %and3A_685 = vector.broadcast %and3A_684 : i32 to vector<16xi32>
        %and3A_686 = arith.andi %and3A_674, %and3A_685 : vector<16xi32>
        %scatter3A_687 = arith.constant 1 : i32
        %scatter3A_688 = arith.constant 0 : i32
        %scatter3A_689 = arith.constant 0 : i32
        %scatter3A_690 = arith.constant 0 : i32
        %scatter3A_691 = arith.constant 0 : i32
        %scatter3A_692 = tpu.memref_slice %arg8[%scatter3A_687, %scatter3A_688, %scatter3A_689, %scatter3A_690, %scatter3A_691] : memref<2x4x4x8x128xf32, #tpu.memory_space<vmem>> -> memref<1x4x4x8x128xf32, #tpu.memory_space<vmem>>
        %scatter3A_693 = tpu.memref_squeeze %scatter3A_692 : memref<1x4x4x8x128xf32, #tpu.memory_space<vmem>> -> memref<4x4x8x128xf32, #tpu.memory_space<vmem>>
        tpu.vector_store_idx %scatter3A_693[%shift_right_arithmetic3A_683, %shift_right_arithmetic3A_193, %and3A_686, %and3A_195], %gather3A_680 : memref<4x4x8x128xf32, #tpu.memory_space<vmem>>[vector<16xi32>, vector<16xi32>, vector<16xi32>, vector<16xi32>], vector<16xf32>,
        %add3A_694 = arith.constant 20 : i32
        %add3A_695 = vector.broadcast %add3A_694 : i32 to vector<16xi32>
        %add3A_696 = arith.addi %iota3A, %add3A_695 : vector<16xi32>
        %and3A_697 = arith.constant 31 : i32
        %and3A_698 = vector.broadcast %and3A_697 : i32 to vector<16xi32>
        %and3A_699 = arith.andi %add3A_696, %and3A_698 : vector<16xi32>
        %gather3A_700 = arith.constant 1 : i32
        %gather3A_701 = arith.constant 0 : i32
        %gather3A_702 = arith.constant 0 : i32
        %gather3A_703 = tpu.memref_slice %arg7[%gather3A_700, %gather3A_701, %gather3A_702] : memref<2x512x32xf32, #tpu.memory_space<vmem>> -> memref<1x512x32xf32, #tpu.memory_space<vmem>>
        %gather3A_704 = tpu.memref_squeeze %gather3A_703 : memref<1x512x32xf32, #tpu.memory_space<vmem>> -> memref<512x32xf32, #tpu.memory_space<vmem>>
        %gather3A_705 = tpu.vector_load_idx %gather3A_704[%add3A_191, %and3A_699] : memref<512x32xf32, #tpu.memory_space<vmem>>[vector<16xi32>, vector<16xi32>], vector<16xf32>,
        %shift_right_arithmetic3A_706 = arith.constant 3 : i32
        %shift_right_arithmetic3A_707 = vector.broadcast %shift_right_arithmetic3A_706 : i32 to vector<16xi32>
        %shift_right_arithmetic3A_708 = arith.shrsi %and3A_699, %shift_right_arithmetic3A_707 : vector<16xi32>
        %and3A_709 = arith.constant 7 : i32
        %and3A_710 = vector.broadcast %and3A_709 : i32 to vector<16xi32>
        %and3A_711 = arith.andi %and3A_699, %and3A_710 : vector<16xi32>
        %scatter3A_712 = arith.constant 1 : i32
        %scatter3A_713 = arith.constant 0 : i32
        %scatter3A_714 = arith.constant 0 : i32
        %scatter3A_715 = arith.constant 0 : i32
        %scatter3A_716 = arith.constant 0 : i32
        %scatter3A_717 = tpu.memref_slice %arg8[%scatter3A_712, %scatter3A_713, %scatter3A_714, %scatter3A_715, %scatter3A_716] : memref<2x4x4x8x128xf32, #tpu.memory_space<vmem>> -> memref<1x4x4x8x128xf32, #tpu.memory_space<vmem>>
        %scatter3A_718 = tpu.memref_squeeze %scatter3A_717 : memref<1x4x4x8x128xf32, #tpu.memory_space<vmem>> -> memref<4x4x8x128xf32, #tpu.memory_space<vmem>>
        tpu.vector_store_idx %scatter3A_718[%shift_right_arithmetic3A_708, %shift_right_arithmetic3A_193, %and3A_711, %and3A_195], %gather3A_705 : memref<4x4x8x128xf32, #tpu.memory_space<vmem>>[vector<16xi32>, vector<16xi32>, vector<16xi32>, vector<16xi32>], vector<16xf32>,
        %add3A_719 = arith.constant 21 : i32
        %add3A_720 = vector.broadcast %add3A_719 : i32 to vector<16xi32>
        %add3A_721 = arith.addi %iota3A, %add3A_720 : vector<16xi32>
        %and3A_722 = arith.constant 31 : i32
        %and3A_723 = vector.broadcast %and3A_722 : i32 to vector<16xi32>
        %and3A_724 = arith.andi %add3A_721, %and3A_723 : vector<16xi32>
        %gather3A_725 = arith.constant 1 : i32
        %gather3A_726 = arith.constant 0 : i32
        %gather3A_727 = arith.constant 0 : i32
        %gather3A_728 = tpu.memref_slice %arg7[%gather3A_725, %gather3A_726, %gather3A_727] : memref<2x512x32xf32, #tpu.memory_space<vmem>> -> memref<1x512x32xf32, #tpu.memory_space<vmem>>
        %gather3A_729 = tpu.memref_squeeze %gather3A_728 : memref<1x512x32xf32, #tpu.memory_space<vmem>> -> memref<512x32xf32, #tpu.memory_space<vmem>>
        %gather3A_730 = tpu.vector_load_idx %gather3A_729[%add3A_191, %and3A_724] : memref<512x32xf32, #tpu.memory_space<vmem>>[vector<16xi32>, vector<16xi32>], vector<16xf32>,
        %shift_right_arithmetic3A_731 = arith.constant 3 : i32
        %shift_right_arithmetic3A_732 = vector.broadcast %shift_right_arithmetic3A_731 : i32 to vector<16xi32>
        %shift_right_arithmetic3A_733 = arith.shrsi %and3A_724, %shift_right_arithmetic3A_732 : vector<16xi32>
        %and3A_734 = arith.constant 7 : i32
        %and3A_735 = vector.broadcast %and3A_734 : i32 to vector<16xi32>
        %and3A_736 = arith.andi %and3A_724, %and3A_735 : vector<16xi32>
        %scatter3A_737 = arith.constant 1 : i32
        %scatter3A_738 = arith.constant 0 : i32
        %scatter3A_739 = arith.constant 0 : i32
        %scatter3A_740 = arith.constant 0 : i32
        %scatter3A_741 = arith.constant 0 : i32
        %scatter3A_742 = tpu.memref_slice %arg8[%scatter3A_737, %scatter3A_738, %scatter3A_739, %scatter3A_740, %scatter3A_741] : memref<2x4x4x8x128xf32, #tpu.memory_space<vmem>> -> memref<1x4x4x8x128xf32, #tpu.memory_space<vmem>>
        %scatter3A_743 = tpu.memref_squeeze %scatter3A_742 : memref<1x4x4x8x128xf32, #tpu.memory_space<vmem>> -> memref<4x4x8x128xf32, #tpu.memory_space<vmem>>
        tpu.vector_store_idx %scatter3A_743[%shift_right_arithmetic3A_733, %shift_right_arithmetic3A_193, %and3A_736, %and3A_195], %gather3A_730 : memref<4x4x8x128xf32, #tpu.memory_space<vmem>>[vector<16xi32>, vector<16xi32>, vector<16xi32>, vector<16xi32>], vector<16xf32>,
        %add3A_744 = arith.constant 22 : i32
        %add3A_745 = vector.broadcast %add3A_744 : i32 to vector<16xi32>
        %add3A_746 = arith.addi %iota3A, %add3A_745 : vector<16xi32>
        %and3A_747 = arith.constant 31 : i32
        %and3A_748 = vector.broadcast %and3A_747 : i32 to vector<16xi32>
        %and3A_749 = arith.andi %add3A_746, %and3A_748 : vector<16xi32>
        %gather3A_750 = arith.constant 1 : i32
        %gather3A_751 = arith.constant 0 : i32
        %gather3A_752 = arith.constant 0 : i32
        %gather3A_753 = tpu.memref_slice %arg7[%gather3A_750, %gather3A_751, %gather3A_752] : memref<2x512x32xf32, #tpu.memory_space<vmem>> -> memref<1x512x32xf32, #tpu.memory_space<vmem>>
        %gather3A_754 = tpu.memref_squeeze %gather3A_753 : memref<1x512x32xf32, #tpu.memory_space<vmem>> -> memref<512x32xf32, #tpu.memory_space<vmem>>
        %gather3A_755 = tpu.vector_load_idx %gather3A_754[%add3A_191, %and3A_749] : memref<512x32xf32, #tpu.memory_space<vmem>>[vector<16xi32>, vector<16xi32>], vector<16xf32>,
        %shift_right_arithmetic3A_756 = arith.constant 3 : i32
        %shift_right_arithmetic3A_757 = vector.broadcast %shift_right_arithmetic3A_756 : i32 to vector<16xi32>
        %shift_right_arithmetic3A_758 = arith.shrsi %and3A_749, %shift_right_arithmetic3A_757 : vector<16xi32>
        %and3A_759 = arith.constant 7 : i32
        %and3A_760 = vector.broadcast %and3A_759 : i32 to vector<16xi32>
        %and3A_761 = arith.andi %and3A_749, %and3A_760 : vector<16xi32>
        %scatter3A_762 = arith.constant 1 : i32
        %scatter3A_763 = arith.constant 0 : i32
        %scatter3A_764 = arith.constant 0 : i32
        %scatter3A_765 = arith.constant 0 : i32
        %scatter3A_766 = arith.constant 0 : i32
        %scatter3A_767 = tpu.memref_slice %arg8[%scatter3A_762, %scatter3A_763, %scatter3A_764, %scatter3A_765, %scatter3A_766] : memref<2x4x4x8x128xf32, #tpu.memory_space<vmem>> -> memref<1x4x4x8x128xf32, #tpu.memory_space<vmem>>
        %scatter3A_768 = tpu.memref_squeeze %scatter3A_767 : memref<1x4x4x8x128xf32, #tpu.memory_space<vmem>> -> memref<4x4x8x128xf32, #tpu.memory_space<vmem>>
        tpu.vector_store_idx %scatter3A_768[%shift_right_arithmetic3A_758, %shift_right_arithmetic3A_193, %and3A_761, %and3A_195], %gather3A_755 : memref<4x4x8x128xf32, #tpu.memory_space<vmem>>[vector<16xi32>, vector<16xi32>, vector<16xi32>, vector<16xi32>], vector<16xf32>,
        %add3A_769 = arith.constant 23 : i32
        %add3A_770 = vector.broadcast %add3A_769 : i32 to vector<16xi32>
        %add3A_771 = arith.addi %iota3A, %add3A_770 : vector<16xi32>
        %and3A_772 = arith.constant 31 : i32
        %and3A_773 = vector.broadcast %and3A_772 : i32 to vector<16xi32>
        %and3A_774 = arith.andi %add3A_771, %and3A_773 : vector<16xi32>
        %gather3A_775 = arith.constant 1 : i32
        %gather3A_776 = arith.constant 0 : i32
        %gather3A_777 = arith.constant 0 : i32
        %gather3A_778 = tpu.memref_slice %arg7[%gather3A_775, %gather3A_776, %gather3A_777] : memref<2x512x32xf32, #tpu.memory_space<vmem>> -> memref<1x512x32xf32, #tpu.memory_space<vmem>>
        %gather3A_779 = tpu.memref_squeeze %gather3A_778 : memref<1x512x32xf32, #tpu.memory_space<vmem>> -> memref<512x32xf32, #tpu.memory_space<vmem>>
        %gather3A_780 = tpu.vector_load_idx %gather3A_779[%add3A_191, %and3A_774] : memref<512x32xf32, #tpu.memory_space<vmem>>[vector<16xi32>, vector<16xi32>], vector<16xf32>,
        %shift_right_arithmetic3A_781 = arith.constant 3 : i32
        %shift_right_arithmetic3A_782 = vector.broadcast %shift_right_arithmetic3A_781 : i32 to vector<16xi32>
        %shift_right_arithmetic3A_783 = arith.shrsi %and3A_774, %shift_right_arithmetic3A_782 : vector<16xi32>
        %and3A_784 = arith.constant 7 : i32
        %and3A_785 = vector.broadcast %and3A_784 : i32 to vector<16xi32>
        %and3A_786 = arith.andi %and3A_774, %and3A_785 : vector<16xi32>
        %scatter3A_787 = arith.constant 1 : i32
        %scatter3A_788 = arith.constant 0 : i32
        %scatter3A_789 = arith.constant 0 : i32
        %scatter3A_790 = arith.constant 0 : i32
        %scatter3A_791 = arith.constant 0 : i32
        %scatter3A_792 = tpu.memref_slice %arg8[%scatter3A_787, %scatter3A_788, %scatter3A_789, %scatter3A_790, %scatter3A_791] : memref<2x4x4x8x128xf32, #tpu.memory_space<vmem>> -> memref<1x4x4x8x128xf32, #tpu.memory_space<vmem>>
        %scatter3A_793 = tpu.memref_squeeze %scatter3A_792 : memref<1x4x4x8x128xf32, #tpu.memory_space<vmem>> -> memref<4x4x8x128xf32, #tpu.memory_space<vmem>>
        tpu.vector_store_idx %scatter3A_793[%shift_right_arithmetic3A_783, %shift_right_arithmetic3A_193, %and3A_786, %and3A_195], %gather3A_780 : memref<4x4x8x128xf32, #tpu.memory_space<vmem>>[vector<16xi32>, vector<16xi32>, vector<16xi32>, vector<16xi32>], vector<16xf32>,
        %add3A_794 = arith.constant 24 : i32
        %add3A_795 = vector.broadcast %add3A_794 : i32 to vector<16xi32>
        %add3A_796 = arith.addi %iota3A, %add3A_795 : vector<16xi32>
        %and3A_797 = arith.constant 31 : i32
        %and3A_798 = vector.broadcast %and3A_797 : i32 to vector<16xi32>
        %and3A_799 = arith.andi %add3A_796, %and3A_798 : vector<16xi32>
        %gather3A_800 = arith.constant 1 : i32
        %gather3A_801 = arith.constant 0 : i32
        %gather3A_802 = arith.constant 0 : i32
        %gather3A_803 = tpu.memref_slice %arg7[%gather3A_800, %gather3A_801, %gather3A_802] : memref<2x512x32xf32, #tpu.memory_space<vmem>> -> memref<1x512x32xf32, #tpu.memory_space<vmem>>
        %gather3A_804 = tpu.memref_squeeze %gather3A_803 : memref<1x512x32xf32, #tpu.memory_space<vmem>> -> memref<512x32xf32, #tpu.memory_space<vmem>>
        %gather3A_805 = tpu.vector_load_idx %gather3A_804[%add3A_191, %and3A_799] : memref<512x32xf32, #tpu.memory_space<vmem>>[vector<16xi32>, vector<16xi32>], vector<16xf32>,
        %shift_right_arithmetic3A_806 = arith.constant 3 : i32
        %shift_right_arithmetic3A_807 = vector.broadcast %shift_right_arithmetic3A_806 : i32 to vector<16xi32>
        %shift_right_arithmetic3A_808 = arith.shrsi %and3A_799, %shift_right_arithmetic3A_807 : vector<16xi32>
        %and3A_809 = arith.constant 7 : i32
        %and3A_810 = vector.broadcast %and3A_809 : i32 to vector<16xi32>
        %and3A_811 = arith.andi %and3A_799, %and3A_810 : vector<16xi32>
        %scatter3A_812 = arith.constant 1 : i32
        %scatter3A_813 = arith.constant 0 : i32
        %scatter3A_814 = arith.constant 0 : i32
        %scatter3A_815 = arith.constant 0 : i32
        %scatter3A_816 = arith.constant 0 : i32
        %scatter3A_817 = tpu.memref_slice %arg8[%scatter3A_812, %scatter3A_813, %scatter3A_814, %scatter3A_815, %scatter3A_816] : memref<2x4x4x8x128xf32, #tpu.memory_space<vmem>> -> memref<1x4x4x8x128xf32, #tpu.memory_space<vmem>>
        %scatter3A_818 = tpu.memref_squeeze %scatter3A_817 : memref<1x4x4x8x128xf32, #tpu.memory_space<vmem>> -> memref<4x4x8x128xf32, #tpu.memory_space<vmem>>
        tpu.vector_store_idx %scatter3A_818[%shift_right_arithmetic3A_808, %shift_right_arithmetic3A_193, %and3A_811, %and3A_195], %gather3A_805 : memref<4x4x8x128xf32, #tpu.memory_space<vmem>>[vector<16xi32>, vector<16xi32>, vector<16xi32>, vector<16xi32>], vector<16xf32>,
        %add3A_819 = arith.constant 25 : i32
        %add3A_820 = vector.broadcast %add3A_819 : i32 to vector<16xi32>
        %add3A_821 = arith.addi %iota3A, %add3A_820 : vector<16xi32>
        %and3A_822 = arith.constant 31 : i32
        %and3A_823 = vector.broadcast %and3A_822 : i32 to vector<16xi32>
        %and3A_824 = arith.andi %add3A_821, %and3A_823 : vector<16xi32>
        %gather3A_825 = arith.constant 1 : i32
        %gather3A_826 = arith.constant 0 : i32
        %gather3A_827 = arith.constant 0 : i32
        %gather3A_828 = tpu.memref_slice %arg7[%gather3A_825, %gather3A_826, %gather3A_827] : memref<2x512x32xf32, #tpu.memory_space<vmem>> -> memref<1x512x32xf32, #tpu.memory_space<vmem>>
        %gather3A_829 = tpu.memref_squeeze %gather3A_828 : memref<1x512x32xf32, #tpu.memory_space<vmem>> -> memref<512x32xf32, #tpu.memory_space<vmem>>
        %gather3A_830 = tpu.vector_load_idx %gather3A_829[%add3A_191, %and3A_824] : memref<512x32xf32, #tpu.memory_space<vmem>>[vector<16xi32>, vector<16xi32>], vector<16xf32>,
        %shift_right_arithmetic3A_831 = arith.constant 3 : i32
        %shift_right_arithmetic3A_832 = vector.broadcast %shift_right_arithmetic3A_831 : i32 to vector<16xi32>
        %shift_right_arithmetic3A_833 = arith.shrsi %and3A_824, %shift_right_arithmetic3A_832 : vector<16xi32>
        %and3A_834 = arith.constant 7 : i32
        %and3A_835 = vector.broadcast %and3A_834 : i32 to vector<16xi32>
        %and3A_836 = arith.andi %and3A_824, %and3A_835 : vector<16xi32>
        %scatter3A_837 = arith.constant 1 : i32
        %scatter3A_838 = arith.constant 0 : i32
        %scatter3A_839 = arith.constant 0 : i32
        %scatter3A_840 = arith.constant 0 : i32
        %scatter3A_841 = arith.constant 0 : i32
        %scatter3A_842 = tpu.memref_slice %arg8[%scatter3A_837, %scatter3A_838, %scatter3A_839, %scatter3A_840, %scatter3A_841] : memref<2x4x4x8x128xf32, #tpu.memory_space<vmem>> -> memref<1x4x4x8x128xf32, #tpu.memory_space<vmem>>
        %scatter3A_843 = tpu.memref_squeeze %scatter3A_842 : memref<1x4x4x8x128xf32, #tpu.memory_space<vmem>> -> memref<4x4x8x128xf32, #tpu.memory_space<vmem>>
        tpu.vector_store_idx %scatter3A_843[%shift_right_arithmetic3A_833, %shift_right_arithmetic3A_193, %and3A_836, %and3A_195], %gather3A_830 : memref<4x4x8x128xf32, #tpu.memory_space<vmem>>[vector<16xi32>, vector<16xi32>, vector<16xi32>, vector<16xi32>], vector<16xf32>,
        %add3A_844 = arith.constant 26 : i32
        %add3A_845 = vector.broadcast %add3A_844 : i32 to vector<16xi32>
        %add3A_846 = arith.addi %iota3A, %add3A_845 : vector<16xi32>
        %and3A_847 = arith.constant 31 : i32
        %and3A_848 = vector.broadcast %and3A_847 : i32 to vector<16xi32>
        %and3A_849 = arith.andi %add3A_846, %and3A_848 : vector<16xi32>
        %gather3A_850 = arith.constant 1 : i32
        %gather3A_851 = arith.constant 0 : i32
        %gather3A_852 = arith.constant 0 : i32
        %gather3A_853 = tpu.memref_slice %arg7[%gather3A_850, %gather3A_851, %gather3A_852] : memref<2x512x32xf32, #tpu.memory_space<vmem>> -> memref<1x512x32xf32, #tpu.memory_space<vmem>>
        %gather3A_854 = tpu.memref_squeeze %gather3A_853 : memref<1x512x32xf32, #tpu.memory_space<vmem>> -> memref<512x32xf32, #tpu.memory_space<vmem>>
        %gather3A_855 = tpu.vector_load_idx %gather3A_854[%add3A_191, %and3A_849] : memref<512x32xf32, #tpu.memory_space<vmem>>[vector<16xi32>, vector<16xi32>], vector<16xf32>,
        %shift_right_arithmetic3A_856 = arith.constant 3 : i32
        %shift_right_arithmetic3A_857 = vector.broadcast %shift_right_arithmetic3A_856 : i32 to vector<16xi32>
        %shift_right_arithmetic3A_858 = arith.shrsi %and3A_849, %shift_right_arithmetic3A_857 : vector<16xi32>
        %and3A_859 = arith.constant 7 : i32
        %and3A_860 = vector.broadcast %and3A_859 : i32 to vector<16xi32>
        %and3A_861 = arith.andi %and3A_849, %and3A_860 : vector<16xi32>
        %scatter3A_862 = arith.constant 1 : i32
        %scatter3A_863 = arith.constant 0 : i32
        %scatter3A_864 = arith.constant 0 : i32
        %scatter3A_865 = arith.constant 0 : i32
        %scatter3A_866 = arith.constant 0 : i32
        %scatter3A_867 = tpu.memref_slice %arg8[%scatter3A_862, %scatter3A_863, %scatter3A_864, %scatter3A_865, %scatter3A_866] : memref<2x4x4x8x128xf32, #tpu.memory_space<vmem>> -> memref<1x4x4x8x128xf32, #tpu.memory_space<vmem>>
        %scatter3A_868 = tpu.memref_squeeze %scatter3A_867 : memref<1x4x4x8x128xf32, #tpu.memory_space<vmem>> -> memref<4x4x8x128xf32, #tpu.memory_space<vmem>>
        tpu.vector_store_idx %scatter3A_868[%shift_right_arithmetic3A_858, %shift_right_arithmetic3A_193, %and3A_861, %and3A_195], %gather3A_855 : memref<4x4x8x128xf32, #tpu.memory_space<vmem>>[vector<16xi32>, vector<16xi32>, vector<16xi32>, vector<16xi32>], vector<16xf32>,
        %add3A_869 = arith.constant 27 : i32
        %add3A_870 = vector.broadcast %add3A_869 : i32 to vector<16xi32>
        %add3A_871 = arith.addi %iota3A, %add3A_870 : vector<16xi32>
        %and3A_872 = arith.constant 31 : i32
        %and3A_873 = vector.broadcast %and3A_872 : i32 to vector<16xi32>
        %and3A_874 = arith.andi %add3A_871, %and3A_873 : vector<16xi32>
        %gather3A_875 = arith.constant 1 : i32
        %gather3A_876 = arith.constant 0 : i32
        %gather3A_877 = arith.constant 0 : i32
        %gather3A_878 = tpu.memref_slice %arg7[%gather3A_875, %gather3A_876, %gather3A_877] : memref<2x512x32xf32, #tpu.memory_space<vmem>> -> memref<1x512x32xf32, #tpu.memory_space<vmem>>
        %gather3A_879 = tpu.memref_squeeze %gather3A_878 : memref<1x512x32xf32, #tpu.memory_space<vmem>> -> memref<512x32xf32, #tpu.memory_space<vmem>>
        %gather3A_880 = tpu.vector_load_idx %gather3A_879[%add3A_191, %and3A_874] : memref<512x32xf32, #tpu.memory_space<vmem>>[vector<16xi32>, vector<16xi32>], vector<16xf32>,
        %shift_right_arithmetic3A_881 = arith.constant 3 : i32
        %shift_right_arithmetic3A_882 = vector.broadcast %shift_right_arithmetic3A_881 : i32 to vector<16xi32>
        %shift_right_arithmetic3A_883 = arith.shrsi %and3A_874, %shift_right_arithmetic3A_882 : vector<16xi32>
        %and3A_884 = arith.constant 7 : i32
        %and3A_885 = vector.broadcast %and3A_884 : i32 to vector<16xi32>
        %and3A_886 = arith.andi %and3A_874, %and3A_885 : vector<16xi32>
        %scatter3A_887 = arith.constant 1 : i32
        %scatter3A_888 = arith.constant 0 : i32
        %scatter3A_889 = arith.constant 0 : i32
        %scatter3A_890 = arith.constant 0 : i32
        %scatter3A_891 = arith.constant 0 : i32
        %scatter3A_892 = tpu.memref_slice %arg8[%scatter3A_887, %scatter3A_888, %scatter3A_889, %scatter3A_890, %scatter3A_891] : memref<2x4x4x8x128xf32, #tpu.memory_space<vmem>> -> memref<1x4x4x8x128xf32, #tpu.memory_space<vmem>>
        %scatter3A_893 = tpu.memref_squeeze %scatter3A_892 : memref<1x4x4x8x128xf32, #tpu.memory_space<vmem>> -> memref<4x4x8x128xf32, #tpu.memory_space<vmem>>
        tpu.vector_store_idx %scatter3A_893[%shift_right_arithmetic3A_883, %shift_right_arithmetic3A_193, %and3A_886, %and3A_195], %gather3A_880 : memref<4x4x8x128xf32, #tpu.memory_space<vmem>>[vector<16xi32>, vector<16xi32>, vector<16xi32>, vector<16xi32>], vector<16xf32>,
        %add3A_894 = arith.constant 28 : i32
        %add3A_895 = vector.broadcast %add3A_894 : i32 to vector<16xi32>
        %add3A_896 = arith.addi %iota3A, %add3A_895 : vector<16xi32>
        %and3A_897 = arith.constant 31 : i32
        %and3A_898 = vector.broadcast %and3A_897 : i32 to vector<16xi32>
        %and3A_899 = arith.andi %add3A_896, %and3A_898 : vector<16xi32>
        %gather3A_900 = arith.constant 1 : i32
        %gather3A_901 = arith.constant 0 : i32
        %gather3A_902 = arith.constant 0 : i32
        %gather3A_903 = tpu.memref_slice %arg7[%gather3A_900, %gather3A_901, %gather3A_902] : memref<2x512x32xf32, #tpu.memory_space<vmem>> -> memref<1x512x32xf32, #tpu.memory_space<vmem>>
        %gather3A_904 = tpu.memref_squeeze %gather3A_903 : memref<1x512x32xf32, #tpu.memory_space<vmem>> -> memref<512x32xf32, #tpu.memory_space<vmem>>
        %gather3A_905 = tpu.vector_load_idx %gather3A_904[%add3A_191, %and3A_899] : memref<512x32xf32, #tpu.memory_space<vmem>>[vector<16xi32>, vector<16xi32>], vector<16xf32>,
        %shift_right_arithmetic3A_906 = arith.constant 3 : i32
        %shift_right_arithmetic3A_907 = vector.broadcast %shift_right_arithmetic3A_906 : i32 to vector<16xi32>
        %shift_right_arithmetic3A_908 = arith.shrsi %and3A_899, %shift_right_arithmetic3A_907 : vector<16xi32>
        %and3A_909 = arith.constant 7 : i32
        %and3A_910 = vector.broadcast %and3A_909 : i32 to vector<16xi32>
        %and3A_911 = arith.andi %and3A_899, %and3A_910 : vector<16xi32>
        %scatter3A_912 = arith.constant 1 : i32
        %scatter3A_913 = arith.constant 0 : i32
        %scatter3A_914 = arith.constant 0 : i32
        %scatter3A_915 = arith.constant 0 : i32
        %scatter3A_916 = arith.constant 0 : i32
        %scatter3A_917 = tpu.memref_slice %arg8[%scatter3A_912, %scatter3A_913, %scatter3A_914, %scatter3A_915, %scatter3A_916] : memref<2x4x4x8x128xf32, #tpu.memory_space<vmem>> -> memref<1x4x4x8x128xf32, #tpu.memory_space<vmem>>
        %scatter3A_918 = tpu.memref_squeeze %scatter3A_917 : memref<1x4x4x8x128xf32, #tpu.memory_space<vmem>> -> memref<4x4x8x128xf32, #tpu.memory_space<vmem>>
        tpu.vector_store_idx %scatter3A_918[%shift_right_arithmetic3A_908, %shift_right_arithmetic3A_193, %and3A_911, %and3A_195], %gather3A_905 : memref<4x4x8x128xf32, #tpu.memory_space<vmem>>[vector<16xi32>, vector<16xi32>, vector<16xi32>, vector<16xi32>], vector<16xf32>,
        %add3A_919 = arith.constant 29 : i32
        %add3A_920 = vector.broadcast %add3A_919 : i32 to vector<16xi32>
        %add3A_921 = arith.addi %iota3A, %add3A_920 : vector<16xi32>
        %and3A_922 = arith.constant 31 : i32
        %and3A_923 = vector.broadcast %and3A_922 : i32 to vector<16xi32>
        %and3A_924 = arith.andi %add3A_921, %and3A_923 : vector<16xi32>
        %gather3A_925 = arith.constant 1 : i32
        %gather3A_926 = arith.constant 0 : i32
        %gather3A_927 = arith.constant 0 : i32
        %gather3A_928 = tpu.memref_slice %arg7[%gather3A_925, %gather3A_926, %gather3A_927] : memref<2x512x32xf32, #tpu.memory_space<vmem>> -> memref<1x512x32xf32, #tpu.memory_space<vmem>>
        %gather3A_929 = tpu.memref_squeeze %gather3A_928 : memref<1x512x32xf32, #tpu.memory_space<vmem>> -> memref<512x32xf32, #tpu.memory_space<vmem>>
        %gather3A_930 = tpu.vector_load_idx %gather3A_929[%add3A_191, %and3A_924] : memref<512x32xf32, #tpu.memory_space<vmem>>[vector<16xi32>, vector<16xi32>], vector<16xf32>,
        %shift_right_arithmetic3A_931 = arith.constant 3 : i32
        %shift_right_arithmetic3A_932 = vector.broadcast %shift_right_arithmetic3A_931 : i32 to vector<16xi32>
        %shift_right_arithmetic3A_933 = arith.shrsi %and3A_924, %shift_right_arithmetic3A_932 : vector<16xi32>
        %and3A_934 = arith.constant 7 : i32
        %and3A_935 = vector.broadcast %and3A_934 : i32 to vector<16xi32>
        %and3A_936 = arith.andi %and3A_924, %and3A_935 : vector<16xi32>
        %scatter3A_937 = arith.constant 1 : i32
        %scatter3A_938 = arith.constant 0 : i32
        %scatter3A_939 = arith.constant 0 : i32
        %scatter3A_940 = arith.constant 0 : i32
        %scatter3A_941 = arith.constant 0 : i32
        %scatter3A_942 = tpu.memref_slice %arg8[%scatter3A_937, %scatter3A_938, %scatter3A_939, %scatter3A_940, %scatter3A_941] : memref<2x4x4x8x128xf32, #tpu.memory_space<vmem>> -> memref<1x4x4x8x128xf32, #tpu.memory_space<vmem>>
        %scatter3A_943 = tpu.memref_squeeze %scatter3A_942 : memref<1x4x4x8x128xf32, #tpu.memory_space<vmem>> -> memref<4x4x8x128xf32, #tpu.memory_space<vmem>>
        tpu.vector_store_idx %scatter3A_943[%shift_right_arithmetic3A_933, %shift_right_arithmetic3A_193, %and3A_936, %and3A_195], %gather3A_930 : memref<4x4x8x128xf32, #tpu.memory_space<vmem>>[vector<16xi32>, vector<16xi32>, vector<16xi32>, vector<16xi32>], vector<16xf32>,
        %add3A_944 = arith.constant 30 : i32
        %add3A_945 = vector.broadcast %add3A_944 : i32 to vector<16xi32>
        %add3A_946 = arith.addi %iota3A, %add3A_945 : vector<16xi32>
        %and3A_947 = arith.constant 31 : i32
        %and3A_948 = vector.broadcast %and3A_947 : i32 to vector<16xi32>
        %and3A_949 = arith.andi %add3A_946, %and3A_948 : vector<16xi32>
        %gather3A_950 = arith.constant 1 : i32
        %gather3A_951 = arith.constant 0 : i32
        %gather3A_952 = arith.constant 0 : i32
        %gather3A_953 = tpu.memref_slice %arg7[%gather3A_950, %gather3A_951, %gather3A_952] : memref<2x512x32xf32, #tpu.memory_space<vmem>> -> memref<1x512x32xf32, #tpu.memory_space<vmem>>
        %gather3A_954 = tpu.memref_squeeze %gather3A_953 : memref<1x512x32xf32, #tpu.memory_space<vmem>> -> memref<512x32xf32, #tpu.memory_space<vmem>>
        %gather3A_955 = tpu.vector_load_idx %gather3A_954[%add3A_191, %and3A_949] : memref<512x32xf32, #tpu.memory_space<vmem>>[vector<16xi32>, vector<16xi32>], vector<16xf32>,
        %shift_right_arithmetic3A_956 = arith.constant 3 : i32
        %shift_right_arithmetic3A_957 = vector.broadcast %shift_right_arithmetic3A_956 : i32 to vector<16xi32>
        %shift_right_arithmetic3A_958 = arith.shrsi %and3A_949, %shift_right_arithmetic3A_957 : vector<16xi32>
        %and3A_959 = arith.constant 7 : i32
        %and3A_960 = vector.broadcast %and3A_959 : i32 to vector<16xi32>
        %and3A_961 = arith.andi %and3A_949, %and3A_960 : vector<16xi32>
        %scatter3A_962 = arith.constant 1 : i32
        %scatter3A_963 = arith.constant 0 : i32
        %scatter3A_964 = arith.constant 0 : i32
        %scatter3A_965 = arith.constant 0 : i32
        %scatter3A_966 = arith.constant 0 : i32
        %scatter3A_967 = tpu.memref_slice %arg8[%scatter3A_962, %scatter3A_963, %scatter3A_964, %scatter3A_965, %scatter3A_966] : memref<2x4x4x8x128xf32, #tpu.memory_space<vmem>> -> memref<1x4x4x8x128xf32, #tpu.memory_space<vmem>>
        %scatter3A_968 = tpu.memref_squeeze %scatter3A_967 : memref<1x4x4x8x128xf32, #tpu.memory_space<vmem>> -> memref<4x4x8x128xf32, #tpu.memory_space<vmem>>
        tpu.vector_store_idx %scatter3A_968[%shift_right_arithmetic3A_958, %shift_right_arithmetic3A_193, %and3A_961, %and3A_195], %gather3A_955 : memref<4x4x8x128xf32, #tpu.memory_space<vmem>>[vector<16xi32>, vector<16xi32>, vector<16xi32>, vector<16xi32>], vector<16xf32>,
        %add3A_969 = arith.constant 31 : i32
        %add3A_970 = vector.broadcast %add3A_969 : i32 to vector<16xi32>
        %add3A_971 = arith.addi %iota3A, %add3A_970 : vector<16xi32>
        %and3A_972 = arith.constant 31 : i32
        %and3A_973 = vector.broadcast %and3A_972 : i32 to vector<16xi32>
        %and3A_974 = arith.andi %add3A_971, %and3A_973 : vector<16xi32>
        %gather3A_975 = arith.constant 1 : i32
        %gather3A_976 = arith.constant 0 : i32
        %gather3A_977 = arith.constant 0 : i32
        %gather3A_978 = tpu.memref_slice %arg7[%gather3A_975, %gather3A_976, %gather3A_977] : memref<2x512x32xf32, #tpu.memory_space<vmem>> -> memref<1x512x32xf32, #tpu.memory_space<vmem>>
        %gather3A_979 = tpu.memref_squeeze %gather3A_978 : memref<1x512x32xf32, #tpu.memory_space<vmem>> -> memref<512x32xf32, #tpu.memory_space<vmem>>
        %gather3A_980 = tpu.vector_load_idx %gather3A_979[%add3A_191, %and3A_974] : memref<512x32xf32, #tpu.memory_space<vmem>>[vector<16xi32>, vector<16xi32>], vector<16xf32>,
        %shift_right_arithmetic3A_981 = arith.constant 3 : i32
        %shift_right_arithmetic3A_982 = vector.broadcast %shift_right_arithmetic3A_981 : i32 to vector<16xi32>
        %shift_right_arithmetic3A_983 = arith.shrsi %and3A_974, %shift_right_arithmetic3A_982 : vector<16xi32>
        %and3A_984 = arith.constant 7 : i32
        %and3A_985 = vector.broadcast %and3A_984 : i32 to vector<16xi32>
        %and3A_986 = arith.andi %and3A_974, %and3A_985 : vector<16xi32>
        %scatter3A_987 = arith.constant 1 : i32
        %scatter3A_988 = arith.constant 0 : i32
        %scatter3A_989 = arith.constant 0 : i32
        %scatter3A_990 = arith.constant 0 : i32
        %scatter3A_991 = arith.constant 0 : i32
        %scatter3A_992 = tpu.memref_slice %arg8[%scatter3A_987, %scatter3A_988, %scatter3A_989, %scatter3A_990, %scatter3A_991] : memref<2x4x4x8x128xf32, #tpu.memory_space<vmem>> -> memref<1x4x4x8x128xf32, #tpu.memory_space<vmem>>
        %scatter3A_993 = tpu.memref_squeeze %scatter3A_992 : memref<1x4x4x8x128xf32, #tpu.memory_space<vmem>> -> memref<4x4x8x128xf32, #tpu.memory_space<vmem>>
        tpu.vector_store_idx %scatter3A_993[%shift_right_arithmetic3A_983, %shift_right_arithmetic3A_193, %and3A_986, %and3A_195], %gather3A_980 : memref<4x4x8x128xf32, #tpu.memory_space<vmem>>[vector<16xi32>, vector<16xi32>, vector<16xi32>, vector<16xi32>], vector<16xf32>,
      }
      %scan3A_159 = arith.constant 32 : i32
      %dma_start3A_160 = arith.constant 1 : i32
      %dma_start3A_161 = arith.constant 0 : i32
      %dma_start3A_162 = arith.constant 0 : i32
      %dma_start3A_163 = arith.constant 0 : i32
      %dma_start3A_164 = arith.constant 0 : i32
      %dma_start3A_165 = tpu.memref_slice %arg8[%dma_start3A_160, %dma_start3A_161, %dma_start3A_162, %dma_start3A_163, %dma_start3A_164] : memref<2x4x4x8x128xf32, #tpu.memory_space<vmem>> -> memref<1x4x4x8x128xf32, #tpu.memory_space<vmem>>
      %dma_start3A_166 = tpu.memref_squeeze %dma_start3A_165 : memref<1x4x4x8x128xf32, #tpu.memory_space<vmem>> -> memref<4x4x8x128xf32, #tpu.memory_space<vmem>>
      %dma_start3A_167 = arith.constant 0 : i32
      %dma_start3A_168 = arith.constant 0 : i32
      %dma_start3A_169 = arith.constant 0 : i32
      %dma_start3A_170 = tpu.memref_slice %arg4[%add3A_80, %dma_start3A_167, %mul3A_8, %dma_start3A_168, %dma_start3A_169] : memref<50x4x128x8x128xf32, #tpu.memory_space<hbm>> -> memref<1x4x4x8x128xf32, #tpu.memory_space<hbm>>
      %dma_start3A_171 = tpu.memref_squeeze %dma_start3A_170 : memref<1x4x4x8x128xf32, #tpu.memory_space<hbm>> -> memref<4x4x8x128xf32, #tpu.memory_space<hbm>>
      %dma_start3A_172 = arith.constant 0 : i32
      %dma_start3A_173 = arith.constant 0 : i32
      %dma_start3A_174 = arith.constant 0 : i32
      %dma_start3A_175 = tpu.memref_slice %arg4[%add3A_80, %dma_start3A_172, %mul3A_8, %dma_start3A_173, %dma_start3A_174] : memref<50x4x128x8x128xf32, #tpu.memory_space<hbm>> -> memref<1x4x4x8x128xf32, #tpu.memory_space<hbm>>
      %dma_start3A_176 = tpu.memref_squeeze %dma_start3A_175 : memref<1x4x4x8x128xf32, #tpu.memory_space<hbm>> -> memref<4x4x8x128xf32, #tpu.memory_space<hbm>>
      %dma_start3A_177 = arith.constant 0 : i32
      %dma_start3A_178 = arith.constant 0 : i32
      %dma_start3A_179 = arith.constant 0 : i32
      %dma_start3A_180 = arith.constant 0 : i32
      %dma_start3A_181 = tpu.memref_slice %arg8[%dma_start3A_160, %dma_start3A_177, %dma_start3A_178, %dma_start3A_179, %dma_start3A_180] : memref<2x4x4x8x128xf32, #tpu.memory_space<vmem>> -> memref<1x4x4x8x128xf32, #tpu.memory_space<vmem>>
      %dma_start3A_182 = tpu.memref_squeeze %dma_start3A_181 : memref<1x4x4x8x128xf32, #tpu.memory_space<vmem>> -> memref<4x4x8x128xf32, #tpu.memory_space<vmem>>
      tpu.enqueue_dma source(%dma_start3A_182 : memref<4x4x8x128xf32, #tpu.memory_space<vmem>>) target(%dma_start3A_176 : memref<4x4x8x128xf32, #tpu.memory_space<hbm>>) target_semaphore(%arg12 : memref<!tpu.dma_semaphore, #tpu.memory_space<semaphore_mem>>)
    }
    %scan3A_24 = arith.constant 25 : i32
    %dma_wait3A = arith.constant 0 : i32
    %dma_wait3A_25 = arith.constant 0 : i32
    %dma_wait3A_26 = arith.constant 0 : i32
    %dma_wait3A_27 = arith.constant 0 : i32
    %dma_wait3A_28 = arith.constant 0 : i32
    %dma_wait3A_29 = arith.constant 0 : i32
    %dma_wait3A_30 = tpu.memref_slice %arg8[%dma_wait3A, %dma_wait3A_26, %dma_wait3A_27, %dma_wait3A_28, %dma_wait3A_29] : memref<2x4x4x8x128xf32, #tpu.memory_space<vmem>> -> memref<1x4x4x8x128xf32, #tpu.memory_space<vmem>>
    %dma_wait3A_31 = tpu.memref_squeeze %dma_wait3A_30 : memref<1x4x4x8x128xf32, #tpu.memory_space<vmem>> -> memref<4x4x8x128xf32, #tpu.memory_space<vmem>>
    %dma_wait3A_32 = arith.constant 0 : i32
    %dma_wait3A_33 = arith.constant 0 : i32
    %dma_wait3A_34 = arith.constant 0 : i32
    %dma_wait3A_35 = tpu.memref_slice %arg4[%dma_wait3A_25, %dma_wait3A_32, %mul3A_8, %dma_wait3A_33, %dma_wait3A_34] : memref<50x4x128x8x128xf32, #tpu.memory_space<hbm>> -> memref<1x4x4x8x128xf32, #tpu.memory_space<hbm>>
    %dma_wait3A_36 = tpu.memref_squeeze %dma_wait3A_35 : memref<1x4x4x8x128xf32, #tpu.memory_space<hbm>> -> memref<4x4x8x128xf32, #tpu.memory_space<hbm>>
    %dma_wait3A_37 = arith.constant 0 : i32
    %dma_wait3A_38 = arith.constant 0 : i32
    %dma_wait3A_39 = arith.constant 0 : i32
    %dma_wait3A_40 = tpu.memref_slice %arg4[%dma_wait3A_25, %dma_wait3A_37, %mul3A_8, %dma_wait3A_38, %dma_wait3A_39] : memref<50x4x128x8x128xf32, #tpu.memory_space<hbm>> -> memref<1x4x4x8x128xf32, #tpu.memory_space<hbm>>
    %dma_wait3A_41 = tpu.memref_squeeze %dma_wait3A_40 : memref<1x4x4x8x128xf32, #tpu.memory_space<hbm>> -> memref<4x4x8x128xf32, #tpu.memory_space<hbm>>
    %dma_wait3A_42 = arith.constant 0 : i32
    %dma_wait3A_43 = arith.constant 0 : i32
    %dma_wait3A_44 = arith.constant 0 : i32
    %dma_wait3A_45 = arith.constant 0 : i32
    %dma_wait3A_46 = tpu.memref_slice %arg8[%dma_wait3A, %dma_wait3A_42, %dma_wait3A_43, %dma_wait3A_44, %dma_wait3A_45] : memref<2x4x4x8x128xf32, #tpu.memory_space<vmem>> -> memref<1x4x4x8x128xf32, #tpu.memory_space<vmem>>
    %dma_wait3A_47 = tpu.memref_squeeze %dma_wait3A_46 : memref<1x4x4x8x128xf32, #tpu.memory_space<vmem>> -> memref<4x4x8x128xf32, #tpu.memory_space<vmem>>
    tpu.wait_dma2 semaphore(%arg11 : memref<!tpu.dma_semaphore, #tpu.memory_space<semaphore_mem>>) src(%dma_wait3A_47 : memref<4x4x8x128xf32, #tpu.memory_space<vmem>>) dst(%dma_wait3A_41 : memref<4x4x8x128xf32, #tpu.memory_space<hbm>>)
    %dma_wait3A_48 = arith.constant 1 : i32
    %dma_wait3A_49 = arith.constant 0 : i32
    %dma_wait3A_50 = arith.constant 0 : i32
    %dma_wait3A_51 = arith.constant 0 : i32
    %dma_wait3A_52 = arith.constant 0 : i32
    %dma_wait3A_53 = arith.constant 0 : i32
    %dma_wait3A_54 = tpu.memref_slice %arg8[%dma_wait3A_48, %dma_wait3A_50, %dma_wait3A_51, %dma_wait3A_52, %dma_wait3A_53] : memref<2x4x4x8x128xf32, #tpu.memory_space<vmem>> -> memref<1x4x4x8x128xf32, #tpu.memory_space<vmem>>
    %dma_wait3A_55 = tpu.memref_squeeze %dma_wait3A_54 : memref<1x4x4x8x128xf32, #tpu.memory_space<vmem>> -> memref<4x4x8x128xf32, #tpu.memory_space<vmem>>
    %dma_wait3A_56 = arith.constant 0 : i32
    %dma_wait3A_57 = arith.constant 0 : i32
    %dma_wait3A_58 = arith.constant 0 : i32
    %dma_wait3A_59 = tpu.memref_slice %arg4[%dma_wait3A_49, %dma_wait3A_56, %mul3A_8, %dma_wait3A_57, %dma_wait3A_58] : memref<50x4x128x8x128xf32, #tpu.memory_space<hbm>> -> memref<1x4x4x8x128xf32, #tpu.memory_space<hbm>>
    %dma_wait3A_60 = tpu.memref_squeeze %dma_wait3A_59 : memref<1x4x4x8x128xf32, #tpu.memory_space<hbm>> -> memref<4x4x8x128xf32, #tpu.memory_space<hbm>>
    %dma_wait3A_61 = arith.constant 0 : i32
    %dma_wait3A_62 = arith.constant 0 : i32
    %dma_wait3A_63 = arith.constant 0 : i32
    %dma_wait3A_64 = tpu.memref_slice %arg4[%dma_wait3A_49, %dma_wait3A_61, %mul3A_8, %dma_wait3A_62, %dma_wait3A_63] : memref<50x4x128x8x128xf32, #tpu.memory_space<hbm>> -> memref<1x4x4x8x128xf32, #tpu.memory_space<hbm>>
    %dma_wait3A_65 = tpu.memref_squeeze %dma_wait3A_64 : memref<1x4x4x8x128xf32, #tpu.memory_space<hbm>> -> memref<4x4x8x128xf32, #tpu.memory_space<hbm>>
    %dma_wait3A_66 = arith.constant 0 : i32
    %dma_wait3A_67 = arith.constant 0 : i32
    %dma_wait3A_68 = arith.constant 0 : i32
    %dma_wait3A_69 = arith.constant 0 : i32
    %dma_wait3A_70 = tpu.memref_slice %arg8[%dma_wait3A_48, %dma_wait3A_66, %dma_wait3A_67, %dma_wait3A_68, %dma_wait3A_69] : memref<2x4x4x8x128xf32, #tpu.memory_space<vmem>> -> memref<1x4x4x8x128xf32, #tpu.memory_space<vmem>>
    %dma_wait3A_71 = tpu.memref_squeeze %dma_wait3A_70 : memref<1x4x4x8x128xf32, #tpu.memory_space<vmem>> -> memref<4x4x8x128xf32, #tpu.memory_space<vmem>>
    tpu.wait_dma2 semaphore(%arg12 : memref<!tpu.dma_semaphore, #tpu.memory_space<semaphore_mem>>) src(%dma_wait3A_71 : memref<4x4x8x128xf32, #tpu.memory_space<vmem>>) dst(%dma_wait3A_65 : memref<4x4x8x128xf32, #tpu.memory_space<hbm>>)
    return
  }
}

</mosaic_0001>

<sc_bundles>
// kernel: kernel.3.cloned.1.call-start
scs
__scs_entry_jumppad:
0x0: {  	(pc) =	sbr.rel $0x88, $3  }
0x1: {  	(tag) =	ssettag $0x0;
	lr =	simm.s32 $0x1  }
0x2: {  	[smem:$0x3F9F] =	sst lr;
	_ =	strace $0xD0000000  }
0x3: {  	_ = 	snop  }
0x4: {  	_ = 	snop  }
0x5: {  	_ = 	snop  }
0x6: {  	_ = 	snop  }
0x7: {  	_ = 	snop  }
__scs_overlays_trampoline_lowered:
0x8: {  	[smem:$0x3FAE] =	sst s0  }
0x9: {  	[smem:$0x3FAF] =	sst s1  }
0xa: {  	[smem:$0x3FB0] =	sst s2  }
0xb: {  	[smem:$0x3FB1] =	sst s3  }
0xc: {  	[smem:$0x3FB2] =	sst s4  }
0xd: {  	[smem:$0x3FB3] =	sst s5  }
0xe: {  	[smem:$0x3FB4] =	sst s6  }
0xf: {  	[smem:$0x3FB5] =	sst s7  }
0x10: {  	[smem:$0x3FB6] =	sst s8  }
0x11: {  	[smem:$0x3FB7] =	sst s9;
	s0 =	simm.s32 @!p0 $0x0  }
0x12: {  	s1 =	sld [smem:$0x3F9D];
	s0 =	simm.s32 @p0 $0x1  }
0x13: {  	[smem:$0x3FB8] =	sst s0;
	s0 =	simm.s32 @!p1 $0x0  }
0x14: {  	s2 =	sld [smem:$0x3F9C];
	s0 =	simm.s32 @p1 $0x1  }
0x15: {  	[smem:$0x3FB9] =	sst s0;
	s0 =	simm.s32 @!p2 $0x0  }
0x16: {  	s3 =	sld [smem:$0x3FDB];
	s0 =	simm.s32 @p2 $0x1  }
0x17: {  	s4 =	simm.s32 $0x1BF5;
	[smem:$0x3FBB] =	sst s0  }
0x18: {  	s0 =	sld [smem:$0x3F9E];
	_ =	swait.ge [sflag:s4], $0x0  }
0x19: {  	s7 =	sld [smem:$0x3F9F]  }
0x1a: {  	s8 =	sadd.s32 $0xFFFFE003, lr  }
0x1b: {  	s9 =	sadd.s32 $0xFFFFFEF7, lr;
	s5 =	simm.s32 $0xFFFFFFFF;
	p2 =	slt.u32 s8, $0xFFFFF086  }
0x1c: {  	p1 =	slt.u32 s9, $0xF7A;
	s5 =	simm.s32 @!p2 $0x0  }
0x1d: {  	s5 =	simm.s32 @p1 $0x1;
	p0 =	seq.s32 s7, s2  }
0x1e: {  	s7 =	smul.u32 @!p0 $0xF7A, s2;
	p2 =	seq.s32 @!p0 s5, $0x0  }
0x1f: {  	s9 =	smul.u32 $0xF7A, s1;
	s8 =	simm.s32 @!p0 $0x1BF5;
	p2 =	por !p2, p0  }
0x20: {  	[sflag:s8] =	ssyncset.s32 @!p0 $0xFFFFF086;
	s6 =	sadd.s32 @!p0 s3, s7;
	s7 =	simm.s32 @!p0 $0x108  }
0x21: {  	s3 =	sadd.s32 s3, s9;
	s6 =	sadd.s32 @!p0 $0x88, s6;
	s7 =	simm.s32 @p2 $0x1082  }
0x22: {  	[simem:s7], [sflag:s8] =	dma.local @!p0 [hbm:s6], $0xF7A  }
0x23: {  	s9 =	sor.u32 $0xD0000000, s2;
	s6 =	simm.s32 $0x108;
	_ =	swait.ge @!p0 [sflag:s8], $0x0  }
0x24: {  	s3 =	sadd.s32 $0x88, s3;
	s6 =	simm.s32 @!p1 $0x1082;
	[sflag:s4] =	ssyncset.s32 $0xFFFFF086  }
0x25: {  	[simem:s6], [sflag:s4] =	dma.local [hbm:s3], $0xF7A  }
0x26: {  	[smem:$0x3F9F] =	sst s1;
	(tag) =	ssettag s2;
	_ =	strace s9  }
0x27: {  	s1 =	sld [smem:$0x3FAF]  }
0x28: {  	s2 =	sld [smem:$0x3FB0]  }
0x29: {  	s4 =	sld [smem:$0x3FB2]  }
0x2a: {  	p0 =	seq.s32 s5, $0x0;
	s5 =	sld [smem:$0x3FB3]  }
0x2b: {  	s6 =	sld [smem:$0x3FB4]  }
0x2c: {  	s7 =	sld [smem:$0x3FB5]  }
0x2d: {  	s3 =	simm.s32 $0x108;
	s8 =	sld [smem:$0x3FB6]  }
0x2e: {  	s3 =	simm.s32 @!p0 $0x1082;
	s9 =	sld [smem:$0x3FB7]  }
0x2f: {  	lr =	sadd.s32 s0, s3;
	s0 =	sld [smem:$0x3FAE]  }
0x30: {  	s3 =	sld [smem:$0x3FB1]  }
0x31: {  	[smem:$0x3FBA] =	sst s10  }
0x32: {  	s10 =	sld [smem:$0x3FB8];
	_ =	sdelay $0x3  }
0x33: {  	p0 =	seq.s32 s10, $0x1;
	s10 =	sld [smem:$0x3FBA];
	_ =	sdelay $0x3  }
0x34: {  	[smem:$0x3FBA] =	sst s10  }
0x35: {  	s10 =	sld [smem:$0x3FB9];
	_ =	sdelay $0x3  }
0x36: {  	p1 =	seq.s32 s10, $0x1;
	s10 =	sld [smem:$0x3FBA];
	_ =	sdelay $0x3  }
0x37: {  	[smem:$0x3FBA] =	sst s10  }
0x38: {  	s10 =	sld [smem:$0x3FBB]  }
0x39: {  	_ = 	snop;
	(pc) =	sbr.ind lr, $3  }
0x3a: {  	_ = 	snop  }
0x3b: {  	_ = 	snop  }
0x3c: {  	p2 =	seq.s32 s10, $0x1;
	s10 =	sld [smem:$0x3FBA]  }
0x3d: {  	_ =	shalt  }
0x3e: {  	_ =	shalt  }
0x3f: {  	_ =	shalt  }
0x40: {  	_ =	shalt  }
0x41: {  	_ =	shalt  }
0x42: {  	_ =	shalt  }
0x43: {  	_ =	shalt  }
0x44: {  	_ =	shalt  }
0x45: {  	_ =	shalt  }
0x46: {  	_ =	shalt  }
0x47: {  	_ =	shalt  }
0x48: {  	_ =	shalt  }
0x49: {  	_ =	shalt  }
0x4a: {  	_ =	shalt  }
0x4b: {  	_ =	shalt  }
0x4c: {  	_ =	shalt  }
0x4d: {  	_ =	shalt  }
0x4e: {  	_ =	shalt  }
0x4f: {  	_ =	shalt  }
0x50: {  	_ =	shalt  }
0x51: {  	_ =	shalt  }
0x52: {  	_ =	shalt  }
0x53: {  	_ =	shalt  }
0x54: {  	_ =	shalt  }
0x55: {  	_ =	shalt  }
0x56: {  	_ =	shalt  }
0x57: {  	_ =	shalt  }
0x58: {  	_ =	shalt  }
0x59: {  	_ =	shalt  }
0x5a: {  	_ =	shalt  }
0x5b: {  	_ =	shalt  }
0x5c: {  	_ =	shalt  }
0x5d: {  	_ =	shalt  }
0x5e: {  	_ =	shalt  }
0x5f: {  	_ =	shalt  }
0x60: {  	_ =	shalt  }
0x61: {  	_ =	shalt  }
0x62: {  	_ =	shalt  }
0x63: {  	_ =	shalt  }
0x64: {  	_ =	shalt  }
0x65: {  	_ =	shalt  }
0x66: {  	_ =	shalt  }
0x67: {  	_ =	shalt  }
0x68: {  	_ =	shalt  }
0x69: {  	_ =	shalt  }
0x6a: {  	_ =	shalt  }
0x6b: {  	_ =	shalt  }
0x6c: {  	_ =	shalt  }
0x6d: {  	_ =	shalt  }
0x6e: {  	_ =	shalt  }
0x6f: {  	_ =	shalt  }
0x70: {  	_ =	shalt  }
0x71: {  	_ =	shalt  }
0x72: {  	_ =	shalt  }
0x73: {  	_ =	shalt  }
0x74: {  	_ =	shalt  }
0x75: {  	_ =	shalt  }
0x76: {  	_ =	shalt  }
0x77: {  	_ =	shalt  }
0x78: {  	_ =	shalt  }
0x79: {  	_ =	shalt  }
0x7a: {  	_ =	shalt  }
0x7b: {  	_ =	shalt  }
0x7c: {  	_ =	shalt  }
0x7d: {  	_ =	shalt  }
0x7e: {  	_ =	shalt  }
0x7f: {  	_ =	shalt  }
0x80: {  	_ =	shalt  }
0x81: {  	_ =	shalt  }
0x82: {  	_ =	shalt  }
0x83: {  	_ =	shalt  }
0x84: {  	_ =	shalt  }
0x85: {  	_ =	shalt  }
0x86: {  	_ =	shalt  }
0x87: {  	_ =	shalt  }
.Lfunc_end0:
.L_simem_size_0:
called_computation_lowered:
.L_overlay_start_0:
0x88: {  	s2 =	sld [smem:$0x3FD9]  }
0x89: {  	s3 =	sld [smem:$0x3FFE];
	_ =	sdelay $0x1  }
0x8a: {  	s1 =	srdreg.scid  }
0x8b: {  	s0 =	sand.u32 $0x1, s1  }
0x8c: {  	s17 =	sshll.u32 s0, $0xA;
	s2 =	sadd.s32 s3, s2  }
0x8d: {  	s2 =	sadd.s32 s2, s17  }
0x8e: {  	[smem:$0x3FC6] =	sst s2  }
0x8f: {  	_ = 	snop  }
0x90: {  	s2 =	sld [smem:$0x3FD0];
	(tm) =	ssettm $0x1  }
0x91: {  	s18 =	sld [smem:$0x3FFB];
	_ =	sdelay $0x3  }
0x92: {  	_ =	strace s18  }
0x93: {  	s3 =	sld [smem:$0x3FFC];
	_ =	sdelay $0x3  }
0x94: {  	_ =	strace s3  }
0x95: {  	s3 =	sld [smem:$0x3FFD];
	_ =	sdelay $0x3  }
0x96: {  	_ =	strace s3  }
0x97: {  	_ =	strace $0x8FFFFFFF  }
0x98: {  	s19 =	sld [smem:$0x3FDB];
	_ =	sdelay $0x1  }
0x99: {  	s4 =	simm.s32 $_scs_section_size  }
0x9a: {  	s5 =	simm.s32 $_size__tile_overlayer_lowered;
	s6 =	simm.s32 $_tile_overlayer_lowered  }
0x9b: {  	s22 =	simm.s32 $0x1BFF;
	s21 =	sshll.u32 s6, $0x1;
	s3 =	sadd.s32 s4, s19  }
0x9c: {  	s7 =	simm.s32 $0x0;
	s20 =	sshll.u32 s5, $0x1;
	s5 =	sadd.s32 s21, s3  }
0x9d: {  	[timem:s7], [sflag:s22] =	dma.local [hbm:s5], s20  }
0x9e: {  	_ =	swait.ge [sflag:s22], s20  }
0x9f: {  	s4 =	ssub.s32 $0x0, s20;
	[sflag:s22] =	ssyncset.done $0x0  }
0xa0: {  	[sflag:s22] =	ssyncadd.s32 s4;
	_ =	sdelay $0x1  }
0xa1: {  	s23 =	simm.s32 $0x1B8B  }
0xa2: {  	_ =	swait.ge [sflag:s23], $0x1  }
0xa3: {  	[sflag:s23] =	ssyncset.done $0x0  }
0xa4: {  	s25 =	simm.s32 $0x1B8E;
	s24 =	sld [smem:$0x3FFE];
	[sflag:s23] =	ssyncadd.s32 $0xFFFFFFFF  }
0xa5: {  	s26 =	simm.s32 $execute0_lowered;
	[smem:$0x3FD2] =	sst s25  }
0xa6: {  	s5 =	sshll.u32 s26, $0x1;
	_ =	strace $0x80000046;
	[dreg:$0x1] =	wrdreg $0xFFFFFFFF  }
0xa7: {  	s28 =	simm.s32 $_size_execute0_lowered;
	s3 =	sadd.s32 s3, s5;
	[dreg:$0x0] =	wrdreg $0x0  }
0xa8: {  	s5 =	sshll.u32 s28, $0x1;
	[dreg:$0x2] =	wrdreg s3  }
0xa9: {  	[dreg:$0x3] =	wrdreg s5  }
0xaa: {  	[dreg:$0x4] =	wrdreg $0xC0  }
0xab: {  	_ =	task [dreg:s7], $0x5FFFF  }
0xac: {  	[dreg:$0x1] =	wrdreg $0xFFFFFFFF  }
0xad: {  	[dreg:$0x0] =	wrdreg $0x60  }
0xae: {  	[dreg:$0x2] =	wrdreg s24  }
0xaf: {  	[dreg:$0x3] =	wrdreg s2  }
0xb0: {  	[dreg:$0x4] =	wrdreg $0x9  }
0xb1: {  	_ =	task.clear_ibuf [dreg:s7], $0x5FFFF;
	_ =	strace $0x90000046  }
0xb2: {  	s29 =	simm.s32 $0x9;
	_ =	strace $0x80000048  }
0xb3: {  	_ =	swait.ge [sflag:s29], $0x1  }
0xb4: {  	[sflag:s29] =	ssyncadd.s32 $0xFFFFFFFF  }
0xb5: {  	_ =	strace $0x90000048  }
0xb6: {  	_ =	sfence  }
0xb7: {  	s30 =	sld [smem:$0x0];
	_ =	sdelay $0x2  }
0xb8: {  	s31 =	sshll.u32 s1, $0xD;
	s1 =	sshrl.u32 s1, $0x2  }
0xb9: {  	s3 =	sand.u32 $0x4000, s31;
	s1 =	sadd.s32 s1, s30  }
0xba: {  	s0 =	sor.u32 s3, s0;
	s1 =	sshll.u32 s1, $0x11  }
0xbb: {  	s0 =	sor.u32 s1, s0  }
0xbc: {  	s0 =	sadd.s32 $0x8F2B, s0  }
0xbd: {  	[sflag:s0] =	ssyncadd.remote.s32 $0x1  }
0xbe: {  	_ =	sfence.sel $0xFFFF  }
0xbf: {  	[dreg:$0x0] =	wrdreg $0xFFFFFFFF;
	(pc) =	sbr.abs _section_cstart, $3  }
0xc0: {  	[dreg:$0x1] =	wrdreg $0xFFFFFFFF  }
0xc1: {  	_ =	task.clear_ibuf [dreg:s7], $0x2FFFF;
	_ =	strace $0x9FFFFFFF  }
0xc2: {  	(tm) =	ssettm $0x7FFFFFFF  }
0xc3: {  	_ =	shalt  }
tec
execute0_lowered:
.L_overlay_start_1:
0x0: {  	(tag) =	ssettag $0x1  }
0x1: {  	v45 =	vlaneseq.u32;
	v0 =	vimm.s32 $0x1F1E1D;
	v1 =	vimm.s32 $0x32107654  }
0x2: {  	v2 =	vimm.s32 $0x1001F1E;
	v3 =	vimm.s32 $0x201001F;
	v4 =	vimm.s32 $0x6543A987  }
0x3: {  	vm0 =	vcmask $0x2F10;
	v5 =	vimm.s32 $0xC0B0A09;
	v6 =	vimm.s32 $0xD0C0B0A  }
0x4: {  	v7 =	vimm.s32 $0xE0D0C0B;
	v9 =	vimm.s32 $0x3007;
	v10 =	vimm.s32 $0x3087  }
0x5: {  	v12 =	vimm.s32 $0x3107;
	v13 =	vimm.s32 $0x3187;
	v14 =	vimm.s32 $0x3207  }
0x6: {  	v15 =	vimm.s32 $0x3287;
	v16 =	vimm.s32 $0x3307;
	v17 =	vimm.s32 $0x3387  }
0x7: {  	v18 =	vimm.s32 $0x7;
	v19 =	vimm.s32 $0x87;
	v20 =	vimm.s32 $0x107  }
0x8: {  	v21 =	vimm.s32 $0x187;
	v22 =	vimm.s32 $0x207;
	v23 =	vimm.s32 $0x287  }
0x9: {  	v24 =	vimm.s32 $0x307;
	v25 =	vimm.s32 $0x387;
	v26 =	vimm.s32 $0x1007  }
0xa: {  	v27 =	vimm.s32 $0x1087;
	v28 =	vimm.s32 $0x1107;
	v29 =	vimm.s32 $0x1187  }
0xb: {  	v30 =	vimm.s32 $0x1207;
	v31 =	vimm.s32 $0x1287;
	v32 =	vimm.s32 $0x1307  }
0xc: {  	v41 =	vmul.u32 $0x38, v45;
	v1 =	vunpack.c.l.s4.s8 v1;
	v52 =	vunpack.c.0.s8.s32 v0  }
0xd: {  	v53 =	vunpack.c.0.s8.s32 v2;
	v54 =	vunpack.c.0.s8.s32 v3;
	v0 =	vimm.s32 $0x1F1E1D1C  }
0xe: {  	v2 =	vimm.s32 $0x43218765;
	v3 =	vimm.s32 $0x54329876;
	v5 =	vunpack.c.0.s8.s32 v5  }
0xf: {  	v2 =	vunpack.c.l.s4.s8 v2;
	v56 =	vunpack.c.0.s8.s32 v0;
	v0 =	vunpack.c.l.s4.s8 v3  }
0x10: {  	v3 =	vunpack.c.l.s4.s8 v4;
	v4 =	vimm.s32 $0xB0A0908;
	v1 =	vunpack.c.0.s8.s32 v1  }
0x11: {  	v6 =	vunpack.c.0.s8.s32 v6;
	v4 =	vunpack.c.0.s8.s32 v4;
	v2 =	vunpack.c.0.s8.s32 v2  }
0x12: {  	v0 =	vunpack.c.0.s8.s32 v0;
	v3 =	vunpack.c.0.s8.s32 v3;
	v1 =	vand.u32 $0xF, v1  }
0x13: {  	v8 =	vadd.s32 $0x700, v41;
	v1 =	vsel vm0, v1, v56;
	v2 =	vand.u32 $0xF, v2  }
0x14: {  	v0 =	vand.u32 $0xF, v0;
	v3 =	vand.u32 $0xF, v3;
	v2 =	vsel vm0, v2, v52  }
0x15: {  	v0 =	vsel vm0, v0, v53;
	v3 =	vsel vm0, v3, v54;
	vm0 =	vcmask $0x3F30  }
0x16: {  	v7 =	vunpack.c.0.s8.s32 v7;
	[tilespmem:$0x1FB30] =	vst v8;
	v8 =	vimm.s32 $0x2387;
	v1 =	vsel vm0, v4, v1  }
0x17: {  	v0 =	vsel vm0, v6, v0;
	v4 =	vimm.s32 $0x2187;
	v6 =	vimm.s32 $0x2287;
	[tilespmem:$0x1FB40] =	vst v1  }
0x18: {  	v1 =	vsel vm0, v5, v2;
	[tilespmem:$0x1FB60] =	vst v0;
	v0 =	vsel vm0, v7, v3;
	vm0 =	vcmask $0x300  }
0x19: {  	v2 =	vimm.s32 $0x2087;
	v3 =	vimm.s32 $0x2107;
	v5 =	vimm.s32 $0x2207;
	[tilespmem:$0x1FB50] =	vst v1  }
0x1a: {  	v7 =	vimm.s32 $0x2307;
	[tilespmem:$0x1FB70] =	vst v0;
	v0 =	vimm.s32 $0x1387;
	v1 =	vimm.s32 $0x2007  }
0x1b: {  	v2 =	vsel vm0, $0x100, v2;
	v3 =	vsel vm0, $0x180, v3;
	v4 =	vsel vm0, $0x200, v4  }
0x1c: {  	v5 =	vsel vm0, $0x280, v5;
	v6 =	vsel vm0, $0x300, v6;
	v7 =	vsel vm0, $0x380, v7  }
0x1d: {  	v8 =	vsel vm0, $0x1000, v8;
	v9 =	vsel vm0, $0x1080, v9;
	v10 =	vsel vm0, $0x1100, v10  }
0x1e: {  	v12 =	vsel vm0, $0x1180, v12;
	v13 =	vsel vm0, $0x1200, v13;
	v14 =	vsel vm0, $0x1280, v14  }
0x1f: {  	v15 =	vsel vm0, $0x1300, v15;
	v16 =	vsel vm0, $0x1380, v16;
	v17 =	vsel vm0, $0x2000, v17  }
0x20: {  	v18 =	vsel vm0, $0x2080, v18;
	v19 =	vsel vm0, $0x2100, v19;
	v20 =	vsel vm0, $0x2180, v20  }
0x21: {  	v21 =	vsel vm0, $0x2200, v21;
	v22 =	vsel vm0, $0x2280, v22;
	v23 =	vsel vm0, $0x2300, v23  }
0x22: {  	v24 =	vsel vm0, $0x2380, v24;
	v25 =	vsel vm0, $0x3000, v25;
	v26 =	vsel vm0, $0x3080, v26  }
0x23: {  	v27 =	vsel vm0, $0x3100, v27;
	v28 =	vsel vm0, $0x3180, v28;
	v29 =	vsel vm0, $0x3200, v29  }
0x24: {  	v30 =	vsel vm0, $0x3280, v30;
	v31 =	vsel vm0, $0x3300, v31;
	v32 =	vsel vm0, $0x3380, v32  }
0x25: {  	v0 =	vsel vm0, $0x0, v0;
	v1 =	vsel vm0, $0x80, v1;
	vm0 =	vcmask $0x704  }
0x26: {  	v0 =	vsel vm0, $0x81, v0;
	v1 =	vsel vm0, $0x101, v1;
	v2 =	vsel vm0, $0x181, v2  }
0x27: {  	v3 =	vsel vm0, $0x201, v3;
	v4 =	vsel vm0, $0x281, v4;
	v5 =	vsel vm0, $0x301, v5  }
0x28: {  	v6 =	vsel vm0, $0x381, v6;
	v7 =	vsel vm0, $0x1001, v7;
	v8 =	vsel vm0, $0x1081, v8  }
0x29: {  	v9 =	vsel vm0, $0x1101, v9;
	v10 =	vsel vm0, $0x1181, v10;
	v12 =	vsel vm0, $0x1201, v12  }
0x2a: {  	v13 =	vsel vm0, $0x1281, v13;
	v14 =	vsel vm0, $0x1301, v14;
	v15 =	vsel vm0, $0x1381, v15  }
0x2b: {  	v16 =	vsel vm0, $0x2001, v16;
	v17 =	vsel vm0, $0x2081, v17;
	v18 =	vsel vm0, $0x2101, v18  }
0x2c: {  	v19 =	vsel vm0, $0x2181, v19;
	v20 =	vsel vm0, $0x2201, v20;
	v21 =	vsel vm0, $0x2281, v21  }
0x2d: {  	v22 =	vsel vm0, $0x2301, v22;
	v23 =	vsel vm0, $0x2381, v23;
	v24 =	vsel vm0, $0x3001, v24  }
0x2e: {  	v25 =	vsel vm0, $0x3081, v25;
	v26 =	vsel vm0, $0x3101, v26;
	v27 =	vsel vm0, $0x3181, v27  }
0x2f: {  	v28 =	vsel vm0, $0x3201, v28;
	v29 =	vsel vm0, $0x3281, v29;
	v30 =	vsel vm0, $0x3301, v30  }
0x30: {  	v31 =	vsel vm0, $0x3381, v31;
	v32 =	vsel vm0, $0x1, v32;
	vm0 =	vcmask $0xB08  }
0x31: {  	v0 =	vsel vm0, $0x102, v0;
	v1 =	vsel vm0, $0x182, v1;
	v2 =	vsel vm0, $0x202, v2  }
0x32: {  	v3 =	vsel vm0, $0x282, v3;
	v4 =	vsel vm0, $0x302, v4;
	v5 =	vsel vm0, $0x382, v5  }
0x33: {  	v6 =	vsel vm0, $0x1002, v6;
	v7 =	vsel vm0, $0x1082, v7;
	v8 =	vsel vm0, $0x1102, v8  }
0x34: {  	v9 =	vsel vm0, $0x1182, v9;
	v10 =	vsel vm0, $0x1202, v10;
	v12 =	vsel vm0, $0x1282, v12  }
0x35: {  	v13 =	vsel vm0, $0x1302, v13;
	v14 =	vsel vm0, $0x1382, v14;
	v15 =	vsel vm0, $0x2002, v15  }
0x36: {  	v16 =	vsel vm0, $0x2082, v16;
	v17 =	vsel vm0, $0x2102, v17;
	v18 =	vsel vm0, $0x2182, v18  }
0x37: {  	v19 =	vsel vm0, $0x2202, v19;
	v20 =	vsel vm0, $0x2282, v20;
	v21 =	vsel vm0, $0x2302, v21  }
0x38: {  	v22 =	vsel vm0, $0x2382, v22;
	v23 =	vsel vm0, $0x3002, v23;
	v24 =	vsel vm0, $0x3082, v24  }
0x39: {  	v25 =	vsel vm0, $0x3102, v25;
	v26 =	vsel vm0, $0x3182, v26;
	v27 =	vsel vm0, $0x3202, v27  }
0x3a: {  	v28 =	vsel vm0, $0x3282, v28;
	v29 =	vsel vm0, $0x3302, v29;
	v30 =	vsel vm0, $0x3382, v30  }
0x3b: {  	v31 =	vsel vm0, $0x2, v31;
	v32 =	vsel vm0, $0x82, v32;
	vm0 =	vcmask $0xF0C  }
0x3c: {  	v0 =	vsel vm0, $0x183, v0;
	v1 =	vsel vm0, $0x203, v1;
	v2 =	vsel vm0, $0x283, v2  }
0x3d: {  	v3 =	vsel vm0, $0x303, v3;
	v4 =	vsel vm0, $0x383, v4;
	v5 =	vsel vm0, $0x1003, v5  }
0x3e: {  	v6 =	vsel vm0, $0x1083, v6;
	v7 =	vsel vm0, $0x1103, v7;
	v8 =	vsel vm0, $0x1183, v8  }
0x3f: {  	v9 =	vsel vm0, $0x1203, v9;
	v10 =	vsel vm0, $0x1283, v10;
	v12 =	vsel vm0, $0x1303, v12  }
0x40: {  	v13 =	vsel vm0, $0x1383, v13;
	v14 =	vsel vm0, $0x2003, v14;
	v15 =	vsel vm0, $0x2083, v15  }
0x41: {  	v16 =	vsel vm0, $0x2103, v16;
	v17 =	vsel vm0, $0x2183, v17;
	v18 =	vsel vm0, $0x2203, v18  }
0x42: {  	v19 =	vsel vm0, $0x2283, v19;
	v20 =	vsel vm0, $0x2303, v20;
	v21 =	vsel vm0, $0x2383, v21  }
0x43: {  	v22 =	vsel vm0, $0x3003, v22;
	v23 =	vsel vm0, $0x3083, v23;
	v24 =	vsel vm0, $0x3103, v24  }
0x44: {  	v25 =	vsel vm0, $0x3183, v25;
	v26 =	vsel vm0, $0x3203, v26;
	v27 =	vsel vm0, $0x3283, v27  }
0x45: {  	v28 =	vsel vm0, $0x3303, v28;
	v29 =	vsel vm0, $0x3383, v29;
	v30 =	vsel vm0, $0x3, v30  }
0x46: {  	v31 =	vsel vm0, $0x83, v31;
	v32 =	vsel vm0, $0x103, v32;
	vm0 =	vcmask $0x1310  }
0x47: {  	v0 =	vsel vm0, $0x204, v0;
	v1 =	vsel vm0, $0x284, v1;
	v2 =	vsel vm0, $0x304, v2  }
0x48: {  	v3 =	vsel vm0, $0x384, v3;
	v4 =	vsel vm0, $0x1004, v4;
	v5 =	vsel vm0, $0x1084, v5  }
0x49: {  	v6 =	vsel vm0, $0x1104, v6;
	v7 =	vsel vm0, $0x1184, v7;
	v8 =	vsel vm0, $0x1204, v8  }
0x4a: {  	v9 =	vsel vm0, $0x1284, v9;
	v10 =	vsel vm0, $0x1304, v10;
	v12 =	vsel vm0, $0x1384, v12  }
0x4b: {  	v13 =	vsel vm0, $0x2004, v13;
	v14 =	vsel vm0, $0x2084, v14;
	v15 =	vsel vm0, $0x2104, v15  }
0x4c: {  	v16 =	vsel vm0, $0x2184, v16;
	v17 =	vsel vm0, $0x2204, v17;
	v18 =	vsel vm0, $0x2284, v18  }
0x4d: {  	v19 =	vsel vm0, $0x2304, v19;
	v20 =	vsel vm0, $0x2384, v20;
	v21 =	vsel vm0, $0x3004, v21  }
0x4e: {  	v22 =	vsel vm0, $0x3084, v22;
	v23 =	vsel vm0, $0x3104, v23;
	v24 =	vsel vm0, $0x3184, v24  }
0x4f: {  	v25 =	vsel vm0, $0x3204, v25;
	v26 =	vsel vm0, $0x3284, v26;
	v27 =	vsel vm0, $0x3304, v27  }
0x50: {  	v28 =	vsel vm0, $0x3384, v28;
	v29 =	vsel vm0, $0x4, v29;
	v30 =	vsel vm0, $0x84, v30  }
0x51: {  	v31 =	vsel vm0, $0x104, v31;
	v32 =	vsel vm0, $0x184, v32;
	vm0 =	vcmask $0x1714  }
0x52: {  	v0 =	vsel vm0, $0x285, v0;
	v1 =	vsel vm0, $0x305, v1;
	v2 =	vsel vm0, $0x385, v2  }
0x53: {  	v3 =	vsel vm0, $0x1005, v3;
	v4 =	vsel vm0, $0x1085, v4;
	v5 =	vsel vm0, $0x1105, v5  }
0x54: {  	v6 =	vsel vm0, $0x1185, v6;
	v7 =	vsel vm0, $0x1205, v7;
	v8 =	vsel vm0, $0x1285, v8  }
0x55: {  	v9 =	vsel vm0, $0x1305, v9;
	v10 =	vsel vm0, $0x1385, v10;
	v12 =	vsel vm0, $0x2005, v12  }
0x56: {  	v13 =	vsel vm0, $0x2085, v13;
	v14 =	vsel vm0, $0x2105, v14;
	v15 =	vsel vm0, $0x2185, v15  }
0x57: {  	v16 =	vsel vm0, $0x2205, v16;
	v17 =	vsel vm0, $0x2285, v17;
	v18 =	vsel vm0, $0x2305, v18  }
0x58: {  	v19 =	vsel vm0, $0x2385, v19;
	v20 =	vsel vm0, $0x3005, v20;
	v21 =	vsel vm0, $0x3085, v21  }
0x59: {  	v22 =	vsel vm0, $0x3105, v22;
	v23 =	vsel vm0, $0x3185, v23;
	v24 =	vsel vm0, $0x3205, v24  }
0x5a: {  	v25 =	vsel vm0, $0x3285, v25;
	v26 =	vsel vm0, $0x3305, v26;
	v27 =	vsel vm0, $0x3385, v27  }
0x5b: {  	v28 =	vsel vm0, $0x5, v28;
	v29 =	vsel vm0, $0x85, v29;
	v30 =	vsel vm0, $0x105, v30  }
0x5c: {  	v31 =	vsel vm0, $0x185, v31;
	v32 =	vsel vm0, $0x205, v32;
	vm0 =	vcmask $0x1B18  }
0x5d: {  	v0 =	vsel vm0, $0x306, v0;
	v1 =	vsel vm0, $0x386, v1;
	v2 =	vsel vm0, $0x1006, v2  }
0x5e: {  	v3 =	vsel vm0, $0x1086, v3;
	v4 =	vsel vm0, $0x1106, v4;
	v5 =	vsel vm0, $0x1186, v5  }
0x5f: {  	v6 =	vsel vm0, $0x1206, v6;
	v7 =	vsel vm0, $0x1286, v7;
	v8 =	vsel vm0, $0x1306, v8  }
0x60: {  	v9 =	vsel vm0, $0x1386, v9;
	v10 =	vsel vm0, $0x2006, v10;
	v12 =	vsel vm0, $0x2086, v12  }
0x61: {  	v13 =	vsel vm0, $0x2106, v13;
	v14 =	vsel vm0, $0x2186, v14;
	v15 =	vsel vm0, $0x2206, v15  }
0x62: {  	v16 =	vsel vm0, $0x2286, v16;
	v17 =	vsel vm0, $0x2306, v17;
	v18 =	vsel vm0, $0x2386, v18  }
0x63: {  	v19 =	vsel vm0, $0x3006, v19;
	v20 =	vsel vm0, $0x3086, v20;
	v21 =	vsel vm0, $0x3106, v21  }
0x64: {  	v22 =	vsel vm0, $0x3186, v22;
	v23 =	vsel vm0, $0x3206, v23;
	v24 =	vsel vm0, $0x3286, v24  }
0x65: {  	v25 =	vsel vm0, $0x3306, v25;
	v26 =	vsel vm0, $0x3386, v26;
	v27 =	vsel vm0, $0x6, v27  }
0x66: {  	v28 =	vsel vm0, $0x86, v28;
	v29 =	vsel vm0, $0x106, v29;
	v30 =	vsel vm0, $0x186, v30  }
0x67: {  	v31 =	vsel vm0, $0x206, v31;
	v32 =	vsel vm0, $0x286, v32;
	vm0 =	vcmask $0x1F1C  }
0x68: {  	v0 =	vsel vm0, $0x387, v0;
	v1 =	vsel vm0, $0x1007, v1;
	v2 =	vsel vm0, $0x1087, v2  }
0x69: {  	v3 =	vsel vm0, $0x1107, v3;
	v4 =	vsel vm0, $0x1187, v4;
	v5 =	vsel vm0, $0x1207, v5  }
0x6a: {  	v6 =	vsel vm0, $0x1287, v6;
	v7 =	vsel vm0, $0x1307, v7;
	v8 =	vsel vm0, $0x1387, v8  }
0x6b: {  	v9 =	vsel vm0, $0x2007, v9;
	v10 =	vsel vm0, $0x2087, v10;
	v12 =	vsel vm0, $0x2107, v12  }
0x6c: {  	v13 =	vsel vm0, $0x2187, v13;
	v14 =	vsel vm0, $0x2207, v14;
	v15 =	vsel vm0, $0x2287, v15  }
0x6d: {  	v16 =	vsel vm0, $0x2307, v16;
	v17 =	vsel vm0, $0x2387, v17;
	v18 =	vsel vm0, $0x3007, v18  }
0x6e: {  	v19 =	vsel vm0, $0x3087, v19;
	v20 =	vsel vm0, $0x3107, v20;
	v21 =	vsel vm0, $0x3187, v21  }
0x6f: {  	v22 =	vsel vm0, $0x3207, v22;
	v23 =	vsel vm0, $0x3287, v23;
	v24 =	vsel vm0, $0x3307, v24  }
0x70: {  	v25 =	vsel vm0, $0x3387, v25;
	v26 =	vsel vm0, $0x7, v26;
	v27 =	vsel vm0, $0x87, v27  }
0x71: {  	v28 =	vsel vm0, $0x107, v28;
	v29 =	vsel vm0, $0x187, v29;
	v30 =	vsel vm0, $0x207, v30  }
0x72: {  	v31 =	vsel vm0, $0x287, v31;
	v32 =	vsel vm0, $0x307, v32;
	vm0 =	vcmask $0x2320  }
0x73: {  	v0 =	vsel vm0, $0x1000, v0;
	v1 =	vsel vm0, $0x1080, v1;
	v2 =	vsel vm0, $0x1100, v2  }
0x74: {  	v3 =	vsel vm0, $0x1180, v3;
	v4 =	vsel vm0, $0x1200, v4;
	v5 =	vsel vm0, $0x1280, v5  }
0x75: {  	v6 =	vsel vm0, $0x1300, v6;
	v7 =	vsel vm0, $0x1380, v7;
	v8 =	vsel vm0, $0x2000, v8  }
0x76: {  	v9 =	vsel vm0, $0x2080, v9;
	v10 =	vsel vm0, $0x2100, v10;
	v12 =	vsel vm0, $0x2180, v12  }
0x77: {  	v13 =	vsel vm0, $0x2200, v13;
	v14 =	vsel vm0, $0x2280, v14;
	v15 =	vsel vm0, $0x2300, v15  }
0x78: {  	v16 =	vsel vm0, $0x2380, v16;
	v17 =	vsel vm0, $0x3000, v17;
	v18 =	vsel vm0, $0x3080, v18  }
0x79: {  	v19 =	vsel vm0, $0x3100, v19;
	v20 =	vsel vm0, $0x3180, v20;
	v21 =	vsel vm0, $0x3200, v21  }
0x7a: {  	v22 =	vsel vm0, $0x3280, v22;
	v23 =	vsel vm0, $0x3300, v23;
	v24 =	vsel vm0, $0x3380, v24  }
0x7b: {  	v25 =	vsel vm0, $0x0, v25;
	v26 =	vsel vm0, $0x80, v26;
	v27 =	vsel vm0, $0x100, v27  }
0x7c: {  	v28 =	vsel vm0, $0x180, v28;
	v29 =	vsel vm0, $0x200, v29;
	v30 =	vsel vm0, $0x280, v30  }
0x7d: {  	v31 =	vsel vm0, $0x300, v31;
	v32 =	vsel vm0, $0x380, v32;
	vm0 =	vcmask $0x2724  }
0x7e: {  	v0 =	vsel vm0, $0x1081, v0;
	v1 =	vsel vm0, $0x1101, v1;
	v2 =	vsel vm0, $0x1181, v2  }
0x7f: {  	v3 =	vsel vm0, $0x1201, v3;
	v4 =	vsel vm0, $0x1281, v4;
	v5 =	vsel vm0, $0x1301, v5  }
0x80: {  	v6 =	vsel vm0, $0x1381, v6;
	v7 =	vsel vm0, $0x2001, v7;
	v8 =	vsel vm0, $0x2081, v8  }
0x81: {  	v9 =	vsel vm0, $0x2101, v9;
	v10 =	vsel vm0, $0x2181, v10;
	v12 =	vsel vm0, $0x2201, v12  }
0x82: {  	v13 =	vsel vm0, $0x2281, v13;
	v14 =	vsel vm0, $0x2301, v14;
	v15 =	vsel vm0, $0x2381, v15  }
0x83: {  	v16 =	vsel vm0, $0x3001, v16;
	v17 =	vsel vm0, $0x3081, v17;
	v18 =	vsel vm0, $0x3101, v18  }
0x84: {  	v19 =	vsel vm0, $0x3181, v19;
	v20 =	vsel vm0, $0x3201, v20;
	v21 =	vsel vm0, $0x3281, v21  }
0x85: {  	v22 =	vsel vm0, $0x3301, v22;
	v23 =	vsel vm0, $0x3381, v23;
	v24 =	vsel vm0, $0x1, v24  }
0x86: {  	v25 =	vsel vm0, $0x81, v25;
	v26 =	vsel vm0, $0x101, v26;
	v27 =	vsel vm0, $0x181, v27  }
0x87: {  	v28 =	vsel vm0, $0x201, v28;
	v29 =	vsel vm0, $0x281, v29;
	v30 =	vsel vm0, $0x301, v30  }
0x88: {  	v31 =	vsel vm0, $0x381, v31;
	v32 =	vsel vm0, $0x1001, v32;
	vm0 =	vcmask $0x2B28  }
0x89: {  	v0 =	vsel vm0, $0x1102, v0;
	v1 =	vsel vm0, $0x1182, v1;
	v2 =	vsel vm0, $0x1202, v2  }
0x8a: {  	v3 =	vsel vm0, $0x1282, v3;
	v4 =	vsel vm0, $0x1302, v4;
	v5 =	vsel vm0, $0x1382, v5  }
0x8b: {  	v6 =	vsel vm0, $0x2002, v6;
	v7 =	vsel vm0, $0x2082, v7;
	v8 =	vsel vm0, $0x2102, v8  }
0x8c: {  	v9 =	vsel vm0, $0x2182, v9;
	v10 =	vsel vm0, $0x2202, v10;
	v12 =	vsel vm0, $0x2282, v12  }
0x8d: {  	v13 =	vsel vm0, $0x2302, v13;
	v14 =	vsel vm0, $0x2382, v14;
	v15 =	vsel vm0, $0x3002, v15  }
0x8e: {  	v16 =	vsel vm0, $0x3082, v16;
	v17 =	vsel vm0, $0x3102, v17;
	v18 =	vsel vm0, $0x3182, v18  }
0x8f: {  	v19 =	vsel vm0, $0x3202, v19;
	v20 =	vsel vm0, $0x3282, v20;
	v21 =	vsel vm0, $0x3302, v21  }
0x90: {  	v22 =	vsel vm0, $0x3382, v22;
	v23 =	vsel vm0, $0x2, v23;
	v24 =	vsel vm0, $0x82, v24  }
0x91: {  	v25 =	vsel vm0, $0x102, v25;
	v26 =	vsel vm0, $0x182, v26;
	v27 =	vsel vm0, $0x202, v27  }
0x92: {  	v28 =	vsel vm0, $0x282, v28;
	v29 =	vsel vm0, $0x302, v29;
	v30 =	vsel vm0, $0x382, v30  }
0x93: {  	v31 =	vsel vm0, $0x1002, v31;
	v32 =	vsel vm0, $0x1082, v32;
	vm0 =	vcmask $0x2F2C  }
0x94: {  	v0 =	vsel vm0, $0x1183, v0;
	v1 =	vsel vm0, $0x1203, v1;
	v2 =	vsel vm0, $0x1283, v2  }
0x95: {  	v3 =	vsel vm0, $0x1303, v3;
	v4 =	vsel vm0, $0x1383, v4;
	v5 =	vsel vm0, $0x2003, v5  }
0x96: {  	v6 =	vsel vm0, $0x2083, v6;
	v7 =	vsel vm0, $0x2103, v7;
	v8 =	vsel vm0, $0x2183, v8  }
0x97: {  	v9 =	vsel vm0, $0x2203, v9;
	v10 =	vsel vm0, $0x2283, v10;
	v12 =	vsel vm0, $0x2303, v12  }
0x98: {  	v13 =	vsel vm0, $0x2383, v13;
	v14 =	vsel vm0, $0x3003, v14;
	v15 =	vsel vm0, $0x3083, v15  }
0x99: {  	v16 =	vsel vm0, $0x3103, v16;
	v17 =	vsel vm0, $0x3183, v17;
	v18 =	vsel vm0, $0x3203, v18  }
0x9a: {  	v19 =	vsel vm0, $0x3283, v19;
	v20 =	vsel vm0, $0x3303, v20;
	v21 =	vsel vm0, $0x3383, v21  }
0x9b: {  	v22 =	vsel vm0, $0x3, v22;
	v23 =	vsel vm0, $0x83, v23;
	v24 =	vsel vm0, $0x103, v24  }
0x9c: {  	v25 =	vsel vm0, $0x183, v25;
	v26 =	vsel vm0, $0x203, v26;
	v27 =	vsel vm0, $0x283, v27  }
0x9d: {  	v28 =	vsel vm0, $0x303, v28;
	v29 =	vsel vm0, $0x383, v29;
	v30 =	vsel vm0, $0x1003, v30  }
0x9e: {  	v31 =	vsel vm0, $0x1083, v31;
	v32 =	vsel vm0, $0x1103, v32;
	vm0 =	vcmask $0x3330  }
0x9f: {  	v0 =	vsel vm0, $0x1204, v0;
	v1 =	vsel vm0, $0x1284, v1;
	v2 =	vsel vm0, $0x1304, v2  }
0xa0: {  	v3 =	vsel vm0, $0x1384, v3;
	v4 =	vsel vm0, $0x2004, v4;
	v5 =	vsel vm0, $0x2084, v5  }
0xa1: {  	v6 =	vsel vm0, $0x2104, v6;
	v7 =	vsel vm0, $0x2184, v7;
	v8 =	vsel vm0, $0x2204, v8  }
0xa2: {  	v9 =	vsel vm0, $0x2284, v9;
	v10 =	vsel vm0, $0x2304, v10;
	v12 =	vsel vm0, $0x2384, v12  }
0xa3: {  	v13 =	vsel vm0, $0x3004, v13;
	v14 =	vsel vm0, $0x3084, v14;
	v15 =	vsel vm0, $0x3104, v15  }
0xa4: {  	v16 =	vsel vm0, $0x3184, v16;
	v17 =	vsel vm0, $0x3204, v17;
	v18 =	vsel vm0, $0x3284, v18  }
0xa5: {  	v19 =	vsel vm0, $0x3304, v19;
	v20 =	vsel vm0, $0x3384, v20;
	v21 =	vsel vm0, $0x4, v21  }
0xa6: {  	v22 =	vsel vm0, $0x84, v22;
	v23 =	vsel vm0, $0x104, v23;
	v24 =	vsel vm0, $0x184, v24  }
0xa7: {  	v25 =	vsel vm0, $0x204, v25;
	v26 =	vsel vm0, $0x284, v26;
	v27 =	vsel vm0, $0x304, v27  }
0xa8: {  	v28 =	vsel vm0, $0x384, v28;
	v29 =	vsel vm0, $0x1004, v29;
	v30 =	vsel vm0, $0x1084, v30  }
0xa9: {  	v31 =	vsel vm0, $0x1104, v31;
	v32 =	vsel vm0, $0x1184, v32;
	vm0 =	vcmask $0x3734  }
0xaa: {  	v0 =	vsel vm0, $0x1285, v0;
	v1 =	vsel vm0, $0x1305, v1;
	v2 =	vsel vm0, $0x1385, v2  }
0xab: {  	v3 =	vsel vm0, $0x2005, v3;
	v4 =	vsel vm0, $0x2085, v4;
	v5 =	vsel vm0, $0x2105, v5  }
0xac: {  	v6 =	vsel vm0, $0x2185, v6;
	v7 =	vsel vm0, $0x2205, v7;
	v8 =	vsel vm0, $0x2285, v8  }
0xad: {  	v9 =	vsel vm0, $0x2305, v9;
	v10 =	vsel vm0, $0x2385, v10;
	v12 =	vsel vm0, $0x3005, v12  }
0xae: {  	v33 =	vsel vm0, $0x3085, v13;
	v34 =	vsel vm0, $0x3105, v14;
	v35 =	vsel vm0, $0x3185, v15  }
0xaf: {  	v36 =	vsel vm0, $0x3205, v16;
	v37 =	vsel vm0, $0x3285, v17;
	v38 =	vsel vm0, $0x3305, v18  }
0xb0: {  	v39 =	vsel vm0, $0x3385, v19;
	v40 =	vsel vm0, $0x5, v20;
	v13 =	vsel vm0, $0x85, v21  }
0xb1: {  	v42 =	vsel vm0, $0x105, v22;
	v43 =	vsel vm0, $0x185, v23;
	v44 =	vsel vm0, $0x205, v24  }
0xb2: {  	v11 =	vsel vm0, $0x285, v25;
	v46 =	vsel vm0, $0x305, v26;
	v47 =	vsel vm0, $0x385, v27  }
0xb3: {  	v48 =	vsel vm0, $0x1005, v28;
	v49 =	vsel vm0, $0x1085, v29;
	v30 =	vsel vm0, $0x1105, v30  }
0xb4: {  	v50 =	vsel vm0, $0x1185, v31;
	v51 =	vsel vm0, $0x1205, v32;
	vm0 =	vcmask $0x3B38  }
0xb5: {  	v0 =	vsel vm0, $0x1306, v0  }
0xb6: {  	v25 =	vsel vm0, $0x2286, v7;
	v26 =	vsel vm0, $0x2306, v8;
	v27 =	vsel vm0, $0x2386, v9  }
0xb7: {  	v28 =	vsel vm0, $0x3006, v10;
	v29 =	vsel vm0, $0x3086, v12;
	v31 =	vsel vm0, $0x3106, v33  }
0xb8: {  	v32 =	vsel vm0, $0x3186, v34;
	v33 =	vsel vm0, $0x3206, v35;
	v34 =	vsel vm0, $0x3286, v36  }
0xb9: {  	v35 =	vsel vm0, $0x3306, v37;
	v36 =	vsel vm0, $0x3386, v38;
	[tilespmem:$0x1FB80] =	vst v0;
	v0 =	vsel vm0, $0x1386, v1  }
0xba: {  	v37 =	vsel vm0, $0x6, v39;
	v38 =	vsel vm0, $0x86, v40;
	[tilespmem:$0x1FB90] =	vst v0;
	v0 =	vsel vm0, $0x2006, v2  }
0xbb: {  	v39 =	vsel vm0, $0x106, v13;
	v40 =	vsel vm0, $0x186, v42;
	[tilespmem:$0x1FBA0] =	vst v0;
	v0 =	vsel vm0, $0x2086, v3  }
0xbc: {  	v42 =	vsel vm0, $0x286, v44;
	v44 =	vsel vm0, $0x386, v46;
	[tilespmem:$0x1FBB0] =	vst v0;
	v0 =	vsel vm0, $0x2106, v4  }
0xbd: {  	v7 =	vsel vm0, $0x1006, v47;
	v12 =	vsel vm0, $0x1086, v48;
	[tilespmem:$0x1FBC0] =	vst v0;
	v0 =	vsel vm0, $0x2186, v5  }
0xbe: {  	v9 =	vsel vm0, $0x1106, v49;
	v1 =	vimm.s32 $0x18171615;
	[tilespmem:$0x1FBD0] =	vst v0;
	v0 =	vsel vm0, $0x2206, v6  }
0xbf: {  	v55 =	vsel vm0, $0x1206, v50;
	v3 =	vunpack.c.0.s8.s32 v1;
	[tilespmem:$0x1FBE0] =	vst v0;
	v0 =	vimm.s32 $0x14131211  }
0xc0: {  	v4 =	vsel vm0, $0x1186, v30;
	v30 =	vsel vm0, $0x1286, v51;
	v0 =	vunpack.c.0.s8.s32 v0  }
0xc1: {  	v6 =	vsel vm0, $0x206, v43;
	v43 =	vsel vm0, $0x306, v11;
	vm0 =	vcmask $0x1F10  }
0xc2: {  	v2 =	vimm.s32 $0x19181716;
	v0 =	vsel vm0, v3, v0  }
0xc3: {  	v1 =	vimm.s32 $0x15141312;
	[tilespmem:$0x1FC10] =	vst v0;
	v0 =	vimm.s32 $0x1C1B1A19  }
0xc4: {  	v2 =	vunpack.c.0.s8.s32 v2;
	v1 =	vunpack.c.0.s8.s32 v1;
	v0 =	vunpack.c.0.s8.s32 v0;
	_ =	sdelay $0x1  }
0xc5: {  	[tilespmem:$0x1FC20] =	vst v0;
	v0 =	vsel vm0, v2, v1  }
0xc6: {  	[tilespmem:$0x1FC40] =	vst v0;
	v0 =	vimm.s32 $0x1D1C1B1A  }
0xc7: {  	v0 =	vunpack.c.0.s8.s32 v0;
	_ =	sdelay $0x1  }
0xc8: {  	v1 =	vimm.s32 $0x1A191817;
	[tilespmem:$0x1FC50] =	vst v0;
	v0 =	vimm.s32 $0x16151413  }
0xc9: {  	[tilespmem:$0x1FBF0] =	vst v4;
	v4 =	vunpack.c.0.s8.s32 v1;
	v0 =	vunpack.c.0.s8.s32 v0  }
0xca: {  	[tilespmem:$0x1FCB0] =	vst v52  }
0xcb: {  	[tilespmem:$0x1FC00] =	vst v3;
	v3 =	vimm.s32 $0x1B1A1918;
	v0 =	vsel vm0, v4, v0  }
0xcc: {  	v1 =	vimm.s32 $0x3020100;
	[tilespmem:$0x1FC70] =	vst v0;
	v0 =	vimm.s32 $0x1E1D1C1B  }
0xcd: {  	[tilespmem:$0x1FC30] =	vst v2;
	v2 =	vimm.s32 $0x17161514;
	v1 =	vunpack.c.0.s8.s32 v1;
	v0 =	vunpack.c.0.s8.s32 v0  }
0xce: {  	v5 =	vunpack.c.0.s8.s32 v3;
	v3 =	vimm.s32 $0x4030201;
	v2 =	vunpack.c.0.s8.s32 v2;
	[tilespmem:$0x1FC60] =	vst v4  }
0xcf: {  	v3 =	vunpack.c.0.s8.s32 v3;
	v4 =	vimm.s32 $0xA9876543;
	[tilespmem:$0x1FC80] =	vst v0;
	v0 =	vsel vm0, v1, v56  }
0xd0: {  	[tilespmem:$0x1FCA0] =	vst v5;
	v1 =	vsel vm0, v5, v2;
	v2 =	vimm.s32 $0x87654321;
	v5 =	vimm.s32 $0x76543210  }
0xd1: {  	[tilespmem:$0x1FCD0] =	vst v53;
	v46 =	vcombine.low v1, v0;
	v0 =	vsel vm0, v3, v52;
	v1 =	vimm.s32 $0x6050403  }
0xd2: {  	v2 =	vunpack.c.l.s4.s8 v2;
	[tilespmem:$0x1FCC0] =	vst v0;
	v0 =	vimm.s32 $0x5040302;
	v1 =	vunpack.c.0.s8.s32 v1  }
0xd3: {  	[tilespmem:$0x1FCF0] =	vst v54;
	v3 =	vimm.s32 $0x98765432;
	v5 =	vunpack.c.l.s4.s8 v5;
	v0 =	vunpack.c.0.s8.s32 v0  }
0xd4: {  	[tilespmem:$0x1FC90] =	vst v56;
	v4 =	vunpack.c.l.s4.s8 v4;
	v3 =	vunpack.c.l.s4.s8 v3;
	v1 =	vsel vm0, v1, v54  }
0xd5: {  	v2 =	vunpack.c.0.s8.s32 v2;
	v0 =	vsel vm0, v0, v53;
	[tilespmem:$0x1FD00] =	vst v1;
	v1 =	vunpack.c.0.s8.s32 v5  }
0xd6: {  	[tilespmem:$0x1FCE0] =	vst v0;
	v0 =	vunpack.c.0.s8.s32 v3  }
0xd7: {  	v3 =	vunpack.c.0.s8.s32 v4;
	[tilespmem:$0x1FD10] =	vst v1;
	v1 =	vand.u32 $0xF, v2  }
0xd8: {  	[tilespmem:$0x1FD20] =	vst v1;
	v0 =	vand.u32 $0xF, v0  }
0xd9: {  	[tilespmem:$0x1FD30] =	vst v0;
	v0 =	vand.u32 $0xF, v3  }
0xda: {  	[tilespmem:$0x1FD40] =	vst v0;
	v0 =	vadd.s32 $0x4D00, v41  }
0xdb: {  	[tilespmem:$0x1FD50] =	vst v0;
	v0 =	vadd.s32 $0x5080, v41  }
0xdc: {  	[tilespmem:$0x1FD60] =	vst v0;
	v0 =	vor.u32 $0x5400, v41  }
0xdd: {  	s4 =	rddreg [dreg:$0x0];
	[tilespmem:$0x1FD70] =	vst v0;
	v0 =	vadd.s32 $0x5780, v41  }
0xde: {  	s2 =	rddreg [dreg:$0x1];
	s3 =	simm.s32 $0x0;
	[tilespmem:$0x1FD80] =	vst v0;
	v0 =	vadd.s32 $0x5B00, v41  }
0xdf: {  	s1 =	srdreg.scid;
	[smem:$0x7FF] =	sst s3;
	[tilespmem:$0x1FD90] =	vst v0;
	v0 =	vadd.s32 $0x6200, v41  }
0xe0: {  	s5 =	sand.u32 $0x1, s1;
	s1 =	rddreg [dreg:$0x2];
	_ =	strace $0x80000047;
	[tilespmem:$0x1FDA0] =	vst v0  }
0xe1: {  	v63 =	vadd.s32 $0x380, v41;
	[tilespmem:$0x1FE20] =	vst v41  }
0xe2: {  	v14 =	vadd.s32 $0xA80, v41;
	[tilespmem:$0x1FE30] =	vst v63  }
0xe3: {  	v8 =	vadd.s32 $0xE00, v41;
	[tilespmem:$0x1FE40] =	vst v14  }
0xe4: {  	v3 =	vadd.s32 $0x1180, v41;
	[tilespmem:$0x1FE50] =	vst v8  }
0xe5: {  	v4 =	vadd.s32 $0x1500, v41;
	[tilespmem:$0x1FE60] =	vst v3  }
0xe6: {  	v5 =	vadd.s32 $0x1880, v41;
	[tilespmem:$0x1FE70] =	vst v4  }
0xe7: {  	v15 =	vor.u32 $0x1C00, v41;
	[tilespmem:$0x1FE80] =	vst v5  }
0xe8: {  	v16 =	vadd.s32 $0x1F80, v41;
	[tilespmem:$0x1FE90] =	vst v15  }
0xe9: {  	v17 =	vadd.s32 $0x2300, v41;
	[tilespmem:$0x1FEA0] =	vst v16  }
0xea: {  	v18 =	vadd.s32 $0x2680, v41;
	[tilespmem:$0x1FEB0] =	vst v17  }
0xeb: {  	v19 =	vadd.s32 $0x2A00, v41;
	[tilespmem:$0x1FEC0] =	vst v18  }
0xec: {  	v20 =	vadd.s32 $0x2D80, v41;
	[tilespmem:$0x1FED0] =	vst v19  }
0xed: {  	v21 =	vadd.s32 $0x3100, v41;
	[tilespmem:$0x1FEE0] =	vst v20  }
0xee: {  	v22 =	vadd.s32 $0x3480, v41;
	[tilespmem:$0x1FEF0] =	vst v21  }
0xef: {  	v23 =	vor.u32 $0x3800, v41;
	[tilespmem:$0x1FF00] =	vst v22  }
0xf0: {  	v24 =	vadd.s32 $0x3B80, v41;
	[tilespmem:$0x1FF10] =	vst v23  }
0xf1: {  	v47 =	vadd.s32 $0x3F00, v41;
	[tilespmem:$0x1FF20] =	vst v24  }
0xf2: {  	v49 =	vadd.s32 $0x4280, v41;
	[tilespmem:$0x1FF30] =	vst v47  }
0xf3: {  	v51 =	vadd.s32 $0x4600, v41;
	[tilespmem:$0x1FF40] =	vst v49  }
0xf4: {  	v56 =	vadd.s32 $0x4980, v41;
	[tilespmem:$0x1FF50] =	vst v51  }
0xf5: {  	v48 =	vadd.s32 $0x5E80, v41;
	[tilespmem:$0x1FF60] =	vst v56  }
0xf6: {  	v1 =	vadd.s32 $0xC, v45;
	[tilespmem:$0x1FF70] =	vst v48  }
0xf7: {  	v11 =	vadd.s32 $0xD, v45;
	[tilespmem:$0x1FF80] =	vst v1  }
0xf8: {  	[tilespmem:$0x1FF90] =	vst v11  }
0xf9: {  	[tilespmem:$0x1FFA0] =	vst v6  }
0xfa: {  	[tilespmem:$0x1FFB0] =	vst v44  }
0xfb: {  	[tilespmem:$0x1FFC0] =	vst v9  }
0xfc: {  	[tilespmem:$0x1FFD0] =	vst v7  }
0xfd: {  	s0 =	stileid.u32;
	[tilespmem:$0x1FFE0] =	vst v12  }
0xfe: {  	s9 =	simm.s32 $0x200;
	s10 =	simm.s32 $0x7000;
	s11 =	simm.s32 $0xD400;
	v0 =	vadd.s32 $0x6580, v41;
	[tilespmem:$0x1FFF0] =	vst v55  }
0xff: {  	s12 =	simm.s32 $0x15400;
	s13 =	simm.s32 $0x1000;
	s14 =	simm.s32 $0x20000;
	[tilespmem:$0x1FDB0] =	vst v0;
	v0 =	vadd.s32 $0x6900, v41  }
0x100: {  	s15 =	simm.s32 $0x2;
	s16 =	simm.s32 $0x11400;
	s31 =	sshll.u32 s0, $0x1;
	[tilespmem:$0x1FDC0] =	vst v0;
	v0 =	vadd.s32 $0x6C80, v41  }
0x101: {  	s17 =	simm.s32 $0x19400;
	s18 =	simm.s32 $0x3;
	v57 =	vadd.s32 $0x3, v45;
	s6 =	sor.u32 s5, s31;
	[tilespmem:$0x1FDD0] =	vst v0;
	v0 =	vadd.s32 $0x1, v45  }
0x102: {  	s19 =	simm.s32 $0x4;
	v60 =	vadd.s32 $0x4, v45;
	v61 =	vadd.s32 $0x5, v45;
	s5 =	ssub.s32 $0x2, s5;
	s7 =	smul.u32 $0xE00, s6;
	[tilespmem:$0x1FDE0] =	vst v0;
	v0 =	vadd.s32 $0xE, v45  }
0x103: {  	s20 =	simm.s32 $0x0;
	v58 =	vadd.s32 $0x9, v45;
	v59 =	vadd.s32 $0xA, v45;
	s8 =	sshrl.u32 s5, $0x1;
	s6 =	sshll.u32 s6, $0xC;
	[tilespmem:$0x1FDF0] =	vst v0;
	v0 =	vadd.s32 $0xF, v45  }
0x104: {  	v62 =	vadd.s32 $0xB, v45;
	s8 =	ssub.s32 s5, s8;
	s7 =	sadd.s32 s7, s4;
	s4 =	sadd.s32 $0xF42A00, s4;
	v50 =	vadd.s32 $0x6, v45;
	[tilespmem:$0x1FE00] =	vst v0;
	v0 =	vor.u32 $0x10, v45  }
0x105: {  	s5 =	sadd.s32 $0x600, s7;
	s7 =	smax.u32 s8, $0x1;
	s8 =	simm.s32 $0x5;
	v52 =	vadd.s32 $0x7, v45;
	v54 =	vadd.s32 $0x2, v45;
	v53 =	vadd.s32 $0x8, v45;
	[tilespmem:$0x1FE10] =	vst v0  }
.LBB2_1:
0x106: {  	v0 =	vmov s3  }
0x107: {  	v0 =	vand.u32 $0x3F, v0  }
0x108: {  	v1 =	vadd.s32 v41, v0  }
0x109: {  	[tilespmem:s3], [sflag:$0x5] =	stream.linear.gather [hbm4b:s5+s3], $0x7000, $0x38;
	[tilespmem:$0x1D400] =	vst v63  }
0x10a: {  	_ =	swait.ge [sflag:s8], $0x7000  }
0x10b: {  	[sflag:s8] =	ssyncset.done $0x0  }
0x10c: {  	[sflag:s8] =	ssyncadd.s32 $0xFFFF9000  }
0x10d: {  	v1 =	vld.idx.msk [tilespmem:v1+s3+$0x0], $0xffff  }
0x10e: {  	v2 =	vadd.s32 v63, v0  }
0x10f: {  	v6 =	vld [tilespmem:$0x1FB30];
	_ =	sdelay $0x1  }
0x110: {  	s21 =	simm.s32 $0x7100  }
0x111: {  	[tilespmem:s21+$0xFFFFFF00] =	vst v1  }
0x112: {  	v1 =	vld.idx.msk [tilespmem:v2+s3+$0x0], $0xffff  }
0x113: {  	v2 =	vadd.s32 v6, v0;
	_ =	sdelay $0x3  }
0x114: {  	[tilespmem:s21+$0xFFFFFF10] =	vst v1  }
0x115: {  	v1 =	vld.idx.msk [tilespmem:v2+s3+$0x0], $0xffff  }
0x116: {  	v2 =	vadd.s32 v14, v0;
	_ =	sdelay $0x3  }
0x117: {  	[tilespmem:s21+$0xFFFFFF20] =	vst v1  }
0x118: {  	v1 =	vld.idx.msk [tilespmem:v2+s3+$0x0], $0xffff  }
0x119: {  	v2 =	vadd.s32 v8, v0;
	_ =	sdelay $0x3  }
0x11a: {  	[tilespmem:s21+$0xFFFFFF30] =	vst v1  }
0x11b: {  	v1 =	vld.idx.msk [tilespmem:v2+s3+$0x0], $0xffff  }
0x11c: {  	v2 =	vadd.s32 v3, v0;
	_ =	sdelay $0x3  }
0x11d: {  	[tilespmem:s21+$0xFFFFFF40] =	vst v1  }
0x11e: {  	v1 =	vld.idx.msk [tilespmem:v2+s3+$0x0], $0xffff  }
0x11f: {  	v2 =	vadd.s32 v4, v0;
	_ =	sdelay $0x3  }
0x120: {  	[tilespmem:s21+$0xFFFFFF50] =	vst v1  }
0x121: {  	v1 =	vld.idx.msk [tilespmem:v2+s3+$0x0], $0xffff  }
0x122: {  	v2 =	vadd.s32 v5, v0;
	_ =	sdelay $0x3  }
0x123: {  	[tilespmem:s21+$0xFFFFFF60] =	vst v1  }
0x124: {  	v1 =	vld.idx.msk [tilespmem:v2+s3+$0x0], $0xffff  }
0x125: {  	v2 =	vadd.s32 v15, v0;
	_ =	sdelay $0x3  }
0x126: {  	[tilespmem:s21+$0xFFFFFF70] =	vst v1  }
0x127: {  	v1 =	vld.idx.msk [tilespmem:v2+s3+$0x0], $0xffff  }
0x128: {  	v2 =	vadd.s32 v16, v0;
	_ =	sdelay $0x3  }
0x129: {  	[tilespmem:s21+$0xFFFFFF80] =	vst v1  }
0x12a: {  	v1 =	vld.idx.msk [tilespmem:v2+s3+$0x0], $0xffff  }
0x12b: {  	v2 =	vadd.s32 v17, v0;
	_ =	sdelay $0x3  }
0x12c: {  	[tilespmem:s21+$0xFFFFFF90] =	vst v1  }
0x12d: {  	v1 =	vld.idx.msk [tilespmem:v2+s3+$0x0], $0xffff  }
0x12e: {  	v2 =	vadd.s32 v18, v0;
	_ =	sdelay $0x3  }
0x12f: {  	[tilespmem:s21+$0xFFFFFFA0] =	vst v1  }
0x130: {  	v1 =	vld.idx.msk [tilespmem:v2+s3+$0x0], $0xffff  }
0x131: {  	v2 =	vadd.s32 v19, v0;
	_ =	sdelay $0x3  }
0x132: {  	[tilespmem:s21+$0xFFFFFFB0] =	vst v1  }
0x133: {  	v1 =	vld.idx.msk [tilespmem:v2+s3+$0x0], $0xffff  }
0x134: {  	v2 =	vadd.s32 v20, v0;
	_ =	sdelay $0x3  }
0x135: {  	[tilespmem:s21+$0xFFFFFFC0] =	vst v1  }
0x136: {  	v1 =	vld.idx.msk [tilespmem:v2+s3+$0x0], $0xffff  }
0x137: {  	v2 =	vadd.s32 v21, v0;
	_ =	sdelay $0x3  }
0x138: {  	[tilespmem:s21+$0xFFFFFFD0] =	vst v1  }
0x139: {  	v1 =	vld.idx.msk [tilespmem:v2+s3+$0x0], $0xffff  }
0x13a: {  	v2 =	vadd.s32 v22, v0;
	_ =	sdelay $0x3  }
0x13b: {  	[tilespmem:s21+$0xFFFFFFE0] =	vst v1  }
0x13c: {  	v1 =	vld.idx.msk [tilespmem:v2+s3+$0x0], $0xffff  }
0x13d: {  	v2 =	vadd.s32 v23, v0;
	_ =	sdelay $0x3  }
0x13e: {  	[tilespmem:s21+$0xFFFFFFF0] =	vst v1  }
0x13f: {  	v1 =	vld.idx.msk [tilespmem:v2+s3+$0x0], $0xffff  }
0x140: {  	v2 =	vadd.s32 v24, v0;
	_ =	sdelay $0x3  }
0x141: {  	[tilespmem:s21+$0x0] =	vst v1  }
0x142: {  	v1 =	vld.idx.msk [tilespmem:v2+s3+$0x0], $0xffff  }
0x143: {  	v2 =	vadd.s32 v47, v0;
	_ =	sdelay $0x3  }
0x144: {  	[tilespmem:s21+$0x10] =	vst v1  }
0x145: {  	v1 =	vld.idx.msk [tilespmem:v2+s3+$0x0], $0xffff  }
0x146: {  	v2 =	vadd.s32 v49, v0;
	_ =	sdelay $0x3  }
0x147: {  	[tilespmem:s21+$0x20] =	vst v1  }
0x148: {  	v1 =	vld.idx.msk [tilespmem:v2+s3+$0x0], $0xffff  }
0x149: {  	v2 =	vadd.s32 v51, v0;
	_ =	sdelay $0x3  }
0x14a: {  	[tilespmem:s21+$0x30] =	vst v1  }
0x14b: {  	v1 =	vld.idx.msk [tilespmem:v2+s3+$0x0], $0xffff  }
0x14c: {  	v2 =	vadd.s32 v56, v0  }
0x14d: {  	v11 =	vld [tilespmem:$0x1FD50];
	_ =	sdelay $0x2  }
0x14e: {  	[tilespmem:s21+$0x40] =	vst v1  }
0x14f: {  	v1 =	vld.idx.msk [tilespmem:v2+s3+$0x0], $0xffff  }
0x150: {  	v2 =	vadd.s32 v11, v0  }
0x151: {  	v10 =	vld [tilespmem:$0x1FD60];
	_ =	sdelay $0x2  }
0x152: {  	[tilespmem:s21+$0x50] =	vst v1  }
0x153: {  	v1 =	vld.idx.msk [tilespmem:v2+s3+$0x0], $0xffff  }
0x154: {  	v2 =	vadd.s32 v10, v0  }
0x155: {  	v9 =	vld [tilespmem:$0x1FD70];
	_ =	sdelay $0x2  }
0x156: {  	[tilespmem:s21+$0x60] =	vst v1  }
0x157: {  	v1 =	vld.idx.msk [tilespmem:v2+s3+$0x0], $0xffff  }
0x158: {  	v2 =	vadd.s32 v9, v0  }
0x159: {  	v7 =	vld [tilespmem:$0x1FD80];
	_ =	sdelay $0x2  }
0x15a: {  	[tilespmem:s21+$0x70] =	vst v1  }
0x15b: {  	v1 =	vld.idx.msk [tilespmem:v2+s3+$0x0], $0xffff  }
0x15c: {  	v2 =	vadd.s32 v7, v0  }
0x15d: {  	v44 =	vld [tilespmem:$0x1FD90];
	_ =	sdelay $0x2  }
0x15e: {  	[tilespmem:s21+$0x80] =	vst v1  }
0x15f: {  	v1 =	vld.idx.msk [tilespmem:v2+s3+$0x0], $0xffff  }
0x160: {  	v2 =	vadd.s32 v44, v0;
	_ =	sdelay $0x3  }
0x161: {  	[tilespmem:s21+$0x90] =	vst v1  }
0x162: {  	v1 =	vld.idx.msk [tilespmem:v2+s3+$0x0], $0xffff  }
0x163: {  	v2 =	vadd.s32 v48, v0  }
0x164: {  	v12 =	vld [tilespmem:$0x1FDA0];
	_ =	sdelay $0x2  }
0x165: {  	[tilespmem:s21+$0xA0] =	vst v1  }
0x166: {  	v1 =	vld.idx.msk [tilespmem:v2+s3+$0x0], $0xffff  }
0x167: {  	v2 =	vadd.s32 v12, v0  }
0x168: {  	v13 =	vld [tilespmem:$0x1FDB0];
	_ =	sdelay $0x2  }
0x169: {  	[tilespmem:s21+$0xB0] =	vst v1  }
0x16a: {  	v1 =	vld.idx.msk [tilespmem:v2+s3+$0x0], $0xffff  }
0x16b: {  	v2 =	vadd.s32 v13, v0  }
0x16c: {  	v55 =	vld [tilespmem:$0x1FDC0];
	_ =	sdelay $0x2  }
0x16d: {  	[tilespmem:s21+$0xC0] =	vst v1  }
0x16e: {  	v1 =	vld.idx.msk [tilespmem:v2+s3+$0x0], $0xffff  }
0x16f: {  	v2 =	vadd.s32 v55, v0  }
0x170: {  	v45 =	vld [tilespmem:$0x1FDD0];
	_ =	sdelay $0x2  }
0x171: {  	[tilespmem:s21+$0xD0] =	vst v1  }
0x172: {  	v1 =	vld.idx.msk [tilespmem:v2+s3+$0x0], $0xffff  }
0x173: {  	v2 =	vadd.s32 v45, v0;
	_ =	sdelay $0x3  }
0x174: {  	s22 =	simm.s32 $0x1;
	[tilespmem:s21+$0xE0] =	vst v1  }
0x175: {  	v0 =	vmov s22;
	s22 =	simm.s32 $0x2;
	v1 =	vld.idx.msk [tilespmem:v2+s3+$0x0], $0xffff  }
.LBB2_2:
0x176: {  	p0 =	sne.s32 s22, $0x31;
	v0 =	vand.u32 $0x3F, v0  }
0x177: {  	v2 =	vadd.s32 v41, v0;
	_ =	sdelay $0x3  }
0x178: {  	[tilespmem:s21+$0xF0] =	vst v1  }
0x179: {  	v1 =	vld.idx.msk [tilespmem:v2+s3+$0x0], $0xffff;
	_ =	sdelay $0x1  }
0x17a: {  	v2 =	vadd.s32 v63, v0;
	_ =	sdelay $0x2  }
0x17b: {  	s21 =	sadd.s32 $0x200, s21  }
0x17c: {  	[tilespmem:s21+$0xFFFFFF00] =	vst v1  }
0x17d: {  	v1 =	vld.idx.msk [tilespmem:v2+s3+$0x0], $0xffff;
	_ =	sdelay $0x1  }
0x17e: {  	v2 =	vadd.s32 v6, v0;
	_ =	sdelay $0x3  }
0x17f: {  	[tilespmem:s21+$0xFFFFFF10] =	vst v1  }
0x180: {  	v1 =	vld.idx.msk [tilespmem:v2+s3+$0x0], $0xffff;
	_ =	sdelay $0x1  }
0x181: {  	v2 =	vadd.s32 v14, v0;
	_ =	sdelay $0x3  }
0x182: {  	[tilespmem:s21+$0xFFFFFF20] =	vst v1  }
0x183: {  	v1 =	vld.idx.msk [tilespmem:v2+s3+$0x0], $0xffff;
	_ =	sdelay $0x1  }
0x184: {  	v2 =	vadd.s32 v8, v0;
	_ =	sdelay $0x3  }
0x185: {  	[tilespmem:s21+$0xFFFFFF30] =	vst v1  }
0x186: {  	v1 =	vld.idx.msk [tilespmem:v2+s3+$0x0], $0xffff;
	_ =	sdelay $0x1  }
0x187: {  	v2 =	vadd.s32 v3, v0;
	_ =	sdelay $0x3  }
0x188: {  	[tilespmem:s21+$0xFFFFFF40] =	vst v1  }
0x189: {  	v1 =	vld.idx.msk [tilespmem:v2+s3+$0x0], $0xffff;
	_ =	sdelay $0x1  }
0x18a: {  	v2 =	vadd.s32 v4, v0;
	_ =	sdelay $0x3  }
0x18b: {  	[tilespmem:s21+$0xFFFFFF50] =	vst v1  }
0x18c: {  	v1 =	vld.idx.msk [tilespmem:v2+s3+$0x0], $0xffff;
	_ =	sdelay $0x1  }
0x18d: {  	v2 =	vadd.s32 v5, v0;
	_ =	sdelay $0x3  }
0x18e: {  	[tilespmem:s21+$0xFFFFFF60] =	vst v1  }
0x18f: {  	v1 =	vld.idx.msk [tilespmem:v2+s3+$0x0], $0xffff;
	_ =	sdelay $0x1  }
0x190: {  	v2 =	vadd.s32 v15, v0;
	_ =	sdelay $0x3  }
0x191: {  	[tilespmem:s21+$0xFFFFFF70] =	vst v1  }
0x192: {  	v1 =	vld.idx.msk [tilespmem:v2+s3+$0x0], $0xffff;
	_ =	sdelay $0x1  }
0x193: {  	v2 =	vadd.s32 v16, v0;
	_ =	sdelay $0x3  }
0x194: {  	[tilespmem:s21+$0xFFFFFF80] =	vst v1  }
0x195: {  	v1 =	vld.idx.msk [tilespmem:v2+s3+$0x0], $0xffff;
	_ =	sdelay $0x1  }
0x196: {  	v2 =	vadd.s32 v17, v0;
	_ =	sdelay $0x3  }
0x197: {  	[tilespmem:s21+$0xFFFFFF90] =	vst v1  }
0x198: {  	v1 =	vld.idx.msk [tilespmem:v2+s3+$0x0], $0xffff;
	_ =	sdelay $0x1  }
0x199: {  	v2 =	vadd.s32 v18, v0;
	_ =	sdelay $0x3  }
0x19a: {  	[tilespmem:s21+$0xFFFFFFA0] =	vst v1  }
0x19b: {  	v1 =	vld.idx.msk [tilespmem:v2+s3+$0x0], $0xffff;
	_ =	sdelay $0x1  }
0x19c: {  	v2 =	vadd.s32 v19, v0;
	_ =	sdelay $0x3  }
0x19d: {  	[tilespmem:s21+$0xFFFFFFB0] =	vst v1  }
0x19e: {  	v1 =	vld.idx.msk [tilespmem:v2+s3+$0x0], $0xffff;
	_ =	sdelay $0x1  }
0x19f: {  	v2 =	vadd.s32 v20, v0;
	_ =	sdelay $0x3  }
0x1a0: {  	[tilespmem:s21+$0xFFFFFFC0] =	vst v1  }
0x1a1: {  	v1 =	vld.idx.msk [tilespmem:v2+s3+$0x0], $0xffff;
	_ =	sdelay $0x1  }
0x1a2: {  	v2 =	vadd.s32 v21, v0;
	_ =	sdelay $0x3  }
0x1a3: {  	[tilespmem:s21+$0xFFFFFFD0] =	vst v1  }
0x1a4: {  	v1 =	vld.idx.msk [tilespmem:v2+s3+$0x0], $0xffff;
	_ =	sdelay $0x1  }
0x1a5: {  	v2 =	vadd.s32 v22, v0;
	_ =	sdelay $0x3  }
0x1a6: {  	[tilespmem:s21+$0xFFFFFFE0] =	vst v1  }
0x1a7: {  	v1 =	vld.idx.msk [tilespmem:v2+s3+$0x0], $0xffff;
	_ =	sdelay $0x1  }
0x1a8: {  	v2 =	vadd.s32 v23, v0;
	_ =	sdelay $0x3  }
0x1a9: {  	[tilespmem:s21+$0xFFFFFFF0] =	vst v1  }
0x1aa: {  	v1 =	vld.idx.msk [tilespmem:v2+s3+$0x0], $0xffff;
	_ =	sdelay $0x1  }
0x1ab: {  	v2 =	vadd.s32 v24, v0;
	_ =	sdelay $0x3  }
0x1ac: {  	[tilespmem:s21+$0x0] =	vst v1  }
0x1ad: {  	v1 =	vld.idx.msk [tilespmem:v2+s3+$0x0], $0xffff;
	_ =	sdelay $0x1  }
0x1ae: {  	v2 =	vadd.s32 v47, v0;
	_ =	sdelay $0x3  }
0x1af: {  	[tilespmem:s21+$0x10] =	vst v1  }
0x1b0: {  	v1 =	vld.idx.msk [tilespmem:v2+s3+$0x0], $0xffff;
	_ =	sdelay $0x1  }
0x1b1: {  	v2 =	vadd.s32 v49, v0;
	_ =	sdelay $0x3  }
0x1b2: {  	[tilespmem:s21+$0x20] =	vst v1  }
0x1b3: {  	v1 =	vld.idx.msk [tilespmem:v2+s3+$0x0], $0xffff;
	_ =	sdelay $0x1  }
0x1b4: {  	v2 =	vadd.s32 v51, v0;
	_ =	sdelay $0x3  }
0x1b5: {  	[tilespmem:s21+$0x30] =	vst v1  }
0x1b6: {  	v1 =	vld.idx.msk [tilespmem:v2+s3+$0x0], $0xffff;
	_ =	sdelay $0x1  }
0x1b7: {  	v2 =	vadd.s32 v56, v0;
	_ =	sdelay $0x3  }
0x1b8: {  	[tilespmem:s21+$0x40] =	vst v1  }
0x1b9: {  	v1 =	vld.idx.msk [tilespmem:v2+s3+$0x0], $0xffff;
	_ =	sdelay $0x1  }
0x1ba: {  	v2 =	vadd.s32 v11, v0;
	_ =	sdelay $0x3  }
0x1bb: {  	[tilespmem:s21+$0x50] =	vst v1  }
0x1bc: {  	v1 =	vld.idx.msk [tilespmem:v2+s3+$0x0], $0xffff;
	_ =	sdelay $0x1  }
0x1bd: {  	v2 =	vadd.s32 v10, v0;
	_ =	sdelay $0x3  }
0x1be: {  	[tilespmem:s21+$0x60] =	vst v1  }
0x1bf: {  	v1 =	vld.idx.msk [tilespmem:v2+s3+$0x0], $0xffff;
	_ =	sdelay $0x1  }
0x1c0: {  	v2 =	vadd.s32 v9, v0;
	_ =	sdelay $0x3  }
0x1c1: {  	[tilespmem:s21+$0x70] =	vst v1  }
0x1c2: {  	v1 =	vld.idx.msk [tilespmem:v2+s3+$0x0], $0xffff;
	_ =	sdelay $0x1  }
0x1c3: {  	v2 =	vadd.s32 v7, v0;
	_ =	sdelay $0x3  }
0x1c4: {  	[tilespmem:s21+$0x80] =	vst v1  }
0x1c5: {  	v1 =	vld.idx.msk [tilespmem:v2+s3+$0x0], $0xffff;
	_ =	sdelay $0x1  }
0x1c6: {  	v2 =	vadd.s32 v44, v0;
	_ =	sdelay $0x3  }
0x1c7: {  	[tilespmem:s21+$0x90] =	vst v1  }
0x1c8: {  	v1 =	vld.idx.msk [tilespmem:v2+s3+$0x0], $0xffff;
	_ =	sdelay $0x1  }
0x1c9: {  	v2 =	vadd.s32 v48, v0;
	_ =	sdelay $0x3  }
0x1ca: {  	[tilespmem:s21+$0xA0] =	vst v1  }
0x1cb: {  	v1 =	vld.idx.msk [tilespmem:v2+s3+$0x0], $0xffff;
	_ =	sdelay $0x1  }
0x1cc: {  	v2 =	vadd.s32 v12, v0;
	_ =	sdelay $0x3  }
0x1cd: {  	[tilespmem:s21+$0xB0] =	vst v1  }
0x1ce: {  	v1 =	vld.idx.msk [tilespmem:v2+s3+$0x0], $0xffff;
	_ =	sdelay $0x1  }
0x1cf: {  	v2 =	vadd.s32 v13, v0;
	_ =	sdelay $0x3  }
0x1d0: {  	[tilespmem:s21+$0xC0] =	vst v1  }
0x1d1: {  	v1 =	vld.idx.msk [tilespmem:v2+s3+$0x0], $0xffff;
	_ =	sdelay $0x1  }
0x1d2: {  	v2 =	vadd.s32 v55, v0;
	_ =	sdelay $0x3  }
0x1d3: {  	[tilespmem:s21+$0xD0] =	vst v1  }
0x1d4: {  	v1 =	vld.idx.msk [tilespmem:v2+s3+$0x0], $0xffff;
	_ =	sdelay $0x1  }
0x1d5: {  	v2 =	vadd.s32 v45, v0  }
.Ltmp0:
0x1d6: {  	(pc) =	sbr.rel @p0 .LBB2_2-.Ltmp0, $3  }
0x1d7: {  	_ =	sdelay $0x1  }
0x1d8: {  	[tilespmem:s21+$0xE0] =	vst v1  }
0x1d9: {  	v0 =	vmov s22;
	s22 =	sadd.s32 $0x1, s22;
	v1 =	vld.idx.msk [tilespmem:v2+s3+$0x0], $0xffff  }
0x1da: {  	v0 =	vand.u32 $0x3F, v0  }
0x1db: {  	v2 =	vadd.s32 v41, v0;
	_ =	sdelay $0x3  }
0x1dc: {  	[tilespmem:s21+$0xF0] =	vst v1  }
0x1dd: {  	v1 =	vld.idx.msk [tilespmem:v2+s3+$0x0], $0xffff  }
0x1de: {  	v41 =	vadd.s32 v63, v0;
	_ =	sdelay $0x2  }
0x1df: {  	s31 =	sadd.s32 $0x200, s21  }
0x1e0: {  	[tilespmem:s31+$0xFFFFFF00] =	vst v1  }
0x1e1: {  	v1 =	vld.idx.msk [tilespmem:v41+s3+$0x0], $0xffff  }
0x1e2: {  	v63 =	vadd.s32 v6, v0;
	_ =	sdelay $0x3  }
0x1e3: {  	[tilespmem:s31+$0xFFFFFF10] =	vst v1  }
0x1e4: {  	v1 =	vld.idx.msk [tilespmem:v63+s3+$0x0], $0xffff  }
0x1e5: {  	v41 =	vadd.s32 v14, v0;
	_ =	sdelay $0x3  }
0x1e6: {  	[tilespmem:s31+$0xFFFFFF20] =	vst v1  }
0x1e7: {  	v1 =	vld.idx.msk [tilespmem:v41+s3+$0x0], $0xffff  }
0x1e8: {  	v63 =	vadd.s32 v8, v0;
	_ =	sdelay $0x3  }
0x1e9: {  	[tilespmem:s31+$0xFFFFFF30] =	vst v1  }
0x1ea: {  	v1 =	vld.idx.msk [tilespmem:v63+s3+$0x0], $0xffff  }
0x1eb: {  	v41 =	vadd.s32 v3, v0;
	_ =	sdelay $0x3  }
0x1ec: {  	[tilespmem:s31+$0xFFFFFF40] =	vst v1  }
0x1ed: {  	v1 =	vld.idx.msk [tilespmem:v41+s3+$0x0], $0xffff  }
0x1ee: {  	v63 =	vadd.s32 v4, v0;
	_ =	sdelay $0x3  }
0x1ef: {  	[tilespmem:s31+$0xFFFFFF50] =	vst v1  }
0x1f0: {  	v1 =	vld.idx.msk [tilespmem:v63+s3+$0x0], $0xffff  }
0x1f1: {  	v41 =	vadd.s32 v5, v0;
	_ =	sdelay $0x3  }
0x1f2: {  	[tilespmem:s31+$0xFFFFFF60] =	vst v1  }
0x1f3: {  	v1 =	vld.idx.msk [tilespmem:v41+s3+$0x0], $0xffff  }
0x1f4: {  	v63 =	vadd.s32 v15, v0;
	_ =	sdelay $0x3  }
0x1f5: {  	[tilespmem:s31+$0xFFFFFF70] =	vst v1  }
0x1f6: {  	v1 =	vld.idx.msk [tilespmem:v63+s3+$0x0], $0xffff  }
0x1f7: {  	v41 =	vadd.s32 v16, v0;
	_ =	sdelay $0x3  }
0x1f8: {  	[tilespmem:s31+$0xFFFFFF80] =	vst v1  }
0x1f9: {  	v1 =	vld.idx.msk [tilespmem:v41+s3+$0x0], $0xffff  }
0x1fa: {  	v63 =	vadd.s32 v17, v0;
	_ =	sdelay $0x3  }
0x1fb: {  	[tilespmem:s31+$0xFFFFFF90] =	vst v1  }
0x1fc: {  	v1 =	vld.idx.msk [tilespmem:v63+s3+$0x0], $0xffff  }
0x1fd: {  	v41 =	vadd.s32 v18, v0;
	_ =	sdelay $0x3  }
0x1fe: {  	[tilespmem:s31+$0xFFFFFFA0] =	vst v1  }
0x1ff: {  	v1 =	vld.idx.msk [tilespmem:v41+s3+$0x0], $0xffff  }
0x200: {  	v63 =	vadd.s32 v19, v0;
	_ =	sdelay $0x3  }
0x201: {  	[tilespmem:s31+$0xFFFFFFB0] =	vst v1  }
0x202: {  	v1 =	vld.idx.msk [tilespmem:v63+s3+$0x0], $0xffff  }
0x203: {  	v41 =	vadd.s32 v20, v0;
	_ =	sdelay $0x3  }
0x204: {  	[tilespmem:s31+$0xFFFFFFC0] =	vst v1  }
0x205: {  	v1 =	vld.idx.msk [tilespmem:v41+s3+$0x0], $0xffff  }
0x206: {  	v63 =	vadd.s32 v21, v0;
	_ =	sdelay $0x3  }
0x207: {  	[tilespmem:s31+$0xFFFFFFD0] =	vst v1  }
0x208: {  	v1 =	vld.idx.msk [tilespmem:v63+s3+$0x0], $0xffff  }
0x209: {  	v41 =	vadd.s32 v22, v0;
	_ =	sdelay $0x3  }
0x20a: {  	[tilespmem:s31+$0xFFFFFFE0] =	vst v1  }
0x20b: {  	v1 =	vld.idx.msk [tilespmem:v41+s3+$0x0], $0xffff  }
0x20c: {  	v63 =	vadd.s32 v23, v0;
	_ =	sdelay $0x3  }
0x20d: {  	[tilespmem:s31+$0xFFFFFFF0] =	vst v1  }
0x20e: {  	v1 =	vld.idx.msk [tilespmem:v63+s3+$0x0], $0xffff  }
0x20f: {  	v41 =	vadd.s32 v24, v0;
	_ =	sdelay $0x3  }
0x210: {  	[tilespmem:s31+$0x0] =	vst v1  }
0x211: {  	v1 =	vld.idx.msk [tilespmem:v41+s3+$0x0], $0xffff  }
0x212: {  	v63 =	vadd.s32 v47, v0;
	_ =	sdelay $0x3  }
0x213: {  	[tilespmem:s31+$0x10] =	vst v1  }
0x214: {  	v1 =	vld.idx.msk [tilespmem:v63+s3+$0x0], $0xffff  }
0x215: {  	v41 =	vadd.s32 v49, v0;
	_ =	sdelay $0x3  }
0x216: {  	[tilespmem:s31+$0x20] =	vst v1  }
0x217: {  	v1 =	vld.idx.msk [tilespmem:v41+s3+$0x0], $0xffff  }
0x218: {  	v47 =	vadd.s32 v51, v0;
	_ =	sdelay $0x3  }
0x219: {  	[tilespmem:s31+$0x30] =	vst v1  }
0x21a: {  	v1 =	vld.idx.msk [tilespmem:v47+s3+$0x0], $0xffff  }
0x21b: {  	v49 =	vadd.s32 v56, v0;
	_ =	sdelay $0x3  }
0x21c: {  	[tilespmem:s31+$0x40] =	vst v1  }
0x21d: {  	v1 =	vld.idx.msk [tilespmem:v49+s3+$0x0], $0xffff  }
0x21e: {  	v51 =	vadd.s32 v11, v0;
	_ =	sdelay $0x3  }
0x21f: {  	[tilespmem:s31+$0x50] =	vst v1  }
0x220: {  	v1 =	vld.idx.msk [tilespmem:v51+s3+$0x0], $0xffff  }
0x221: {  	v56 =	vadd.s32 v10, v0;
	_ =	sdelay $0x3  }
0x222: {  	[tilespmem:s31+$0x60] =	vst v1  }
0x223: {  	v1 =	vld.idx.msk [tilespmem:v56+s3+$0x0], $0xffff  }
0x224: {  	v63 =	vadd.s32 v9, v0;
	_ =	sdelay $0x3  }
0x225: {  	[tilespmem:s31+$0x70] =	vst v1  }
0x226: {  	v1 =	vld.idx.msk [tilespmem:v63+s3+$0x0], $0xffff  }
0x227: {  	v41 =	vadd.s32 v7, v0;
	_ =	sdelay $0x3  }
0x228: {  	[tilespmem:s31+$0x80] =	vst v1  }
0x229: {  	v1 =	vld.idx.msk [tilespmem:v41+s3+$0x0], $0xffff  }
0x22a: {  	v47 =	vadd.s32 v44, v0;
	_ =	sdelay $0x3  }
0x22b: {  	[tilespmem:s31+$0x90] =	vst v1  }
0x22c: {  	v1 =	vld.idx.msk [tilespmem:v47+s3+$0x0], $0xffff  }
0x22d: {  	v49 =	vadd.s32 v48, v0;
	_ =	sdelay $0x3  }
0x22e: {  	[tilespmem:s31+$0xA0] =	vst v1  }
0x22f: {  	v1 =	vld.idx.msk [tilespmem:v49+s3+$0x0], $0xffff  }
0x230: {  	v51 =	vadd.s32 v12, v0;
	_ =	sdelay $0x3  }
0x231: {  	[tilespmem:s31+$0xB0] =	vst v1  }
0x232: {  	v1 =	vld.idx.msk [tilespmem:v51+s3+$0x0], $0xffff  }
0x233: {  	v56 =	vadd.s32 v13, v0;
	_ =	sdelay $0x1  }
0x234: {  	v14 =	vld [tilespmem:$0x1FB40]  }
0x235: {  	v16 =	vld [tilespmem:$0x1FB60]  }
0x236: {  	v17 =	vld [tilespmem:$0x1FB70];
	[tilespmem:s31+$0xC0] =	vst v1  }
0x237: {  	v1 =	vld.idx.msk [tilespmem:v56+s3+$0x0], $0xffff  }
0x238: {  	v18 =	vld [tilespmem:$0x1FB80];
	v63 =	vadd.s32 v55, v0  }
0x239: {  	v19 =	vld [tilespmem:$0x1FB90]  }
0x23a: {  	v20 =	vld [tilespmem:$0x1FBA0]  }
0x23b: {  	v21 =	vld [tilespmem:$0x1FBB0]  }
0x23c: {  	v22 =	vld [tilespmem:$0x1FBC0];
	[tilespmem:s31+$0xD0] =	vst v1  }
0x23d: {  	v1 =	vld.idx.msk [tilespmem:v63+s3+$0x0], $0xffff  }
0x23e: {  	v23 =	vld [tilespmem:$0x1FBD0];
	v0 =	vadd.s32 v45, v0  }
0x23f: {  	v24 =	vld [tilespmem:$0x1FBE0]  }
0x240: {  	v11 =	vld [tilespmem:$0x1FF90]  }
0x241: {  	v10 =	vld [tilespmem:$0x1FBF0]  }
0x242: {  	v9 =	vld [tilespmem:$0x1FFC0];
	[tilespmem:s31+$0xE0] =	vst v1  }
0x243: {  	v0 =	vld.idx.msk [tilespmem:v0+s3+$0x0], $0xffff  }
0x244: {  	v7 =	vld [tilespmem:$0x1FFD0]  }
0x245: {  	v44 =	vld [tilespmem:$0x1FFB0]  }
0x246: {  	v48 =	vld [tilespmem:$0x1FF80]  }
0x247: {  	v12 =	vld [tilespmem:$0x1FFE0]  }
0x248: {  	s22 =	simm.s32 $0x0;
	s21 =	simm.s32 $0x0;
	v55 =	vld [tilespmem:$0x1FFF0];
	[tilespmem:s31+$0xF0] =	vst v0  }
0x249: {  	v41 =	vld [tilespmem:$0x1FFA0];
	v49 =	vlaneseq.u32;
	[tilespmem:s11], [sflag:$0x1] =	stream.indirect.gather [hbm4b:s4+s9], $0x20, s10, s9, $0xb8  }
.LBB2_4:
0x24a: {  	p0 =	seq.s32 s22, $0x0  }
0x24b: {  	s23 =	simm.s32 @p0 $0x200;
	s24 =	simm.s32 @p0 $0x7200;
	s25 =	simm.s32 @p0 $0x11400  }
0x24c: {  	[tilespmem:s25], [sflag:$0x2] =	stream.indirect.gather @p0 [hbm4b:s4+s23], $0x20, s24, s23, $0xb8;
	[tilespmem:$0x1D400] =	vst v63  }
0x24d: {  	s24 =	simm.s32 @!p0 $0x4  }
0x24e: {  	s23 =	sshllo.u32 s22, $0x1;
	_ =	swait.ge @!p0 [sflag:s24], $0x4000  }
0x24f: {  	s25 =	sshll.u32 @!p0 s23, $0x9;
	[sflag:s24] =	ssyncset.done @!p0 $0x0  }
0x250: {  	[sflag:s24] =	ssyncadd.s32 @!p0 $0xFFFFC000;
	s24 =	sand.u32 @!p0 $0x3FFFFE00, s25  }
0x251: {  	s26 =	simm.s32 @!p0 $0x11400;
	s25 =	simm.s32 @!p0 $0x200;
	s24 =	sadd.s32 @!p0 $0x7000, s24  }
0x252: {  	[tilespmem:s26], [sflag:$0x2] =	stream.indirect.gather @!p0 [hbm4b:s4+s25], $0x20, s24, s25, $0xb8;
	[tilespmem:$0x1D400] =	vst v63  }
0x253: {  	s24 =	simm.s32 @!p0 $0x1  }
0x254: {  	_ =	swait.ge @!p0 [sflag:s24], $0x4000  }
0x255: {  	v0 =	vor.u32 s21, v49;
	s25 =	simm.s32 @!p0 $0x3;
	[sflag:s24] =	ssyncset.done @!p0 $0x0  }
0x256: {  	v8 =	vshll.u32 v0, $0x5;
	s25 =	simm.s32 @p0 $0x1;
	[sflag:s24] =	ssyncadd.s32 @!p0 $0xFFFFC000  }
0x257: {  	v1 =	vor.u32 v49, v8;
	_ =	swait.ge [sflag:s25], $0x4000  }
0x258: {  	v2 =	vmov s21;
	v3 =	vld [tilespmem:$0x1FDE0]  }
0x259: {  	v2 =	vshll.u32 v2, $0x3  }
0x25a: {  	v0 =	vand.u32 $0x78, v0;
	v2 =	vand.u32 $0xC00, v2;
	[sflag:s25] =	ssyncset.done $0x0  }
0x25b: {  	v0 =	vor.u32 v2, v0;
	[sflag:s25] =	ssyncadd.s32 $0xFFFFC000  }
0x25c: {  	v2 =	vor.u32 v18, v0;
	v1 =	vld.idx.msk [tilespmem:v1+s11+$0x0], $0xffff  }
0x25d: {  	v6 =	vor.u32 v3, v8;
	_ =	sdelay $0x3  }
0x25e: {  	[tilespmem:v2+s12+$0x0] =	vst.idx.msk $0xffff, v1  }
0x25f: {  	v2 =	vor.u32 v19, v0;
	v1 =	vld.idx.msk [tilespmem:v6+s11+$0x0], $0xffff  }
0x260: {  	v6 =	vor.u32 v54, v8;
	_ =	sdelay $0x3  }
0x261: {  	[tilespmem:v2+s12+$0x0] =	vst.idx.msk $0xffff, v1  }
0x262: {  	v2 =	vor.u32 v20, v0;
	v1 =	vld.idx.msk [tilespmem:v6+s11+$0x0], $0xffff  }
0x263: {  	v6 =	vor.u32 v57, v8;
	_ =	sdelay $0x3  }
0x264: {  	[tilespmem:v2+s12+$0x0] =	vst.idx.msk $0xffff, v1  }
0x265: {  	v2 =	vor.u32 v21, v0;
	v1 =	vld.idx.msk [tilespmem:v6+s11+$0x0], $0xffff  }
0x266: {  	v6 =	vor.u32 v60, v8;
	_ =	sdelay $0x3  }
0x267: {  	[tilespmem:v2+s12+$0x0] =	vst.idx.msk $0xffff, v1  }
0x268: {  	v2 =	vor.u32 v22, v0;
	v1 =	vld.idx.msk [tilespmem:v6+s11+$0x0], $0xffff  }
0x269: {  	v6 =	vor.u32 v61, v8;
	_ =	sdelay $0x3  }
0x26a: {  	[tilespmem:v2+s12+$0x0] =	vst.idx.msk $0xffff, v1  }
0x26b: {  	v2 =	vor.u32 v23, v0;
	v1 =	vld.idx.msk [tilespmem:v6+s11+$0x0], $0xffff  }
0x26c: {  	v6 =	vor.u32 v50, v8;
	_ =	sdelay $0x3  }
0x26d: {  	[tilespmem:v2+s12+$0x0] =	vst.idx.msk $0xffff, v1  }
0x26e: {  	v2 =	vor.u32 v24, v0;
	v1 =	vld.idx.msk [tilespmem:v6+s11+$0x0], $0xffff  }
0x26f: {  	v6 =	vor.u32 v52, v8;
	_ =	sdelay $0x3  }
0x270: {  	[tilespmem:v2+s12+$0x0] =	vst.idx.msk $0xffff, v1  }
0x271: {  	v2 =	vor.u32 v25, v0;
	v1 =	vld.idx.msk [tilespmem:v6+s11+$0x0], $0xffff  }
0x272: {  	v6 =	vor.u32 v53, v8;
	_ =	sdelay $0x3  }
0x273: {  	[tilespmem:v2+s12+$0x0] =	vst.idx.msk $0xffff, v1  }
0x274: {  	v2 =	vor.u32 v26, v0;
	v1 =	vld.idx.msk [tilespmem:v6+s11+$0x0], $0xffff  }
0x275: {  	v6 =	vor.u32 v58, v8;
	_ =	sdelay $0x3  }
0x276: {  	[tilespmem:v2+s12+$0x0] =	vst.idx.msk $0xffff, v1  }
0x277: {  	v2 =	vor.u32 v27, v0;
	v1 =	vld.idx.msk [tilespmem:v6+s11+$0x0], $0xffff  }
0x278: {  	v6 =	vor.u32 v59, v8;
	_ =	sdelay $0x3  }
0x279: {  	[tilespmem:v2+s12+$0x0] =	vst.idx.msk $0xffff, v1  }
0x27a: {  	v2 =	vor.u32 v28, v0;
	v1 =	vld.idx.msk [tilespmem:v6+s11+$0x0], $0xffff  }
0x27b: {  	v6 =	vor.u32 v62, v8;
	_ =	sdelay $0x3  }
0x27c: {  	[tilespmem:v2+s12+$0x0] =	vst.idx.msk $0xffff, v1  }
0x27d: {  	v2 =	vor.u32 v29, v0;
	v1 =	vld.idx.msk [tilespmem:v6+s11+$0x0], $0xffff  }
0x27e: {  	v6 =	vor.u32 v48, v8;
	_ =	sdelay $0x3  }
0x27f: {  	[tilespmem:v2+s12+$0x0] =	vst.idx.msk $0xffff, v1  }
0x280: {  	v2 =	vor.u32 v31, v0;
	v1 =	vld.idx.msk [tilespmem:v6+s11+$0x0], $0xffff  }
0x281: {  	v6 =	vor.u32 v11, v8  }
0x282: {  	v3 =	vld [tilespmem:$0x1FDF0];
	_ =	sdelay $0x2  }
0x283: {  	[tilespmem:v2+s12+$0x0] =	vst.idx.msk $0xffff, v1  }
0x284: {  	v2 =	vor.u32 v32, v0;
	v1 =	vld.idx.msk [tilespmem:v6+s11+$0x0], $0xffff  }
0x285: {  	v6 =	vor.u32 v3, v8  }
0x286: {  	v3 =	vld [tilespmem:$0x1FE00];
	_ =	sdelay $0x2  }
0x287: {  	[tilespmem:v2+s12+$0x0] =	vst.idx.msk $0xffff, v1  }
0x288: {  	v2 =	vor.u32 v33, v0;
	v1 =	vld.idx.msk [tilespmem:v6+s11+$0x0], $0xffff  }
0x289: {  	v6 =	vor.u32 v3, v8;
	_ =	sdelay $0x3  }
0x28a: {  	v3 =	vld [tilespmem:$0x1FE10];
	[tilespmem:v2+s12+$0x0] =	vst.idx.msk $0xffff, v1  }
0x28b: {  	v2 =	vor.u32 v34, v0;
	v1 =	vld.idx.msk [tilespmem:v6+s11+$0x0], $0xffff;
	_ =	sdelay $0x2  }
0x28c: {  	v45 =	vmov v7;
	v7 =	vld [tilespmem:$0x1FCB0]  }
0x28d: {  	v6 =	vor.u32 v3, v8;
	v3 =	vld [tilespmem:$0x1FC20]  }
0x28e: {  	[tilespmem:v2+s12+$0x0] =	vst.idx.msk $0xffff, v1;
	v1 =	vld [tilespmem:$0x1FC10];
	_ =	sdelay $0x3  }
0x28f: {  	v56 =	vmov v12;
	v12 =	vsel vm0, v7, v3  }
0x290: {  	v2 =	vor.u32 v35, v0;
	v63 =	vcombine.low v1, v12;
	v1 =	vld.idx.msk [tilespmem:v6+s11+$0x0], $0xffff;
	_ =	sdelay $0x2  }
0x291: {  	v4 =	vld [tilespmem:$0x1FC50]  }
0x292: {  	v7 =	vld [tilespmem:$0x1FCD0]  }
0x293: {  	v6 =	vor.u32 v63, v8;
	[tilespmem:v2+s12+$0x0] =	vst.idx.msk $0xffff, v1;
	v1 =	vld [tilespmem:$0x1FC40];
	_ =	sdelay $0x3  }
0x294: {  	v15 =	vsel vm0, v7, v4  }
0x295: {  	v2 =	vor.u32 v36, v0;
	v49 =	vcombine.low v1, v15;
	v1 =	vld.idx.msk [tilespmem:v6+s11+$0x0], $0xffff;
	_ =	sdelay $0x2  }
0x296: {  	v11 =	vmov v14;
	v14 =	vld [tilespmem:$0x1FC80]  }
0x297: {  	v7 =	vld [tilespmem:$0x1FCF0]  }
0x298: {  	[tilespmem:v2+s12+$0x0] =	vst.idx.msk $0xffff, v1;
	v1 =	vld [tilespmem:$0x1FC70]  }
0x299: {  	v6 =	vor.u32 v49, v8;
	_ =	sdelay $0x2  }
0x29a: {  	v13 =	vsel vm0, v7, v14  }
0x29b: {  	v51 =	vcombine.low v1, v13  }
0x29c: {  	v2 =	vor.u32 v37, v0;
	v1 =	vld.idx.msk [tilespmem:v6+s11+$0x0], $0xffff  }
0x29d: {  	v6 =	vor.u32 v51, v8;
	_ =	sdelay $0x3  }
0x29e: {  	[tilespmem:v2+s12+$0x0] =	vst.idx.msk $0xffff, v1  }
0x29f: {  	v2 =	vor.u32 v38, v0;
	v1 =	vld.idx.msk [tilespmem:v6+s11+$0x0], $0xffff;
	_ =	sdelay $0x3  }
0x2a0: {  	v7 =	vld [tilespmem:$0x1FC00]  }
0x2a1: {  	[tilespmem:v2+s12+$0x0] =	vst.idx.msk $0xffff, v1;
	v1 =	vld [tilespmem:$0x1FCC0]  }
0x2a2: {  	v6 =	vor.u32 v46, v8;
	_ =	sdelay $0x2  }
0x2a3: {  	v7 =	vsel vm0, v3, v7  }
0x2a4: {  	v5 =	vmov v55;
	v55 =	vcombine.low v7, v1  }
0x2a5: {  	v2 =	vor.u32 v39, v0;
	v1 =	vld.idx.msk [tilespmem:v6+s11+$0x0], $0xffff  }
0x2a6: {  	v6 =	vor.u32 v55, v8;
	_ =	sdelay $0x3  }
0x2a7: {  	v3 =	vld [tilespmem:$0x1FC30];
	[tilespmem:v2+s12+$0x0] =	vst.idx.msk $0xffff, v1  }
0x2a8: {  	v2 =	vld.idx.msk [tilespmem:v6+s11+$0x0], $0xffff;
	v6 =	vor.u32 v40, v0;
	_ =	sdelay $0x1  }
0x2a9: {  	v1 =	vld [tilespmem:$0x1FCE0];
	_ =	sdelay $0x1  }
0x2aa: {  	v7 =	vsel vm0, v4, v3;
	v3 =	vld [tilespmem:$0x1FC60]  }
0x2ab: {  	[tilespmem:v6+s12+$0x0] =	vst.idx.msk $0xffff, v2;
	v2 =	vld [tilespmem:$0x1FD00];
	_ =	sdelay $0x1  }
0x2ac: {  	v1 =	vcombine.low v7, v1;
	_ =	sdelay $0x1  }
0x2ad: {  	v4 =	vld [tilespmem:$0x1FCA0];
	v47 =	vsel vm0, v14, v3;
	v7 =	vor.u32 v1, v8  }
0x2ae: {  	v6 =	vcombine.low v47, v2;
	v2 =	vld [tilespmem:$0x1FC90];
	_ =	sdelay $0x3  }
0x2af: {  	v3 =	vmov v9;
	v9 =	vld.idx.msk [tilespmem:v7+s11+$0x0], $0xffff;
	v7 =	vor.u32 v41, v0  }
0x2b0: {  	v47 =	vor.u32 v6, v8;
	v2 =	vsel vm0, v2, v4;
	v4 =	vld [tilespmem:$0x1FD10];
	_ =	sdelay $0x3  }
0x2b1: {  	[tilespmem:v7+s12+$0x0] =	vst.idx.msk $0xffff, v9  }
0x2b2: {  	v9 =	vor.u32 v42, v0;
	v7 =	vcombine.low v2, v4;
	v2 =	vld.idx.msk [tilespmem:v47+s11+$0x0], $0xffff;
	_ =	sdelay $0x4  }
0x2b3: {  	v47 =	vor.u32 v7, v8;
	[tilespmem:v9+s12+$0x0] =	vst.idx.msk $0xffff, v2;
	v2 =	vld [tilespmem:$0x1FD20];
	_ =	sdelay $0x4  }
0x2b4: {  	v9 =	vor.u32 v43, v0;
	v12 =	vcombine.low v12, v2;
	v2 =	vld.idx.msk [tilespmem:v47+s11+$0x0], $0xffff;
	_ =	sdelay $0x4  }
0x2b5: {  	v4 =	vmov v10;
	v10 =	vor.u32 v12, v8;
	[tilespmem:v9+s12+$0x0] =	vst.idx.msk $0xffff, v2;
	v2 =	vld [tilespmem:$0x1FD30];
	_ =	sdelay $0x4  }
0x2b6: {  	v9 =	vor.u32 v44, v0;
	v47 =	vcombine.low v15, v2;
	v2 =	vld.idx.msk [tilespmem:v10+s11+$0x0], $0xffff;
	_ =	sdelay $0x4  }
0x2b7: {  	[tilespmem:v9+s12+$0x0] =	vst.idx.msk $0xffff, v2;
	v2 =	vld [tilespmem:$0x1FD40]  }
0x2b8: {  	v10 =	vor.u32 v47, v8;
	_ =	sdelay $0x3  }
0x2b9: {  	v2 =	vcombine.low v13, v2  }
0x2ba: {  	v13 =	vld.idx.msk [tilespmem:v10+s11+$0x0], $0xffff;
	v10 =	vor.u32 v45, v0  }
0x2bb: {  	v9 =	vor.u32 v2, v8;
	_ =	sdelay $0x3  }
0x2bc: {  	[tilespmem:v10+s12+$0x0] =	vst.idx.msk $0xffff, v13  }
0x2bd: {  	v10 =	vor.u32 v56, v0;
	v13 =	vld.idx.msk [tilespmem:v9+s11+$0x0], $0xffff  }
0x2be: {  	v9 =	vor.u32 v11, v8;
	_ =	sdelay $0x3  }
0x2bf: {  	[tilespmem:v10+s12+$0x0] =	vst.idx.msk $0xffff, v13  }
0x2c0: {  	v13 =	vld.idx.msk [tilespmem:v9+s11+$0x0], $0xffff  }
0x2c1: {  	v9 =	vld [tilespmem:$0x1FB50];
	_ =	sdelay $0x3  }
0x2c2: {  	v10 =	vor.u32 v3, v0  }
0x2c3: {  	v9 =	vor.u32 v9, v8;
	_ =	sdelay $0x3  }
0x2c4: {  	[tilespmem:v10+s12+$0x0] =	vst.idx.msk $0xffff, v13  }
0x2c5: {  	v10 =	vor.u32 v4, v0;
	v13 =	vld.idx.msk [tilespmem:v9+s11+$0x0], $0xffff  }
0x2c6: {  	v9 =	vor.u32 v16, v8;
	_ =	sdelay $0x3  }
0x2c7: {  	[tilespmem:v10+s12+$0x0] =	vst.idx.msk $0xffff, v13  }
0x2c8: {  	v10 =	vor.u32 v5, v0;
	v9 =	vld.idx.msk [tilespmem:v9+s11+$0x0], $0xffff  }
0x2c9: {  	v8 =	vor.u32 v17, v8;
	_ =	sdelay $0x3  }
0x2ca: {  	s24 =	simm.s32 $0x10;
	v15 =	vld [tilespmem:$0x1FF90];
	[tilespmem:v10+s12+$0x0] =	vst.idx.msk $0xffff, v9;
	v9 =	vlaneseq.u32  }
0x2cb: {  	s25 =	simm.s32 $0x20;
	v14 =	vmov v11;
	v9 =	vor.u32 s24, v9;
	v10 =	vld.idx.msk [tilespmem:v8+s11+$0x0], $0xffff  }
.LBB2_5:
0x2cc: {  	v8 =	vshll.u32 v9, $0x5;
	v0 =	vor.u32 v30, v0;
	v11 =	vlaneseq.u32  }
0x2cd: {  	v11 =	vor.u32 v11, v8;
	_ =	sdelay $0x3  }
0x2ce: {  	[tilespmem:v0+s12+$0x0] =	vst.idx.msk $0xffff, v10  }
0x2cf: {  	v10 =	vld.idx.msk [tilespmem:v11+s11+$0x0], $0xffff  }
0x2d0: {  	v13 =	vmov s24;
	v11 =	vld [tilespmem:$0x1FDE0]  }
0x2d1: {  	v13 =	vshll.u32 v13, $0x3  }
0x2d2: {  	v9 =	vand.u32 $0x78, v9;
	v13 =	vand.u32 $0xC00, v13  }
0x2d3: {  	v0 =	vor.u32 v13, v9  }
0x2d4: {  	v9 =	vor.u32 v18, v0  }
0x2d5: {  	v11 =	vor.u32 v11, v8;
	_ =	sdelay $0x3  }
0x2d6: {  	[tilespmem:v9+s12+$0x0] =	vst.idx.msk $0xffff, v10  }
0x2d7: {  	v10 =	vor.u32 v19, v0;
	v9 =	vld.idx.msk [tilespmem:v11+s11+$0x0], $0xffff  }
0x2d8: {  	v11 =	vor.u32 v54, v8;
	_ =	sdelay $0x3  }
0x2d9: {  	[tilespmem:v10+s12+$0x0] =	vst.idx.msk $0xffff, v9  }
0x2da: {  	v10 =	vor.u32 v20, v0;
	v9 =	vld.idx.msk [tilespmem:v11+s11+$0x0], $0xffff  }
0x2db: {  	v11 =	vor.u32 v57, v8;
	_ =	sdelay $0x3  }
0x2dc: {  	[tilespmem:v10+s12+$0x0] =	vst.idx.msk $0xffff, v9  }
0x2dd: {  	v10 =	vor.u32 v21, v0;
	v9 =	vld.idx.msk [tilespmem:v11+s11+$0x0], $0xffff  }
0x2de: {  	v11 =	vor.u32 v60, v8;
	_ =	sdelay $0x3  }
0x2df: {  	[tilespmem:v10+s12+$0x0] =	vst.idx.msk $0xffff, v9  }
0x2e0: {  	v10 =	vor.u32 v22, v0;
	v9 =	vld.idx.msk [tilespmem:v11+s11+$0x0], $0xffff  }
0x2e1: {  	v11 =	vor.u32 v61, v8;
	_ =	sdelay $0x3  }
0x2e2: {  	[tilespmem:v10+s12+$0x0] =	vst.idx.msk $0xffff, v9  }
0x2e3: {  	v10 =	vor.u32 v23, v0;
	v9 =	vld.idx.msk [tilespmem:v11+s11+$0x0], $0xffff  }
0x2e4: {  	v11 =	vor.u32 v50, v8;
	_ =	sdelay $0x3  }
0x2e5: {  	[tilespmem:v10+s12+$0x0] =	vst.idx.msk $0xffff, v9  }
0x2e6: {  	v10 =	vor.u32 v24, v0;
	v9 =	vld.idx.msk [tilespmem:v11+s11+$0x0], $0xffff  }
0x2e7: {  	v11 =	vor.u32 v52, v8;
	_ =	sdelay $0x3  }
0x2e8: {  	[tilespmem:v10+s12+$0x0] =	vst.idx.msk $0xffff, v9  }
0x2e9: {  	v10 =	vor.u32 v25, v0;
	v9 =	vld.idx.msk [tilespmem:v11+s11+$0x0], $0xffff  }
0x2ea: {  	v11 =	vor.u32 v53, v8;
	_ =	sdelay $0x3  }
0x2eb: {  	[tilespmem:v10+s12+$0x0] =	vst.idx.msk $0xffff, v9  }
0x2ec: {  	v10 =	vor.u32 v26, v0;
	v9 =	vld.idx.msk [tilespmem:v11+s11+$0x0], $0xffff  }
0x2ed: {  	v11 =	vor.u32 v58, v8;
	_ =	sdelay $0x3  }
0x2ee: {  	[tilespmem:v10+s12+$0x0] =	vst.idx.msk $0xffff, v9  }
0x2ef: {  	v10 =	vor.u32 v27, v0;
	v9 =	vld.idx.msk [tilespmem:v11+s11+$0x0], $0xffff  }
0x2f0: {  	v11 =	vor.u32 v59, v8;
	_ =	sdelay $0x3  }
0x2f1: {  	[tilespmem:v10+s12+$0x0] =	vst.idx.msk $0xffff, v9  }
0x2f2: {  	v10 =	vor.u32 v28, v0;
	v9 =	vld.idx.msk [tilespmem:v11+s11+$0x0], $0xffff  }
0x2f3: {  	v11 =	vor.u32 v62, v8;
	_ =	sdelay $0x3  }
0x2f4: {  	[tilespmem:v10+s12+$0x0] =	vst.idx.msk $0xffff, v9  }
0x2f5: {  	v10 =	vor.u32 v29, v0;
	v9 =	vld.idx.msk [tilespmem:v11+s11+$0x0], $0xffff  }
0x2f6: {  	v11 =	vor.u32 v48, v8;
	_ =	sdelay $0x3  }
0x2f7: {  	[tilespmem:v10+s12+$0x0] =	vst.idx.msk $0xffff, v9  }
0x2f8: {  	v10 =	vor.u32 v31, v0;
	v9 =	vld.idx.msk [tilespmem:v11+s11+$0x0], $0xffff  }
0x2f9: {  	v11 =	vor.u32 v15, v8;
	_ =	sdelay $0x3  }
0x2fa: {  	[tilespmem:v10+s12+$0x0] =	vst.idx.msk $0xffff, v9  }
0x2fb: {  	v9 =	vld.idx.msk [tilespmem:v11+s11+$0x0], $0xffff  }
0x2fc: {  	v11 =	vld [tilespmem:$0x1FDF0];
	_ =	sdelay $0x3  }
0x2fd: {  	v10 =	vor.u32 v32, v0  }
0x2fe: {  	v11 =	vor.u32 v11, v8;
	_ =	sdelay $0x3  }
0x2ff: {  	[tilespmem:v10+s12+$0x0] =	vst.idx.msk $0xffff, v9  }
0x300: {  	v9 =	vld.idx.msk [tilespmem:v11+s11+$0x0], $0xffff  }
0x301: {  	v11 =	vld [tilespmem:$0x1FE00];
	_ =	sdelay $0x3  }
0x302: {  	v10 =	vor.u32 v33, v0  }
0x303: {  	v11 =	vor.u32 v11, v8;
	_ =	sdelay $0x3  }
0x304: {  	[tilespmem:v10+s12+$0x0] =	vst.idx.msk $0xffff, v9  }
0x305: {  	v9 =	vld.idx.msk [tilespmem:v11+s11+$0x0], $0xffff  }
0x306: {  	v11 =	vld [tilespmem:$0x1FE10];
	_ =	sdelay $0x3  }
0x307: {  	v10 =	vor.u32 v34, v0  }
0x308: {  	v11 =	vor.u32 v11, v8;
	_ =	sdelay $0x3  }
0x309: {  	[tilespmem:v10+s12+$0x0] =	vst.idx.msk $0xffff, v9  }
0x30a: {  	v10 =	vor.u32 v35, v0;
	v9 =	vld.idx.msk [tilespmem:v11+s11+$0x0], $0xffff  }
0x30b: {  	v11 =	vor.u32 v63, v8;
	_ =	sdelay $0x3  }
0x30c: {  	[tilespmem:v10+s12+$0x0] =	vst.idx.msk $0xffff, v9  }
0x30d: {  	v10 =	vor.u32 v36, v0;
	v9 =	vld.idx.msk [tilespmem:v11+s11+$0x0], $0xffff  }
0x30e: {  	v11 =	vor.u32 v49, v8;
	_ =	sdelay $0x3  }
0x30f: {  	[tilespmem:v10+s12+$0x0] =	vst.idx.msk $0xffff, v9  }
0x310: {  	v10 =	vor.u32 v37, v0;
	v9 =	vld.idx.msk [tilespmem:v11+s11+$0x0], $0xffff  }
0x311: {  	v11 =	vor.u32 v51, v8;
	_ =	sdelay $0x3  }
0x312: {  	[tilespmem:v10+s12+$0x0] =	vst.idx.msk $0xffff, v9  }
0x313: {  	v10 =	vor.u32 v38, v0;
	v9 =	vld.idx.msk [tilespmem:v11+s11+$0x0], $0xffff  }
0x314: {  	v11 =	vor.u32 v46, v8;
	_ =	sdelay $0x3  }
0x315: {  	[tilespmem:v10+s12+$0x0] =	vst.idx.msk $0xffff, v9  }
0x316: {  	v10 =	vor.u32 v39, v0;
	v9 =	vld.idx.msk [tilespmem:v11+s11+$0x0], $0xffff  }
0x317: {  	v11 =	vor.u32 v55, v8;
	_ =	sdelay $0x3  }
0x318: {  	[tilespmem:v10+s12+$0x0] =	vst.idx.msk $0xffff, v9  }
0x319: {  	v10 =	vor.u32 v40, v0;
	v9 =	vld.idx.msk [tilespmem:v11+s11+$0x0], $0xffff  }
0x31a: {  	v11 =	vor.u32 v1, v8;
	_ =	sdelay $0x3  }
0x31b: {  	[tilespmem:v10+s12+$0x0] =	vst.idx.msk $0xffff, v9  }
0x31c: {  	v10 =	vor.u32 v41, v0;
	v9 =	vld.idx.msk [tilespmem:v11+s11+$0x0], $0xffff  }
0x31d: {  	v11 =	vor.u32 v6, v8;
	_ =	sdelay $0x3  }
0x31e: {  	[tilespmem:v10+s12+$0x0] =	vst.idx.msk $0xffff, v9  }
0x31f: {  	v10 =	vor.u32 v42, v0;
	v9 =	vld.idx.msk [tilespmem:v11+s11+$0x0], $0xffff  }
0x320: {  	v11 =	vor.u32 v7, v8;
	_ =	sdelay $0x3  }
0x321: {  	[tilespmem:v10+s12+$0x0] =	vst.idx.msk $0xffff, v9  }
0x322: {  	v10 =	vor.u32 v43, v0;
	v9 =	vld.idx.msk [tilespmem:v11+s11+$0x0], $0xffff  }
0x323: {  	v11 =	vor.u32 v12, v8;
	_ =	sdelay $0x3  }
0x324: {  	[tilespmem:v10+s12+$0x0] =	vst.idx.msk $0xffff, v9  }
0x325: {  	v10 =	vor.u32 v44, v0;
	v9 =	vld.idx.msk [tilespmem:v11+s11+$0x0], $0xffff  }
0x326: {  	v11 =	vor.u32 v47, v8;
	_ =	sdelay $0x3  }
0x327: {  	[tilespmem:v10+s12+$0x0] =	vst.idx.msk $0xffff, v9  }
0x328: {  	v10 =	vor.u32 v45, v0;
	v9 =	vld.idx.msk [tilespmem:v11+s11+$0x0], $0xffff  }
0x329: {  	v11 =	vor.u32 v2, v8;
	_ =	sdelay $0x3  }
0x32a: {  	[tilespmem:v10+s12+$0x0] =	vst.idx.msk $0xffff, v9  }
0x32b: {  	v10 =	vor.u32 v56, v0;
	v9 =	vld.idx.msk [tilespmem:v11+s11+$0x0], $0xffff  }
0x32c: {  	v11 =	vor.u32 v14, v8;
	_ =	sdelay $0x3  }
0x32d: {  	[tilespmem:v10+s12+$0x0] =	vst.idx.msk $0xffff, v9  }
0x32e: {  	v9 =	vld.idx.msk [tilespmem:v11+s11+$0x0], $0xffff  }
0x32f: {  	v11 =	vld [tilespmem:$0x1FB50];
	_ =	sdelay $0x3  }
0x330: {  	v10 =	vor.u32 v3, v0  }
0x331: {  	v11 =	vor.u32 v11, v8;
	_ =	sdelay $0x3  }
0x332: {  	[tilespmem:v10+s12+$0x0] =	vst.idx.msk $0xffff, v9  }
0x333: {  	v10 =	vor.u32 v4, v0;
	v9 =	vld.idx.msk [tilespmem:v11+s11+$0x0], $0xffff  }
0x334: {  	v11 =	vor.u32 v16, v8;
	_ =	sdelay $0x3  }
0x335: {  	[tilespmem:v10+s12+$0x0] =	vst.idx.msk $0xffff, v9  }
0x336: {  	v10 =	vor.u32 v5, v0;
	v9 =	vld.idx.msk [tilespmem:v11+s11+$0x0], $0xffff  }
0x337: {  	p0 =	sne.s32 s25, $0x1F0;
	v8 =	vor.u32 v17, v8  }
.Ltmp1:
0x338: {  	_ = 	snop;
	(pc) =	sbr.rel @p0 .LBB2_5-.Ltmp1, $3  }
0x339: {  	_ =	sdelay $0x1  }
0x33a: {  	s24 =	smov.u32 s25;
	v11 =	vlaneseq.u32;
	[tilespmem:v10+s12+$0x0] =	vst.idx.msk $0xffff, v9  }
0x33b: {  	s25 =	sadd.s32 $0x10, s25;
	v9 =	vor.u32 s24, v11;
	v10 =	vld.idx.msk [tilespmem:v8+s11+$0x0], $0xffff  }
0x33c: {  	v8 =	vshll.u32 v9, $0x5;
	v0 =	vor.u32 v30, v0;
	v11 =	vlaneseq.u32  }
0x33d: {  	v11 =	vor.u32 v11, v8;
	_ =	sdelay $0x1  }
0x33e: {  	v13 =	vmov s24  }
0x33f: {  	v13 =	vshll.u32 v13, $0x3  }
0x340: {  	v9 =	vand.u32 $0x78, v9;
	v13 =	vand.u32 $0xC00, v13;
	[tilespmem:v0+s12+$0x0] =	vst.idx.msk $0xffff, v10  }
0x341: {  	v0 =	vor.u32 v13, v9;
	v9 =	vld.idx.msk [tilespmem:v11+s11+$0x0], $0xffff  }
0x342: {  	v11 =	vld [tilespmem:$0x1FDE0];
	_ =	sdelay $0x3  }
0x343: {  	v10 =	vor.u32 v18, v0  }
0x344: {  	v11 =	vor.u32 v11, v8;
	_ =	sdelay $0x3  }
0x345: {  	[tilespmem:v10+s12+$0x0] =	vst.idx.msk $0xffff, v9  }
0x346: {  	v10 =	vor.u32 v19, v0;
	v9 =	vld.idx.msk [tilespmem:v11+s11+$0x0], $0xffff  }
0x347: {  	v11 =	vor.u32 v54, v8;
	_ =	sdelay $0x3  }
0x348: {  	[tilespmem:v10+s12+$0x0] =	vst.idx.msk $0xffff, v9  }
0x349: {  	v10 =	vor.u32 v20, v0;
	v9 =	vld.idx.msk [tilespmem:v11+s11+$0x0], $0xffff  }
0x34a: {  	v11 =	vor.u32 v57, v8;
	_ =	sdelay $0x3  }
0x34b: {  	[tilespmem:v10+s12+$0x0] =	vst.idx.msk $0xffff, v9  }
0x34c: {  	v10 =	vor.u32 v21, v0;
	v9 =	vld.idx.msk [tilespmem:v11+s11+$0x0], $0xffff  }
0x34d: {  	v11 =	vor.u32 v60, v8;
	_ =	sdelay $0x3  }
0x34e: {  	[tilespmem:v10+s12+$0x0] =	vst.idx.msk $0xffff, v9  }
0x34f: {  	v10 =	vor.u32 v22, v0;
	v9 =	vld.idx.msk [tilespmem:v11+s11+$0x0], $0xffff  }
0x350: {  	v11 =	vor.u32 v61, v8;
	_ =	sdelay $0x3  }
0x351: {  	[tilespmem:v10+s12+$0x0] =	vst.idx.msk $0xffff, v9  }
0x352: {  	v10 =	vor.u32 v23, v0;
	v9 =	vld.idx.msk [tilespmem:v11+s11+$0x0], $0xffff  }
0x353: {  	v11 =	vor.u32 v50, v8;
	_ =	sdelay $0x3  }
0x354: {  	[tilespmem:v10+s12+$0x0] =	vst.idx.msk $0xffff, v9  }
0x355: {  	v10 =	vor.u32 v24, v0;
	v9 =	vld.idx.msk [tilespmem:v11+s11+$0x0], $0xffff  }
0x356: {  	v11 =	vor.u32 v52, v8;
	_ =	sdelay $0x3  }
0x357: {  	[tilespmem:v10+s12+$0x0] =	vst.idx.msk $0xffff, v9  }
0x358: {  	v10 =	vor.u32 v25, v0;
	v9 =	vld.idx.msk [tilespmem:v11+s11+$0x0], $0xffff  }
0x359: {  	v11 =	vor.u32 v53, v8;
	_ =	sdelay $0x3  }
0x35a: {  	[tilespmem:v10+s12+$0x0] =	vst.idx.msk $0xffff, v9  }
0x35b: {  	v10 =	vor.u32 v26, v0;
	v9 =	vld.idx.msk [tilespmem:v11+s11+$0x0], $0xffff  }
0x35c: {  	v11 =	vor.u32 v58, v8;
	_ =	sdelay $0x3  }
0x35d: {  	[tilespmem:v10+s12+$0x0] =	vst.idx.msk $0xffff, v9  }
0x35e: {  	v10 =	vor.u32 v27, v0;
	v9 =	vld.idx.msk [tilespmem:v11+s11+$0x0], $0xffff  }
0x35f: {  	v11 =	vor.u32 v59, v8;
	_ =	sdelay $0x3  }
0x360: {  	[tilespmem:v10+s12+$0x0] =	vst.idx.msk $0xffff, v9  }
0x361: {  	v10 =	vor.u32 v28, v0;
	v9 =	vld.idx.msk [tilespmem:v11+s11+$0x0], $0xffff  }
0x362: {  	v11 =	vor.u32 v62, v8;
	_ =	sdelay $0x3  }
0x363: {  	[tilespmem:v10+s12+$0x0] =	vst.idx.msk $0xffff, v9  }
0x364: {  	v10 =	vor.u32 v29, v0;
	v9 =	vld.idx.msk [tilespmem:v11+s11+$0x0], $0xffff  }
0x365: {  	v11 =	vor.u32 v48, v8;
	_ =	sdelay $0x3  }
0x366: {  	[tilespmem:v10+s12+$0x0] =	vst.idx.msk $0xffff, v9  }
0x367: {  	v10 =	vor.u32 v31, v0;
	v9 =	vld.idx.msk [tilespmem:v11+s11+$0x0], $0xffff  }
0x368: {  	v11 =	vor.u32 v15, v8;
	_ =	sdelay $0x3  }
0x369: {  	[tilespmem:v10+s12+$0x0] =	vst.idx.msk $0xffff, v9  }
0x36a: {  	v9 =	vld.idx.msk [tilespmem:v11+s11+$0x0], $0xffff  }
0x36b: {  	v11 =	vld [tilespmem:$0x1FDF0];
	_ =	sdelay $0x3  }
0x36c: {  	v10 =	vor.u32 v32, v0  }
0x36d: {  	v11 =	vor.u32 v11, v8;
	_ =	sdelay $0x3  }
0x36e: {  	[tilespmem:v10+s12+$0x0] =	vst.idx.msk $0xffff, v9  }
0x36f: {  	v9 =	vld.idx.msk [tilespmem:v11+s11+$0x0], $0xffff  }
0x370: {  	v11 =	vld [tilespmem:$0x1FE00];
	_ =	sdelay $0x3  }
0x371: {  	v10 =	vor.u32 v33, v0  }
0x372: {  	v11 =	vor.u32 v11, v8;
	_ =	sdelay $0x3  }
0x373: {  	[tilespmem:v10+s12+$0x0] =	vst.idx.msk $0xffff, v9  }
0x374: {  	v9 =	vld.idx.msk [tilespmem:v11+s11+$0x0], $0xffff  }
0x375: {  	v11 =	vld [tilespmem:$0x1FE10];
	_ =	sdelay $0x3  }
0x376: {  	v10 =	vor.u32 v34, v0  }
0x377: {  	v11 =	vor.u32 v11, v8;
	_ =	sdelay $0x3  }
0x378: {  	[tilespmem:v10+s12+$0x0] =	vst.idx.msk $0xffff, v9  }
0x379: {  	v10 =	vor.u32 v35, v0;
	v9 =	vld.idx.msk [tilespmem:v11+s11+$0x0], $0xffff  }
0x37a: {  	v11 =	vor.u32 v63, v8;
	_ =	sdelay $0x3  }
0x37b: {  	[tilespmem:v10+s12+$0x0] =	vst.idx.msk $0xffff, v9  }
0x37c: {  	v10 =	vor.u32 v36, v0;
	v9 =	vld.idx.msk [tilespmem:v11+s11+$0x0], $0xffff  }
0x37d: {  	v11 =	vor.u32 v49, v8;
	_ =	sdelay $0x3  }
0x37e: {  	[tilespmem:v10+s12+$0x0] =	vst.idx.msk $0xffff, v9  }
0x37f: {  	v10 =	vor.u32 v37, v0;
	v9 =	vld.idx.msk [tilespmem:v11+s11+$0x0], $0xffff  }
0x380: {  	v11 =	vor.u32 v51, v8;
	_ =	sdelay $0x3  }
0x381: {  	[tilespmem:v10+s12+$0x0] =	vst.idx.msk $0xffff, v9  }
0x382: {  	v10 =	vor.u32 v38, v0;
	v9 =	vld.idx.msk [tilespmem:v11+s11+$0x0], $0xffff  }
0x383: {  	v11 =	vor.u32 v46, v8;
	_ =	sdelay $0x3  }
0x384: {  	[tilespmem:v10+s12+$0x0] =	vst.idx.msk $0xffff, v9  }
0x385: {  	v10 =	vor.u32 v39, v0;
	v9 =	vld.idx.msk [tilespmem:v11+s11+$0x0], $0xffff  }
0x386: {  	v11 =	vor.u32 v55, v8;
	_ =	sdelay $0x3  }
0x387: {  	[tilespmem:v10+s12+$0x0] =	vst.idx.msk $0xffff, v9  }
0x388: {  	v10 =	vor.u32 v40, v0;
	v9 =	vld.idx.msk [tilespmem:v11+s11+$0x0], $0xffff  }
0x389: {  	v11 =	vor.u32 v1, v8;
	_ =	sdelay $0x3  }
0x38a: {  	[tilespmem:v10+s12+$0x0] =	vst.idx.msk $0xffff, v9  }
0x38b: {  	v10 =	vor.u32 v41, v0;
	v9 =	vld.idx.msk [tilespmem:v11+s11+$0x0], $0xffff  }
0x38c: {  	v11 =	vor.u32 v6, v8;
	_ =	sdelay $0x3  }
0x38d: {  	[tilespmem:v10+s12+$0x0] =	vst.idx.msk $0xffff, v9  }
0x38e: {  	v10 =	vor.u32 v42, v0;
	v9 =	vld.idx.msk [tilespmem:v11+s11+$0x0], $0xffff  }
0x38f: {  	v11 =	vor.u32 v7, v8;
	_ =	sdelay $0x3  }
0x390: {  	[tilespmem:v10+s12+$0x0] =	vst.idx.msk $0xffff, v9  }
0x391: {  	v10 =	vor.u32 v43, v0;
	v9 =	vld.idx.msk [tilespmem:v11+s11+$0x0], $0xffff  }
0x392: {  	v11 =	vor.u32 v12, v8;
	_ =	sdelay $0x3  }
0x393: {  	[tilespmem:v10+s12+$0x0] =	vst.idx.msk $0xffff, v9  }
0x394: {  	v10 =	vor.u32 v44, v0;
	v9 =	vld.idx.msk [tilespmem:v11+s11+$0x0], $0xffff  }
0x395: {  	v11 =	vor.u32 v47, v8;
	_ =	sdelay $0x3  }
0x396: {  	[tilespmem:v10+s12+$0x0] =	vst.idx.msk $0xffff, v9  }
0x397: {  	v10 =	vor.u32 v45, v0;
	v9 =	vld.idx.msk [tilespmem:v11+s11+$0x0], $0xffff  }
0x398: {  	v11 =	vor.u32 v2, v8;
	_ =	sdelay $0x3  }
0x399: {  	[tilespmem:v10+s12+$0x0] =	vst.idx.msk $0xffff, v9  }
0x39a: {  	v10 =	vor.u32 v56, v0;
	v9 =	vld.idx.msk [tilespmem:v11+s11+$0x0], $0xffff  }
0x39b: {  	v11 =	vor.u32 v14, v8  }
0x39c: {  	v13 =	vld [tilespmem:$0x1FB50];
	_ =	sdelay $0x2  }
0x39d: {  	[tilespmem:v10+s12+$0x0] =	vst.idx.msk $0xffff, v9  }
0x39e: {  	v10 =	vor.u32 v3, v0;
	v9 =	vld.idx.msk [tilespmem:v11+s11+$0x0], $0xffff  }
0x39f: {  	v11 =	vor.u32 v13, v8;
	_ =	sdelay $0x3  }
0x3a0: {  	[tilespmem:v10+s12+$0x0] =	vst.idx.msk $0xffff, v9  }
0x3a1: {  	v10 =	vor.u32 v4, v0;
	v9 =	vld.idx.msk [tilespmem:v11+s11+$0x0], $0xffff  }
0x3a2: {  	v11 =	vor.u32 v16, v8;
	_ =	sdelay $0x3  }
0x3a3: {  	[tilespmem:v10+s12+$0x0] =	vst.idx.msk $0xffff, v9  }
0x3a4: {  	v10 =	vor.u32 v5, v0;
	v9 =	vld.idx.msk [tilespmem:v11+s11+$0x0], $0xffff  }
0x3a5: {  	v8 =	vor.u32 v17, v8;
	_ =	sdelay $0x3  }
0x3a6: {  	[tilespmem:v10+s12+$0x0] =	vst.idx.msk $0xffff, v9  }
0x3a7: {  	v0 =	vor.u32 v30, v0;
	v8 =	vld.idx.msk [tilespmem:v8+s11+$0x0], $0xffff;
	_ =	sdelay $0x1  }
0x3a8: {  	s30 =	sshll.u32 s22, $0x14  }
0x3a9: {  	p0 =	seq.s32 s22, $0x18;
	s24 =	sor.u32 s6, s30  }
0x3aa: {  	s25 =	sshll.u32 @!p0 s22, $0xA;
	s24 =	sshrl.u32 s24, $0x3  }
0x3ab: {  	s31 =	simm.s32 $0x0;
	s25 =	sand.u32 @!p0 $0x3FFFFC00, s25;
	s24 =	sadd.s32 s2, s24;
	[tilespmem:v0+s12+$0x0] =	vst.idx.msk $0xffff, v8  }
0x3ac: {  	v0 =	vlaneseq.u32;
	[hbm4b:s24+s13] =	stream.strided.scatter [tilespmem:s12], [sflag:$0x3], $0x4000, s14, s13, $0x38;
	[tilespmem:$0x1D400] =	vst v63  }
0x3ad: {  	s26 =	simm.s32 @!p0 $0x200;
	s28 =	simm.s32 @!p0 $0xD400;
	s25 =	sadd.s32 @!p0 $0x7400, s25;
	v0 =	vor.u32 s31, v0  }
0x3ae: {  	v9 =	vlaneseq.u32;
	v8 =	vshll.u32 v0, $0x5;
	[tilespmem:s28], [sflag:$0x1] =	stream.indirect.gather @!p0 [hbm4b:s4+s26], $0x20, s25, s26, $0xb8;
	[tilespmem:$0x1D400] =	vst v63  }
0x3af: {  	v9 =	vor.u32 v9, v8;
	_ =	swait.ge [sflag:s15], $0x4000  }
0x3b0: {  	v10 =	vmov s31;
	v11 =	vld [tilespmem:$0x1FDE0]  }
0x3b1: {  	v10 =	vshll.u32 v10, $0x3  }
0x3b2: {  	v10 =	vand.u32 $0xC00, v10;
	v0 =	vand.u32 $0x78, v0;
	[sflag:s15] =	ssyncset.done $0x0  }
0x3b3: {  	v0 =	vor.u32 v10, v0;
	[sflag:s15] =	ssyncadd.s32 $0xFFFFC000  }
0x3b4: {  	v10 =	vor.u32 v18, v0;
	v9 =	vld.idx.msk [tilespmem:v9+s16+$0x0], $0xffff  }
0x3b5: {  	v11 =	vor.u32 v11, v8;
	_ =	sdelay $0x3  }
0x3b6: {  	[tilespmem:v10+s17+$0x0] =	vst.idx.msk $0xffff, v9  }
0x3b7: {  	v10 =	vor.u32 v19, v0;
	v9 =	vld.idx.msk [tilespmem:v11+s16+$0x0], $0xffff  }
0x3b8: {  	v11 =	vor.u32 v54, v8;
	_ =	sdelay $0x3  }
0x3b9: {  	[tilespmem:v10+s17+$0x0] =	vst.idx.msk $0xffff, v9  }
0x3ba: {  	v10 =	vor.u32 v20, v0;
	v9 =	vld.idx.msk [tilespmem:v11+s16+$0x0], $0xffff  }
0x3bb: {  	v11 =	vor.u32 v57, v8;
	_ =	sdelay $0x3  }
0x3bc: {  	[tilespmem:v10+s17+$0x0] =	vst.idx.msk $0xffff, v9  }
0x3bd: {  	v10 =	vor.u32 v21, v0;
	v9 =	vld.idx.msk [tilespmem:v11+s16+$0x0], $0xffff  }
0x3be: {  	v11 =	vor.u32 v60, v8;
	_ =	sdelay $0x3  }
0x3bf: {  	[tilespmem:v10+s17+$0x0] =	vst.idx.msk $0xffff, v9  }
0x3c0: {  	v10 =	vor.u32 v22, v0;
	v9 =	vld.idx.msk [tilespmem:v11+s16+$0x0], $0xffff  }
0x3c1: {  	v11 =	vor.u32 v61, v8;
	_ =	sdelay $0x3  }
0x3c2: {  	[tilespmem:v10+s17+$0x0] =	vst.idx.msk $0xffff, v9  }
0x3c3: {  	v10 =	vor.u32 v23, v0;
	v9 =	vld.idx.msk [tilespmem:v11+s16+$0x0], $0xffff  }
0x3c4: {  	v11 =	vor.u32 v50, v8;
	_ =	sdelay $0x3  }
0x3c5: {  	[tilespmem:v10+s17+$0x0] =	vst.idx.msk $0xffff, v9  }
0x3c6: {  	v10 =	vor.u32 v24, v0;
	v9 =	vld.idx.msk [tilespmem:v11+s16+$0x0], $0xffff  }
0x3c7: {  	v11 =	vor.u32 v52, v8;
	_ =	sdelay $0x3  }
0x3c8: {  	[tilespmem:v10+s17+$0x0] =	vst.idx.msk $0xffff, v9  }
0x3c9: {  	v10 =	vor.u32 v25, v0;
	v9 =	vld.idx.msk [tilespmem:v11+s16+$0x0], $0xffff  }
0x3ca: {  	v11 =	vor.u32 v53, v8;
	_ =	sdelay $0x3  }
0x3cb: {  	[tilespmem:v10+s17+$0x0] =	vst.idx.msk $0xffff, v9  }
0x3cc: {  	v10 =	vor.u32 v26, v0;
	v9 =	vld.idx.msk [tilespmem:v11+s16+$0x0], $0xffff  }
0x3cd: {  	v11 =	vor.u32 v58, v8;
	_ =	sdelay $0x3  }
0x3ce: {  	[tilespmem:v10+s17+$0x0] =	vst.idx.msk $0xffff, v9  }
0x3cf: {  	v10 =	vor.u32 v27, v0;
	v9 =	vld.idx.msk [tilespmem:v11+s16+$0x0], $0xffff  }
0x3d0: {  	v11 =	vor.u32 v59, v8;
	_ =	sdelay $0x3  }
0x3d1: {  	[tilespmem:v10+s17+$0x0] =	vst.idx.msk $0xffff, v9  }
0x3d2: {  	v10 =	vor.u32 v28, v0;
	v9 =	vld.idx.msk [tilespmem:v11+s16+$0x0], $0xffff  }
0x3d3: {  	v11 =	vor.u32 v62, v8;
	_ =	sdelay $0x3  }
0x3d4: {  	[tilespmem:v10+s17+$0x0] =	vst.idx.msk $0xffff, v9  }
0x3d5: {  	v10 =	vor.u32 v29, v0;
	v9 =	vld.idx.msk [tilespmem:v11+s16+$0x0], $0xffff  }
0x3d6: {  	v11 =	vor.u32 v48, v8;
	_ =	sdelay $0x3  }
0x3d7: {  	[tilespmem:v10+s17+$0x0] =	vst.idx.msk $0xffff, v9  }
0x3d8: {  	v10 =	vor.u32 v31, v0;
	v9 =	vld.idx.msk [tilespmem:v11+s16+$0x0], $0xffff  }
0x3d9: {  	v11 =	vor.u32 v15, v8;
	_ =	sdelay $0x3  }
0x3da: {  	[tilespmem:v10+s17+$0x0] =	vst.idx.msk $0xffff, v9  }
0x3db: {  	v9 =	vld.idx.msk [tilespmem:v11+s16+$0x0], $0xffff  }
0x3dc: {  	v11 =	vld [tilespmem:$0x1FDF0];
	_ =	sdelay $0x3  }
0x3dd: {  	v10 =	vor.u32 v32, v0  }
0x3de: {  	v11 =	vor.u32 v11, v8;
	_ =	sdelay $0x3  }
0x3df: {  	[tilespmem:v10+s17+$0x0] =	vst.idx.msk $0xffff, v9  }
0x3e0: {  	v9 =	vld.idx.msk [tilespmem:v11+s16+$0x0], $0xffff  }
0x3e1: {  	v11 =	vld [tilespmem:$0x1FE00];
	_ =	sdelay $0x3  }
0x3e2: {  	v10 =	vor.u32 v33, v0  }
0x3e3: {  	v11 =	vor.u32 v11, v8;
	_ =	sdelay $0x3  }
0x3e4: {  	[tilespmem:v10+s17+$0x0] =	vst.idx.msk $0xffff, v9  }
0x3e5: {  	v9 =	vld.idx.msk [tilespmem:v11+s16+$0x0], $0xffff  }
0x3e6: {  	v11 =	vld [tilespmem:$0x1FE10];
	_ =	sdelay $0x3  }
0x3e7: {  	v10 =	vor.u32 v34, v0  }
0x3e8: {  	v11 =	vor.u32 v11, v8;
	_ =	sdelay $0x3  }
0x3e9: {  	[tilespmem:v10+s17+$0x0] =	vst.idx.msk $0xffff, v9  }
0x3ea: {  	v10 =	vor.u32 v35, v0;
	v9 =	vld.idx.msk [tilespmem:v11+s16+$0x0], $0xffff  }
0x3eb: {  	v11 =	vor.u32 v63, v8;
	_ =	sdelay $0x3  }
0x3ec: {  	[tilespmem:v10+s17+$0x0] =	vst.idx.msk $0xffff, v9  }
0x3ed: {  	v10 =	vor.u32 v36, v0;
	v9 =	vld.idx.msk [tilespmem:v11+s16+$0x0], $0xffff  }
0x3ee: {  	v11 =	vor.u32 v49, v8;
	_ =	sdelay $0x3  }
0x3ef: {  	[tilespmem:v10+s17+$0x0] =	vst.idx.msk $0xffff, v9  }
0x3f0: {  	v10 =	vor.u32 v37, v0;
	v9 =	vld.idx.msk [tilespmem:v11+s16+$0x0], $0xffff  }
0x3f1: {  	v11 =	vor.u32 v51, v8;
	_ =	sdelay $0x3  }
0x3f2: {  	[tilespmem:v10+s17+$0x0] =	vst.idx.msk $0xffff, v9  }
0x3f3: {  	v10 =	vor.u32 v38, v0;
	v9 =	vld.idx.msk [tilespmem:v11+s16+$0x0], $0xffff  }
0x3f4: {  	v11 =	vor.u32 v46, v8;
	_ =	sdelay $0x3  }
0x3f5: {  	[tilespmem:v10+s17+$0x0] =	vst.idx.msk $0xffff, v9  }
0x3f6: {  	v10 =	vor.u32 v39, v0;
	v9 =	vld.idx.msk [tilespmem:v11+s16+$0x0], $0xffff  }
0x3f7: {  	v11 =	vor.u32 v55, v8;
	_ =	sdelay $0x3  }
0x3f8: {  	[tilespmem:v10+s17+$0x0] =	vst.idx.msk $0xffff, v9  }
0x3f9: {  	v10 =	vor.u32 v40, v0;
	v9 =	vld.idx.msk [tilespmem:v11+s16+$0x0], $0xffff  }
0x3fa: {  	v11 =	vor.u32 v1, v8;
	_ =	sdelay $0x3  }
0x3fb: {  	[tilespmem:v10+s17+$0x0] =	vst.idx.msk $0xffff, v9  }
0x3fc: {  	v10 =	vor.u32 v41, v0;
	v9 =	vld.idx.msk [tilespmem:v11+s16+$0x0], $0xffff  }
0x3fd: {  	v11 =	vor.u32 v6, v8;
	_ =	sdelay $0x3  }
0x3fe: {  	[tilespmem:v10+s17+$0x0] =	vst.idx.msk $0xffff, v9  }
0x3ff: {  	v10 =	vor.u32 v42, v0;
	v9 =	vld.idx.msk [tilespmem:v11+s16+$0x0], $0xffff  }
0x400: {  	v11 =	vor.u32 v7, v8;
	_ =	sdelay $0x3  }
0x401: {  	[tilespmem:v10+s17+$0x0] =	vst.idx.msk $0xffff, v9  }
0x402: {  	v10 =	vor.u32 v43, v0;
	v9 =	vld.idx.msk [tilespmem:v11+s16+$0x0], $0xffff  }
0x403: {  	v11 =	vor.u32 v12, v8;
	_ =	sdelay $0x3  }
0x404: {  	[tilespmem:v10+s17+$0x0] =	vst.idx.msk $0xffff, v9  }
0x405: {  	v10 =	vor.u32 v44, v0;
	v9 =	vld.idx.msk [tilespmem:v11+s16+$0x0], $0xffff  }
0x406: {  	v11 =	vor.u32 v47, v8;
	_ =	sdelay $0x3  }
0x407: {  	[tilespmem:v10+s17+$0x0] =	vst.idx.msk $0xffff, v9  }
0x408: {  	v10 =	vor.u32 v45, v0;
	v9 =	vld.idx.msk [tilespmem:v11+s16+$0x0], $0xffff  }
0x409: {  	v11 =	vor.u32 v2, v8;
	_ =	sdelay $0x3  }
0x40a: {  	[tilespmem:v10+s17+$0x0] =	vst.idx.msk $0xffff, v9  }
0x40b: {  	v10 =	vor.u32 v56, v0;
	v9 =	vld.idx.msk [tilespmem:v11+s16+$0x0], $0xffff  }
0x40c: {  	v11 =	vor.u32 v14, v8;
	_ =	sdelay $0x3  }
0x40d: {  	[tilespmem:v10+s17+$0x0] =	vst.idx.msk $0xffff, v9  }
0x40e: {  	v10 =	vor.u32 v3, v0;
	v9 =	vld.idx.msk [tilespmem:v11+s16+$0x0], $0xffff  }
0x40f: {  	v11 =	vor.u32 v13, v8;
	_ =	sdelay $0x3  }
0x410: {  	[tilespmem:v10+s17+$0x0] =	vst.idx.msk $0xffff, v9  }
0x411: {  	v10 =	vor.u32 v4, v0;
	v9 =	vld.idx.msk [tilespmem:v11+s16+$0x0], $0xffff  }
0x412: {  	v11 =	vor.u32 v16, v8;
	_ =	sdelay $0x3  }
0x413: {  	[tilespmem:v10+s17+$0x0] =	vst.idx.msk $0xffff, v9  }
0x414: {  	v10 =	vor.u32 v5, v0;
	v9 =	vld.idx.msk [tilespmem:v11+s16+$0x0], $0xffff  }
0x415: {  	v8 =	vor.u32 v17, v8;
	_ =	sdelay $0x3  }
0x416: {  	s24 =	simm.s32 $0x10;
	v11 =	vlaneseq.u32;
	[tilespmem:v10+s17+$0x0] =	vst.idx.msk $0xffff, v9  }
0x417: {  	s25 =	simm.s32 $0x20;
	v9 =	vor.u32 s24, v11;
	v10 =	vld.idx.msk [tilespmem:v8+s16+$0x0], $0xffff  }
.LBB2_7:
0x418: {  	v8 =	vshll.u32 v9, $0x5;
	v0 =	vor.u32 v30, v0;
	v11 =	vlaneseq.u32  }
0x419: {  	v11 =	vor.u32 v11, v8;
	_ =	sdelay $0x3  }
0x41a: {  	[tilespmem:v0+s17+$0x0] =	vst.idx.msk $0xffff, v10  }
0x41b: {  	v10 =	vld.idx.msk [tilespmem:v11+s16+$0x0], $0xffff  }
0x41c: {  	v13 =	vmov s24;
	v11 =	vld [tilespmem:$0x1FDE0]  }
0x41d: {  	v13 =	vshll.u32 v13, $0x3  }
0x41e: {  	v9 =	vand.u32 $0x78, v9;
	v13 =	vand.u32 $0xC00, v13  }
0x41f: {  	v0 =	vor.u32 v13, v9  }
0x420: {  	v9 =	vor.u32 v18, v0  }
0x421: {  	v11 =	vor.u32 v11, v8;
	_ =	sdelay $0x3  }
0x422: {  	[tilespmem:v9+s17+$0x0] =	vst.idx.msk $0xffff, v10  }
0x423: {  	v10 =	vor.u32 v19, v0;
	v9 =	vld.idx.msk [tilespmem:v11+s16+$0x0], $0xffff  }
0x424: {  	v11 =	vor.u32 v54, v8;
	_ =	sdelay $0x3  }
0x425: {  	[tilespmem:v10+s17+$0x0] =	vst.idx.msk $0xffff, v9  }
0x426: {  	v10 =	vor.u32 v20, v0;
	v9 =	vld.idx.msk [tilespmem:v11+s16+$0x0], $0xffff  }
0x427: {  	v11 =	vor.u32 v57, v8;
	_ =	sdelay $0x3  }
0x428: {  	[tilespmem:v10+s17+$0x0] =	vst.idx.msk $0xffff, v9  }
0x429: {  	v10 =	vor.u32 v21, v0;
	v9 =	vld.idx.msk [tilespmem:v11+s16+$0x0], $0xffff  }
0x42a: {  	v11 =	vor.u32 v60, v8;
	_ =	sdelay $0x3  }
0x42b: {  	[tilespmem:v10+s17+$0x0] =	vst.idx.msk $0xffff, v9  }
0x42c: {  	v10 =	vor.u32 v22, v0;
	v9 =	vld.idx.msk [tilespmem:v11+s16+$0x0], $0xffff  }
0x42d: {  	v11 =	vor.u32 v61, v8;
	_ =	sdelay $0x3  }
0x42e: {  	[tilespmem:v10+s17+$0x0] =	vst.idx.msk $0xffff, v9  }
0x42f: {  	v10 =	vor.u32 v23, v0;
	v9 =	vld.idx.msk [tilespmem:v11+s16+$0x0], $0xffff  }
0x430: {  	v11 =	vor.u32 v50, v8;
	_ =	sdelay $0x3  }
0x431: {  	[tilespmem:v10+s17+$0x0] =	vst.idx.msk $0xffff, v9  }
0x432: {  	v10 =	vor.u32 v24, v0;
	v9 =	vld.idx.msk [tilespmem:v11+s16+$0x0], $0xffff  }
0x433: {  	v11 =	vor.u32 v52, v8;
	_ =	sdelay $0x3  }
0x434: {  	[tilespmem:v10+s17+$0x0] =	vst.idx.msk $0xffff, v9  }
0x435: {  	v10 =	vor.u32 v25, v0;
	v9 =	vld.idx.msk [tilespmem:v11+s16+$0x0], $0xffff  }
0x436: {  	v11 =	vor.u32 v53, v8;
	_ =	sdelay $0x3  }
0x437: {  	[tilespmem:v10+s17+$0x0] =	vst.idx.msk $0xffff, v9  }
0x438: {  	v10 =	vor.u32 v26, v0;
	v9 =	vld.idx.msk [tilespmem:v11+s16+$0x0], $0xffff  }
0x439: {  	v11 =	vor.u32 v58, v8;
	_ =	sdelay $0x3  }
0x43a: {  	[tilespmem:v10+s17+$0x0] =	vst.idx.msk $0xffff, v9  }
0x43b: {  	v10 =	vor.u32 v27, v0;
	v9 =	vld.idx.msk [tilespmem:v11+s16+$0x0], $0xffff  }
0x43c: {  	v11 =	vor.u32 v59, v8;
	_ =	sdelay $0x3  }
0x43d: {  	[tilespmem:v10+s17+$0x0] =	vst.idx.msk $0xffff, v9  }
0x43e: {  	v10 =	vor.u32 v28, v0;
	v9 =	vld.idx.msk [tilespmem:v11+s16+$0x0], $0xffff  }
0x43f: {  	v11 =	vor.u32 v62, v8;
	_ =	sdelay $0x3  }
0x440: {  	[tilespmem:v10+s17+$0x0] =	vst.idx.msk $0xffff, v9  }
0x441: {  	v10 =	vor.u32 v29, v0;
	v9 =	vld.idx.msk [tilespmem:v11+s16+$0x0], $0xffff  }
0x442: {  	v11 =	vor.u32 v48, v8;
	_ =	sdelay $0x3  }
0x443: {  	[tilespmem:v10+s17+$0x0] =	vst.idx.msk $0xffff, v9  }
0x444: {  	v10 =	vor.u32 v31, v0;
	v9 =	vld.idx.msk [tilespmem:v11+s16+$0x0], $0xffff  }
0x445: {  	v11 =	vor.u32 v15, v8;
	_ =	sdelay $0x3  }
0x446: {  	[tilespmem:v10+s17+$0x0] =	vst.idx.msk $0xffff, v9  }
0x447: {  	v9 =	vld.idx.msk [tilespmem:v11+s16+$0x0], $0xffff  }
0x448: {  	v11 =	vld [tilespmem:$0x1FDF0];
	_ =	sdelay $0x3  }
0x449: {  	v10 =	vor.u32 v32, v0  }
0x44a: {  	v11 =	vor.u32 v11, v8;
	_ =	sdelay $0x3  }
0x44b: {  	[tilespmem:v10+s17+$0x0] =	vst.idx.msk $0xffff, v9  }
0x44c: {  	v9 =	vld.idx.msk [tilespmem:v11+s16+$0x0], $0xffff  }
0x44d: {  	v11 =	vld [tilespmem:$0x1FE00];
	_ =	sdelay $0x3  }
0x44e: {  	v10 =	vor.u32 v33, v0  }
0x44f: {  	v11 =	vor.u32 v11, v8;
	_ =	sdelay $0x3  }
0x450: {  	[tilespmem:v10+s17+$0x0] =	vst.idx.msk $0xffff, v9  }
0x451: {  	v9 =	vld.idx.msk [tilespmem:v11+s16+$0x0], $0xffff  }
0x452: {  	v11 =	vld [tilespmem:$0x1FE10];
	_ =	sdelay $0x3  }
0x453: {  	v10 =	vor.u32 v34, v0  }
0x454: {  	v11 =	vor.u32 v11, v8;
	_ =	sdelay $0x3  }
0x455: {  	[tilespmem:v10+s17+$0x0] =	vst.idx.msk $0xffff, v9  }
0x456: {  	v10 =	vor.u32 v35, v0;
	v9 =	vld.idx.msk [tilespmem:v11+s16+$0x0], $0xffff  }
0x457: {  	v11 =	vor.u32 v63, v8;
	_ =	sdelay $0x3  }
0x458: {  	[tilespmem:v10+s17+$0x0] =	vst.idx.msk $0xffff, v9  }
0x459: {  	v10 =	vor.u32 v36, v0;
	v9 =	vld.idx.msk [tilespmem:v11+s16+$0x0], $0xffff  }
0x45a: {  	v11 =	vor.u32 v49, v8;
	_ =	sdelay $0x3  }
0x45b: {  	[tilespmem:v10+s17+$0x0] =	vst.idx.msk $0xffff, v9  }
0x45c: {  	v10 =	vor.u32 v37, v0;
	v9 =	vld.idx.msk [tilespmem:v11+s16+$0x0], $0xffff  }
0x45d: {  	v11 =	vor.u32 v51, v8;
	_ =	sdelay $0x3  }
0x45e: {  	[tilespmem:v10+s17+$0x0] =	vst.idx.msk $0xffff, v9  }
0x45f: {  	v10 =	vor.u32 v38, v0;
	v9 =	vld.idx.msk [tilespmem:v11+s16+$0x0], $0xffff  }
0x460: {  	v11 =	vor.u32 v46, v8;
	_ =	sdelay $0x3  }
0x461: {  	[tilespmem:v10+s17+$0x0] =	vst.idx.msk $0xffff, v9  }
0x462: {  	v10 =	vor.u32 v39, v0;
	v9 =	vld.idx.msk [tilespmem:v11+s16+$0x0], $0xffff  }
0x463: {  	v11 =	vor.u32 v55, v8;
	_ =	sdelay $0x3  }
0x464: {  	[tilespmem:v10+s17+$0x0] =	vst.idx.msk $0xffff, v9  }
0x465: {  	v10 =	vor.u32 v40, v0;
	v9 =	vld.idx.msk [tilespmem:v11+s16+$0x0], $0xffff  }
0x466: {  	v11 =	vor.u32 v1, v8;
	_ =	sdelay $0x3  }
0x467: {  	[tilespmem:v10+s17+$0x0] =	vst.idx.msk $0xffff, v9  }
0x468: {  	v10 =	vor.u32 v41, v0;
	v9 =	vld.idx.msk [tilespmem:v11+s16+$0x0], $0xffff  }
0x469: {  	v11 =	vor.u32 v6, v8;
	_ =	sdelay $0x3  }
0x46a: {  	[tilespmem:v10+s17+$0x0] =	vst.idx.msk $0xffff, v9  }
0x46b: {  	v10 =	vor.u32 v42, v0;
	v9 =	vld.idx.msk [tilespmem:v11+s16+$0x0], $0xffff  }
0x46c: {  	v11 =	vor.u32 v7, v8;
	_ =	sdelay $0x3  }
0x46d: {  	[tilespmem:v10+s17+$0x0] =	vst.idx.msk $0xffff, v9  }
0x46e: {  	v10 =	vor.u32 v43, v0;
	v9 =	vld.idx.msk [tilespmem:v11+s16+$0x0], $0xffff  }
0x46f: {  	v11 =	vor.u32 v12, v8;
	_ =	sdelay $0x3  }
0x470: {  	[tilespmem:v10+s17+$0x0] =	vst.idx.msk $0xffff, v9  }
0x471: {  	v10 =	vor.u32 v44, v0;
	v9 =	vld.idx.msk [tilespmem:v11+s16+$0x0], $0xffff  }
0x472: {  	v11 =	vor.u32 v47, v8;
	_ =	sdelay $0x3  }
0x473: {  	[tilespmem:v10+s17+$0x0] =	vst.idx.msk $0xffff, v9  }
0x474: {  	v10 =	vor.u32 v45, v0;
	v9 =	vld.idx.msk [tilespmem:v11+s16+$0x0], $0xffff  }
0x475: {  	v11 =	vor.u32 v2, v8;
	_ =	sdelay $0x3  }
0x476: {  	[tilespmem:v10+s17+$0x0] =	vst.idx.msk $0xffff, v9  }
0x477: {  	v10 =	vor.u32 v56, v0;
	v9 =	vld.idx.msk [tilespmem:v11+s16+$0x0], $0xffff  }
0x478: {  	v11 =	vor.u32 v14, v8;
	_ =	sdelay $0x3  }
0x479: {  	[tilespmem:v10+s17+$0x0] =	vst.idx.msk $0xffff, v9  }
0x47a: {  	v9 =	vld.idx.msk [tilespmem:v11+s16+$0x0], $0xffff  }
0x47b: {  	v11 =	vld [tilespmem:$0x1FB50];
	_ =	sdelay $0x3  }
0x47c: {  	v10 =	vor.u32 v3, v0  }
0x47d: {  	v11 =	vor.u32 v11, v8;
	_ =	sdelay $0x3  }
0x47e: {  	[tilespmem:v10+s17+$0x0] =	vst.idx.msk $0xffff, v9  }
0x47f: {  	v10 =	vor.u32 v4, v0;
	v9 =	vld.idx.msk [tilespmem:v11+s16+$0x0], $0xffff  }
0x480: {  	v11 =	vor.u32 v16, v8;
	_ =	sdelay $0x3  }
0x481: {  	[tilespmem:v10+s17+$0x0] =	vst.idx.msk $0xffff, v9  }
0x482: {  	v10 =	vor.u32 v5, v0;
	v9 =	vld.idx.msk [tilespmem:v11+s16+$0x0], $0xffff  }
0x483: {  	p0 =	sne.s32 s25, $0x1F0;
	v8 =	vor.u32 v17, v8  }
.Ltmp2:
0x484: {  	_ = 	snop;
	(pc) =	sbr.rel @p0 .LBB2_7-.Ltmp2, $3  }
0x485: {  	_ =	sdelay $0x1  }
0x486: {  	s24 =	smov.u32 s25;
	v11 =	vlaneseq.u32;
	[tilespmem:v10+s17+$0x0] =	vst.idx.msk $0xffff, v9  }
0x487: {  	s25 =	sadd.s32 $0x10, s25;
	v9 =	vor.u32 s24, v11;
	v10 =	vld.idx.msk [tilespmem:v8+s16+$0x0], $0xffff  }
0x488: {  	v8 =	vshll.u32 v9, $0x5;
	v0 =	vor.u32 v30, v0;
	v11 =	vlaneseq.u32  }
0x489: {  	v11 =	vor.u32 v11, v8;
	_ =	sdelay $0x1  }
0x48a: {  	v13 =	vmov s24  }
0x48b: {  	v13 =	vshll.u32 v13, $0x3  }
0x48c: {  	v9 =	vand.u32 $0x78, v9;
	v13 =	vand.u32 $0xC00, v13;
	[tilespmem:v0+s17+$0x0] =	vst.idx.msk $0xffff, v10  }
0x48d: {  	v0 =	vor.u32 v13, v9;
	v9 =	vld.idx.msk [tilespmem:v11+s16+$0x0], $0xffff  }
0x48e: {  	v11 =	vld [tilespmem:$0x1FDE0];
	_ =	sdelay $0x3  }
0x48f: {  	v10 =	vor.u32 v18, v0  }
0x490: {  	v11 =	vor.u32 v11, v8;
	_ =	sdelay $0x3  }
0x491: {  	[tilespmem:v10+s17+$0x0] =	vst.idx.msk $0xffff, v9  }
0x492: {  	v10 =	vor.u32 v19, v0;
	v9 =	vld.idx.msk [tilespmem:v11+s16+$0x0], $0xffff  }
0x493: {  	v11 =	vor.u32 v54, v8;
	_ =	sdelay $0x3  }
0x494: {  	[tilespmem:v10+s17+$0x0] =	vst.idx.msk $0xffff, v9  }
0x495: {  	v10 =	vor.u32 v20, v0;
	v9 =	vld.idx.msk [tilespmem:v11+s16+$0x0], $0xffff  }
0x496: {  	v11 =	vor.u32 v57, v8;
	_ =	sdelay $0x3  }
0x497: {  	[tilespmem:v10+s17+$0x0] =	vst.idx.msk $0xffff, v9  }
0x498: {  	v10 =	vor.u32 v21, v0;
	v9 =	vld.idx.msk [tilespmem:v11+s16+$0x0], $0xffff  }
0x499: {  	v11 =	vor.u32 v60, v8;
	_ =	sdelay $0x3  }
0x49a: {  	[tilespmem:v10+s17+$0x0] =	vst.idx.msk $0xffff, v9  }
0x49b: {  	v10 =	vor.u32 v22, v0;
	v9 =	vld.idx.msk [tilespmem:v11+s16+$0x0], $0xffff  }
0x49c: {  	v11 =	vor.u32 v61, v8;
	_ =	sdelay $0x3  }
0x49d: {  	[tilespmem:v10+s17+$0x0] =	vst.idx.msk $0xffff, v9  }
0x49e: {  	v10 =	vor.u32 v23, v0;
	v9 =	vld.idx.msk [tilespmem:v11+s16+$0x0], $0xffff  }
0x49f: {  	v11 =	vor.u32 v50, v8;
	_ =	sdelay $0x3  }
0x4a0: {  	[tilespmem:v10+s17+$0x0] =	vst.idx.msk $0xffff, v9  }
0x4a1: {  	v10 =	vor.u32 v24, v0;
	v9 =	vld.idx.msk [tilespmem:v11+s16+$0x0], $0xffff  }
0x4a2: {  	v11 =	vor.u32 v52, v8;
	_ =	sdelay $0x3  }
0x4a3: {  	[tilespmem:v10+s17+$0x0] =	vst.idx.msk $0xffff, v9  }
0x4a4: {  	v10 =	vor.u32 v25, v0;
	v9 =	vld.idx.msk [tilespmem:v11+s16+$0x0], $0xffff  }
0x4a5: {  	v11 =	vor.u32 v53, v8;
	_ =	sdelay $0x3  }
0x4a6: {  	[tilespmem:v10+s17+$0x0] =	vst.idx.msk $0xffff, v9  }
0x4a7: {  	v10 =	vor.u32 v26, v0;
	v9 =	vld.idx.msk [tilespmem:v11+s16+$0x0], $0xffff  }
0x4a8: {  	v11 =	vor.u32 v58, v8;
	_ =	sdelay $0x3  }
0x4a9: {  	[tilespmem:v10+s17+$0x0] =	vst.idx.msk $0xffff, v9  }
0x4aa: {  	v10 =	vor.u32 v27, v0;
	v9 =	vld.idx.msk [tilespmem:v11+s16+$0x0], $0xffff  }
0x4ab: {  	v11 =	vor.u32 v59, v8;
	_ =	sdelay $0x3  }
0x4ac: {  	[tilespmem:v10+s17+$0x0] =	vst.idx.msk $0xffff, v9  }
0x4ad: {  	v10 =	vor.u32 v28, v0;
	v9 =	vld.idx.msk [tilespmem:v11+s16+$0x0], $0xffff  }
0x4ae: {  	v11 =	vor.u32 v62, v8;
	_ =	sdelay $0x3  }
0x4af: {  	[tilespmem:v10+s17+$0x0] =	vst.idx.msk $0xffff, v9  }
0x4b0: {  	v10 =	vor.u32 v29, v0;
	v9 =	vld.idx.msk [tilespmem:v11+s16+$0x0], $0xffff  }
0x4b1: {  	v11 =	vor.u32 v48, v8;
	_ =	sdelay $0x3  }
0x4b2: {  	[tilespmem:v10+s17+$0x0] =	vst.idx.msk $0xffff, v9  }
0x4b3: {  	v10 =	vor.u32 v31, v0;
	v9 =	vld.idx.msk [tilespmem:v11+s16+$0x0], $0xffff  }
0x4b4: {  	v11 =	vor.u32 v15, v8;
	_ =	sdelay $0x3  }
0x4b5: {  	[tilespmem:v10+s17+$0x0] =	vst.idx.msk $0xffff, v9  }
0x4b6: {  	v9 =	vld.idx.msk [tilespmem:v11+s16+$0x0], $0xffff  }
0x4b7: {  	v11 =	vld [tilespmem:$0x1FDF0];
	_ =	sdelay $0x3  }
0x4b8: {  	v10 =	vor.u32 v32, v0  }
0x4b9: {  	v11 =	vor.u32 v11, v8;
	_ =	sdelay $0x3  }
0x4ba: {  	[tilespmem:v10+s17+$0x0] =	vst.idx.msk $0xffff, v9  }
0x4bb: {  	v9 =	vld.idx.msk [tilespmem:v11+s16+$0x0], $0xffff  }
0x4bc: {  	v11 =	vld [tilespmem:$0x1FE00];
	_ =	sdelay $0x3  }
0x4bd: {  	v10 =	vor.u32 v33, v0  }
0x4be: {  	v11 =	vor.u32 v11, v8;
	_ =	sdelay $0x3  }
0x4bf: {  	[tilespmem:v10+s17+$0x0] =	vst.idx.msk $0xffff, v9  }
0x4c0: {  	v9 =	vld.idx.msk [tilespmem:v11+s16+$0x0], $0xffff  }
0x4c1: {  	v11 =	vld [tilespmem:$0x1FE10];
	_ =	sdelay $0x3  }
0x4c2: {  	v10 =	vor.u32 v34, v0  }
0x4c3: {  	v11 =	vor.u32 v11, v8;
	_ =	sdelay $0x3  }
0x4c4: {  	[tilespmem:v10+s17+$0x0] =	vst.idx.msk $0xffff, v9  }
0x4c5: {  	v10 =	vor.u32 v35, v0;
	v9 =	vld.idx.msk [tilespmem:v11+s16+$0x0], $0xffff  }
0x4c6: {  	v11 =	vor.u32 v63, v8;
	_ =	sdelay $0x3  }
0x4c7: {  	[tilespmem:v10+s17+$0x0] =	vst.idx.msk $0xffff, v9  }
0x4c8: {  	v10 =	vor.u32 v36, v0;
	v9 =	vld.idx.msk [tilespmem:v11+s16+$0x0], $0xffff  }
0x4c9: {  	v11 =	vor.u32 v49, v8;
	_ =	sdelay $0x3  }
0x4ca: {  	[tilespmem:v10+s17+$0x0] =	vst.idx.msk $0xffff, v9  }
0x4cb: {  	v10 =	vor.u32 v37, v0;
	v9 =	vld.idx.msk [tilespmem:v11+s16+$0x0], $0xffff  }
0x4cc: {  	v11 =	vor.u32 v51, v8;
	_ =	sdelay $0x3  }
0x4cd: {  	[tilespmem:v10+s17+$0x0] =	vst.idx.msk $0xffff, v9  }
0x4ce: {  	v10 =	vor.u32 v38, v0;
	v9 =	vld.idx.msk [tilespmem:v11+s16+$0x0], $0xffff  }
0x4cf: {  	v11 =	vor.u32 v46, v8;
	_ =	sdelay $0x3  }
0x4d0: {  	[tilespmem:v10+s17+$0x0] =	vst.idx.msk $0xffff, v9  }
0x4d1: {  	v10 =	vor.u32 v39, v0;
	v9 =	vld.idx.msk [tilespmem:v11+s16+$0x0], $0xffff  }
0x4d2: {  	v11 =	vor.u32 v55, v8;
	_ =	sdelay $0x3  }
0x4d3: {  	[tilespmem:v10+s17+$0x0] =	vst.idx.msk $0xffff, v9  }
0x4d4: {  	v10 =	vor.u32 v40, v0;
	v9 =	vld.idx.msk [tilespmem:v11+s16+$0x0], $0xffff  }
0x4d5: {  	v1 =	vor.u32 v1, v8;
	_ =	sdelay $0x3  }
0x4d6: {  	[tilespmem:v10+s17+$0x0] =	vst.idx.msk $0xffff, v9  }
0x4d7: {  	v9 =	vor.u32 v41, v0;
	v1 =	vld.idx.msk [tilespmem:v1+s16+$0x0], $0xffff  }
0x4d8: {  	v6 =	vor.u32 v6, v8;
	_ =	sdelay $0x3  }
0x4d9: {  	[tilespmem:v9+s17+$0x0] =	vst.idx.msk $0xffff, v1  }
0x4da: {  	v1 =	vld.idx.msk [tilespmem:v6+s16+$0x0], $0xffff;
	v6 =	vor.u32 v42, v0  }
0x4db: {  	v7 =	vor.u32 v7, v8;
	_ =	sdelay $0x3  }
0x4dc: {  	[tilespmem:v6+s17+$0x0] =	vst.idx.msk $0xffff, v1  }
0x4dd: {  	v6 =	vor.u32 v43, v0;
	v1 =	vld.idx.msk [tilespmem:v7+s16+$0x0], $0xffff  }
0x4de: {  	v7 =	vor.u32 v12, v8;
	_ =	sdelay $0x3  }
0x4df: {  	[tilespmem:v6+s17+$0x0] =	vst.idx.msk $0xffff, v1  }
0x4e0: {  	v6 =	vor.u32 v44, v0;
	v1 =	vld.idx.msk [tilespmem:v7+s16+$0x0], $0xffff  }
0x4e1: {  	v7 =	vor.u32 v47, v8;
	_ =	sdelay $0x3  }
0x4e2: {  	[tilespmem:v6+s17+$0x0] =	vst.idx.msk $0xffff, v1  }
0x4e3: {  	v6 =	vor.u32 v45, v0;
	v1 =	vld.idx.msk [tilespmem:v7+s16+$0x0], $0xffff  }
0x4e4: {  	v2 =	vor.u32 v2, v8;
	_ =	sdelay $0x3  }
0x4e5: {  	[tilespmem:v6+s17+$0x0] =	vst.idx.msk $0xffff, v1  }
0x4e6: {  	v47 =	vor.u32 v56, v0;
	v1 =	vld.idx.msk [tilespmem:v2+s16+$0x0], $0xffff  }
0x4e7: {  	v6 =	vor.u32 v14, v8;
	_ =	sdelay $0x3  }
0x4e8: {  	[tilespmem:v47+s17+$0x0] =	vst.idx.msk $0xffff, v1  }
0x4e9: {  	v1 =	vld.idx.msk [tilespmem:v6+s16+$0x0], $0xffff  }
0x4ea: {  	v6 =	vld [tilespmem:$0x1FB50];
	_ =	sdelay $0x3  }
0x4eb: {  	v51 =	vor.u32 v3, v0  }
0x4ec: {  	v6 =	vor.u32 v6, v8;
	_ =	sdelay $0x3  }
0x4ed: {  	[tilespmem:v51+s17+$0x0] =	vst.idx.msk $0xffff, v1  }
0x4ee: {  	v55 =	vor.u32 v4, v0;
	v1 =	vld.idx.msk [tilespmem:v6+s16+$0x0], $0xffff  }
0x4ef: {  	v6 =	vor.u32 v16, v8;
	_ =	sdelay $0x3  }
0x4f0: {  	[tilespmem:v55+s17+$0x0] =	vst.idx.msk $0xffff, v1  }
0x4f1: {  	v63 =	vor.u32 v5, v0;
	v1 =	vld.idx.msk [tilespmem:v6+s16+$0x0], $0xffff  }
0x4f2: {  	v6 =	vor.u32 v17, v8;
	_ =	sdelay $0x3  }
0x4f3: {  	[tilespmem:v63+s17+$0x0] =	vst.idx.msk $0xffff, v1  }
0x4f4: {  	s22 =	sadd.s32 $0x1, s22;
	v0 =	vor.u32 v30, v0;
	v1 =	vld.idx.msk [tilespmem:v6+s16+$0x0], $0xffff  }
0x4f5: {  	p0 =	sne.s32 s22, $0x19  }
.Ltmp3:
0x4f6: {  	s23 =	sshll.u32 s23, $0x13;
	(pc) =	sbr.rel @p0 .LBB2_4-.Ltmp3, $4  }
0x4f7: {  	s23 =	sor.u32 s6, s23  }
0x4f8: {  	s23 =	sshrl.u32 s23, $0x3  }
0x4f9: {  	s23 =	sadd.s32 s2, s23;
	v49 =	vlaneseq.u32;
	v11 =	vmov v15;
	[tilespmem:v0+s17+$0x0] =	vst.idx.msk $0xffff, v1  }
0x4fa: {  	v10 =	vmovc v4;
	v9 =	vmovc v3;
	v12 =	vmov v56;
	v7 =	vmov v45;
	v55 =	vmov v5;
	[hbm4b:s23+s13] =	stream.strided.scatter [tilespmem:s17], [sflag:$0x4], $0x4000, s14, s13, $0x38;
	[tilespmem:$0x1D400] =	vst v63  }
0x4fb: {  	_ =	swait.ge [sflag:s18], $0x4000  }
0x4fc: {  	[sflag:s18] =	ssyncset.done $0x0  }
0x4fd: {  	[sflag:s18] =	ssyncadd.s32 $0xFFFFC000  }
0x4fe: {  	_ =	swait.ge [sflag:s19], $0x4000  }
0x4ff: {  	v41 =	vld [tilespmem:$0x1FE20]  }
0x500: {  	v63 =	vld [tilespmem:$0x1FE30]  }
0x501: {  	v14 =	vld [tilespmem:$0x1FE40]  }
0x502: {  	v8 =	vld [tilespmem:$0x1FE50]  }
0x503: {  	v3 =	vld [tilespmem:$0x1FE60]  }
0x504: {  	v4 =	vld [tilespmem:$0x1FE70]  }
0x505: {  	v5 =	vld [tilespmem:$0x1FE80]  }
0x506: {  	v15 =	vld [tilespmem:$0x1FE90]  }
0x507: {  	v16 =	vld [tilespmem:$0x1FEA0]  }
0x508: {  	v17 =	vld [tilespmem:$0x1FEB0]  }
0x509: {  	v18 =	vld [tilespmem:$0x1FEC0]  }
0x50a: {  	v19 =	vld [tilespmem:$0x1FED0]  }
0x50b: {  	v20 =	vld [tilespmem:$0x1FEE0]  }
0x50c: {  	v21 =	vld [tilespmem:$0x1FEF0]  }
0x50d: {  	v22 =	vld [tilespmem:$0x1FF00]  }
0x50e: {  	s20 =	sadd.s32 $0x1, s20;
	v23 =	vld [tilespmem:$0x1FF10]  }
0x50f: {  	p0 =	sne.s32 s20, s7;
	v24 =	vld [tilespmem:$0x1FF20]  }
.Ltmp4:
0x510: {  	v47 =	vld [tilespmem:$0x1FF30];
	(pc) =	sbr.rel @p0 .LBB2_1-.Ltmp4, $4  }
0x511: {  	v49 =	vld [tilespmem:$0x1FF40]  }
0x512: {  	v51 =	vld [tilespmem:$0x1FF50]  }
0x513: {  	[sflag:s19] =	ssyncset.done $0x0;
	v56 =	vld [tilespmem:$0x1FF60]  }
0x514: {  	v48 =	vld [tilespmem:$0x1FF70];
	[sflag:s19] =	ssyncadd.s32 $0xFFFFC000  }
0x515: {  	_ =	sfence.sel $0x180000  }
0x516: {  	[bflag:$0x0] =	sbarrier.arrive $0xFFFF  }
0x517: {  	p0 =	sne.s32 s0, $0x0;
	_ =	strace $0x90000047  }
0x518: {  	s0 =	sadd.s32 @!p0 $0x100000, s1;
	[bflag:$0x2] =	sbarrier.arrive $0xFFFF  }
0x519: {  	[sflag:s0] =	ssyncadd.tile.s32 @!p0 $0x1;
	_ =	shalt  }
.Lfunc_end2:
_tile_overlayer_lowered:
.L_overlay_start_2:
0x51a: {  	(tag) =	ssettag $0x2  }
0x51b: {  	s0 =	rddreg [dreg:$0x0];
	s2 =	stileid.u32  }
0x51c: {  	s1 =	rddreg [dreg:$0x1];
	p0 =	sne.s32 s2, $0x0  }
0x51d: {  	s3 =	rddreg [dreg:$0x2];
	[bflag:$0x3] =	sbarrier.arrive $0xFFFF;
	s2 =	simm.s32 @!p0 $0x1C05  }
0x51e: {  	[timem:s3], [sflag:s2] =	dma.local @!p0 [hbm:s0], s1  }
0x51f: {  	s0 =	simm.s32 @!p0 $0x5  }
0x520: {  	_ =	swait.ge @!p0 [sflag:s0], s1  }
0x521: {  	s1 =	ssub.s32 @!p0 $0x0, s1;
	[sflag:s0] =	ssyncset.done @!p0 $0x0  }
0x522: {  	[sflag:s0] =	ssyncadd.s32 @!p0 s1  }
0x523: {  	[bflag:$0x3] =	sbarrier.arrive $0xFFFF  }
0x524: {  	_ =	shalt  }

</sc_bundles>
